<compile_context>
chip_gen: v7x
topology: tpu7x:2x2x1
jax: 0.10.2.dev20260603
libtpu: 0.0.44.dev20260713+nightly
codegen_flags: <defaults>
</compile_context>

<pallas_src>
import jax
import jax.numpy as jnp
from jax import lax
from jax.experimental import pallas as pl
from jax.experimental.pallas import tpu as pltpu
from jax.experimental.pallas import tpu_sc as plsc

B = 32
C_IN = 3
H = 512
W = 512
CH = 448
CW = 448
NUM_CROPS = 2

NW = 32
TRIPLES = B * NUM_CROPS * C_IN
PER_W = TRIPLES // NW
KR = 56
IR = KR + 8
NCHUNK = CH // KR
NU = PER_W * NCHUNK
LANES = 16
NJ = CW // LANES


def _body(inds_hbm, in_hbm, out_hbm, inds_v,
          ib0, ib1, ob0, ob1, isem0, isem1, osem0, osem1):
    wid = lax.axis_index("s") * 2 + lax.axis_index("c")
    pltpu.sync_copy(inds_hbm, inds_v.at[pl.ds(0, B * NUM_CROPS * 2)])
    lanes = lax.iota(jnp.int32, LANES)
    ibufs, obufs = (ib0, ib1), (ob0, ob1)
    isems, osems = (isem0, isem1), (osem0, osem1)

    def params(u):
        j = u // NCHUNK
        k = u % NCHUNK
        t = wid * PER_W + j
        b = t // (NUM_CROPS * C_IN)
        r = t % (NUM_CROPS * C_IN)
        n = r // C_IN
        c = r % C_IN
        hw = inds_v[pl.ds((b * NUM_CROPS + n) * 2, LANES)]
        h0 = hw[0]
        w0 = hw[1]
        h8 = pl.multiple_of((h0 // 8) * 8, 8)
        return b, n, c, k, h8, h0 - h8, w0

    def in_copy(u, s):
        b, _, c, k, h8, _, _ = params(u)
        return pltpu.make_async_copy(
            in_hbm.at[b, c, pl.ds(h8 + k * KR, IR), :],
            ibufs[s], isems[s])

    def out_copy(u, s):
        b, n, c, k, _, _, _ = params(u)
        return pltpu.make_async_copy(
            obufs[s],
            out_hbm.at[b * NUM_CROPS + n, c, pl.ds(k * KR, KR), :],
            osems[s])

    def compute(u, s):
        _, _, _, _, _, dh, w0 = params(u)
        ib, ob = ibufs[s], obufs[s]
        col0 = w0 + lanes

        @plsc.parallel_loop(0, KR, unroll=8)
        def _(rr):
            row = jnp.full((LANES,), rr + dh, jnp.int32)
            for jj in range(NJ):
                v = plsc.load_gather(ib, [row, col0 + jj * LANES])
                ob[rr, pl.ds(jj * LANES, LANES)] = v

    in_copy(0, 0).start()

    def pair_body(p, _):
        for s in range(2):
            u = 2 * p + s

            @pl.when(u + 1 < NU)
            def _():
                in_copy(u + 1, (s + 1) % 2).start()

            in_copy(u, s).wait()

            @pl.when(u >= 2)
            def _():
                out_copy(u - 2, s).wait()

            compute(u, s)
            out_copy(u, s).start()
        return 0

    lax.fori_loop(0, NU // 2, pair_body, 0)
    out_copy(NU - 2, 0).wait()
    out_copy(NU - 1, 1).wait()


def kernel(inputs, crop_inds):
    mesh = plsc.VectorSubcoreMesh(core_axis_name="c", subcore_axis_name="s",
                                  num_cores=2, num_subcores=16)
    f = pl.kernel(
        _body,
        out_type=jax.ShapeDtypeStruct((B * NUM_CROPS, C_IN, CH, CW),
                                      jnp.float32),
        mesh=mesh,
        compiler_params=pltpu.CompilerParams(use_tc_tiling_on_sc=True,
                                             needs_layout_passes=False),
        scratch_types=[
            pltpu.VMEM((B * NUM_CROPS * 2 + LANES,), jnp.int32),
            pltpu.VMEM((IR, W), jnp.float32),
            pltpu.VMEM((IR, W), jnp.float32),
            pltpu.VMEM((KR, CW), jnp.float32),
            pltpu.VMEM((KR, CW), jnp.float32),
            pltpu.SemaphoreType.DMA,
            pltpu.SemaphoreType.DMA,
            pltpu.SemaphoreType.DMA,
            pltpu.SemaphoreType.DMA,
        ],
    )
    return f(crop_inds.reshape(-1).astype(jnp.int32), inputs)

# --- scband reference (transcript-rebuilt; emitter-appended) ---
"""Pipeline reference for scband-crop-randomizer-6442450944720 (READ-ONLY COPY).

The authoritative reference and input builder live on the scoring server;
editing this copy changes nothing except your own understanding.
"""

import jax, jax.numpy as jnp
import numpy as np

B = 32
C_IN = 3
H = 512
W = 512
CH = 448
CW = 448
NUM_CROPS = 2


def setup_inputs(seed: int = 0) -> dict:
    key = jax.random.key(seed)
    k1, k2, k3 = jax.random.split(key, 3)
    inputs = jax.random.normal(k1, (B, C_IN, H, W), dtype=jnp.float32)
    # random crop corner indices, matching (max_sample * rand).long() in torch
    crop_inds_h = jax.random.randint(k2, (B, NUM_CROPS), 0, H - CH)
    crop_inds_w = jax.random.randint(k3, (B, NUM_CROPS), 0, W - CW)
    crop_inds = jnp.stack([crop_inds_h, crop_inds_w], axis=-1).astype(jnp.int32)
    return {"inputs": inputs, "crop_inds": crop_inds}


def _crop_image_from_indices(images, crop_indices, crop_height, crop_width):
    # images: [B, C, H, W]; crop_indices: [B, N, 2]
    image_c, image_h, image_w = images.shape[-3:]
    bsz = images.shape[0]
    num_crops = crop_indices.shape[-2]
    crop_ind_grid_h = jnp.broadcast_to(jnp.arange(crop_height, dtype=jnp.int32)[:, None], (crop_height, crop_width))
    crop_ind_grid_w = jnp.broadcast_to(jnp.arange(crop_width, dtype=jnp.int32)[None, :], (crop_height, crop_width))
    crop_in_grid = jnp.stack([crop_ind_grid_h, crop_ind_grid_w], axis=-1)  # [CH, CW, 2]
    all_crop_inds = crop_indices[:, :, None, None, :] + crop_in_grid[None, None, :, :, :]  # [B, N, CH, CW, 2]
    flat_inds = all_crop_inds[..., 0] * image_w + all_crop_inds[..., 1]  # [B, N, CH, CW]
    flat_inds = flat_inds.reshape(bsz, num_crops, crop_height * crop_width)
    images_flat = images.reshape(bsz, image_c, image_h * image_w)
    images_exp = jnp.broadcast_to(images_flat[:, None, :, :], (bsz, num_crops, image_c, image_h * image_w))
    inds_exp = jnp.broadcast_to(flat_inds[:, :, None, :], (bsz, num_crops, image_c, crop_height * crop_width))
    crops = jnp.take_along_axis(images_exp, inds_exp, axis=-1)  # gather
    return crops.reshape(bsz, num_crops, image_c, crop_height, crop_width)


def reference(inputs, crop_inds):
    # CropRandomizer.forward_in: sample N random crops then join batch/crop dims
    crops = _crop_image_from_indices(inputs, crop_inds, CH, CW)
    b, n, c, h, w = crops.shape
    return crops.reshape(b * n, c, h, w)

if __name__ == "__main__":
    import jax
    _d = setup_inputs()
    print(jax.jit(kernel)(*tuple(_d.values())))

</pallas_src>

<mosaic_0001>
#map = affine_map<(d0, d1) -> (0)>
#map1 = affine_map<(d0, d1) -> (0, 0, 0, 0)>
module attributes {stable_mosaic.version = 14 : i64} {
  func.func @_body(%arg0: i32, %arg1: i32, %arg2: memref<128xi32, #tpu.memory_space<hbm>>, %arg3: memref<32x3x512x512xf32, #tpu.memory_space<hbm>>, %arg4: memref<64x3x448x448xf32, #tpu.memory_space<hbm>>, %arg5: memref<144xi32, #tpu.memory_space<vmem>>, %arg6: memref<64x512xf32, #tpu.memory_space<vmem>>, %arg7: memref<64x512xf32, #tpu.memory_space<vmem>>, %arg8: memref<56x448xf32, #tpu.memory_space<vmem>>, %arg9: memref<56x448xf32, #tpu.memory_space<vmem>>, %arg10: memref<!tpu.dma_semaphore, #tpu.memory_space<semaphore_mem>>, %arg11: memref<!tpu.dma_semaphore, #tpu.memory_space<semaphore_mem>>, %arg12: memref<!tpu.dma_semaphore, #tpu.memory_space<semaphore_mem>>, %arg13: memref<!tpu.dma_semaphore, #tpu.memory_space<semaphore_mem>>) attributes {dimension_semantics = [#tpu.dimension_semantics<core_parallel>, #tpu.dimension_semantics<subcore_parallel>], iteration_bounds = array<i64: 2, 16>, scalar_prefetch = 0 : i64, scratch_operands = 9 : i64, tpu.core_type = #tpu.core_type<sc_vector_subcore>, window_params = [{transform_indices = #map}, {transform_indices = #map1}, {transform_indices = #map1}]} {
    %mul3A = arith.constant 2 : i32
    %mul3A_0 = arith.muli %arg1, %mul3A : i32
    %add3A = arith.addi %mul3A_0, %arg0 : i32
    "tpu.region"() ({
      %run_scoped3A = tpu.sem_alloc : memref<!tpu.dma_semaphore, #tpu.memory_space<semaphore_mem>>
      %dma_start3A_390 = arith.constant 0 : i32
      %dma_start3A_391 = tpu.memref_slice %arg5[%dma_start3A_390] : memref<144xi32, #tpu.memory_space<vmem>> -> memref<128xi32, #tpu.memory_space<vmem>>
      %dma_start3A_392 = arith.constant 0 : i32
      %dma_start3A_393 = tpu.memref_slice %arg5[%dma_start3A_392] : memref<144xi32, #tpu.memory_space<vmem>> -> memref<128xi32, #tpu.memory_space<vmem>>
      tpu.enqueue_dma source(%arg2 : memref<128xi32, #tpu.memory_space<hbm>>) target(%dma_start3A_393 : memref<128xi32, #tpu.memory_space<vmem>>) target_semaphore(%run_scoped3A : memref<!tpu.dma_semaphore, #tpu.memory_space<semaphore_mem>>)
      %dma_wait3A_394 = arith.constant 0 : i32
      %dma_wait3A_395 = tpu.memref_slice %arg5[%dma_wait3A_394] : memref<144xi32, #tpu.memory_space<vmem>> -> memref<128xi32, #tpu.memory_space<vmem>>
      %dma_wait3A_396 = arith.constant 0 : i32
      %dma_wait3A_397 = tpu.memref_slice %arg5[%dma_wait3A_396] : memref<144xi32, #tpu.memory_space<vmem>> -> memref<128xi32, #tpu.memory_space<vmem>>
      tpu.wait_dma2 semaphore(%run_scoped3A : memref<!tpu.dma_semaphore, #tpu.memory_space<semaphore_mem>>) src(%arg2 : memref<128xi32, #tpu.memory_space<hbm>>) dst(%dma_wait3A_397 : memref<128xi32, #tpu.memory_space<vmem>>)
      tpu.yield
    }) : () -> ()
    %iota3A = tpu.iota {dimensions = array<i32: 0>} : vector<16xi32>
    %mul3A_1 = arith.constant 6 : i32
    %mul3A_2 = arith.muli %add3A, %mul3A_1 : i32
    %add3A_3 = arith.constant 0 : i32
    %add3A_4 = arith.addi %mul3A_2, %add3A_3 : i32
    %jit3A = arith.constant 6 : i32
    %div3A = arith.divsi %add3A_4, %jit3A : i32
    %sign3A = arith.constant 0 : i32
    %sign3A_5 = arith.cmpi sgt, %add3A_4, %sign3A : i32
    %sign3A_6 = arith.extui %sign3A_5 : i1 to i32
    %sign3A_7 = arith.constant 0 : i32
    %sign3A_8 = arith.cmpi slt, %add3A_4, %sign3A_7 : i32
    %sign3A_9 = arith.extui %sign3A_8 : i1 to i32
    %sign3A_10 = arith.subi %sign3A_6, %sign3A_9 : i32
    %sign3A_11 = arith.constant 0 : i32
    %sign3A_12 = arith.cmpi sgt, %jit3A, %sign3A_11 : i32
    %sign3A_13 = arith.extui %sign3A_12 : i1 to i32
    %sign3A_14 = arith.constant 0 : i32
    %sign3A_15 = arith.cmpi slt, %jit3A, %sign3A_14 : i32
    %sign3A_16 = arith.extui %sign3A_15 : i1 to i32
    %sign3A_17 = arith.subi %sign3A_13, %sign3A_16 : i32
    %ne3A = arith.cmpi ne, %sign3A_10, %sign3A_17 : i32
    %rem3A = arith.remsi %add3A_4, %jit3A : i32
    %ne3A_18 = arith.constant 0 : i32
    %ne3A_19 = arith.cmpi ne, %rem3A, %ne3A_18 : i32
    %and3A = arith.andi %ne3A, %ne3A_19 : i1
    %sub3A = arith.constant 1 : i32
    %sub3A_20 = arith.subi %div3A, %sub3A : i32
    %select_n3A = arith.select %and3A, %sub3A_20, %div3A : i32
    %jit3A_21 = arith.constant 6 : i32
    %eq3A = arith.constant 0 : i32
    %eq3A_22 = arith.cmpi eq, %jit3A_21, %eq3A : i32
    %jit3A_23 = arith.constant 1 : i32
    %select_n3A_24 = arith.select %eq3A_22, %jit3A_23, %jit3A_21 : i32
    %rem3A_25 = arith.remsi %add3A_4, %select_n3A_24 : i32
    %ne3A_26 = arith.constant 0 : i32
    %ne3A_27 = arith.cmpi ne, %rem3A_25, %ne3A_26 : i32
    %lt3A = arith.constant 0 : i32
    %lt3A_28 = arith.cmpi slt, %rem3A_25, %lt3A : i32
    %lt3A_29 = arith.constant 0 : i32
    %lt3A_30 = arith.cmpi slt, %select_n3A_24, %lt3A_29 : i32
    %ne3A_31 = arith.xori %lt3A_28, %lt3A_30 : i1
    %and3A_32 = arith.andi %ne3A_31, %ne3A_27 : i1
    %add3A_33 = arith.addi %rem3A_25, %select_n3A_24 : i32
    %select_n3A_34 = arith.select %and3A_32, %add3A_33, %rem3A_25 : i32
    %jit3A_35 = arith.constant 3 : i32
    %div3A_36 = arith.divsi %select_n3A_34, %jit3A_35 : i32
    %sign3A_37 = arith.constant 0 : i32
    %sign3A_38 = arith.cmpi sgt, %select_n3A_34, %sign3A_37 : i32
    %sign3A_39 = arith.extui %sign3A_38 : i1 to i32
    %sign3A_40 = arith.constant 0 : i32
    %sign3A_41 = arith.cmpi slt, %select_n3A_34, %sign3A_40 : i32
    %sign3A_42 = arith.extui %sign3A_41 : i1 to i32
    %sign3A_43 = arith.subi %sign3A_39, %sign3A_42 : i32
    %sign3A_44 = arith.constant 0 : i32
    %sign3A_45 = arith.cmpi sgt, %jit3A_35, %sign3A_44 : i32
    %sign3A_46 = arith.extui %sign3A_45 : i1 to i32
    %sign3A_47 = arith.constant 0 : i32
    %sign3A_48 = arith.cmpi slt, %jit3A_35, %sign3A_47 : i32
    %sign3A_49 = arith.extui %sign3A_48 : i1 to i32
    %sign3A_50 = arith.subi %sign3A_46, %sign3A_49 : i32
    %ne3A_51 = arith.cmpi ne, %sign3A_43, %sign3A_50 : i32
    %rem3A_52 = arith.remsi %select_n3A_34, %jit3A_35 : i32
    %ne3A_53 = arith.constant 0 : i32
    %ne3A_54 = arith.cmpi ne, %rem3A_52, %ne3A_53 : i32
    %and3A_55 = arith.andi %ne3A_51, %ne3A_54 : i1
    %sub3A_56 = arith.constant 1 : i32
    %sub3A_57 = arith.subi %div3A_36, %sub3A_56 : i32
    %select_n3A_58 = arith.select %and3A_55, %sub3A_57, %div3A_36 : i32
    %jit3A_59 = arith.constant 3 : i32
    %eq3A_60 = arith.constant 0 : i32
    %eq3A_61 = arith.cmpi eq, %jit3A_59, %eq3A_60 : i32
    %jit3A_62 = arith.constant 1 : i32
    %select_n3A_63 = arith.select %eq3A_61, %jit3A_62, %jit3A_59 : i32
    %rem3A_64 = arith.remsi %select_n3A_34, %select_n3A_63 : i32
    %ne3A_65 = arith.constant 0 : i32
    %ne3A_66 = arith.cmpi ne, %rem3A_64, %ne3A_65 : i32
    %lt3A_67 = arith.constant 0 : i32
    %lt3A_68 = arith.cmpi slt, %rem3A_64, %lt3A_67 : i32
    %lt3A_69 = arith.constant 0 : i32
    %lt3A_70 = arith.cmpi slt, %select_n3A_63, %lt3A_69 : i32
    %ne3A_71 = arith.xori %lt3A_68, %lt3A_70 : i1
    %and3A_72 = arith.andi %ne3A_71, %ne3A_66 : i1
    %add3A_73 = arith.addi %rem3A_64, %select_n3A_63 : i32
    %select_n3A_74 = arith.select %and3A_72, %add3A_73, %rem3A_64 : i32
    %mul3A_75 = arith.constant 2 : i32
    %mul3A_76 = arith.muli %select_n3A, %mul3A_75 : i32
    %add3A_77 = arith.addi %mul3A_76, %select_n3A_58 : i32
    %mul3A_78 = arith.constant 2 : i32
    %mul3A_79 = arith.muli %add3A_77, %mul3A_78 : i32
    %get3A = arith.index_cast %mul3A_79 : i32 to index
    %get3A_80 = tpu.vector_load %arg5[%get3A] {strides = array<i32>} : memref<144xi32, #tpu.memory_space<vmem>>, vector<16xi32>,
    %slice3A = vector.extract_strided_slice %get3A_80 {offsets = [0], sizes = [1], strides = [1]} : vector<16xi32> to vector<1xi32>
    %squeeze3A = vector.extract %slice3A[0] : i32 from vector<1xi32>
    %slice3A_81 = vector.extract_strided_slice %get3A_80 {offsets = [1], sizes = [1], strides = [1]} : vector<16xi32> to vector<1xi32>
    %squeeze3A_82 = vector.extract %slice3A_81[0] : i32 from vector<1xi32>
    %jit3A_83 = arith.constant 8 : i32
    %div3A_84 = arith.divsi %squeeze3A, %jit3A_83 : i32
    %sign3A_85 = arith.constant 0 : i32
    %sign3A_86 = arith.cmpi sgt, %squeeze3A, %sign3A_85 : i32
    %sign3A_87 = arith.extui %sign3A_86 : i1 to i32
    %sign3A_88 = arith.constant 0 : i32
    %sign3A_89 = arith.cmpi slt, %squeeze3A, %sign3A_88 : i32
    %sign3A_90 = arith.extui %sign3A_89 : i1 to i32
    %sign3A_91 = arith.subi %sign3A_87, %sign3A_90 : i32
    %sign3A_92 = arith.constant 0 : i32
    %sign3A_93 = arith.cmpi sgt, %jit3A_83, %sign3A_92 : i32
    %sign3A_94 = arith.extui %sign3A_93 : i1 to i32
    %sign3A_95 = arith.constant 0 : i32
    %sign3A_96 = arith.cmpi slt, %jit3A_83, %sign3A_95 : i32
    %sign3A_97 = arith.extui %sign3A_96 : i1 to i32
    %sign3A_98 = arith.subi %sign3A_94, %sign3A_97 : i32
    %ne3A_99 = arith.cmpi ne, %sign3A_91, %sign3A_98 : i32
    %rem3A_100 = arith.remsi %squeeze3A, %jit3A_83 : i32
    %ne3A_101 = arith.constant 0 : i32
    %ne3A_102 = arith.cmpi ne, %rem3A_100, %ne3A_101 : i32
    %and3A_103 = arith.andi %ne3A_99, %ne3A_102 : i1
    %sub3A_104 = arith.constant 1 : i32
    %sub3A_105 = arith.subi %div3A_84, %sub3A_104 : i32
    %select_n3A_106 = arith.select %and3A_103, %sub3A_105, %div3A_84 : i32
    %mul3A_107 = arith.constant 8 : i32
    %mul3A_108 = arith.muli %select_n3A_106, %mul3A_107 : i32
    %multiple_of3A = tpu.assume_multiple %mul3A_108, 8 : i32
    %sub3A_109 = arith.subi %squeeze3A, %multiple_of3A : i32
    %add3A_110 = arith.constant 0 : i32
    %add3A_111 = arith.addi %multiple_of3A, %add3A_110 : i32
    %dma_start3A = arith.constant 0 : i32
    %dma_start3A_112 = tpu.memref_slice %arg3[%select_n3A, %select_n3A_74, %add3A_111, %dma_start3A] : memref<32x3x512x512xf32, #tpu.memory_space<hbm>> -> memref<1x1x64x512xf32, #tpu.memory_space<hbm>>
    %dma_start3A_113 = tpu.memref_squeeze %dma_start3A_112 : memref<1x1x64x512xf32, #tpu.memory_space<hbm>> -> memref<64x512xf32, #tpu.memory_space<hbm>>
    %dma_start3A_114 = arith.constant 0 : i32
    %dma_start3A_115 = tpu.memref_slice %arg3[%select_n3A, %select_n3A_74, %add3A_111, %dma_start3A_114] : memref<32x3x512x512xf32, #tpu.memory_space<hbm>> -> memref<1x1x64x512xf32, #tpu.memory_space<hbm>>
    %dma_start3A_116 = tpu.memref_squeeze %dma_start3A_115 : memref<1x1x64x512xf32, #tpu.memory_space<hbm>> -> memref<64x512xf32, #tpu.memory_space<hbm>>
    tpu.enqueue_dma source(%dma_start3A_116 : memref<64x512xf32, #tpu.memory_space<hbm>>) target(%arg6 : memref<64x512xf32, #tpu.memory_space<vmem>>) target_semaphore(%arg10 : memref<!tpu.dma_semaphore, #tpu.memory_space<semaphore_mem>>)
    %scan3A = arith.constant 0 : i32
    %scan3A_117 = arith.constant 0 : i32
    %scan3A_118 = arith.constant 24 : i32
    %scan3A_119 = arith.addi %scan3A_117, %scan3A_118 : i32
    %scan3A_120 = arith.constant 1 : i32
    %scan3A_121 = scf.for %scan3A_390 = %scan3A_117 to %scan3A_119 step %scan3A_120 iter_args(%scan3A_391 = %scan3A) -> (i32)  : i32 {
      %mul3A_392 = arith.constant 2 : i32
      %mul3A_393 = arith.muli %mul3A_392, %scan3A_390 : i32
      %add3A_394 = arith.constant 0 : i32
      %add3A_395 = arith.addi %mul3A_393, %add3A_394 : i32
      %add3A_396 = arith.constant 1 : i32
      %add3A_397 = arith.addi %add3A_395, %add3A_396 : i32
      %lt3A_398 = arith.constant 48 : i32
      %lt3A_399 = arith.cmpi slt, %add3A_397, %lt3A_398 : i32
      %convert_element_type3A = arith.extui %lt3A_399 : i1 to i32
      %cond3A = arith.constant 0 : i32
      %cond3A_400 = arith.cmpi ne, %convert_element_type3A, %cond3A : i32
      scf.if %cond3A_400 {
        %add3A_1443 = arith.constant 1 : i32
        %add3A_1444 = arith.addi %add3A_395, %add3A_1443 : i32
        %jit3A_1445 = arith.constant 8 : i32
        %div3A_1446 = arith.divsi %add3A_1444, %jit3A_1445 : i32
        %sign3A_1447 = arith.constant 0 : i32
        %sign3A_1448 = arith.cmpi sgt, %add3A_1444, %sign3A_1447 : i32
        %sign3A_1449 = arith.extui %sign3A_1448 : i1 to i32
        %sign3A_1450 = arith.constant 0 : i32
        %sign3A_1451 = arith.cmpi slt, %add3A_1444, %sign3A_1450 : i32
        %sign3A_1452 = arith.extui %sign3A_1451 : i1 to i32
        %sign3A_1453 = arith.subi %sign3A_1449, %sign3A_1452 : i32
        %sign3A_1454 = arith.constant 0 : i32
        %sign3A_1455 = arith.cmpi sgt, %jit3A_1445, %sign3A_1454 : i32
        %sign3A_1456 = arith.extui %sign3A_1455 : i1 to i32
        %sign3A_1457 = arith.constant 0 : i32
        %sign3A_1458 = arith.cmpi slt, %jit3A_1445, %sign3A_1457 : i32
        %sign3A_1459 = arith.extui %sign3A_1458 : i1 to i32
        %sign3A_1460 = arith.subi %sign3A_1456, %sign3A_1459 : i32
        %ne3A_1461 = arith.cmpi ne, %sign3A_1453, %sign3A_1460 : i32
        %rem3A_1462 = arith.remsi %add3A_1444, %jit3A_1445 : i32
        %ne3A_1463 = arith.constant 0 : i32
        %ne3A_1464 = arith.cmpi ne, %rem3A_1462, %ne3A_1463 : i32
        %and3A_1465 = arith.andi %ne3A_1461, %ne3A_1464 : i1
        %sub3A_1466 = arith.constant 1 : i32
        %sub3A_1467 = arith.subi %div3A_1446, %sub3A_1466 : i32
        %select_n3A_1468 = arith.select %and3A_1465, %sub3A_1467, %div3A_1446 : i32
        %jit3A_1469 = arith.constant 8 : i32
        %eq3A_1470 = arith.constant 0 : i32
        %eq3A_1471 = arith.cmpi eq, %jit3A_1469, %eq3A_1470 : i32
        %jit3A_1472 = arith.constant 1 : i32
        %select_n3A_1473 = arith.select %eq3A_1471, %jit3A_1472, %jit3A_1469 : i32
        %rem3A_1474 = arith.remsi %add3A_1444, %select_n3A_1473 : i32
        %ne3A_1475 = arith.constant 0 : i32
        %ne3A_1476 = arith.cmpi ne, %rem3A_1474, %ne3A_1475 : i32
        %lt3A_1477 = arith.constant 0 : i32
        %lt3A_1478 = arith.cmpi slt, %rem3A_1474, %lt3A_1477 : i32
        %lt3A_1479 = arith.constant 0 : i32
        %lt3A_1480 = arith.cmpi slt, %select_n3A_1473, %lt3A_1479 : i32
        %ne3A_1481 = arith.xori %lt3A_1478, %lt3A_1480 : i1
        %and3A_1482 = arith.andi %ne3A_1481, %ne3A_1476 : i1
        %add3A_1483 = arith.addi %rem3A_1474, %select_n3A_1473 : i32
        %select_n3A_1484 = arith.select %and3A_1482, %add3A_1483, %rem3A_1474 : i32
        %mul3A_1485 = arith.constant 6 : i32
        %mul3A_1486 = arith.muli %add3A, %mul3A_1485 : i32
        %add3A_1487 = arith.addi %mul3A_1486, %select_n3A_1468 : i32
        %jit3A_1488 = arith.constant 6 : i32
        %div3A_1489 = arith.divsi %add3A_1487, %jit3A_1488 : i32
        %sign3A_1490 = arith.constant 0 : i32
        %sign3A_1491 = arith.cmpi sgt, %add3A_1487, %sign3A_1490 : i32
        %sign3A_1492 = arith.extui %sign3A_1491 : i1 to i32
        %sign3A_1493 = arith.constant 0 : i32
        %sign3A_1494 = arith.cmpi slt, %add3A_1487, %sign3A_1493 : i32
        %sign3A_1495 = arith.extui %sign3A_1494 : i1 to i32
        %sign3A_1496 = arith.subi %sign3A_1492, %sign3A_1495 : i32
        %sign3A_1497 = arith.constant 0 : i32
        %sign3A_1498 = arith.cmpi sgt, %jit3A_1488, %sign3A_1497 : i32
        %sign3A_1499 = arith.extui %sign3A_1498 : i1 to i32
        %sign3A_1500 = arith.constant 0 : i32
        %sign3A_1501 = arith.cmpi slt, %jit3A_1488, %sign3A_1500 : i32
        %sign3A_1502 = arith.extui %sign3A_1501 : i1 to i32
        %sign3A_1503 = arith.subi %sign3A_1499, %sign3A_1502 : i32
        %ne3A_1504 = arith.cmpi ne, %sign3A_1496, %sign3A_1503 : i32
        %rem3A_1505 = arith.remsi %add3A_1487, %jit3A_1488 : i32
        %ne3A_1506 = arith.constant 0 : i32
        %ne3A_1507 = arith.cmpi ne, %rem3A_1505, %ne3A_1506 : i32
        %and3A_1508 = arith.andi %ne3A_1504, %ne3A_1507 : i1
        %sub3A_1509 = arith.constant 1 : i32
        %sub3A_1510 = arith.subi %div3A_1489, %sub3A_1509 : i32
        %select_n3A_1511 = arith.select %and3A_1508, %sub3A_1510, %div3A_1489 : i32
        %jit3A_1512 = arith.constant 6 : i32
        %eq3A_1513 = arith.constant 0 : i32
        %eq3A_1514 = arith.cmpi eq, %jit3A_1512, %eq3A_1513 : i32
        %jit3A_1515 = arith.constant 1 : i32
        %select_n3A_1516 = arith.select %eq3A_1514, %jit3A_1515, %jit3A_1512 : i32
        %rem3A_1517 = arith.remsi %add3A_1487, %select_n3A_1516 : i32
        %ne3A_1518 = arith.constant 0 : i32
        %ne3A_1519 = arith.cmpi ne, %rem3A_1517, %ne3A_1518 : i32
        %lt3A_1520 = arith.constant 0 : i32
        %lt3A_1521 = arith.cmpi slt, %rem3A_1517, %lt3A_1520 : i32
        %lt3A_1522 = arith.constant 0 : i32
        %lt3A_1523 = arith.cmpi slt, %select_n3A_1516, %lt3A_1522 : i32
        %ne3A_1524 = arith.xori %lt3A_1521, %lt3A_1523 : i1
        %and3A_1525 = arith.andi %ne3A_1524, %ne3A_1519 : i1
        %add3A_1526 = arith.addi %rem3A_1517, %select_n3A_1516 : i32
        %select_n3A_1527 = arith.select %and3A_1525, %add3A_1526, %rem3A_1517 : i32
        %jit3A_1528 = arith.constant 3 : i32
        %div3A_1529 = arith.divsi %select_n3A_1527, %jit3A_1528 : i32
        %sign3A_1530 = arith.constant 0 : i32
        %sign3A_1531 = arith.cmpi sgt, %select_n3A_1527, %sign3A_1530 : i32
        %sign3A_1532 = arith.extui %sign3A_1531 : i1 to i32
        %sign3A_1533 = arith.constant 0 : i32
        %sign3A_1534 = arith.cmpi slt, %select_n3A_1527, %sign3A_1533 : i32
        %sign3A_1535 = arith.extui %sign3A_1534 : i1 to i32
        %sign3A_1536 = arith.subi %sign3A_1532, %sign3A_1535 : i32
        %sign3A_1537 = arith.constant 0 : i32
        %sign3A_1538 = arith.cmpi sgt, %jit3A_1528, %sign3A_1537 : i32
        %sign3A_1539 = arith.extui %sign3A_1538 : i1 to i32
        %sign3A_1540 = arith.constant 0 : i32
        %sign3A_1541 = arith.cmpi slt, %jit3A_1528, %sign3A_1540 : i32
        %sign3A_1542 = arith.extui %sign3A_1541 : i1 to i32
        %sign3A_1543 = arith.subi %sign3A_1539, %sign3A_1542 : i32
        %ne3A_1544 = arith.cmpi ne, %sign3A_1536, %sign3A_1543 : i32
        %rem3A_1545 = arith.remsi %select_n3A_1527, %jit3A_1528 : i32
        %ne3A_1546 = arith.constant 0 : i32
        %ne3A_1547 = arith.cmpi ne, %rem3A_1545, %ne3A_1546 : i32
        %and3A_1548 = arith.andi %ne3A_1544, %ne3A_1547 : i1
        %sub3A_1549 = arith.constant 1 : i32
        %sub3A_1550 = arith.subi %div3A_1529, %sub3A_1549 : i32
        %select_n3A_1551 = arith.select %and3A_1548, %sub3A_1550, %div3A_1529 : i32
        %jit3A_1552 = arith.constant 3 : i32
        %eq3A_1553 = arith.constant 0 : i32
        %eq3A_1554 = arith.cmpi eq, %jit3A_1552, %eq3A_1553 : i32
        %jit3A_1555 = arith.constant 1 : i32
        %select_n3A_1556 = arith.select %eq3A_1554, %jit3A_1555, %jit3A_1552 : i32
        %rem3A_1557 = arith.remsi %select_n3A_1527, %select_n3A_1556 : i32
        %ne3A_1558 = arith.constant 0 : i32
        %ne3A_1559 = arith.cmpi ne, %rem3A_1557, %ne3A_1558 : i32
        %lt3A_1560 = arith.constant 0 : i32
        %lt3A_1561 = arith.cmpi slt, %rem3A_1557, %lt3A_1560 : i32
        %lt3A_1562 = arith.constant 0 : i32
        %lt3A_1563 = arith.cmpi slt, %select_n3A_1556, %lt3A_1562 : i32
        %ne3A_1564 = arith.xori %lt3A_1561, %lt3A_1563 : i1
        %and3A_1565 = arith.andi %ne3A_1564, %ne3A_1559 : i1
        %add3A_1566 = arith.addi %rem3A_1557, %select_n3A_1556 : i32
        %select_n3A_1567 = arith.select %and3A_1565, %add3A_1566, %rem3A_1557 : i32
        %mul3A_1568 = arith.constant 2 : i32
        %mul3A_1569 = arith.muli %select_n3A_1511, %mul3A_1568 : i32
        %add3A_1570 = arith.addi %mul3A_1569, %select_n3A_1551 : i32
        %mul3A_1571 = arith.constant 2 : i32
        %mul3A_1572 = arith.muli %add3A_1570, %mul3A_1571 : i32
        %get3A_1573 = arith.index_cast %mul3A_1572 : i32 to index
        %get3A_1574 = tpu.vector_load %arg5[%get3A_1573] {strides = array<i32>} : memref<144xi32, #tpu.memory_space<vmem>>, vector<16xi32>,
        %slice3A_1575 = vector.extract_strided_slice %get3A_1574 {offsets = [0], sizes = [1], strides = [1]} : vector<16xi32> to vector<1xi32>
        %squeeze3A_1576 = vector.extract %slice3A_1575[0] : i32 from vector<1xi32>
        %slice3A_1577 = vector.extract_strided_slice %get3A_1574 {offsets = [1], sizes = [1], strides = [1]} : vector<16xi32> to vector<1xi32>
        %squeeze3A_1578 = vector.extract %slice3A_1577[0] : i32 from vector<1xi32>
        %jit3A_1579 = arith.constant 8 : i32
        %div3A_1580 = arith.divsi %squeeze3A_1576, %jit3A_1579 : i32
        %sign3A_1581 = arith.constant 0 : i32
        %sign3A_1582 = arith.cmpi sgt, %squeeze3A_1576, %sign3A_1581 : i32
        %sign3A_1583 = arith.extui %sign3A_1582 : i1 to i32
        %sign3A_1584 = arith.constant 0 : i32
        %sign3A_1585 = arith.cmpi slt, %squeeze3A_1576, %sign3A_1584 : i32
        %sign3A_1586 = arith.extui %sign3A_1585 : i1 to i32
        %sign3A_1587 = arith.subi %sign3A_1583, %sign3A_1586 : i32
        %sign3A_1588 = arith.constant 0 : i32
        %sign3A_1589 = arith.cmpi sgt, %jit3A_1579, %sign3A_1588 : i32
        %sign3A_1590 = arith.extui %sign3A_1589 : i1 to i32
        %sign3A_1591 = arith.constant 0 : i32
        %sign3A_1592 = arith.cmpi slt, %jit3A_1579, %sign3A_1591 : i32
        %sign3A_1593 = arith.extui %sign3A_1592 : i1 to i32
        %sign3A_1594 = arith.subi %sign3A_1590, %sign3A_1593 : i32
        %ne3A_1595 = arith.cmpi ne, %sign3A_1587, %sign3A_1594 : i32
        %rem3A_1596 = arith.remsi %squeeze3A_1576, %jit3A_1579 : i32
        %ne3A_1597 = arith.constant 0 : i32
        %ne3A_1598 = arith.cmpi ne, %rem3A_1596, %ne3A_1597 : i32
        %and3A_1599 = arith.andi %ne3A_1595, %ne3A_1598 : i1
        %sub3A_1600 = arith.constant 1 : i32
        %sub3A_1601 = arith.subi %div3A_1580, %sub3A_1600 : i32
        %select_n3A_1602 = arith.select %and3A_1599, %sub3A_1601, %div3A_1580 : i32
        %mul3A_1603 = arith.constant 8 : i32
        %mul3A_1604 = arith.muli %select_n3A_1602, %mul3A_1603 : i32
        %multiple_of3A_1605 = tpu.assume_multiple %mul3A_1604, 8 : i32
        %sub3A_1606 = arith.subi %squeeze3A_1576, %multiple_of3A_1605 : i32
        %mul3A_1607 = arith.constant 56 : i32
        %mul3A_1608 = arith.muli %select_n3A_1484, %mul3A_1607 : i32
        %add3A_1609 = arith.addi %multiple_of3A_1605, %mul3A_1608 : i32
        %dma_start3A_1610 = arith.constant 0 : i32
        %dma_start3A_1611 = tpu.memref_slice %arg3[%select_n3A_1511, %select_n3A_1567, %add3A_1609, %dma_start3A_1610] : memref<32x3x512x512xf32, #tpu.memory_space<hbm>> -> memref<1x1x64x512xf32, #tpu.memory_space<hbm>>
        %dma_start3A_1612 = tpu.memref_squeeze %dma_start3A_1611 : memref<1x1x64x512xf32, #tpu.memory_space<hbm>> -> memref<64x512xf32, #tpu.memory_space<hbm>>
        %dma_start3A_1613 = arith.constant 0 : i32
        %dma_start3A_1614 = tpu.memref_slice %arg3[%select_n3A_1511, %select_n3A_1567, %add3A_1609, %dma_start3A_1613] : memref<32x3x512x512xf32, #tpu.memory_space<hbm>> -> memref<1x1x64x512xf32, #tpu.memory_space<hbm>>
        %dma_start3A_1615 = tpu.memref_squeeze %dma_start3A_1614 : memref<1x1x64x512xf32, #tpu.memory_space<hbm>> -> memref<64x512xf32, #tpu.memory_space<hbm>>
        tpu.enqueue_dma source(%dma_start3A_1615 : memref<64x512xf32, #tpu.memory_space<hbm>>) target(%arg7 : memref<64x512xf32, #tpu.memory_space<vmem>>) target_semaphore(%arg11 : memref<!tpu.dma_semaphore, #tpu.memory_space<semaphore_mem>>)
      } else {
      }
      %jit3A_401 = arith.constant 8 : i32
      %div3A_402 = arith.divsi %add3A_395, %jit3A_401 : i32
      %sign3A_403 = arith.constant 0 : i32
      %sign3A_404 = arith.cmpi sgt, %add3A_395, %sign3A_403 : i32
      %sign3A_405 = arith.extui %sign3A_404 : i1 to i32
      %sign3A_406 = arith.constant 0 : i32
      %sign3A_407 = arith.cmpi slt, %add3A_395, %sign3A_406 : i32
      %sign3A_408 = arith.extui %sign3A_407 : i1 to i32
      %sign3A_409 = arith.subi %sign3A_405, %sign3A_408 : i32
      %sign3A_410 = arith.constant 0 : i32
      %sign3A_411 = arith.cmpi sgt, %jit3A_401, %sign3A_410 : i32
      %sign3A_412 = arith.extui %sign3A_411 : i1 to i32
      %sign3A_413 = arith.constant 0 : i32
      %sign3A_414 = arith.cmpi slt, %jit3A_401, %sign3A_413 : i32
      %sign3A_415 = arith.extui %sign3A_414 : i1 to i32
      %sign3A_416 = arith.subi %sign3A_412, %sign3A_415 : i32
      %ne3A_417 = arith.cmpi ne, %sign3A_409, %sign3A_416 : i32
      %rem3A_418 = arith.remsi %add3A_395, %jit3A_401 : i32
      %ne3A_419 = arith.constant 0 : i32
      %ne3A_420 = arith.cmpi ne, %rem3A_418, %ne3A_419 : i32
      %and3A_421 = arith.andi %ne3A_417, %ne3A_420 : i1
      %sub3A_422 = arith.constant 1 : i32
      %sub3A_423 = arith.subi %div3A_402, %sub3A_422 : i32
      %select_n3A_424 = arith.select %and3A_421, %sub3A_423, %div3A_402 : i32
      %jit3A_425 = arith.constant 8 : i32
      %eq3A_426 = arith.constant 0 : i32
      %eq3A_427 = arith.cmpi eq, %jit3A_425, %eq3A_426 : i32
      %jit3A_428 = arith.constant 1 : i32
      %select_n3A_429 = arith.select %eq3A_427, %jit3A_428, %jit3A_425 : i32
      %rem3A_430 = arith.remsi %add3A_395, %select_n3A_429 : i32
      %ne3A_431 = arith.constant 0 : i32
      %ne3A_432 = arith.cmpi ne, %rem3A_430, %ne3A_431 : i32
      %lt3A_433 = arith.constant 0 : i32
      %lt3A_434 = arith.cmpi slt, %rem3A_430, %lt3A_433 : i32
      %lt3A_435 = arith.constant 0 : i32
      %lt3A_436 = arith.cmpi slt, %select_n3A_429, %lt3A_435 : i32
      %ne3A_437 = arith.xori %lt3A_434, %lt3A_436 : i1
      %and3A_438 = arith.andi %ne3A_437, %ne3A_432 : i1
      %add3A_439 = arith.addi %rem3A_430, %select_n3A_429 : i32
      %select_n3A_440 = arith.select %and3A_438, %add3A_439, %rem3A_430 : i32
      %mul3A_441 = arith.constant 6 : i32
      %mul3A_442 = arith.muli %add3A, %mul3A_441 : i32
      %add3A_443 = arith.addi %mul3A_442, %select_n3A_424 : i32
      %jit3A_444 = arith.constant 6 : i32
      %div3A_445 = arith.divsi %add3A_443, %jit3A_444 : i32
      %sign3A_446 = arith.constant 0 : i32
      %sign3A_447 = arith.cmpi sgt, %add3A_443, %sign3A_446 : i32
      %sign3A_448 = arith.extui %sign3A_447 : i1 to i32
      %sign3A_449 = arith.constant 0 : i32
      %sign3A_450 = arith.cmpi slt, %add3A_443, %sign3A_449 : i32
      %sign3A_451 = arith.extui %sign3A_450 : i1 to i32
      %sign3A_452 = arith.subi %sign3A_448, %sign3A_451 : i32
      %sign3A_453 = arith.constant 0 : i32
      %sign3A_454 = arith.cmpi sgt, %jit3A_444, %sign3A_453 : i32
      %sign3A_455 = arith.extui %sign3A_454 : i1 to i32
      %sign3A_456 = arith.constant 0 : i32
      %sign3A_457 = arith.cmpi slt, %jit3A_444, %sign3A_456 : i32
      %sign3A_458 = arith.extui %sign3A_457 : i1 to i32
      %sign3A_459 = arith.subi %sign3A_455, %sign3A_458 : i32
      %ne3A_460 = arith.cmpi ne, %sign3A_452, %sign3A_459 : i32
      %rem3A_461 = arith.remsi %add3A_443, %jit3A_444 : i32
      %ne3A_462 = arith.constant 0 : i32
      %ne3A_463 = arith.cmpi ne, %rem3A_461, %ne3A_462 : i32
      %and3A_464 = arith.andi %ne3A_460, %ne3A_463 : i1
      %sub3A_465 = arith.constant 1 : i32
      %sub3A_466 = arith.subi %div3A_445, %sub3A_465 : i32
      %select_n3A_467 = arith.select %and3A_464, %sub3A_466, %div3A_445 : i32
      %jit3A_468 = arith.constant 6 : i32
      %eq3A_469 = arith.constant 0 : i32
      %eq3A_470 = arith.cmpi eq, %jit3A_468, %eq3A_469 : i32
      %jit3A_471 = arith.constant 1 : i32
      %select_n3A_472 = arith.select %eq3A_470, %jit3A_471, %jit3A_468 : i32
      %rem3A_473 = arith.remsi %add3A_443, %select_n3A_472 : i32
      %ne3A_474 = arith.constant 0 : i32
      %ne3A_475 = arith.cmpi ne, %rem3A_473, %ne3A_474 : i32
      %lt3A_476 = arith.constant 0 : i32
      %lt3A_477 = arith.cmpi slt, %rem3A_473, %lt3A_476 : i32
      %lt3A_478 = arith.constant 0 : i32
      %lt3A_479 = arith.cmpi slt, %select_n3A_472, %lt3A_478 : i32
      %ne3A_480 = arith.xori %lt3A_477, %lt3A_479 : i1
      %and3A_481 = arith.andi %ne3A_480, %ne3A_475 : i1
      %add3A_482 = arith.addi %rem3A_473, %select_n3A_472 : i32
      %select_n3A_483 = arith.select %and3A_481, %add3A_482, %rem3A_473 : i32
      %jit3A_484 = arith.constant 3 : i32
      %div3A_485 = arith.divsi %select_n3A_483, %jit3A_484 : i32
      %sign3A_486 = arith.constant 0 : i32
      %sign3A_487 = arith.cmpi sgt, %select_n3A_483, %sign3A_486 : i32
      %sign3A_488 = arith.extui %sign3A_487 : i1 to i32
      %sign3A_489 = arith.constant 0 : i32
      %sign3A_490 = arith.cmpi slt, %select_n3A_483, %sign3A_489 : i32
      %sign3A_491 = arith.extui %sign3A_490 : i1 to i32
      %sign3A_492 = arith.subi %sign3A_488, %sign3A_491 : i32
      %sign3A_493 = arith.constant 0 : i32
      %sign3A_494 = arith.cmpi sgt, %jit3A_484, %sign3A_493 : i32
      %sign3A_495 = arith.extui %sign3A_494 : i1 to i32
      %sign3A_496 = arith.constant 0 : i32
      %sign3A_497 = arith.cmpi slt, %jit3A_484, %sign3A_496 : i32
      %sign3A_498 = arith.extui %sign3A_497 : i1 to i32
      %sign3A_499 = arith.subi %sign3A_495, %sign3A_498 : i32
      %ne3A_500 = arith.cmpi ne, %sign3A_492, %sign3A_499 : i32
      %rem3A_501 = arith.remsi %select_n3A_483, %jit3A_484 : i32
      %ne3A_502 = arith.constant 0 : i32
      %ne3A_503 = arith.cmpi ne, %rem3A_501, %ne3A_502 : i32
      %and3A_504 = arith.andi %ne3A_500, %ne3A_503 : i1
      %sub3A_505 = arith.constant 1 : i32
      %sub3A_506 = arith.subi %div3A_485, %sub3A_505 : i32
      %select_n3A_507 = arith.select %and3A_504, %sub3A_506, %div3A_485 : i32
      %jit3A_508 = arith.constant 3 : i32
      %eq3A_509 = arith.constant 0 : i32
      %eq3A_510 = arith.cmpi eq, %jit3A_508, %eq3A_509 : i32
      %jit3A_511 = arith.constant 1 : i32
      %select_n3A_512 = arith.select %eq3A_510, %jit3A_511, %jit3A_508 : i32
      %rem3A_513 = arith.remsi %select_n3A_483, %select_n3A_512 : i32
      %ne3A_514 = arith.constant 0 : i32
      %ne3A_515 = arith.cmpi ne, %rem3A_513, %ne3A_514 : i32
      %lt3A_516 = arith.constant 0 : i32
      %lt3A_517 = arith.cmpi slt, %rem3A_513, %lt3A_516 : i32
      %lt3A_518 = arith.constant 0 : i32
      %lt3A_519 = arith.cmpi slt, %select_n3A_512, %lt3A_518 : i32
      %ne3A_520 = arith.xori %lt3A_517, %lt3A_519 : i1
      %and3A_521 = arith.andi %ne3A_520, %ne3A_515 : i1
      %add3A_522 = arith.addi %rem3A_513, %select_n3A_512 : i32
      %select_n3A_523 = arith.select %and3A_521, %add3A_522, %rem3A_513 : i32
      %mul3A_524 = arith.constant 2 : i32
      %mul3A_525 = arith.muli %select_n3A_467, %mul3A_524 : i32
      %add3A_526 = arith.addi %mul3A_525, %select_n3A_507 : i32
      %mul3A_527 = arith.constant 2 : i32
      %mul3A_528 = arith.muli %add3A_526, %mul3A_527 : i32
      %get3A_529 = arith.index_cast %mul3A_528 : i32 to index
      %get3A_530 = tpu.vector_load %arg5[%get3A_529] {strides = array<i32>} : memref<144xi32, #tpu.memory_space<vmem>>, vector<16xi32>,
      %slice3A_531 = vector.extract_strided_slice %get3A_530 {offsets = [0], sizes = [1], strides = [1]} : vector<16xi32> to vector<1xi32>
      %squeeze3A_532 = vector.extract %slice3A_531[0] : i32 from vector<1xi32>
      %slice3A_533 = vector.extract_strided_slice %get3A_530 {offsets = [1], sizes = [1], strides = [1]} : vector<16xi32> to vector<1xi32>
      %squeeze3A_534 = vector.extract %slice3A_533[0] : i32 from vector<1xi32>
      %jit3A_535 = arith.constant 8 : i32
      %div3A_536 = arith.divsi %squeeze3A_532, %jit3A_535 : i32
      %sign3A_537 = arith.constant 0 : i32
      %sign3A_538 = arith.cmpi sgt, %squeeze3A_532, %sign3A_537 : i32
      %sign3A_539 = arith.extui %sign3A_538 : i1 to i32
      %sign3A_540 = arith.constant 0 : i32
      %sign3A_541 = arith.cmpi slt, %squeeze3A_532, %sign3A_540 : i32
      %sign3A_542 = arith.extui %sign3A_541 : i1 to i32
      %sign3A_543 = arith.subi %sign3A_539, %sign3A_542 : i32
      %sign3A_544 = arith.constant 0 : i32
      %sign3A_545 = arith.cmpi sgt, %jit3A_535, %sign3A_544 : i32
      %sign3A_546 = arith.extui %sign3A_545 : i1 to i32
      %sign3A_547 = arith.constant 0 : i32
      %sign3A_548 = arith.cmpi slt, %jit3A_535, %sign3A_547 : i32
      %sign3A_549 = arith.extui %sign3A_548 : i1 to i32
      %sign3A_550 = arith.subi %sign3A_546, %sign3A_549 : i32
      %ne3A_551 = arith.cmpi ne, %sign3A_543, %sign3A_550 : i32
      %rem3A_552 = arith.remsi %squeeze3A_532, %jit3A_535 : i32
      %ne3A_553 = arith.constant 0 : i32
      %ne3A_554 = arith.cmpi ne, %rem3A_552, %ne3A_553 : i32
      %and3A_555 = arith.andi %ne3A_551, %ne3A_554 : i1
      %sub3A_556 = arith.constant 1 : i32
      %sub3A_557 = arith.subi %div3A_536, %sub3A_556 : i32
      %select_n3A_558 = arith.select %and3A_555, %sub3A_557, %div3A_536 : i32
      %mul3A_559 = arith.constant 8 : i32
      %mul3A_560 = arith.muli %select_n3A_558, %mul3A_559 : i32
      %multiple_of3A_561 = tpu.assume_multiple %mul3A_560, 8 : i32
      %sub3A_562 = arith.subi %squeeze3A_532, %multiple_of3A_561 : i32
      %mul3A_563 = arith.constant 56 : i32
      %mul3A_564 = arith.muli %select_n3A_440, %mul3A_563 : i32
      %add3A_565 = arith.addi %multiple_of3A_561, %mul3A_564 : i32
      %dma_wait3A_566 = arith.constant 0 : i32
      %dma_wait3A_567 = tpu.memref_slice %arg3[%select_n3A_467, %select_n3A_523, %add3A_565, %dma_wait3A_566] : memref<32x3x512x512xf32, #tpu.memory_space<hbm>> -> memref<1x1x64x512xf32, #tpu.memory_space<hbm>>
      %dma_wait3A_568 = tpu.memref_squeeze %dma_wait3A_567 : memref<1x1x64x512xf32, #tpu.memory_space<hbm>> -> memref<64x512xf32, #tpu.memory_space<hbm>>
      %dma_wait3A_569 = arith.constant 0 : i32
      %dma_wait3A_570 = tpu.memref_slice %arg3[%select_n3A_467, %select_n3A_523, %add3A_565, %dma_wait3A_569] : memref<32x3x512x512xf32, #tpu.memory_space<hbm>> -> memref<1x1x64x512xf32, #tpu.memory_space<hbm>>
      %dma_wait3A_571 = tpu.memref_squeeze %dma_wait3A_570 : memref<1x1x64x512xf32, #tpu.memory_space<hbm>> -> memref<64x512xf32, #tpu.memory_space<hbm>>
      tpu.wait_dma2 semaphore(%arg10 : memref<!tpu.dma_semaphore, #tpu.memory_space<semaphore_mem>>) src(%dma_wait3A_571 : memref<64x512xf32, #tpu.memory_space<hbm>>) dst(%arg6 : memref<64x512xf32, #tpu.memory_space<vmem>>)
      %ge3A = arith.constant 2 : i32
      %ge3A_572 = arith.cmpi sge, %add3A_395, %ge3A : i32
      %convert_element_type3A_573 = arith.extui %ge3A_572 : i1 to i32
      %cond3A_574 = arith.constant 0 : i32
      %cond3A_575 = arith.cmpi ne, %convert_element_type3A_573, %cond3A_574 : i32
      scf.if %cond3A_575 {
        %sub3A_1443 = arith.constant 2 : i32
        %sub3A_1444 = arith.subi %add3A_395, %sub3A_1443 : i32
        %jit3A_1445 = arith.constant 8 : i32
        %div3A_1446 = arith.divsi %sub3A_1444, %jit3A_1445 : i32
        %sign3A_1447 = arith.constant 0 : i32
        %sign3A_1448 = arith.cmpi sgt, %sub3A_1444, %sign3A_1447 : i32
        %sign3A_1449 = arith.extui %sign3A_1448 : i1 to i32
        %sign3A_1450 = arith.constant 0 : i32
        %sign3A_1451 = arith.cmpi slt, %sub3A_1444, %sign3A_1450 : i32
        %sign3A_1452 = arith.extui %sign3A_1451 : i1 to i32
        %sign3A_1453 = arith.subi %sign3A_1449, %sign3A_1452 : i32
        %sign3A_1454 = arith.constant 0 : i32
        %sign3A_1455 = arith.cmpi sgt, %jit3A_1445, %sign3A_1454 : i32
        %sign3A_1456 = arith.extui %sign3A_1455 : i1 to i32
        %sign3A_1457 = arith.constant 0 : i32
        %sign3A_1458 = arith.cmpi slt, %jit3A_1445, %sign3A_1457 : i32
        %sign3A_1459 = arith.extui %sign3A_1458 : i1 to i32
        %sign3A_1460 = arith.subi %sign3A_1456, %sign3A_1459 : i32
        %ne3A_1461 = arith.cmpi ne, %sign3A_1453, %sign3A_1460 : i32
        %rem3A_1462 = arith.remsi %sub3A_1444, %jit3A_1445 : i32
        %ne3A_1463 = arith.constant 0 : i32
        %ne3A_1464 = arith.cmpi ne, %rem3A_1462, %ne3A_1463 : i32
        %and3A_1465 = arith.andi %ne3A_1461, %ne3A_1464 : i1
        %sub3A_1466 = arith.constant 1 : i32
        %sub3A_1467 = arith.subi %div3A_1446, %sub3A_1466 : i32
        %select_n3A_1468 = arith.select %and3A_1465, %sub3A_1467, %div3A_1446 : i32
        %jit3A_1469 = arith.constant 8 : i32
        %eq3A_1470 = arith.constant 0 : i32
        %eq3A_1471 = arith.cmpi eq, %jit3A_1469, %eq3A_1470 : i32
        %jit3A_1472 = arith.constant 1 : i32
        %select_n3A_1473 = arith.select %eq3A_1471, %jit3A_1472, %jit3A_1469 : i32
        %rem3A_1474 = arith.remsi %sub3A_1444, %select_n3A_1473 : i32
        %ne3A_1475 = arith.constant 0 : i32
        %ne3A_1476 = arith.cmpi ne, %rem3A_1474, %ne3A_1475 : i32
        %lt3A_1477 = arith.constant 0 : i32
        %lt3A_1478 = arith.cmpi slt, %rem3A_1474, %lt3A_1477 : i32
        %lt3A_1479 = arith.constant 0 : i32
        %lt3A_1480 = arith.cmpi slt, %select_n3A_1473, %lt3A_1479 : i32
        %ne3A_1481 = arith.xori %lt3A_1478, %lt3A_1480 : i1
        %and3A_1482 = arith.andi %ne3A_1481, %ne3A_1476 : i1
        %add3A_1483 = arith.addi %rem3A_1474, %select_n3A_1473 : i32
        %select_n3A_1484 = arith.select %and3A_1482, %add3A_1483, %rem3A_1474 : i32
        %mul3A_1485 = arith.constant 6 : i32
        %mul3A_1486 = arith.muli %add3A, %mul3A_1485 : i32
        %add3A_1487 = arith.addi %mul3A_1486, %select_n3A_1468 : i32
        %jit3A_1488 = arith.constant 6 : i32
        %div3A_1489 = arith.divsi %add3A_1487, %jit3A_1488 : i32
        %sign3A_1490 = arith.constant 0 : i32
        %sign3A_1491 = arith.cmpi sgt, %add3A_1487, %sign3A_1490 : i32
        %sign3A_1492 = arith.extui %sign3A_1491 : i1 to i32
        %sign3A_1493 = arith.constant 0 : i32
        %sign3A_1494 = arith.cmpi slt, %add3A_1487, %sign3A_1493 : i32
        %sign3A_1495 = arith.extui %sign3A_1494 : i1 to i32
        %sign3A_1496 = arith.subi %sign3A_1492, %sign3A_1495 : i32
        %sign3A_1497 = arith.constant 0 : i32
        %sign3A_1498 = arith.cmpi sgt, %jit3A_1488, %sign3A_1497 : i32
        %sign3A_1499 = arith.extui %sign3A_1498 : i1 to i32
        %sign3A_1500 = arith.constant 0 : i32
        %sign3A_1501 = arith.cmpi slt, %jit3A_1488, %sign3A_1500 : i32
        %sign3A_1502 = arith.extui %sign3A_1501 : i1 to i32
        %sign3A_1503 = arith.subi %sign3A_1499, %sign3A_1502 : i32
        %ne3A_1504 = arith.cmpi ne, %sign3A_1496, %sign3A_1503 : i32
        %rem3A_1505 = arith.remsi %add3A_1487, %jit3A_1488 : i32
        %ne3A_1506 = arith.constant 0 : i32
        %ne3A_1507 = arith.cmpi ne, %rem3A_1505, %ne3A_1506 : i32
        %and3A_1508 = arith.andi %ne3A_1504, %ne3A_1507 : i1
        %sub3A_1509 = arith.constant 1 : i32
        %sub3A_1510 = arith.subi %div3A_1489, %sub3A_1509 : i32
        %select_n3A_1511 = arith.select %and3A_1508, %sub3A_1510, %div3A_1489 : i32
        %jit3A_1512 = arith.constant 6 : i32
        %eq3A_1513 = arith.constant 0 : i32
        %eq3A_1514 = arith.cmpi eq, %jit3A_1512, %eq3A_1513 : i32
        %jit3A_1515 = arith.constant 1 : i32
        %select_n3A_1516 = arith.select %eq3A_1514, %jit3A_1515, %jit3A_1512 : i32
        %rem3A_1517 = arith.remsi %add3A_1487, %select_n3A_1516 : i32
        %ne3A_1518 = arith.constant 0 : i32
        %ne3A_1519 = arith.cmpi ne, %rem3A_1517, %ne3A_1518 : i32
        %lt3A_1520 = arith.constant 0 : i32
        %lt3A_1521 = arith.cmpi slt, %rem3A_1517, %lt3A_1520 : i32
        %lt3A_1522 = arith.constant 0 : i32
        %lt3A_1523 = arith.cmpi slt, %select_n3A_1516, %lt3A_1522 : i32
        %ne3A_1524 = arith.xori %lt3A_1521, %lt3A_1523 : i1
        %and3A_1525 = arith.andi %ne3A_1524, %ne3A_1519 : i1
        %add3A_1526 = arith.addi %rem3A_1517, %select_n3A_1516 : i32
        %select_n3A_1527 = arith.select %and3A_1525, %add3A_1526, %rem3A_1517 : i32
        %jit3A_1528 = arith.constant 3 : i32
        %div3A_1529 = arith.divsi %select_n3A_1527, %jit3A_1528 : i32
        %sign3A_1530 = arith.constant 0 : i32
        %sign3A_1531 = arith.cmpi sgt, %select_n3A_1527, %sign3A_1530 : i32
        %sign3A_1532 = arith.extui %sign3A_1531 : i1 to i32
        %sign3A_1533 = arith.constant 0 : i32
        %sign3A_1534 = arith.cmpi slt, %select_n3A_1527, %sign3A_1533 : i32
        %sign3A_1535 = arith.extui %sign3A_1534 : i1 to i32
        %sign3A_1536 = arith.subi %sign3A_1532, %sign3A_1535 : i32
        %sign3A_1537 = arith.constant 0 : i32
        %sign3A_1538 = arith.cmpi sgt, %jit3A_1528, %sign3A_1537 : i32
        %sign3A_1539 = arith.extui %sign3A_1538 : i1 to i32
        %sign3A_1540 = arith.constant 0 : i32
        %sign3A_1541 = arith.cmpi slt, %jit3A_1528, %sign3A_1540 : i32
        %sign3A_1542 = arith.extui %sign3A_1541 : i1 to i32
        %sign3A_1543 = arith.subi %sign3A_1539, %sign3A_1542 : i32
        %ne3A_1544 = arith.cmpi ne, %sign3A_1536, %sign3A_1543 : i32
        %rem3A_1545 = arith.remsi %select_n3A_1527, %jit3A_1528 : i32
        %ne3A_1546 = arith.constant 0 : i32
        %ne3A_1547 = arith.cmpi ne, %rem3A_1545, %ne3A_1546 : i32
        %and3A_1548 = arith.andi %ne3A_1544, %ne3A_1547 : i1
        %sub3A_1549 = arith.constant 1 : i32
        %sub3A_1550 = arith.subi %div3A_1529, %sub3A_1549 : i32
        %select_n3A_1551 = arith.select %and3A_1548, %sub3A_1550, %div3A_1529 : i32
        %jit3A_1552 = arith.constant 3 : i32
        %eq3A_1553 = arith.constant 0 : i32
        %eq3A_1554 = arith.cmpi eq, %jit3A_1552, %eq3A_1553 : i32
        %jit3A_1555 = arith.constant 1 : i32
        %select_n3A_1556 = arith.select %eq3A_1554, %jit3A_1555, %jit3A_1552 : i32
        %rem3A_1557 = arith.remsi %select_n3A_1527, %select_n3A_1556 : i32
        %ne3A_1558 = arith.constant 0 : i32
        %ne3A_1559 = arith.cmpi ne, %rem3A_1557, %ne3A_1558 : i32
        %lt3A_1560 = arith.constant 0 : i32
        %lt3A_1561 = arith.cmpi slt, %rem3A_1557, %lt3A_1560 : i32
        %lt3A_1562 = arith.constant 0 : i32
        %lt3A_1563 = arith.cmpi slt, %select_n3A_1556, %lt3A_1562 : i32
        %ne3A_1564 = arith.xori %lt3A_1561, %lt3A_1563 : i1
        %and3A_1565 = arith.andi %ne3A_1564, %ne3A_1559 : i1
        %add3A_1566 = arith.addi %rem3A_1557, %select_n3A_1556 : i32
        %select_n3A_1567 = arith.select %and3A_1565, %add3A_1566, %rem3A_1557 : i32
        %mul3A_1568 = arith.constant 2 : i32
        %mul3A_1569 = arith.muli %select_n3A_1511, %mul3A_1568 : i32
        %add3A_1570 = arith.addi %mul3A_1569, %select_n3A_1551 : i32
        %mul3A_1571 = arith.constant 2 : i32
        %mul3A_1572 = arith.muli %add3A_1570, %mul3A_1571 : i32
        %get3A_1573 = arith.index_cast %mul3A_1572 : i32 to index
        %get3A_1574 = tpu.vector_load %arg5[%get3A_1573] {strides = array<i32>} : memref<144xi32, #tpu.memory_space<vmem>>, vector<16xi32>,
        %slice3A_1575 = vector.extract_strided_slice %get3A_1574 {offsets = [0], sizes = [1], strides = [1]} : vector<16xi32> to vector<1xi32>
        %squeeze3A_1576 = vector.extract %slice3A_1575[0] : i32 from vector<1xi32>
        %slice3A_1577 = vector.extract_strided_slice %get3A_1574 {offsets = [1], sizes = [1], strides = [1]} : vector<16xi32> to vector<1xi32>
        %squeeze3A_1578 = vector.extract %slice3A_1577[0] : i32 from vector<1xi32>
        %jit3A_1579 = arith.constant 8 : i32
        %div3A_1580 = arith.divsi %squeeze3A_1576, %jit3A_1579 : i32
        %sign3A_1581 = arith.constant 0 : i32
        %sign3A_1582 = arith.cmpi sgt, %squeeze3A_1576, %sign3A_1581 : i32
        %sign3A_1583 = arith.extui %sign3A_1582 : i1 to i32
        %sign3A_1584 = arith.constant 0 : i32
        %sign3A_1585 = arith.cmpi slt, %squeeze3A_1576, %sign3A_1584 : i32
        %sign3A_1586 = arith.extui %sign3A_1585 : i1 to i32
        %sign3A_1587 = arith.subi %sign3A_1583, %sign3A_1586 : i32
        %sign3A_1588 = arith.constant 0 : i32
        %sign3A_1589 = arith.cmpi sgt, %jit3A_1579, %sign3A_1588 : i32
        %sign3A_1590 = arith.extui %sign3A_1589 : i1 to i32
        %sign3A_1591 = arith.constant 0 : i32
        %sign3A_1592 = arith.cmpi slt, %jit3A_1579, %sign3A_1591 : i32
        %sign3A_1593 = arith.extui %sign3A_1592 : i1 to i32
        %sign3A_1594 = arith.subi %sign3A_1590, %sign3A_1593 : i32
        %ne3A_1595 = arith.cmpi ne, %sign3A_1587, %sign3A_1594 : i32
        %rem3A_1596 = arith.remsi %squeeze3A_1576, %jit3A_1579 : i32
        %ne3A_1597 = arith.constant 0 : i32
        %ne3A_1598 = arith.cmpi ne, %rem3A_1596, %ne3A_1597 : i32
        %and3A_1599 = arith.andi %ne3A_1595, %ne3A_1598 : i1
        %sub3A_1600 = arith.constant 1 : i32
        %sub3A_1601 = arith.subi %div3A_1580, %sub3A_1600 : i32
        %select_n3A_1602 = arith.select %and3A_1599, %sub3A_1601, %div3A_1580 : i32
        %mul3A_1603 = arith.constant 8 : i32
        %mul3A_1604 = arith.muli %select_n3A_1602, %mul3A_1603 : i32
        %multiple_of3A_1605 = tpu.assume_multiple %mul3A_1604, 8 : i32
        %sub3A_1606 = arith.subi %squeeze3A_1576, %multiple_of3A_1605 : i32
        %mul3A_1607 = arith.constant 2 : i32
        %mul3A_1608 = arith.muli %select_n3A_1511, %mul3A_1607 : i32
        %add3A_1609 = arith.addi %mul3A_1608, %select_n3A_1551 : i32
        %mul3A_1610 = arith.constant 56 : i32
        %mul3A_1611 = arith.muli %select_n3A_1484, %mul3A_1610 : i32
        %dma_wait3A_1612 = arith.constant 0 : i32
        %dma_wait3A_1613 = tpu.memref_slice %arg4[%add3A_1609, %select_n3A_1567, %mul3A_1611, %dma_wait3A_1612] : memref<64x3x448x448xf32, #tpu.memory_space<hbm>> -> memref<1x1x56x448xf32, #tpu.memory_space<hbm>>
        %dma_wait3A_1614 = tpu.memref_squeeze %dma_wait3A_1613 : memref<1x1x56x448xf32, #tpu.memory_space<hbm>> -> memref<56x448xf32, #tpu.memory_space<hbm>>
        %dma_wait3A_1615 = arith.constant 0 : i32
        %dma_wait3A_1616 = tpu.memref_slice %arg4[%add3A_1609, %select_n3A_1567, %mul3A_1611, %dma_wait3A_1615] : memref<64x3x448x448xf32, #tpu.memory_space<hbm>> -> memref<1x1x56x448xf32, #tpu.memory_space<hbm>>
        %dma_wait3A_1617 = tpu.memref_squeeze %dma_wait3A_1616 : memref<1x1x56x448xf32, #tpu.memory_space<hbm>> -> memref<56x448xf32, #tpu.memory_space<hbm>>
        tpu.wait_dma2 semaphore(%arg12 : memref<!tpu.dma_semaphore, #tpu.memory_space<semaphore_mem>>) src(%arg8 : memref<56x448xf32, #tpu.memory_space<vmem>>) dst(%dma_wait3A_1617 : memref<56x448xf32, #tpu.memory_space<hbm>>)
      } else {
      }
      %jit3A_576 = arith.constant 8 : i32
      %div3A_577 = arith.divsi %add3A_395, %jit3A_576 : i32
      %sign3A_578 = arith.constant 0 : i32
      %sign3A_579 = arith.cmpi sgt, %add3A_395, %sign3A_578 : i32
      %sign3A_580 = arith.extui %sign3A_579 : i1 to i32
      %sign3A_581 = arith.constant 0 : i32
      %sign3A_582 = arith.cmpi slt, %add3A_395, %sign3A_581 : i32
      %sign3A_583 = arith.extui %sign3A_582 : i1 to i32
      %sign3A_584 = arith.subi %sign3A_580, %sign3A_583 : i32
      %sign3A_585 = arith.constant 0 : i32
      %sign3A_586 = arith.cmpi sgt, %jit3A_576, %sign3A_585 : i32
      %sign3A_587 = arith.extui %sign3A_586 : i1 to i32
      %sign3A_588 = arith.constant 0 : i32
      %sign3A_589 = arith.cmpi slt, %jit3A_576, %sign3A_588 : i32
      %sign3A_590 = arith.extui %sign3A_589 : i1 to i32
      %sign3A_591 = arith.subi %sign3A_587, %sign3A_590 : i32
      %ne3A_592 = arith.cmpi ne, %sign3A_584, %sign3A_591 : i32
      %rem3A_593 = arith.remsi %add3A_395, %jit3A_576 : i32
      %ne3A_594 = arith.constant 0 : i32
      %ne3A_595 = arith.cmpi ne, %rem3A_593, %ne3A_594 : i32
      %and3A_596 = arith.andi %ne3A_592, %ne3A_595 : i1
      %sub3A_597 = arith.constant 1 : i32
      %sub3A_598 = arith.subi %div3A_577, %sub3A_597 : i32
      %select_n3A_599 = arith.select %and3A_596, %sub3A_598, %div3A_577 : i32
      %jit3A_600 = arith.constant 8 : i32
      %eq3A_601 = arith.constant 0 : i32
      %eq3A_602 = arith.cmpi eq, %jit3A_600, %eq3A_601 : i32
      %jit3A_603 = arith.constant 1 : i32
      %select_n3A_604 = arith.select %eq3A_602, %jit3A_603, %jit3A_600 : i32
      %rem3A_605 = arith.remsi %add3A_395, %select_n3A_604 : i32
      %ne3A_606 = arith.constant 0 : i32
      %ne3A_607 = arith.cmpi ne, %rem3A_605, %ne3A_606 : i32
      %lt3A_608 = arith.constant 0 : i32
      %lt3A_609 = arith.cmpi slt, %rem3A_605, %lt3A_608 : i32
      %lt3A_610 = arith.constant 0 : i32
      %lt3A_611 = arith.cmpi slt, %select_n3A_604, %lt3A_610 : i32
      %ne3A_612 = arith.xori %lt3A_609, %lt3A_611 : i1
      %and3A_613 = arith.andi %ne3A_612, %ne3A_607 : i1
      %add3A_614 = arith.addi %rem3A_605, %select_n3A_604 : i32
      %select_n3A_615 = arith.select %and3A_613, %add3A_614, %rem3A_605 : i32
      %mul3A_616 = arith.constant 6 : i32
      %mul3A_617 = arith.muli %add3A, %mul3A_616 : i32
      %add3A_618 = arith.addi %mul3A_617, %select_n3A_599 : i32
      %jit3A_619 = arith.constant 6 : i32
      %div3A_620 = arith.divsi %add3A_618, %jit3A_619 : i32
      %sign3A_621 = arith.constant 0 : i32
      %sign3A_622 = arith.cmpi sgt, %add3A_618, %sign3A_621 : i32
      %sign3A_623 = arith.extui %sign3A_622 : i1 to i32
      %sign3A_624 = arith.constant 0 : i32
      %sign3A_625 = arith.cmpi slt, %add3A_618, %sign3A_624 : i32
      %sign3A_626 = arith.extui %sign3A_625 : i1 to i32
      %sign3A_627 = arith.subi %sign3A_623, %sign3A_626 : i32
      %sign3A_628 = arith.constant 0 : i32
      %sign3A_629 = arith.cmpi sgt, %jit3A_619, %sign3A_628 : i32
      %sign3A_630 = arith.extui %sign3A_629 : i1 to i32
      %sign3A_631 = arith.constant 0 : i32
      %sign3A_632 = arith.cmpi slt, %jit3A_619, %sign3A_631 : i32
      %sign3A_633 = arith.extui %sign3A_632 : i1 to i32
      %sign3A_634 = arith.subi %sign3A_630, %sign3A_633 : i32
      %ne3A_635 = arith.cmpi ne, %sign3A_627, %sign3A_634 : i32
      %rem3A_636 = arith.remsi %add3A_618, %jit3A_619 : i32
      %ne3A_637 = arith.constant 0 : i32
      %ne3A_638 = arith.cmpi ne, %rem3A_636, %ne3A_637 : i32
      %and3A_639 = arith.andi %ne3A_635, %ne3A_638 : i1
      %sub3A_640 = arith.constant 1 : i32
      %sub3A_641 = arith.subi %div3A_620, %sub3A_640 : i32
      %select_n3A_642 = arith.select %and3A_639, %sub3A_641, %div3A_620 : i32
      %jit3A_643 = arith.constant 6 : i32
      %eq3A_644 = arith.constant 0 : i32
      %eq3A_645 = arith.cmpi eq, %jit3A_643, %eq3A_644 : i32
      %jit3A_646 = arith.constant 1 : i32
      %select_n3A_647 = arith.select %eq3A_645, %jit3A_646, %jit3A_643 : i32
      %rem3A_648 = arith.remsi %add3A_618, %select_n3A_647 : i32
      %ne3A_649 = arith.constant 0 : i32
      %ne3A_650 = arith.cmpi ne, %rem3A_648, %ne3A_649 : i32
      %lt3A_651 = arith.constant 0 : i32
      %lt3A_652 = arith.cmpi slt, %rem3A_648, %lt3A_651 : i32
      %lt3A_653 = arith.constant 0 : i32
      %lt3A_654 = arith.cmpi slt, %select_n3A_647, %lt3A_653 : i32
      %ne3A_655 = arith.xori %lt3A_652, %lt3A_654 : i1
      %and3A_656 = arith.andi %ne3A_655, %ne3A_650 : i1
      %add3A_657 = arith.addi %rem3A_648, %select_n3A_647 : i32
      %select_n3A_658 = arith.select %and3A_656, %add3A_657, %rem3A_648 : i32
      %jit3A_659 = arith.constant 3 : i32
      %div3A_660 = arith.divsi %select_n3A_658, %jit3A_659 : i32
      %sign3A_661 = arith.constant 0 : i32
      %sign3A_662 = arith.cmpi sgt, %select_n3A_658, %sign3A_661 : i32
      %sign3A_663 = arith.extui %sign3A_662 : i1 to i32
      %sign3A_664 = arith.constant 0 : i32
      %sign3A_665 = arith.cmpi slt, %select_n3A_658, %sign3A_664 : i32
      %sign3A_666 = arith.extui %sign3A_665 : i1 to i32
      %sign3A_667 = arith.subi %sign3A_663, %sign3A_666 : i32
      %sign3A_668 = arith.constant 0 : i32
      %sign3A_669 = arith.cmpi sgt, %jit3A_659, %sign3A_668 : i32
      %sign3A_670 = arith.extui %sign3A_669 : i1 to i32
      %sign3A_671 = arith.constant 0 : i32
      %sign3A_672 = arith.cmpi slt, %jit3A_659, %sign3A_671 : i32
      %sign3A_673 = arith.extui %sign3A_672 : i1 to i32
      %sign3A_674 = arith.subi %sign3A_670, %sign3A_673 : i32
      %ne3A_675 = arith.cmpi ne, %sign3A_667, %sign3A_674 : i32
      %rem3A_676 = arith.remsi %select_n3A_658, %jit3A_659 : i32
      %ne3A_677 = arith.constant 0 : i32
      %ne3A_678 = arith.cmpi ne, %rem3A_676, %ne3A_677 : i32
      %and3A_679 = arith.andi %ne3A_675, %ne3A_678 : i1
      %sub3A_680 = arith.constant 1 : i32
      %sub3A_681 = arith.subi %div3A_660, %sub3A_680 : i32
      %select_n3A_682 = arith.select %and3A_679, %sub3A_681, %div3A_660 : i32
      %jit3A_683 = arith.constant 3 : i32
      %eq3A_684 = arith.constant 0 : i32
      %eq3A_685 = arith.cmpi eq, %jit3A_683, %eq3A_684 : i32
      %jit3A_686 = arith.constant 1 : i32
      %select_n3A_687 = arith.select %eq3A_685, %jit3A_686, %jit3A_683 : i32
      %rem3A_688 = arith.remsi %select_n3A_658, %select_n3A_687 : i32
      %ne3A_689 = arith.constant 0 : i32
      %ne3A_690 = arith.cmpi ne, %rem3A_688, %ne3A_689 : i32
      %lt3A_691 = arith.constant 0 : i32
      %lt3A_692 = arith.cmpi slt, %rem3A_688, %lt3A_691 : i32
      %lt3A_693 = arith.constant 0 : i32
      %lt3A_694 = arith.cmpi slt, %select_n3A_687, %lt3A_693 : i32
      %ne3A_695 = arith.xori %lt3A_692, %lt3A_694 : i1
      %and3A_696 = arith.andi %ne3A_695, %ne3A_690 : i1
      %add3A_697 = arith.addi %rem3A_688, %select_n3A_687 : i32
      %select_n3A_698 = arith.select %and3A_696, %add3A_697, %rem3A_688 : i32
      %mul3A_699 = arith.constant 2 : i32
      %mul3A_700 = arith.muli %select_n3A_642, %mul3A_699 : i32
      %add3A_701 = arith.addi %mul3A_700, %select_n3A_682 : i32
      %mul3A_702 = arith.constant 2 : i32
      %mul3A_703 = arith.muli %add3A_701, %mul3A_702 : i32
      %get3A_704 = arith.index_cast %mul3A_703 : i32 to index
      %get3A_705 = tpu.vector_load %arg5[%get3A_704] {strides = array<i32>} : memref<144xi32, #tpu.memory_space<vmem>>, vector<16xi32>,
      %slice3A_706 = vector.extract_strided_slice %get3A_705 {offsets = [0], sizes = [1], strides = [1]} : vector<16xi32> to vector<1xi32>
      %squeeze3A_707 = vector.extract %slice3A_706[0] : i32 from vector<1xi32>
      %slice3A_708 = vector.extract_strided_slice %get3A_705 {offsets = [1], sizes = [1], strides = [1]} : vector<16xi32> to vector<1xi32>
      %squeeze3A_709 = vector.extract %slice3A_708[0] : i32 from vector<1xi32>
      %jit3A_710 = arith.constant 8 : i32
      %div3A_711 = arith.divsi %squeeze3A_707, %jit3A_710 : i32
      %sign3A_712 = arith.constant 0 : i32
      %sign3A_713 = arith.cmpi sgt, %squeeze3A_707, %sign3A_712 : i32
      %sign3A_714 = arith.extui %sign3A_713 : i1 to i32
      %sign3A_715 = arith.constant 0 : i32
      %sign3A_716 = arith.cmpi slt, %squeeze3A_707, %sign3A_715 : i32
      %sign3A_717 = arith.extui %sign3A_716 : i1 to i32
      %sign3A_718 = arith.subi %sign3A_714, %sign3A_717 : i32
      %sign3A_719 = arith.constant 0 : i32
      %sign3A_720 = arith.cmpi sgt, %jit3A_710, %sign3A_719 : i32
      %sign3A_721 = arith.extui %sign3A_720 : i1 to i32
      %sign3A_722 = arith.constant 0 : i32
      %sign3A_723 = arith.cmpi slt, %jit3A_710, %sign3A_722 : i32
      %sign3A_724 = arith.extui %sign3A_723 : i1 to i32
      %sign3A_725 = arith.subi %sign3A_721, %sign3A_724 : i32
      %ne3A_726 = arith.cmpi ne, %sign3A_718, %sign3A_725 : i32
      %rem3A_727 = arith.remsi %squeeze3A_707, %jit3A_710 : i32
      %ne3A_728 = arith.constant 0 : i32
      %ne3A_729 = arith.cmpi ne, %rem3A_727, %ne3A_728 : i32
      %and3A_730 = arith.andi %ne3A_726, %ne3A_729 : i1
      %sub3A_731 = arith.constant 1 : i32
      %sub3A_732 = arith.subi %div3A_711, %sub3A_731 : i32
      %select_n3A_733 = arith.select %and3A_730, %sub3A_732, %div3A_711 : i32
      %mul3A_734 = arith.constant 8 : i32
      %mul3A_735 = arith.muli %select_n3A_733, %mul3A_734 : i32
      %multiple_of3A_736 = tpu.assume_multiple %mul3A_735, 8 : i32
      %sub3A_737 = arith.subi %squeeze3A_707, %multiple_of3A_736 : i32
      %add3A_738 = vector.broadcast %squeeze3A_709 : i32 to vector<16xi32>
      %add3A_739 = arith.addi %add3A_738, %iota3A : vector<16xi32>
      %parallel_loop3A = arith.constant 0 : i32
      %parallel_loop3A_740 = arith.constant 56 : i32
      %parallel_loop3A_741 = arith.constant 1 : i32
      scf.for %parallel_loop3A_1443 = %parallel_loop3A to %parallel_loop3A_740 step %parallel_loop3A_741  : i32 {
        %parallel_loop3A_1444 = arith.addi %parallel_loop3A_1443, %sub3A_737 : i32
        %parallel_loop3A_1445 = vector.broadcast %parallel_loop3A_1444 : i32 to vector<16xi32>
        %parallel_loop3A_1446 = arith.constant 0 : i32
        %parallel_loop3A_1447 = vector.broadcast %parallel_loop3A_1446 : i32 to vector<16xi32>
        %parallel_loop3A_1448 = arith.addi %add3A_739, %parallel_loop3A_1447 : vector<16xi32>
        %parallel_loop3A_1449 = tpu.vector_load_idx %arg6[%parallel_loop3A_1445, %parallel_loop3A_1448] : memref<64x512xf32, #tpu.memory_space<vmem>>[vector<16xi32>, vector<16xi32>], vector<16xf32>,
        %parallel_loop3A_1450 = arith.index_cast %parallel_loop3A_1443 : i32 to index
        %parallel_loop3A_1451 = arith.constant 0 : index
        %parallel_loop3A_1452 = tpu.vector_load %arg8[%parallel_loop3A_1450, %parallel_loop3A_1451] {strides = array<i32>} : memref<56x448xf32, #tpu.memory_space<vmem>>, vector<16xf32>,
        tpu.vector_store %arg8[%parallel_loop3A_1450, %parallel_loop3A_1451], %parallel_loop3A_1449 {strides = array<i32>} : memref<56x448xf32, #tpu.memory_space<vmem>>, vector<16xf32>,
        %parallel_loop3A_1453 = arith.constant 16 : i32
        %parallel_loop3A_1454 = vector.broadcast %parallel_loop3A_1453 : i32 to vector<16xi32>
        %parallel_loop3A_1455 = arith.addi %add3A_739, %parallel_loop3A_1454 : vector<16xi32>
        %parallel_loop3A_1456 = tpu.vector_load_idx %arg6[%parallel_loop3A_1445, %parallel_loop3A_1455] : memref<64x512xf32, #tpu.memory_space<vmem>>[vector<16xi32>, vector<16xi32>], vector<16xf32>,
        %parallel_loop3A_1457 = arith.index_cast %parallel_loop3A_1443 : i32 to index
        %parallel_loop3A_1458 = arith.constant 16 : index
        %parallel_loop3A_1459 = tpu.vector_load %arg8[%parallel_loop3A_1457, %parallel_loop3A_1458] {strides = array<i32>} : memref<56x448xf32, #tpu.memory_space<vmem>>, vector<16xf32>,
        tpu.vector_store %arg8[%parallel_loop3A_1457, %parallel_loop3A_1458], %parallel_loop3A_1456 {strides = array<i32>} : memref<56x448xf32, #tpu.memory_space<vmem>>, vector<16xf32>,
        %parallel_loop3A_1460 = arith.constant 32 : i32
        %parallel_loop3A_1461 = vector.broadcast %parallel_loop3A_1460 : i32 to vector<16xi32>
        %parallel_loop3A_1462 = arith.addi %add3A_739, %parallel_loop3A_1461 : vector<16xi32>
        %parallel_loop3A_1463 = tpu.vector_load_idx %arg6[%parallel_loop3A_1445, %parallel_loop3A_1462] : memref<64x512xf32, #tpu.memory_space<vmem>>[vector<16xi32>, vector<16xi32>], vector<16xf32>,
        %parallel_loop3A_1464 = arith.index_cast %parallel_loop3A_1443 : i32 to index
        %parallel_loop3A_1465 = arith.constant 32 : index
        %parallel_loop3A_1466 = tpu.vector_load %arg8[%parallel_loop3A_1464, %parallel_loop3A_1465] {strides = array<i32>} : memref<56x448xf32, #tpu.memory_space<vmem>>, vector<16xf32>,
        tpu.vector_store %arg8[%parallel_loop3A_1464, %parallel_loop3A_1465], %parallel_loop3A_1463 {strides = array<i32>} : memref<56x448xf32, #tpu.memory_space<vmem>>, vector<16xf32>,
        %parallel_loop3A_1467 = arith.constant 48 : i32
        %parallel_loop3A_1468 = vector.broadcast %parallel_loop3A_1467 : i32 to vector<16xi32>
        %parallel_loop3A_1469 = arith.addi %add3A_739, %parallel_loop3A_1468 : vector<16xi32>
        %parallel_loop3A_1470 = tpu.vector_load_idx %arg6[%parallel_loop3A_1445, %parallel_loop3A_1469] : memref<64x512xf32, #tpu.memory_space<vmem>>[vector<16xi32>, vector<16xi32>], vector<16xf32>,
        %parallel_loop3A_1471 = arith.index_cast %parallel_loop3A_1443 : i32 to index
        %parallel_loop3A_1472 = arith.constant 48 : index
        %parallel_loop3A_1473 = tpu.vector_load %arg8[%parallel_loop3A_1471, %parallel_loop3A_1472] {strides = array<i32>} : memref<56x448xf32, #tpu.memory_space<vmem>>, vector<16xf32>,
        tpu.vector_store %arg8[%parallel_loop3A_1471, %parallel_loop3A_1472], %parallel_loop3A_1470 {strides = array<i32>} : memref<56x448xf32, #tpu.memory_space<vmem>>, vector<16xf32>,
        %parallel_loop3A_1474 = arith.constant 64 : i32
        %parallel_loop3A_1475 = vector.broadcast %parallel_loop3A_1474 : i32 to vector<16xi32>
        %parallel_loop3A_1476 = arith.addi %add3A_739, %parallel_loop3A_1475 : vector<16xi32>
        %parallel_loop3A_1477 = tpu.vector_load_idx %arg6[%parallel_loop3A_1445, %parallel_loop3A_1476] : memref<64x512xf32, #tpu.memory_space<vmem>>[vector<16xi32>, vector<16xi32>], vector<16xf32>,
        %parallel_loop3A_1478 = arith.index_cast %parallel_loop3A_1443 : i32 to index
        %parallel_loop3A_1479 = arith.constant 64 : index
        %parallel_loop3A_1480 = tpu.vector_load %arg8[%parallel_loop3A_1478, %parallel_loop3A_1479] {strides = array<i32>} : memref<56x448xf32, #tpu.memory_space<vmem>>, vector<16xf32>,
        tpu.vector_store %arg8[%parallel_loop3A_1478, %parallel_loop3A_1479], %parallel_loop3A_1477 {strides = array<i32>} : memref<56x448xf32, #tpu.memory_space<vmem>>, vector<16xf32>,
        %parallel_loop3A_1481 = arith.constant 80 : i32
        %parallel_loop3A_1482 = vector.broadcast %parallel_loop3A_1481 : i32 to vector<16xi32>
        %parallel_loop3A_1483 = arith.addi %add3A_739, %parallel_loop3A_1482 : vector<16xi32>
        %parallel_loop3A_1484 = tpu.vector_load_idx %arg6[%parallel_loop3A_1445, %parallel_loop3A_1483] : memref<64x512xf32, #tpu.memory_space<vmem>>[vector<16xi32>, vector<16xi32>], vector<16xf32>,
        %parallel_loop3A_1485 = arith.index_cast %parallel_loop3A_1443 : i32 to index
        %parallel_loop3A_1486 = arith.constant 80 : index
        %parallel_loop3A_1487 = tpu.vector_load %arg8[%parallel_loop3A_1485, %parallel_loop3A_1486] {strides = array<i32>} : memref<56x448xf32, #tpu.memory_space<vmem>>, vector<16xf32>,
        tpu.vector_store %arg8[%parallel_loop3A_1485, %parallel_loop3A_1486], %parallel_loop3A_1484 {strides = array<i32>} : memref<56x448xf32, #tpu.memory_space<vmem>>, vector<16xf32>,
        %parallel_loop3A_1488 = arith.constant 96 : i32
        %parallel_loop3A_1489 = vector.broadcast %parallel_loop3A_1488 : i32 to vector<16xi32>
        %parallel_loop3A_1490 = arith.addi %add3A_739, %parallel_loop3A_1489 : vector<16xi32>
        %parallel_loop3A_1491 = tpu.vector_load_idx %arg6[%parallel_loop3A_1445, %parallel_loop3A_1490] : memref<64x512xf32, #tpu.memory_space<vmem>>[vector<16xi32>, vector<16xi32>], vector<16xf32>,
        %parallel_loop3A_1492 = arith.index_cast %parallel_loop3A_1443 : i32 to index
        %parallel_loop3A_1493 = arith.constant 96 : index
        %parallel_loop3A_1494 = tpu.vector_load %arg8[%parallel_loop3A_1492, %parallel_loop3A_1493] {strides = array<i32>} : memref<56x448xf32, #tpu.memory_space<vmem>>, vector<16xf32>,
        tpu.vector_store %arg8[%parallel_loop3A_1492, %parallel_loop3A_1493], %parallel_loop3A_1491 {strides = array<i32>} : memref<56x448xf32, #tpu.memory_space<vmem>>, vector<16xf32>,
        %parallel_loop3A_1495 = arith.constant 112 : i32
        %parallel_loop3A_1496 = vector.broadcast %parallel_loop3A_1495 : i32 to vector<16xi32>
        %parallel_loop3A_1497 = arith.addi %add3A_739, %parallel_loop3A_1496 : vector<16xi32>
        %parallel_loop3A_1498 = tpu.vector_load_idx %arg6[%parallel_loop3A_1445, %parallel_loop3A_1497] : memref<64x512xf32, #tpu.memory_space<vmem>>[vector<16xi32>, vector<16xi32>], vector<16xf32>,
        %parallel_loop3A_1499 = arith.index_cast %parallel_loop3A_1443 : i32 to index
        %parallel_loop3A_1500 = arith.constant 112 : index
        %parallel_loop3A_1501 = tpu.vector_load %arg8[%parallel_loop3A_1499, %parallel_loop3A_1500] {strides = array<i32>} : memref<56x448xf32, #tpu.memory_space<vmem>>, vector<16xf32>,
        tpu.vector_store %arg8[%parallel_loop3A_1499, %parallel_loop3A_1500], %parallel_loop3A_1498 {strides = array<i32>} : memref<56x448xf32, #tpu.memory_space<vmem>>, vector<16xf32>,
        %parallel_loop3A_1502 = arith.constant 128 : i32
        %parallel_loop3A_1503 = vector.broadcast %parallel_loop3A_1502 : i32 to vector<16xi32>
        %parallel_loop3A_1504 = arith.addi %add3A_739, %parallel_loop3A_1503 : vector<16xi32>
        %parallel_loop3A_1505 = tpu.vector_load_idx %arg6[%parallel_loop3A_1445, %parallel_loop3A_1504] : memref<64x512xf32, #tpu.memory_space<vmem>>[vector<16xi32>, vector<16xi32>], vector<16xf32>,
        %parallel_loop3A_1506 = arith.index_cast %parallel_loop3A_1443 : i32 to index
        %parallel_loop3A_1507 = arith.constant 128 : index
        %parallel_loop3A_1508 = tpu.vector_load %arg8[%parallel_loop3A_1506, %parallel_loop3A_1507] {strides = array<i32>} : memref<56x448xf32, #tpu.memory_space<vmem>>, vector<16xf32>,
        tpu.vector_store %arg8[%parallel_loop3A_1506, %parallel_loop3A_1507], %parallel_loop3A_1505 {strides = array<i32>} : memref<56x448xf32, #tpu.memory_space<vmem>>, vector<16xf32>,
        %parallel_loop3A_1509 = arith.constant 144 : i32
        %parallel_loop3A_1510 = vector.broadcast %parallel_loop3A_1509 : i32 to vector<16xi32>
        %parallel_loop3A_1511 = arith.addi %add3A_739, %parallel_loop3A_1510 : vector<16xi32>
        %parallel_loop3A_1512 = tpu.vector_load_idx %arg6[%parallel_loop3A_1445, %parallel_loop3A_1511] : memref<64x512xf32, #tpu.memory_space<vmem>>[vector<16xi32>, vector<16xi32>], vector<16xf32>,
        %parallel_loop3A_1513 = arith.index_cast %parallel_loop3A_1443 : i32 to index
        %parallel_loop3A_1514 = arith.constant 144 : index
        %parallel_loop3A_1515 = tpu.vector_load %arg8[%parallel_loop3A_1513, %parallel_loop3A_1514] {strides = array<i32>} : memref<56x448xf32, #tpu.memory_space<vmem>>, vector<16xf32>,
        tpu.vector_store %arg8[%parallel_loop3A_1513, %parallel_loop3A_1514], %parallel_loop3A_1512 {strides = array<i32>} : memref<56x448xf32, #tpu.memory_space<vmem>>, vector<16xf32>,
        %parallel_loop3A_1516 = arith.constant 160 : i32
        %parallel_loop3A_1517 = vector.broadcast %parallel_loop3A_1516 : i32 to vector<16xi32>
        %parallel_loop3A_1518 = arith.addi %add3A_739, %parallel_loop3A_1517 : vector<16xi32>
        %parallel_loop3A_1519 = tpu.vector_load_idx %arg6[%parallel_loop3A_1445, %parallel_loop3A_1518] : memref<64x512xf32, #tpu.memory_space<vmem>>[vector<16xi32>, vector<16xi32>], vector<16xf32>,
        %parallel_loop3A_1520 = arith.index_cast %parallel_loop3A_1443 : i32 to index
        %parallel_loop3A_1521 = arith.constant 160 : index
        %parallel_loop3A_1522 = tpu.vector_load %arg8[%parallel_loop3A_1520, %parallel_loop3A_1521] {strides = array<i32>} : memref<56x448xf32, #tpu.memory_space<vmem>>, vector<16xf32>,
        tpu.vector_store %arg8[%parallel_loop3A_1520, %parallel_loop3A_1521], %parallel_loop3A_1519 {strides = array<i32>} : memref<56x448xf32, #tpu.memory_space<vmem>>, vector<16xf32>,
        %parallel_loop3A_1523 = arith.constant 176 : i32
        %parallel_loop3A_1524 = vector.broadcast %parallel_loop3A_1523 : i32 to vector<16xi32>
        %parallel_loop3A_1525 = arith.addi %add3A_739, %parallel_loop3A_1524 : vector<16xi32>
        %parallel_loop3A_1526 = tpu.vector_load_idx %arg6[%parallel_loop3A_1445, %parallel_loop3A_1525] : memref<64x512xf32, #tpu.memory_space<vmem>>[vector<16xi32>, vector<16xi32>], vector<16xf32>,
        %parallel_loop3A_1527 = arith.index_cast %parallel_loop3A_1443 : i32 to index
        %parallel_loop3A_1528 = arith.constant 176 : index
        %parallel_loop3A_1529 = tpu.vector_load %arg8[%parallel_loop3A_1527, %parallel_loop3A_1528] {strides = array<i32>} : memref<56x448xf32, #tpu.memory_space<vmem>>, vector<16xf32>,
        tpu.vector_store %arg8[%parallel_loop3A_1527, %parallel_loop3A_1528], %parallel_loop3A_1526 {strides = array<i32>} : memref<56x448xf32, #tpu.memory_space<vmem>>, vector<16xf32>,
        %parallel_loop3A_1530 = arith.constant 192 : i32
        %parallel_loop3A_1531 = vector.broadcast %parallel_loop3A_1530 : i32 to vector<16xi32>
        %parallel_loop3A_1532 = arith.addi %add3A_739, %parallel_loop3A_1531 : vector<16xi32>
        %parallel_loop3A_1533 = tpu.vector_load_idx %arg6[%parallel_loop3A_1445, %parallel_loop3A_1532] : memref<64x512xf32, #tpu.memory_space<vmem>>[vector<16xi32>, vector<16xi32>], vector<16xf32>,
        %parallel_loop3A_1534 = arith.index_cast %parallel_loop3A_1443 : i32 to index
        %parallel_loop3A_1535 = arith.constant 192 : index
        %parallel_loop3A_1536 = tpu.vector_load %arg8[%parallel_loop3A_1534, %parallel_loop3A_1535] {strides = array<i32>} : memref<56x448xf32, #tpu.memory_space<vmem>>, vector<16xf32>,
        tpu.vector_store %arg8[%parallel_loop3A_1534, %parallel_loop3A_1535], %parallel_loop3A_1533 {strides = array<i32>} : memref<56x448xf32, #tpu.memory_space<vmem>>, vector<16xf32>,
        %parallel_loop3A_1537 = arith.constant 208 : i32
        %parallel_loop3A_1538 = vector.broadcast %parallel_loop3A_1537 : i32 to vector<16xi32>
        %parallel_loop3A_1539 = arith.addi %add3A_739, %parallel_loop3A_1538 : vector<16xi32>
        %parallel_loop3A_1540 = tpu.vector_load_idx %arg6[%parallel_loop3A_1445, %parallel_loop3A_1539] : memref<64x512xf32, #tpu.memory_space<vmem>>[vector<16xi32>, vector<16xi32>], vector<16xf32>,
        %parallel_loop3A_1541 = arith.index_cast %parallel_loop3A_1443 : i32 to index
        %parallel_loop3A_1542 = arith.constant 208 : index
        %parallel_loop3A_1543 = tpu.vector_load %arg8[%parallel_loop3A_1541, %parallel_loop3A_1542] {strides = array<i32>} : memref<56x448xf32, #tpu.memory_space<vmem>>, vector<16xf32>,
        tpu.vector_store %arg8[%parallel_loop3A_1541, %parallel_loop3A_1542], %parallel_loop3A_1540 {strides = array<i32>} : memref<56x448xf32, #tpu.memory_space<vmem>>, vector<16xf32>,
        %parallel_loop3A_1544 = arith.constant 224 : i32
        %parallel_loop3A_1545 = vector.broadcast %parallel_loop3A_1544 : i32 to vector<16xi32>
        %parallel_loop3A_1546 = arith.addi %add3A_739, %parallel_loop3A_1545 : vector<16xi32>
        %parallel_loop3A_1547 = tpu.vector_load_idx %arg6[%parallel_loop3A_1445, %parallel_loop3A_1546] : memref<64x512xf32, #tpu.memory_space<vmem>>[vector<16xi32>, vector<16xi32>], vector<16xf32>,
        %parallel_loop3A_1548 = arith.index_cast %parallel_loop3A_1443 : i32 to index
        %parallel_loop3A_1549 = arith.constant 224 : index
        %parallel_loop3A_1550 = tpu.vector_load %arg8[%parallel_loop3A_1548, %parallel_loop3A_1549] {strides = array<i32>} : memref<56x448xf32, #tpu.memory_space<vmem>>, vector<16xf32>,
        tpu.vector_store %arg8[%parallel_loop3A_1548, %parallel_loop3A_1549], %parallel_loop3A_1547 {strides = array<i32>} : memref<56x448xf32, #tpu.memory_space<vmem>>, vector<16xf32>,
        %parallel_loop3A_1551 = arith.constant 240 : i32
        %parallel_loop3A_1552 = vector.broadcast %parallel_loop3A_1551 : i32 to vector<16xi32>
        %parallel_loop3A_1553 = arith.addi %add3A_739, %parallel_loop3A_1552 : vector<16xi32>
        %parallel_loop3A_1554 = tpu.vector_load_idx %arg6[%parallel_loop3A_1445, %parallel_loop3A_1553] : memref<64x512xf32, #tpu.memory_space<vmem>>[vector<16xi32>, vector<16xi32>], vector<16xf32>,
        %parallel_loop3A_1555 = arith.index_cast %parallel_loop3A_1443 : i32 to index
        %parallel_loop3A_1556 = arith.constant 240 : index
        %parallel_loop3A_1557 = tpu.vector_load %arg8[%parallel_loop3A_1555, %parallel_loop3A_1556] {strides = array<i32>} : memref<56x448xf32, #tpu.memory_space<vmem>>, vector<16xf32>,
        tpu.vector_store %arg8[%parallel_loop3A_1555, %parallel_loop3A_1556], %parallel_loop3A_1554 {strides = array<i32>} : memref<56x448xf32, #tpu.memory_space<vmem>>, vector<16xf32>,
        %parallel_loop3A_1558 = arith.constant 256 : i32
        %parallel_loop3A_1559 = vector.broadcast %parallel_loop3A_1558 : i32 to vector<16xi32>
        %parallel_loop3A_1560 = arith.addi %add3A_739, %parallel_loop3A_1559 : vector<16xi32>
        %parallel_loop3A_1561 = tpu.vector_load_idx %arg6[%parallel_loop3A_1445, %parallel_loop3A_1560] : memref<64x512xf32, #tpu.memory_space<vmem>>[vector<16xi32>, vector<16xi32>], vector<16xf32>,
        %parallel_loop3A_1562 = arith.index_cast %parallel_loop3A_1443 : i32 to index
        %parallel_loop3A_1563 = arith.constant 256 : index
        %parallel_loop3A_1564 = tpu.vector_load %arg8[%parallel_loop3A_1562, %parallel_loop3A_1563] {strides = array<i32>} : memref<56x448xf32, #tpu.memory_space<vmem>>, vector<16xf32>,
        tpu.vector_store %arg8[%parallel_loop3A_1562, %parallel_loop3A_1563], %parallel_loop3A_1561 {strides = array<i32>} : memref<56x448xf32, #tpu.memory_space<vmem>>, vector<16xf32>,
        %parallel_loop3A_1565 = arith.constant 272 : i32
        %parallel_loop3A_1566 = vector.broadcast %parallel_loop3A_1565 : i32 to vector<16xi32>
        %parallel_loop3A_1567 = arith.addi %add3A_739, %parallel_loop3A_1566 : vector<16xi32>
        %parallel_loop3A_1568 = tpu.vector_load_idx %arg6[%parallel_loop3A_1445, %parallel_loop3A_1567] : memref<64x512xf32, #tpu.memory_space<vmem>>[vector<16xi32>, vector<16xi32>], vector<16xf32>,
        %parallel_loop3A_1569 = arith.index_cast %parallel_loop3A_1443 : i32 to index
        %parallel_loop3A_1570 = arith.constant 272 : index
        %parallel_loop3A_1571 = tpu.vector_load %arg8[%parallel_loop3A_1569, %parallel_loop3A_1570] {strides = array<i32>} : memref<56x448xf32, #tpu.memory_space<vmem>>, vector<16xf32>,
        tpu.vector_store %arg8[%parallel_loop3A_1569, %parallel_loop3A_1570], %parallel_loop3A_1568 {strides = array<i32>} : memref<56x448xf32, #tpu.memory_space<vmem>>, vector<16xf32>,
        %parallel_loop3A_1572 = arith.constant 288 : i32
        %parallel_loop3A_1573 = vector.broadcast %parallel_loop3A_1572 : i32 to vector<16xi32>
        %parallel_loop3A_1574 = arith.addi %add3A_739, %parallel_loop3A_1573 : vector<16xi32>
        %parallel_loop3A_1575 = tpu.vector_load_idx %arg6[%parallel_loop3A_1445, %parallel_loop3A_1574] : memref<64x512xf32, #tpu.memory_space<vmem>>[vector<16xi32>, vector<16xi32>], vector<16xf32>,
        %parallel_loop3A_1576 = arith.index_cast %parallel_loop3A_1443 : i32 to index
        %parallel_loop3A_1577 = arith.constant 288 : index
        %parallel_loop3A_1578 = tpu.vector_load %arg8[%parallel_loop3A_1576, %parallel_loop3A_1577] {strides = array<i32>} : memref<56x448xf32, #tpu.memory_space<vmem>>, vector<16xf32>,
        tpu.vector_store %arg8[%parallel_loop3A_1576, %parallel_loop3A_1577], %parallel_loop3A_1575 {strides = array<i32>} : memref<56x448xf32, #tpu.memory_space<vmem>>, vector<16xf32>,
        %parallel_loop3A_1579 = arith.constant 304 : i32
        %parallel_loop3A_1580 = vector.broadcast %parallel_loop3A_1579 : i32 to vector<16xi32>
        %parallel_loop3A_1581 = arith.addi %add3A_739, %parallel_loop3A_1580 : vector<16xi32>
        %parallel_loop3A_1582 = tpu.vector_load_idx %arg6[%parallel_loop3A_1445, %parallel_loop3A_1581] : memref<64x512xf32, #tpu.memory_space<vmem>>[vector<16xi32>, vector<16xi32>], vector<16xf32>,
        %parallel_loop3A_1583 = arith.index_cast %parallel_loop3A_1443 : i32 to index
        %parallel_loop3A_1584 = arith.constant 304 : index
        %parallel_loop3A_1585 = tpu.vector_load %arg8[%parallel_loop3A_1583, %parallel_loop3A_1584] {strides = array<i32>} : memref<56x448xf32, #tpu.memory_space<vmem>>, vector<16xf32>,
        tpu.vector_store %arg8[%parallel_loop3A_1583, %parallel_loop3A_1584], %parallel_loop3A_1582 {strides = array<i32>} : memref<56x448xf32, #tpu.memory_space<vmem>>, vector<16xf32>,
        %parallel_loop3A_1586 = arith.constant 320 : i32
        %parallel_loop3A_1587 = vector.broadcast %parallel_loop3A_1586 : i32 to vector<16xi32>
        %parallel_loop3A_1588 = arith.addi %add3A_739, %parallel_loop3A_1587 : vector<16xi32>
        %parallel_loop3A_1589 = tpu.vector_load_idx %arg6[%parallel_loop3A_1445, %parallel_loop3A_1588] : memref<64x512xf32, #tpu.memory_space<vmem>>[vector<16xi32>, vector<16xi32>], vector<16xf32>,
        %parallel_loop3A_1590 = arith.index_cast %parallel_loop3A_1443 : i32 to index
        %parallel_loop3A_1591 = arith.constant 320 : index
        %parallel_loop3A_1592 = tpu.vector_load %arg8[%parallel_loop3A_1590, %parallel_loop3A_1591] {strides = array<i32>} : memref<56x448xf32, #tpu.memory_space<vmem>>, vector<16xf32>,
        tpu.vector_store %arg8[%parallel_loop3A_1590, %parallel_loop3A_1591], %parallel_loop3A_1589 {strides = array<i32>} : memref<56x448xf32, #tpu.memory_space<vmem>>, vector<16xf32>,
        %parallel_loop3A_1593 = arith.constant 336 : i32
        %parallel_loop3A_1594 = vector.broadcast %parallel_loop3A_1593 : i32 to vector<16xi32>
        %parallel_loop3A_1595 = arith.addi %add3A_739, %parallel_loop3A_1594 : vector<16xi32>
        %parallel_loop3A_1596 = tpu.vector_load_idx %arg6[%parallel_loop3A_1445, %parallel_loop3A_1595] : memref<64x512xf32, #tpu.memory_space<vmem>>[vector<16xi32>, vector<16xi32>], vector<16xf32>,
        %parallel_loop3A_1597 = arith.index_cast %parallel_loop3A_1443 : i32 to index
        %parallel_loop3A_1598 = arith.constant 336 : index
        %parallel_loop3A_1599 = tpu.vector_load %arg8[%parallel_loop3A_1597, %parallel_loop3A_1598] {strides = array<i32>} : memref<56x448xf32, #tpu.memory_space<vmem>>, vector<16xf32>,
        tpu.vector_store %arg8[%parallel_loop3A_1597, %parallel_loop3A_1598], %parallel_loop3A_1596 {strides = array<i32>} : memref<56x448xf32, #tpu.memory_space<vmem>>, vector<16xf32>,
        %parallel_loop3A_1600 = arith.constant 352 : i32
        %parallel_loop3A_1601 = vector.broadcast %parallel_loop3A_1600 : i32 to vector<16xi32>
        %parallel_loop3A_1602 = arith.addi %add3A_739, %parallel_loop3A_1601 : vector<16xi32>
        %parallel_loop3A_1603 = tpu.vector_load_idx %arg6[%parallel_loop3A_1445, %parallel_loop3A_1602] : memref<64x512xf32, #tpu.memory_space<vmem>>[vector<16xi32>, vector<16xi32>], vector<16xf32>,
        %parallel_loop3A_1604 = arith.index_cast %parallel_loop3A_1443 : i32 to index
        %parallel_loop3A_1605 = arith.constant 352 : index
        %parallel_loop3A_1606 = tpu.vector_load %arg8[%parallel_loop3A_1604, %parallel_loop3A_1605] {strides = array<i32>} : memref<56x448xf32, #tpu.memory_space<vmem>>, vector<16xf32>,
        tpu.vector_store %arg8[%parallel_loop3A_1604, %parallel_loop3A_1605], %parallel_loop3A_1603 {strides = array<i32>} : memref<56x448xf32, #tpu.memory_space<vmem>>, vector<16xf32>,
        %parallel_loop3A_1607 = arith.constant 368 : i32
        %parallel_loop3A_1608 = vector.broadcast %parallel_loop3A_1607 : i32 to vector<16xi32>
        %parallel_loop3A_1609 = arith.addi %add3A_739, %parallel_loop3A_1608 : vector<16xi32>
        %parallel_loop3A_1610 = tpu.vector_load_idx %arg6[%parallel_loop3A_1445, %parallel_loop3A_1609] : memref<64x512xf32, #tpu.memory_space<vmem>>[vector<16xi32>, vector<16xi32>], vector<16xf32>,
        %parallel_loop3A_1611 = arith.index_cast %parallel_loop3A_1443 : i32 to index
        %parallel_loop3A_1612 = arith.constant 368 : index
        %parallel_loop3A_1613 = tpu.vector_load %arg8[%parallel_loop3A_1611, %parallel_loop3A_1612] {strides = array<i32>} : memref<56x448xf32, #tpu.memory_space<vmem>>, vector<16xf32>,
        tpu.vector_store %arg8[%parallel_loop3A_1611, %parallel_loop3A_1612], %parallel_loop3A_1610 {strides = array<i32>} : memref<56x448xf32, #tpu.memory_space<vmem>>, vector<16xf32>,
        %parallel_loop3A_1614 = arith.constant 384 : i32
        %parallel_loop3A_1615 = vector.broadcast %parallel_loop3A_1614 : i32 to vector<16xi32>
        %parallel_loop3A_1616 = arith.addi %add3A_739, %parallel_loop3A_1615 : vector<16xi32>
        %parallel_loop3A_1617 = tpu.vector_load_idx %arg6[%parallel_loop3A_1445, %parallel_loop3A_1616] : memref<64x512xf32, #tpu.memory_space<vmem>>[vector<16xi32>, vector<16xi32>], vector<16xf32>,
        %parallel_loop3A_1618 = arith.index_cast %parallel_loop3A_1443 : i32 to index
        %parallel_loop3A_1619 = arith.constant 384 : index
        %parallel_loop3A_1620 = tpu.vector_load %arg8[%parallel_loop3A_1618, %parallel_loop3A_1619] {strides = array<i32>} : memref<56x448xf32, #tpu.memory_space<vmem>>, vector<16xf32>,
        tpu.vector_store %arg8[%parallel_loop3A_1618, %parallel_loop3A_1619], %parallel_loop3A_1617 {strides = array<i32>} : memref<56x448xf32, #tpu.memory_space<vmem>>, vector<16xf32>,
        %parallel_loop3A_1621 = arith.constant 400 : i32
        %parallel_loop3A_1622 = vector.broadcast %parallel_loop3A_1621 : i32 to vector<16xi32>
        %parallel_loop3A_1623 = arith.addi %add3A_739, %parallel_loop3A_1622 : vector<16xi32>
        %parallel_loop3A_1624 = tpu.vector_load_idx %arg6[%parallel_loop3A_1445, %parallel_loop3A_1623] : memref<64x512xf32, #tpu.memory_space<vmem>>[vector<16xi32>, vector<16xi32>], vector<16xf32>,
        %parallel_loop3A_1625 = arith.index_cast %parallel_loop3A_1443 : i32 to index
        %parallel_loop3A_1626 = arith.constant 400 : index
        %parallel_loop3A_1627 = tpu.vector_load %arg8[%parallel_loop3A_1625, %parallel_loop3A_1626] {strides = array<i32>} : memref<56x448xf32, #tpu.memory_space<vmem>>, vector<16xf32>,
        tpu.vector_store %arg8[%parallel_loop3A_1625, %parallel_loop3A_1626], %parallel_loop3A_1624 {strides = array<i32>} : memref<56x448xf32, #tpu.memory_space<vmem>>, vector<16xf32>,
        %parallel_loop3A_1628 = arith.constant 416 : i32
        %parallel_loop3A_1629 = vector.broadcast %parallel_loop3A_1628 : i32 to vector<16xi32>
        %parallel_loop3A_1630 = arith.addi %add3A_739, %parallel_loop3A_1629 : vector<16xi32>
        %parallel_loop3A_1631 = tpu.vector_load_idx %arg6[%parallel_loop3A_1445, %parallel_loop3A_1630] : memref<64x512xf32, #tpu.memory_space<vmem>>[vector<16xi32>, vector<16xi32>], vector<16xf32>,
        %parallel_loop3A_1632 = arith.index_cast %parallel_loop3A_1443 : i32 to index
        %parallel_loop3A_1633 = arith.constant 416 : index
        %parallel_loop3A_1634 = tpu.vector_load %arg8[%parallel_loop3A_1632, %parallel_loop3A_1633] {strides = array<i32>} : memref<56x448xf32, #tpu.memory_space<vmem>>, vector<16xf32>,
        tpu.vector_store %arg8[%parallel_loop3A_1632, %parallel_loop3A_1633], %parallel_loop3A_1631 {strides = array<i32>} : memref<56x448xf32, #tpu.memory_space<vmem>>, vector<16xf32>,
        %parallel_loop3A_1635 = arith.constant 432 : i32
        %parallel_loop3A_1636 = vector.broadcast %parallel_loop3A_1635 : i32 to vector<16xi32>
        %parallel_loop3A_1637 = arith.addi %add3A_739, %parallel_loop3A_1636 : vector<16xi32>
        %parallel_loop3A_1638 = tpu.vector_load_idx %arg6[%parallel_loop3A_1445, %parallel_loop3A_1637] : memref<64x512xf32, #tpu.memory_space<vmem>>[vector<16xi32>, vector<16xi32>], vector<16xf32>,
        %parallel_loop3A_1639 = arith.index_cast %parallel_loop3A_1443 : i32 to index
        %parallel_loop3A_1640 = arith.constant 432 : index
        %parallel_loop3A_1641 = tpu.vector_load %arg8[%parallel_loop3A_1639, %parallel_loop3A_1640] {strides = array<i32>} : memref<56x448xf32, #tpu.memory_space<vmem>>, vector<16xf32>,
        tpu.vector_store %arg8[%parallel_loop3A_1639, %parallel_loop3A_1640], %parallel_loop3A_1638 {strides = array<i32>} : memref<56x448xf32, #tpu.memory_space<vmem>>, vector<16xf32>,
      } {sc.loop_unroll_factor = 8 : i64, sc.parallel_access}
      %jit3A_742 = arith.constant 8 : i32
      %div3A_743 = arith.divsi %add3A_395, %jit3A_742 : i32
      %sign3A_744 = arith.constant 0 : i32
      %sign3A_745 = arith.cmpi sgt, %add3A_395, %sign3A_744 : i32
      %sign3A_746 = arith.extui %sign3A_745 : i1 to i32
      %sign3A_747 = arith.constant 0 : i32
      %sign3A_748 = arith.cmpi slt, %add3A_395, %sign3A_747 : i32
      %sign3A_749 = arith.extui %sign3A_748 : i1 to i32
      %sign3A_750 = arith.subi %sign3A_746, %sign3A_749 : i32
      %sign3A_751 = arith.constant 0 : i32
      %sign3A_752 = arith.cmpi sgt, %jit3A_742, %sign3A_751 : i32
      %sign3A_753 = arith.extui %sign3A_752 : i1 to i32
      %sign3A_754 = arith.constant 0 : i32
      %sign3A_755 = arith.cmpi slt, %jit3A_742, %sign3A_754 : i32
      %sign3A_756 = arith.extui %sign3A_755 : i1 to i32
      %sign3A_757 = arith.subi %sign3A_753, %sign3A_756 : i32
      %ne3A_758 = arith.cmpi ne, %sign3A_750, %sign3A_757 : i32
      %rem3A_759 = arith.remsi %add3A_395, %jit3A_742 : i32
      %ne3A_760 = arith.constant 0 : i32
      %ne3A_761 = arith.cmpi ne, %rem3A_759, %ne3A_760 : i32
      %and3A_762 = arith.andi %ne3A_758, %ne3A_761 : i1
      %sub3A_763 = arith.constant 1 : i32
      %sub3A_764 = arith.subi %div3A_743, %sub3A_763 : i32
      %select_n3A_765 = arith.select %and3A_762, %sub3A_764, %div3A_743 : i32
      %jit3A_766 = arith.constant 8 : i32
      %eq3A_767 = arith.constant 0 : i32
      %eq3A_768 = arith.cmpi eq, %jit3A_766, %eq3A_767 : i32
      %jit3A_769 = arith.constant 1 : i32
      %select_n3A_770 = arith.select %eq3A_768, %jit3A_769, %jit3A_766 : i32
      %rem3A_771 = arith.remsi %add3A_395, %select_n3A_770 : i32
      %ne3A_772 = arith.constant 0 : i32
      %ne3A_773 = arith.cmpi ne, %rem3A_771, %ne3A_772 : i32
      %lt3A_774 = arith.constant 0 : i32
      %lt3A_775 = arith.cmpi slt, %rem3A_771, %lt3A_774 : i32
      %lt3A_776 = arith.constant 0 : i32
      %lt3A_777 = arith.cmpi slt, %select_n3A_770, %lt3A_776 : i32
      %ne3A_778 = arith.xori %lt3A_775, %lt3A_777 : i1
      %and3A_779 = arith.andi %ne3A_778, %ne3A_773 : i1
      %add3A_780 = arith.addi %rem3A_771, %select_n3A_770 : i32
      %select_n3A_781 = arith.select %and3A_779, %add3A_780, %rem3A_771 : i32
      %mul3A_782 = arith.constant 6 : i32
      %mul3A_783 = arith.muli %add3A, %mul3A_782 : i32
      %add3A_784 = arith.addi %mul3A_783, %select_n3A_765 : i32
      %jit3A_785 = arith.constant 6 : i32
      %div3A_786 = arith.divsi %add3A_784, %jit3A_785 : i32
      %sign3A_787 = arith.constant 0 : i32
      %sign3A_788 = arith.cmpi sgt, %add3A_784, %sign3A_787 : i32
      %sign3A_789 = arith.extui %sign3A_788 : i1 to i32
      %sign3A_790 = arith.constant 0 : i32
      %sign3A_791 = arith.cmpi slt, %add3A_784, %sign3A_790 : i32
      %sign3A_792 = arith.extui %sign3A_791 : i1 to i32
      %sign3A_793 = arith.subi %sign3A_789, %sign3A_792 : i32
      %sign3A_794 = arith.constant 0 : i32
      %sign3A_795 = arith.cmpi sgt, %jit3A_785, %sign3A_794 : i32
      %sign3A_796 = arith.extui %sign3A_795 : i1 to i32
      %sign3A_797 = arith.constant 0 : i32
      %sign3A_798 = arith.cmpi slt, %jit3A_785, %sign3A_797 : i32
      %sign3A_799 = arith.extui %sign3A_798 : i1 to i32
      %sign3A_800 = arith.subi %sign3A_796, %sign3A_799 : i32
      %ne3A_801 = arith.cmpi ne, %sign3A_793, %sign3A_800 : i32
      %rem3A_802 = arith.remsi %add3A_784, %jit3A_785 : i32
      %ne3A_803 = arith.constant 0 : i32
      %ne3A_804 = arith.cmpi ne, %rem3A_802, %ne3A_803 : i32
      %and3A_805 = arith.andi %ne3A_801, %ne3A_804 : i1
      %sub3A_806 = arith.constant 1 : i32
      %sub3A_807 = arith.subi %div3A_786, %sub3A_806 : i32
      %select_n3A_808 = arith.select %and3A_805, %sub3A_807, %div3A_786 : i32
      %jit3A_809 = arith.constant 6 : i32
      %eq3A_810 = arith.constant 0 : i32
      %eq3A_811 = arith.cmpi eq, %jit3A_809, %eq3A_810 : i32
      %jit3A_812 = arith.constant 1 : i32
      %select_n3A_813 = arith.select %eq3A_811, %jit3A_812, %jit3A_809 : i32
      %rem3A_814 = arith.remsi %add3A_784, %select_n3A_813 : i32
      %ne3A_815 = arith.constant 0 : i32
      %ne3A_816 = arith.cmpi ne, %rem3A_814, %ne3A_815 : i32
      %lt3A_817 = arith.constant 0 : i32
      %lt3A_818 = arith.cmpi slt, %rem3A_814, %lt3A_817 : i32
      %lt3A_819 = arith.constant 0 : i32
      %lt3A_820 = arith.cmpi slt, %select_n3A_813, %lt3A_819 : i32
      %ne3A_821 = arith.xori %lt3A_818, %lt3A_820 : i1
      %and3A_822 = arith.andi %ne3A_821, %ne3A_816 : i1
      %add3A_823 = arith.addi %rem3A_814, %select_n3A_813 : i32
      %select_n3A_824 = arith.select %and3A_822, %add3A_823, %rem3A_814 : i32
      %jit3A_825 = arith.constant 3 : i32
      %div3A_826 = arith.divsi %select_n3A_824, %jit3A_825 : i32
      %sign3A_827 = arith.constant 0 : i32
      %sign3A_828 = arith.cmpi sgt, %select_n3A_824, %sign3A_827 : i32
      %sign3A_829 = arith.extui %sign3A_828 : i1 to i32
      %sign3A_830 = arith.constant 0 : i32
      %sign3A_831 = arith.cmpi slt, %select_n3A_824, %sign3A_830 : i32
      %sign3A_832 = arith.extui %sign3A_831 : i1 to i32
      %sign3A_833 = arith.subi %sign3A_829, %sign3A_832 : i32
      %sign3A_834 = arith.constant 0 : i32
      %sign3A_835 = arith.cmpi sgt, %jit3A_825, %sign3A_834 : i32
      %sign3A_836 = arith.extui %sign3A_835 : i1 to i32
      %sign3A_837 = arith.constant 0 : i32
      %sign3A_838 = arith.cmpi slt, %jit3A_825, %sign3A_837 : i32
      %sign3A_839 = arith.extui %sign3A_838 : i1 to i32
      %sign3A_840 = arith.subi %sign3A_836, %sign3A_839 : i32
      %ne3A_841 = arith.cmpi ne, %sign3A_833, %sign3A_840 : i32
      %rem3A_842 = arith.remsi %select_n3A_824, %jit3A_825 : i32
      %ne3A_843 = arith.constant 0 : i32
      %ne3A_844 = arith.cmpi ne, %rem3A_842, %ne3A_843 : i32
      %and3A_845 = arith.andi %ne3A_841, %ne3A_844 : i1
      %sub3A_846 = arith.constant 1 : i32
      %sub3A_847 = arith.subi %div3A_826, %sub3A_846 : i32
      %select_n3A_848 = arith.select %and3A_845, %sub3A_847, %div3A_826 : i32
      %jit3A_849 = arith.constant 3 : i32
      %eq3A_850 = arith.constant 0 : i32
      %eq3A_851 = arith.cmpi eq, %jit3A_849, %eq3A_850 : i32
      %jit3A_852 = arith.constant 1 : i32
      %select_n3A_853 = arith.select %eq3A_851, %jit3A_852, %jit3A_849 : i32
      %rem3A_854 = arith.remsi %select_n3A_824, %select_n3A_853 : i32
      %ne3A_855 = arith.constant 0 : i32
      %ne3A_856 = arith.cmpi ne, %rem3A_854, %ne3A_855 : i32
      %lt3A_857 = arith.constant 0 : i32
      %lt3A_858 = arith.cmpi slt, %rem3A_854, %lt3A_857 : i32
      %lt3A_859 = arith.constant 0 : i32
      %lt3A_860 = arith.cmpi slt, %select_n3A_853, %lt3A_859 : i32
      %ne3A_861 = arith.xori %lt3A_858, %lt3A_860 : i1
      %and3A_862 = arith.andi %ne3A_861, %ne3A_856 : i1
      %add3A_863 = arith.addi %rem3A_854, %select_n3A_853 : i32
      %select_n3A_864 = arith.select %and3A_862, %add3A_863, %rem3A_854 : i32
      %mul3A_865 = arith.constant 2 : i32
      %mul3A_866 = arith.muli %select_n3A_808, %mul3A_865 : i32
      %add3A_867 = arith.addi %mul3A_866, %select_n3A_848 : i32
      %mul3A_868 = arith.constant 2 : i32
      %mul3A_869 = arith.muli %add3A_867, %mul3A_868 : i32
      %get3A_870 = arith.index_cast %mul3A_869 : i32 to index
      %get3A_871 = tpu.vector_load %arg5[%get3A_870] {strides = array<i32>} : memref<144xi32, #tpu.memory_space<vmem>>, vector<16xi32>,
      %slice3A_872 = vector.extract_strided_slice %get3A_871 {offsets = [0], sizes = [1], strides = [1]} : vector<16xi32> to vector<1xi32>
      %squeeze3A_873 = vector.extract %slice3A_872[0] : i32 from vector<1xi32>
      %slice3A_874 = vector.extract_strided_slice %get3A_871 {offsets = [1], sizes = [1], strides = [1]} : vector<16xi32> to vector<1xi32>
      %squeeze3A_875 = vector.extract %slice3A_874[0] : i32 from vector<1xi32>
      %jit3A_876 = arith.constant 8 : i32
      %div3A_877 = arith.divsi %squeeze3A_873, %jit3A_876 : i32
      %sign3A_878 = arith.constant 0 : i32
      %sign3A_879 = arith.cmpi sgt, %squeeze3A_873, %sign3A_878 : i32
      %sign3A_880 = arith.extui %sign3A_879 : i1 to i32
      %sign3A_881 = arith.constant 0 : i32
      %sign3A_882 = arith.cmpi slt, %squeeze3A_873, %sign3A_881 : i32
      %sign3A_883 = arith.extui %sign3A_882 : i1 to i32
      %sign3A_884 = arith.subi %sign3A_880, %sign3A_883 : i32
      %sign3A_885 = arith.constant 0 : i32
      %sign3A_886 = arith.cmpi sgt, %jit3A_876, %sign3A_885 : i32
      %sign3A_887 = arith.extui %sign3A_886 : i1 to i32
      %sign3A_888 = arith.constant 0 : i32
      %sign3A_889 = arith.cmpi slt, %jit3A_876, %sign3A_888 : i32
      %sign3A_890 = arith.extui %sign3A_889 : i1 to i32
      %sign3A_891 = arith.subi %sign3A_887, %sign3A_890 : i32
      %ne3A_892 = arith.cmpi ne, %sign3A_884, %sign3A_891 : i32
      %rem3A_893 = arith.remsi %squeeze3A_873, %jit3A_876 : i32
      %ne3A_894 = arith.constant 0 : i32
      %ne3A_895 = arith.cmpi ne, %rem3A_893, %ne3A_894 : i32
      %and3A_896 = arith.andi %ne3A_892, %ne3A_895 : i1
      %sub3A_897 = arith.constant 1 : i32
      %sub3A_898 = arith.subi %div3A_877, %sub3A_897 : i32
      %select_n3A_899 = arith.select %and3A_896, %sub3A_898, %div3A_877 : i32
      %mul3A_900 = arith.constant 8 : i32
      %mul3A_901 = arith.muli %select_n3A_899, %mul3A_900 : i32
      %multiple_of3A_902 = tpu.assume_multiple %mul3A_901, 8 : i32
      %sub3A_903 = arith.subi %squeeze3A_873, %multiple_of3A_902 : i32
      %mul3A_904 = arith.constant 2 : i32
      %mul3A_905 = arith.muli %select_n3A_808, %mul3A_904 : i32
      %add3A_906 = arith.addi %mul3A_905, %select_n3A_848 : i32
      %mul3A_907 = arith.constant 56 : i32
      %mul3A_908 = arith.muli %select_n3A_781, %mul3A_907 : i32
      %dma_start3A_909 = arith.constant 0 : i32
      %dma_start3A_910 = tpu.memref_slice %arg4[%add3A_906, %select_n3A_864, %mul3A_908, %dma_start3A_909] : memref<64x3x448x448xf32, #tpu.memory_space<hbm>> -> memref<1x1x56x448xf32, #tpu.memory_space<hbm>>
      %dma_start3A_911 = tpu.memref_squeeze %dma_start3A_910 : memref<1x1x56x448xf32, #tpu.memory_space<hbm>> -> memref<56x448xf32, #tpu.memory_space<hbm>>
      %dma_start3A_912 = arith.constant 0 : i32
      %dma_start3A_913 = tpu.memref_slice %arg4[%add3A_906, %select_n3A_864, %mul3A_908, %dma_start3A_912] : memref<64x3x448x448xf32, #tpu.memory_space<hbm>> -> memref<1x1x56x448xf32, #tpu.memory_space<hbm>>
      %dma_start3A_914 = tpu.memref_squeeze %dma_start3A_913 : memref<1x1x56x448xf32, #tpu.memory_space<hbm>> -> memref<56x448xf32, #tpu.memory_space<hbm>>
      tpu.enqueue_dma source(%arg8 : memref<56x448xf32, #tpu.memory_space<vmem>>) target(%dma_start3A_914 : memref<56x448xf32, #tpu.memory_space<hbm>>) target_semaphore(%arg12 : memref<!tpu.dma_semaphore, #tpu.memory_space<semaphore_mem>>)
      %mul3A_915 = arith.constant 2 : i32
      %mul3A_916 = arith.muli %mul3A_915, %scan3A_390 : i32
      %add3A_917 = arith.constant 1 : i32
      %add3A_918 = arith.addi %mul3A_916, %add3A_917 : i32
      %add3A_919 = arith.constant 1 : i32
      %add3A_920 = arith.addi %add3A_918, %add3A_919 : i32
      %lt3A_921 = arith.constant 48 : i32
      %lt3A_922 = arith.cmpi slt, %add3A_920, %lt3A_921 : i32
      %convert_element_type3A_923 = arith.extui %lt3A_922 : i1 to i32
      %cond3A_924 = arith.constant 0 : i32
      %cond3A_925 = arith.cmpi ne, %convert_element_type3A_923, %cond3A_924 : i32
      scf.if %cond3A_925 {
        %add3A_1443 = arith.constant 1 : i32
        %add3A_1444 = arith.addi %add3A_918, %add3A_1443 : i32
        %jit3A_1445 = arith.constant 8 : i32
        %div3A_1446 = arith.divsi %add3A_1444, %jit3A_1445 : i32
        %sign3A_1447 = arith.constant 0 : i32
        %sign3A_1448 = arith.cmpi sgt, %add3A_1444, %sign3A_1447 : i32
        %sign3A_1449 = arith.extui %sign3A_1448 : i1 to i32
        %sign3A_1450 = arith.constant 0 : i32
        %sign3A_1451 = arith.cmpi slt, %add3A_1444, %sign3A_1450 : i32
        %sign3A_1452 = arith.extui %sign3A_1451 : i1 to i32
        %sign3A_1453 = arith.subi %sign3A_1449, %sign3A_1452 : i32
        %sign3A_1454 = arith.constant 0 : i32
        %sign3A_1455 = arith.cmpi sgt, %jit3A_1445, %sign3A_1454 : i32
        %sign3A_1456 = arith.extui %sign3A_1455 : i1 to i32
        %sign3A_1457 = arith.constant 0 : i32
        %sign3A_1458 = arith.cmpi slt, %jit3A_1445, %sign3A_1457 : i32
        %sign3A_1459 = arith.extui %sign3A_1458 : i1 to i32
        %sign3A_1460 = arith.subi %sign3A_1456, %sign3A_1459 : i32
        %ne3A_1461 = arith.cmpi ne, %sign3A_1453, %sign3A_1460 : i32
        %rem3A_1462 = arith.remsi %add3A_1444, %jit3A_1445 : i32
        %ne3A_1463 = arith.constant 0 : i32
        %ne3A_1464 = arith.cmpi ne, %rem3A_1462, %ne3A_1463 : i32
        %and3A_1465 = arith.andi %ne3A_1461, %ne3A_1464 : i1
        %sub3A_1466 = arith.constant 1 : i32
        %sub3A_1467 = arith.subi %div3A_1446, %sub3A_1466 : i32
        %select_n3A_1468 = arith.select %and3A_1465, %sub3A_1467, %div3A_1446 : i32
        %jit3A_1469 = arith.constant 8 : i32
        %eq3A_1470 = arith.constant 0 : i32
        %eq3A_1471 = arith.cmpi eq, %jit3A_1469, %eq3A_1470 : i32
        %jit3A_1472 = arith.constant 1 : i32
        %select_n3A_1473 = arith.select %eq3A_1471, %jit3A_1472, %jit3A_1469 : i32
        %rem3A_1474 = arith.remsi %add3A_1444, %select_n3A_1473 : i32
        %ne3A_1475 = arith.constant 0 : i32
        %ne3A_1476 = arith.cmpi ne, %rem3A_1474, %ne3A_1475 : i32
        %lt3A_1477 = arith.constant 0 : i32
        %lt3A_1478 = arith.cmpi slt, %rem3A_1474, %lt3A_1477 : i32
        %lt3A_1479 = arith.constant 0 : i32
        %lt3A_1480 = arith.cmpi slt, %select_n3A_1473, %lt3A_1479 : i32
        %ne3A_1481 = arith.xori %lt3A_1478, %lt3A_1480 : i1
        %and3A_1482 = arith.andi %ne3A_1481, %ne3A_1476 : i1
        %add3A_1483 = arith.addi %rem3A_1474, %select_n3A_1473 : i32
        %select_n3A_1484 = arith.select %and3A_1482, %add3A_1483, %rem3A_1474 : i32
        %mul3A_1485 = arith.constant 6 : i32
        %mul3A_1486 = arith.muli %add3A, %mul3A_1485 : i32
        %add3A_1487 = arith.addi %mul3A_1486, %select_n3A_1468 : i32
        %jit3A_1488 = arith.constant 6 : i32
        %div3A_1489 = arith.divsi %add3A_1487, %jit3A_1488 : i32
        %sign3A_1490 = arith.constant 0 : i32
        %sign3A_1491 = arith.cmpi sgt, %add3A_1487, %sign3A_1490 : i32
        %sign3A_1492 = arith.extui %sign3A_1491 : i1 to i32
        %sign3A_1493 = arith.constant 0 : i32
        %sign3A_1494 = arith.cmpi slt, %add3A_1487, %sign3A_1493 : i32
        %sign3A_1495 = arith.extui %sign3A_1494 : i1 to i32
        %sign3A_1496 = arith.subi %sign3A_1492, %sign3A_1495 : i32
        %sign3A_1497 = arith.constant 0 : i32
        %sign3A_1498 = arith.cmpi sgt, %jit3A_1488, %sign3A_1497 : i32
        %sign3A_1499 = arith.extui %sign3A_1498 : i1 to i32
        %sign3A_1500 = arith.constant 0 : i32
        %sign3A_1501 = arith.cmpi slt, %jit3A_1488, %sign3A_1500 : i32
        %sign3A_1502 = arith.extui %sign3A_1501 : i1 to i32
        %sign3A_1503 = arith.subi %sign3A_1499, %sign3A_1502 : i32
        %ne3A_1504 = arith.cmpi ne, %sign3A_1496, %sign3A_1503 : i32
        %rem3A_1505 = arith.remsi %add3A_1487, %jit3A_1488 : i32
        %ne3A_1506 = arith.constant 0 : i32
        %ne3A_1507 = arith.cmpi ne, %rem3A_1505, %ne3A_1506 : i32
        %and3A_1508 = arith.andi %ne3A_1504, %ne3A_1507 : i1
        %sub3A_1509 = arith.constant 1 : i32
        %sub3A_1510 = arith.subi %div3A_1489, %sub3A_1509 : i32
        %select_n3A_1511 = arith.select %and3A_1508, %sub3A_1510, %div3A_1489 : i32
        %jit3A_1512 = arith.constant 6 : i32
        %eq3A_1513 = arith.constant 0 : i32
        %eq3A_1514 = arith.cmpi eq, %jit3A_1512, %eq3A_1513 : i32
        %jit3A_1515 = arith.constant 1 : i32
        %select_n3A_1516 = arith.select %eq3A_1514, %jit3A_1515, %jit3A_1512 : i32
        %rem3A_1517 = arith.remsi %add3A_1487, %select_n3A_1516 : i32
        %ne3A_1518 = arith.constant 0 : i32
        %ne3A_1519 = arith.cmpi ne, %rem3A_1517, %ne3A_1518 : i32
        %lt3A_1520 = arith.constant 0 : i32
        %lt3A_1521 = arith.cmpi slt, %rem3A_1517, %lt3A_1520 : i32
        %lt3A_1522 = arith.constant 0 : i32
        %lt3A_1523 = arith.cmpi slt, %select_n3A_1516, %lt3A_1522 : i32
        %ne3A_1524 = arith.xori %lt3A_1521, %lt3A_1523 : i1
        %and3A_1525 = arith.andi %ne3A_1524, %ne3A_1519 : i1
        %add3A_1526 = arith.addi %rem3A_1517, %select_n3A_1516 : i32
        %select_n3A_1527 = arith.select %and3A_1525, %add3A_1526, %rem3A_1517 : i32
        %jit3A_1528 = arith.constant 3 : i32
        %div3A_1529 = arith.divsi %select_n3A_1527, %jit3A_1528 : i32
        %sign3A_1530 = arith.constant 0 : i32
        %sign3A_1531 = arith.cmpi sgt, %select_n3A_1527, %sign3A_1530 : i32
        %sign3A_1532 = arith.extui %sign3A_1531 : i1 to i32
        %sign3A_1533 = arith.constant 0 : i32
        %sign3A_1534 = arith.cmpi slt, %select_n3A_1527, %sign3A_1533 : i32
        %sign3A_1535 = arith.extui %sign3A_1534 : i1 to i32
        %sign3A_1536 = arith.subi %sign3A_1532, %sign3A_1535 : i32
        %sign3A_1537 = arith.constant 0 : i32
        %sign3A_1538 = arith.cmpi sgt, %jit3A_1528, %sign3A_1537 : i32
        %sign3A_1539 = arith.extui %sign3A_1538 : i1 to i32
        %sign3A_1540 = arith.constant 0 : i32
        %sign3A_1541 = arith.cmpi slt, %jit3A_1528, %sign3A_1540 : i32
        %sign3A_1542 = arith.extui %sign3A_1541 : i1 to i32
        %sign3A_1543 = arith.subi %sign3A_1539, %sign3A_1542 : i32
        %ne3A_1544 = arith.cmpi ne, %sign3A_1536, %sign3A_1543 : i32
        %rem3A_1545 = arith.remsi %select_n3A_1527, %jit3A_1528 : i32
        %ne3A_1546 = arith.constant 0 : i32
        %ne3A_1547 = arith.cmpi ne, %rem3A_1545, %ne3A_1546 : i32
        %and3A_1548 = arith.andi %ne3A_1544, %ne3A_1547 : i1
        %sub3A_1549 = arith.constant 1 : i32
        %sub3A_1550 = arith.subi %div3A_1529, %sub3A_1549 : i32
        %select_n3A_1551 = arith.select %and3A_1548, %sub3A_1550, %div3A_1529 : i32
        %jit3A_1552 = arith.constant 3 : i32
        %eq3A_1553 = arith.constant 0 : i32
        %eq3A_1554 = arith.cmpi eq, %jit3A_1552, %eq3A_1553 : i32
        %jit3A_1555 = arith.constant 1 : i32
        %select_n3A_1556 = arith.select %eq3A_1554, %jit3A_1555, %jit3A_1552 : i32
        %rem3A_1557 = arith.remsi %select_n3A_1527, %select_n3A_1556 : i32
        %ne3A_1558 = arith.constant 0 : i32
        %ne3A_1559 = arith.cmpi ne, %rem3A_1557, %ne3A_1558 : i32
        %lt3A_1560 = arith.constant 0 : i32
        %lt3A_1561 = arith.cmpi slt, %rem3A_1557, %lt3A_1560 : i32
        %lt3A_1562 = arith.constant 0 : i32
        %lt3A_1563 = arith.cmpi slt, %select_n3A_1556, %lt3A_1562 : i32
        %ne3A_1564 = arith.xori %lt3A_1561, %lt3A_1563 : i1
        %and3A_1565 = arith.andi %ne3A_1564, %ne3A_1559 : i1
        %add3A_1566 = arith.addi %rem3A_1557, %select_n3A_1556 : i32
        %select_n3A_1567 = arith.select %and3A_1565, %add3A_1566, %rem3A_1557 : i32
        %mul3A_1568 = arith.constant 2 : i32
        %mul3A_1569 = arith.muli %select_n3A_1511, %mul3A_1568 : i32
        %add3A_1570 = arith.addi %mul3A_1569, %select_n3A_1551 : i32
        %mul3A_1571 = arith.constant 2 : i32
        %mul3A_1572 = arith.muli %add3A_1570, %mul3A_1571 : i32
        %get3A_1573 = arith.index_cast %mul3A_1572 : i32 to index
        %get3A_1574 = tpu.vector_load %arg5[%get3A_1573] {strides = array<i32>} : memref<144xi32, #tpu.memory_space<vmem>>, vector<16xi32>,
        %slice3A_1575 = vector.extract_strided_slice %get3A_1574 {offsets = [0], sizes = [1], strides = [1]} : vector<16xi32> to vector<1xi32>
        %squeeze3A_1576 = vector.extract %slice3A_1575[0] : i32 from vector<1xi32>
        %slice3A_1577 = vector.extract_strided_slice %get3A_1574 {offsets = [1], sizes = [1], strides = [1]} : vector<16xi32> to vector<1xi32>
        %squeeze3A_1578 = vector.extract %slice3A_1577[0] : i32 from vector<1xi32>
        %jit3A_1579 = arith.constant 8 : i32
        %div3A_1580 = arith.divsi %squeeze3A_1576, %jit3A_1579 : i32
        %sign3A_1581 = arith.constant 0 : i32
        %sign3A_1582 = arith.cmpi sgt, %squeeze3A_1576, %sign3A_1581 : i32
        %sign3A_1583 = arith.extui %sign3A_1582 : i1 to i32
        %sign3A_1584 = arith.constant 0 : i32
        %sign3A_1585 = arith.cmpi slt, %squeeze3A_1576, %sign3A_1584 : i32
        %sign3A_1586 = arith.extui %sign3A_1585 : i1 to i32
        %sign3A_1587 = arith.subi %sign3A_1583, %sign3A_1586 : i32
        %sign3A_1588 = arith.constant 0 : i32
        %sign3A_1589 = arith.cmpi sgt, %jit3A_1579, %sign3A_1588 : i32
        %sign3A_1590 = arith.extui %sign3A_1589 : i1 to i32
        %sign3A_1591 = arith.constant 0 : i32
        %sign3A_1592 = arith.cmpi slt, %jit3A_1579, %sign3A_1591 : i32
        %sign3A_1593 = arith.extui %sign3A_1592 : i1 to i32
        %sign3A_1594 = arith.subi %sign3A_1590, %sign3A_1593 : i32
        %ne3A_1595 = arith.cmpi ne, %sign3A_1587, %sign3A_1594 : i32
        %rem3A_1596 = arith.remsi %squeeze3A_1576, %jit3A_1579 : i32
        %ne3A_1597 = arith.constant 0 : i32
        %ne3A_1598 = arith.cmpi ne, %rem3A_1596, %ne3A_1597 : i32
        %and3A_1599 = arith.andi %ne3A_1595, %ne3A_1598 : i1
        %sub3A_1600 = arith.constant 1 : i32
        %sub3A_1601 = arith.subi %div3A_1580, %sub3A_1600 : i32
        %select_n3A_1602 = arith.select %and3A_1599, %sub3A_1601, %div3A_1580 : i32
        %mul3A_1603 = arith.constant 8 : i32
        %mul3A_1604 = arith.muli %select_n3A_1602, %mul3A_1603 : i32
        %multiple_of3A_1605 = tpu.assume_multiple %mul3A_1604, 8 : i32
        %sub3A_1606 = arith.subi %squeeze3A_1576, %multiple_of3A_1605 : i32
        %mul3A_1607 = arith.constant 56 : i32
        %mul3A_1608 = arith.muli %select_n3A_1484, %mul3A_1607 : i32
        %add3A_1609 = arith.addi %multiple_of3A_1605, %mul3A_1608 : i32
        %dma_start3A_1610 = arith.constant 0 : i32
        %dma_start3A_1611 = tpu.memref_slice %arg3[%select_n3A_1511, %select_n3A_1567, %add3A_1609, %dma_start3A_1610] : memref<32x3x512x512xf32, #tpu.memory_space<hbm>> -> memref<1x1x64x512xf32, #tpu.memory_space<hbm>>
        %dma_start3A_1612 = tpu.memref_squeeze %dma_start3A_1611 : memref<1x1x64x512xf32, #tpu.memory_space<hbm>> -> memref<64x512xf32, #tpu.memory_space<hbm>>
        %dma_start3A_1613 = arith.constant 0 : i32
        %dma_start3A_1614 = tpu.memref_slice %arg3[%select_n3A_1511, %select_n3A_1567, %add3A_1609, %dma_start3A_1613] : memref<32x3x512x512xf32, #tpu.memory_space<hbm>> -> memref<1x1x64x512xf32, #tpu.memory_space<hbm>>
        %dma_start3A_1615 = tpu.memref_squeeze %dma_start3A_1614 : memref<1x1x64x512xf32, #tpu.memory_space<hbm>> -> memref<64x512xf32, #tpu.memory_space<hbm>>
        tpu.enqueue_dma source(%dma_start3A_1615 : memref<64x512xf32, #tpu.memory_space<hbm>>) target(%arg6 : memref<64x512xf32, #tpu.memory_space<vmem>>) target_semaphore(%arg10 : memref<!tpu.dma_semaphore, #tpu.memory_space<semaphore_mem>>)
      } else {
      }
      %jit3A_926 = arith.constant 8 : i32
      %div3A_927 = arith.divsi %add3A_918, %jit3A_926 : i32
      %sign3A_928 = arith.constant 0 : i32
      %sign3A_929 = arith.cmpi sgt, %add3A_918, %sign3A_928 : i32
      %sign3A_930 = arith.extui %sign3A_929 : i1 to i32
      %sign3A_931 = arith.constant 0 : i32
      %sign3A_932 = arith.cmpi slt, %add3A_918, %sign3A_931 : i32
      %sign3A_933 = arith.extui %sign3A_932 : i1 to i32
      %sign3A_934 = arith.subi %sign3A_930, %sign3A_933 : i32
      %sign3A_935 = arith.constant 0 : i32
      %sign3A_936 = arith.cmpi sgt, %jit3A_926, %sign3A_935 : i32
      %sign3A_937 = arith.extui %sign3A_936 : i1 to i32
      %sign3A_938 = arith.constant 0 : i32
      %sign3A_939 = arith.cmpi slt, %jit3A_926, %sign3A_938 : i32
      %sign3A_940 = arith.extui %sign3A_939 : i1 to i32
      %sign3A_941 = arith.subi %sign3A_937, %sign3A_940 : i32
      %ne3A_942 = arith.cmpi ne, %sign3A_934, %sign3A_941 : i32
      %rem3A_943 = arith.remsi %add3A_918, %jit3A_926 : i32
      %ne3A_944 = arith.constant 0 : i32
      %ne3A_945 = arith.cmpi ne, %rem3A_943, %ne3A_944 : i32
      %and3A_946 = arith.andi %ne3A_942, %ne3A_945 : i1
      %sub3A_947 = arith.constant 1 : i32
      %sub3A_948 = arith.subi %div3A_927, %sub3A_947 : i32
      %select_n3A_949 = arith.select %and3A_946, %sub3A_948, %div3A_927 : i32
      %jit3A_950 = arith.constant 8 : i32
      %eq3A_951 = arith.constant 0 : i32
      %eq3A_952 = arith.cmpi eq, %jit3A_950, %eq3A_951 : i32
      %jit3A_953 = arith.constant 1 : i32
      %select_n3A_954 = arith.select %eq3A_952, %jit3A_953, %jit3A_950 : i32
      %rem3A_955 = arith.remsi %add3A_918, %select_n3A_954 : i32
      %ne3A_956 = arith.constant 0 : i32
      %ne3A_957 = arith.cmpi ne, %rem3A_955, %ne3A_956 : i32
      %lt3A_958 = arith.constant 0 : i32
      %lt3A_959 = arith.cmpi slt, %rem3A_955, %lt3A_958 : i32
      %lt3A_960 = arith.constant 0 : i32
      %lt3A_961 = arith.cmpi slt, %select_n3A_954, %lt3A_960 : i32
      %ne3A_962 = arith.xori %lt3A_959, %lt3A_961 : i1
      %and3A_963 = arith.andi %ne3A_962, %ne3A_957 : i1
      %add3A_964 = arith.addi %rem3A_955, %select_n3A_954 : i32
      %select_n3A_965 = arith.select %and3A_963, %add3A_964, %rem3A_955 : i32
      %mul3A_966 = arith.constant 6 : i32
      %mul3A_967 = arith.muli %add3A, %mul3A_966 : i32
      %add3A_968 = arith.addi %mul3A_967, %select_n3A_949 : i32
      %jit3A_969 = arith.constant 6 : i32
      %div3A_970 = arith.divsi %add3A_968, %jit3A_969 : i32
      %sign3A_971 = arith.constant 0 : i32
      %sign3A_972 = arith.cmpi sgt, %add3A_968, %sign3A_971 : i32
      %sign3A_973 = arith.extui %sign3A_972 : i1 to i32
      %sign3A_974 = arith.constant 0 : i32
      %sign3A_975 = arith.cmpi slt, %add3A_968, %sign3A_974 : i32
      %sign3A_976 = arith.extui %sign3A_975 : i1 to i32
      %sign3A_977 = arith.subi %sign3A_973, %sign3A_976 : i32
      %sign3A_978 = arith.constant 0 : i32
      %sign3A_979 = arith.cmpi sgt, %jit3A_969, %sign3A_978 : i32
      %sign3A_980 = arith.extui %sign3A_979 : i1 to i32
      %sign3A_981 = arith.constant 0 : i32
      %sign3A_982 = arith.cmpi slt, %jit3A_969, %sign3A_981 : i32
      %sign3A_983 = arith.extui %sign3A_982 : i1 to i32
      %sign3A_984 = arith.subi %sign3A_980, %sign3A_983 : i32
      %ne3A_985 = arith.cmpi ne, %sign3A_977, %sign3A_984 : i32
      %rem3A_986 = arith.remsi %add3A_968, %jit3A_969 : i32
      %ne3A_987 = arith.constant 0 : i32
      %ne3A_988 = arith.cmpi ne, %rem3A_986, %ne3A_987 : i32
      %and3A_989 = arith.andi %ne3A_985, %ne3A_988 : i1
      %sub3A_990 = arith.constant 1 : i32
      %sub3A_991 = arith.subi %div3A_970, %sub3A_990 : i32
      %select_n3A_992 = arith.select %and3A_989, %sub3A_991, %div3A_970 : i32
      %jit3A_993 = arith.constant 6 : i32
      %eq3A_994 = arith.constant 0 : i32
      %eq3A_995 = arith.cmpi eq, %jit3A_993, %eq3A_994 : i32
      %jit3A_996 = arith.constant 1 : i32
      %select_n3A_997 = arith.select %eq3A_995, %jit3A_996, %jit3A_993 : i32
      %rem3A_998 = arith.remsi %add3A_968, %select_n3A_997 : i32
      %ne3A_999 = arith.constant 0 : i32
      %ne3A_1000 = arith.cmpi ne, %rem3A_998, %ne3A_999 : i32
      %lt3A_1001 = arith.constant 0 : i32
      %lt3A_1002 = arith.cmpi slt, %rem3A_998, %lt3A_1001 : i32
      %lt3A_1003 = arith.constant 0 : i32
      %lt3A_1004 = arith.cmpi slt, %select_n3A_997, %lt3A_1003 : i32
      %ne3A_1005 = arith.xori %lt3A_1002, %lt3A_1004 : i1
      %and3A_1006 = arith.andi %ne3A_1005, %ne3A_1000 : i1
      %add3A_1007 = arith.addi %rem3A_998, %select_n3A_997 : i32
      %select_n3A_1008 = arith.select %and3A_1006, %add3A_1007, %rem3A_998 : i32
      %jit3A_1009 = arith.constant 3 : i32
      %div3A_1010 = arith.divsi %select_n3A_1008, %jit3A_1009 : i32
      %sign3A_1011 = arith.constant 0 : i32
      %sign3A_1012 = arith.cmpi sgt, %select_n3A_1008, %sign3A_1011 : i32
      %sign3A_1013 = arith.extui %sign3A_1012 : i1 to i32
      %sign3A_1014 = arith.constant 0 : i32
      %sign3A_1015 = arith.cmpi slt, %select_n3A_1008, %sign3A_1014 : i32
      %sign3A_1016 = arith.extui %sign3A_1015 : i1 to i32
      %sign3A_1017 = arith.subi %sign3A_1013, %sign3A_1016 : i32
      %sign3A_1018 = arith.constant 0 : i32
      %sign3A_1019 = arith.cmpi sgt, %jit3A_1009, %sign3A_1018 : i32
      %sign3A_1020 = arith.extui %sign3A_1019 : i1 to i32
      %sign3A_1021 = arith.constant 0 : i32
      %sign3A_1022 = arith.cmpi slt, %jit3A_1009, %sign3A_1021 : i32
      %sign3A_1023 = arith.extui %sign3A_1022 : i1 to i32
      %sign3A_1024 = arith.subi %sign3A_1020, %sign3A_1023 : i32
      %ne3A_1025 = arith.cmpi ne, %sign3A_1017, %sign3A_1024 : i32
      %rem3A_1026 = arith.remsi %select_n3A_1008, %jit3A_1009 : i32
      %ne3A_1027 = arith.constant 0 : i32
      %ne3A_1028 = arith.cmpi ne, %rem3A_1026, %ne3A_1027 : i32
      %and3A_1029 = arith.andi %ne3A_1025, %ne3A_1028 : i1
      %sub3A_1030 = arith.constant 1 : i32
      %sub3A_1031 = arith.subi %div3A_1010, %sub3A_1030 : i32
      %select_n3A_1032 = arith.select %and3A_1029, %sub3A_1031, %div3A_1010 : i32
      %jit3A_1033 = arith.constant 3 : i32
      %eq3A_1034 = arith.constant 0 : i32
      %eq3A_1035 = arith.cmpi eq, %jit3A_1033, %eq3A_1034 : i32
      %jit3A_1036 = arith.constant 1 : i32
      %select_n3A_1037 = arith.select %eq3A_1035, %jit3A_1036, %jit3A_1033 : i32
      %rem3A_1038 = arith.remsi %select_n3A_1008, %select_n3A_1037 : i32
      %ne3A_1039 = arith.constant 0 : i32
      %ne3A_1040 = arith.cmpi ne, %rem3A_1038, %ne3A_1039 : i32
      %lt3A_1041 = arith.constant 0 : i32
      %lt3A_1042 = arith.cmpi slt, %rem3A_1038, %lt3A_1041 : i32
      %lt3A_1043 = arith.constant 0 : i32
      %lt3A_1044 = arith.cmpi slt, %select_n3A_1037, %lt3A_1043 : i32
      %ne3A_1045 = arith.xori %lt3A_1042, %lt3A_1044 : i1
      %and3A_1046 = arith.andi %ne3A_1045, %ne3A_1040 : i1
      %add3A_1047 = arith.addi %rem3A_1038, %select_n3A_1037 : i32
      %select_n3A_1048 = arith.select %and3A_1046, %add3A_1047, %rem3A_1038 : i32
      %mul3A_1049 = arith.constant 2 : i32
      %mul3A_1050 = arith.muli %select_n3A_992, %mul3A_1049 : i32
      %add3A_1051 = arith.addi %mul3A_1050, %select_n3A_1032 : i32
      %mul3A_1052 = arith.constant 2 : i32
      %mul3A_1053 = arith.muli %add3A_1051, %mul3A_1052 : i32
      %get3A_1054 = arith.index_cast %mul3A_1053 : i32 to index
      %get3A_1055 = tpu.vector_load %arg5[%get3A_1054] {strides = array<i32>} : memref<144xi32, #tpu.memory_space<vmem>>, vector<16xi32>,
      %slice3A_1056 = vector.extract_strided_slice %get3A_1055 {offsets = [0], sizes = [1], strides = [1]} : vector<16xi32> to vector<1xi32>
      %squeeze3A_1057 = vector.extract %slice3A_1056[0] : i32 from vector<1xi32>
      %slice3A_1058 = vector.extract_strided_slice %get3A_1055 {offsets = [1], sizes = [1], strides = [1]} : vector<16xi32> to vector<1xi32>
      %squeeze3A_1059 = vector.extract %slice3A_1058[0] : i32 from vector<1xi32>
      %jit3A_1060 = arith.constant 8 : i32
      %div3A_1061 = arith.divsi %squeeze3A_1057, %jit3A_1060 : i32
      %sign3A_1062 = arith.constant 0 : i32
      %sign3A_1063 = arith.cmpi sgt, %squeeze3A_1057, %sign3A_1062 : i32
      %sign3A_1064 = arith.extui %sign3A_1063 : i1 to i32
      %sign3A_1065 = arith.constant 0 : i32
      %sign3A_1066 = arith.cmpi slt, %squeeze3A_1057, %sign3A_1065 : i32
      %sign3A_1067 = arith.extui %sign3A_1066 : i1 to i32
      %sign3A_1068 = arith.subi %sign3A_1064, %sign3A_1067 : i32
      %sign3A_1069 = arith.constant 0 : i32
      %sign3A_1070 = arith.cmpi sgt, %jit3A_1060, %sign3A_1069 : i32
      %sign3A_1071 = arith.extui %sign3A_1070 : i1 to i32
      %sign3A_1072 = arith.constant 0 : i32
      %sign3A_1073 = arith.cmpi slt, %jit3A_1060, %sign3A_1072 : i32
      %sign3A_1074 = arith.extui %sign3A_1073 : i1 to i32
      %sign3A_1075 = arith.subi %sign3A_1071, %sign3A_1074 : i32
      %ne3A_1076 = arith.cmpi ne, %sign3A_1068, %sign3A_1075 : i32
      %rem3A_1077 = arith.remsi %squeeze3A_1057, %jit3A_1060 : i32
      %ne3A_1078 = arith.constant 0 : i32
      %ne3A_1079 = arith.cmpi ne, %rem3A_1077, %ne3A_1078 : i32
      %and3A_1080 = arith.andi %ne3A_1076, %ne3A_1079 : i1
      %sub3A_1081 = arith.constant 1 : i32
      %sub3A_1082 = arith.subi %div3A_1061, %sub3A_1081 : i32
      %select_n3A_1083 = arith.select %and3A_1080, %sub3A_1082, %div3A_1061 : i32
      %mul3A_1084 = arith.constant 8 : i32
      %mul3A_1085 = arith.muli %select_n3A_1083, %mul3A_1084 : i32
      %multiple_of3A_1086 = tpu.assume_multiple %mul3A_1085, 8 : i32
      %sub3A_1087 = arith.subi %squeeze3A_1057, %multiple_of3A_1086 : i32
      %mul3A_1088 = arith.constant 56 : i32
      %mul3A_1089 = arith.muli %select_n3A_965, %mul3A_1088 : i32
      %add3A_1090 = arith.addi %multiple_of3A_1086, %mul3A_1089 : i32
      %dma_wait3A_1091 = arith.constant 0 : i32
      %dma_wait3A_1092 = tpu.memref_slice %arg3[%select_n3A_992, %select_n3A_1048, %add3A_1090, %dma_wait3A_1091] : memref<32x3x512x512xf32, #tpu.memory_space<hbm>> -> memref<1x1x64x512xf32, #tpu.memory_space<hbm>>
      %dma_wait3A_1093 = tpu.memref_squeeze %dma_wait3A_1092 : memref<1x1x64x512xf32, #tpu.memory_space<hbm>> -> memref<64x512xf32, #tpu.memory_space<hbm>>
      %dma_wait3A_1094 = arith.constant 0 : i32
      %dma_wait3A_1095 = tpu.memref_slice %arg3[%select_n3A_992, %select_n3A_1048, %add3A_1090, %dma_wait3A_1094] : memref<32x3x512x512xf32, #tpu.memory_space<hbm>> -> memref<1x1x64x512xf32, #tpu.memory_space<hbm>>
      %dma_wait3A_1096 = tpu.memref_squeeze %dma_wait3A_1095 : memref<1x1x64x512xf32, #tpu.memory_space<hbm>> -> memref<64x512xf32, #tpu.memory_space<hbm>>
      tpu.wait_dma2 semaphore(%arg11 : memref<!tpu.dma_semaphore, #tpu.memory_space<semaphore_mem>>) src(%dma_wait3A_1096 : memref<64x512xf32, #tpu.memory_space<hbm>>) dst(%arg7 : memref<64x512xf32, #tpu.memory_space<vmem>>)
      %ge3A_1097 = arith.constant 2 : i32
      %ge3A_1098 = arith.cmpi sge, %add3A_918, %ge3A_1097 : i32
      %convert_element_type3A_1099 = arith.extui %ge3A_1098 : i1 to i32
      %cond3A_1100 = arith.constant 0 : i32
      %cond3A_1101 = arith.cmpi ne, %convert_element_type3A_1099, %cond3A_1100 : i32
      scf.if %cond3A_1101 {
        %sub3A_1443 = arith.constant 2 : i32
        %sub3A_1444 = arith.subi %add3A_918, %sub3A_1443 : i32
        %jit3A_1445 = arith.constant 8 : i32
        %div3A_1446 = arith.divsi %sub3A_1444, %jit3A_1445 : i32
        %sign3A_1447 = arith.constant 0 : i32
        %sign3A_1448 = arith.cmpi sgt, %sub3A_1444, %sign3A_1447 : i32
        %sign3A_1449 = arith.extui %sign3A_1448 : i1 to i32
        %sign3A_1450 = arith.constant 0 : i32
        %sign3A_1451 = arith.cmpi slt, %sub3A_1444, %sign3A_1450 : i32
        %sign3A_1452 = arith.extui %sign3A_1451 : i1 to i32
        %sign3A_1453 = arith.subi %sign3A_1449, %sign3A_1452 : i32
        %sign3A_1454 = arith.constant 0 : i32
        %sign3A_1455 = arith.cmpi sgt, %jit3A_1445, %sign3A_1454 : i32
        %sign3A_1456 = arith.extui %sign3A_1455 : i1 to i32
        %sign3A_1457 = arith.constant 0 : i32
        %sign3A_1458 = arith.cmpi slt, %jit3A_1445, %sign3A_1457 : i32
        %sign3A_1459 = arith.extui %sign3A_1458 : i1 to i32
        %sign3A_1460 = arith.subi %sign3A_1456, %sign3A_1459 : i32
        %ne3A_1461 = arith.cmpi ne, %sign3A_1453, %sign3A_1460 : i32
        %rem3A_1462 = arith.remsi %sub3A_1444, %jit3A_1445 : i32
        %ne3A_1463 = arith.constant 0 : i32
        %ne3A_1464 = arith.cmpi ne, %rem3A_1462, %ne3A_1463 : i32
        %and3A_1465 = arith.andi %ne3A_1461, %ne3A_1464 : i1
        %sub3A_1466 = arith.constant 1 : i32
        %sub3A_1467 = arith.subi %div3A_1446, %sub3A_1466 : i32
        %select_n3A_1468 = arith.select %and3A_1465, %sub3A_1467, %div3A_1446 : i32
        %jit3A_1469 = arith.constant 8 : i32
        %eq3A_1470 = arith.constant 0 : i32
        %eq3A_1471 = arith.cmpi eq, %jit3A_1469, %eq3A_1470 : i32
        %jit3A_1472 = arith.constant 1 : i32
        %select_n3A_1473 = arith.select %eq3A_1471, %jit3A_1472, %jit3A_1469 : i32
        %rem3A_1474 = arith.remsi %sub3A_1444, %select_n3A_1473 : i32
        %ne3A_1475 = arith.constant 0 : i32
        %ne3A_1476 = arith.cmpi ne, %rem3A_1474, %ne3A_1475 : i32
        %lt3A_1477 = arith.constant 0 : i32
        %lt3A_1478 = arith.cmpi slt, %rem3A_1474, %lt3A_1477 : i32
        %lt3A_1479 = arith.constant 0 : i32
        %lt3A_1480 = arith.cmpi slt, %select_n3A_1473, %lt3A_1479 : i32
        %ne3A_1481 = arith.xori %lt3A_1478, %lt3A_1480 : i1
        %and3A_1482 = arith.andi %ne3A_1481, %ne3A_1476 : i1
        %add3A_1483 = arith.addi %rem3A_1474, %select_n3A_1473 : i32
        %select_n3A_1484 = arith.select %and3A_1482, %add3A_1483, %rem3A_1474 : i32
        %mul3A_1485 = arith.constant 6 : i32
        %mul3A_1486 = arith.muli %add3A, %mul3A_1485 : i32
        %add3A_1487 = arith.addi %mul3A_1486, %select_n3A_1468 : i32
        %jit3A_1488 = arith.constant 6 : i32
        %div3A_1489 = arith.divsi %add3A_1487, %jit3A_1488 : i32
        %sign3A_1490 = arith.constant 0 : i32
        %sign3A_1491 = arith.cmpi sgt, %add3A_1487, %sign3A_1490 : i32
        %sign3A_1492 = arith.extui %sign3A_1491 : i1 to i32
        %sign3A_1493 = arith.constant 0 : i32
        %sign3A_1494 = arith.cmpi slt, %add3A_1487, %sign3A_1493 : i32
        %sign3A_1495 = arith.extui %sign3A_1494 : i1 to i32
        %sign3A_1496 = arith.subi %sign3A_1492, %sign3A_1495 : i32
        %sign3A_1497 = arith.constant 0 : i32
        %sign3A_1498 = arith.cmpi sgt, %jit3A_1488, %sign3A_1497 : i32
        %sign3A_1499 = arith.extui %sign3A_1498 : i1 to i32
        %sign3A_1500 = arith.constant 0 : i32
        %sign3A_1501 = arith.cmpi slt, %jit3A_1488, %sign3A_1500 : i32
        %sign3A_1502 = arith.extui %sign3A_1501 : i1 to i32
        %sign3A_1503 = arith.subi %sign3A_1499, %sign3A_1502 : i32
        %ne3A_1504 = arith.cmpi ne, %sign3A_1496, %sign3A_1503 : i32
        %rem3A_1505 = arith.remsi %add3A_1487, %jit3A_1488 : i32
        %ne3A_1506 = arith.constant 0 : i32
        %ne3A_1507 = arith.cmpi ne, %rem3A_1505, %ne3A_1506 : i32
        %and3A_1508 = arith.andi %ne3A_1504, %ne3A_1507 : i1
        %sub3A_1509 = arith.constant 1 : i32
        %sub3A_1510 = arith.subi %div3A_1489, %sub3A_1509 : i32
        %select_n3A_1511 = arith.select %and3A_1508, %sub3A_1510, %div3A_1489 : i32
        %jit3A_1512 = arith.constant 6 : i32
        %eq3A_1513 = arith.constant 0 : i32
        %eq3A_1514 = arith.cmpi eq, %jit3A_1512, %eq3A_1513 : i32
        %jit3A_1515 = arith.constant 1 : i32
        %select_n3A_1516 = arith.select %eq3A_1514, %jit3A_1515, %jit3A_1512 : i32
        %rem3A_1517 = arith.remsi %add3A_1487, %select_n3A_1516 : i32
        %ne3A_1518 = arith.constant 0 : i32
        %ne3A_1519 = arith.cmpi ne, %rem3A_1517, %ne3A_1518 : i32
        %lt3A_1520 = arith.constant 0 : i32
        %lt3A_1521 = arith.cmpi slt, %rem3A_1517, %lt3A_1520 : i32
        %lt3A_1522 = arith.constant 0 : i32
        %lt3A_1523 = arith.cmpi slt, %select_n3A_1516, %lt3A_1522 : i32
        %ne3A_1524 = arith.xori %lt3A_1521, %lt3A_1523 : i1
        %and3A_1525 = arith.andi %ne3A_1524, %ne3A_1519 : i1
        %add3A_1526 = arith.addi %rem3A_1517, %select_n3A_1516 : i32
        %select_n3A_1527 = arith.select %and3A_1525, %add3A_1526, %rem3A_1517 : i32
        %jit3A_1528 = arith.constant 3 : i32
        %div3A_1529 = arith.divsi %select_n3A_1527, %jit3A_1528 : i32
        %sign3A_1530 = arith.constant 0 : i32
        %sign3A_1531 = arith.cmpi sgt, %select_n3A_1527, %sign3A_1530 : i32
        %sign3A_1532 = arith.extui %sign3A_1531 : i1 to i32
        %sign3A_1533 = arith.constant 0 : i32
        %sign3A_1534 = arith.cmpi slt, %select_n3A_1527, %sign3A_1533 : i32
        %sign3A_1535 = arith.extui %sign3A_1534 : i1 to i32
        %sign3A_1536 = arith.subi %sign3A_1532, %sign3A_1535 : i32
        %sign3A_1537 = arith.constant 0 : i32
        %sign3A_1538 = arith.cmpi sgt, %jit3A_1528, %sign3A_1537 : i32
        %sign3A_1539 = arith.extui %sign3A_1538 : i1 to i32
        %sign3A_1540 = arith.constant 0 : i32
        %sign3A_1541 = arith.cmpi slt, %jit3A_1528, %sign3A_1540 : i32
        %sign3A_1542 = arith.extui %sign3A_1541 : i1 to i32
        %sign3A_1543 = arith.subi %sign3A_1539, %sign3A_1542 : i32
        %ne3A_1544 = arith.cmpi ne, %sign3A_1536, %sign3A_1543 : i32
        %rem3A_1545 = arith.remsi %select_n3A_1527, %jit3A_1528 : i32
        %ne3A_1546 = arith.constant 0 : i32
        %ne3A_1547 = arith.cmpi ne, %rem3A_1545, %ne3A_1546 : i32
        %and3A_1548 = arith.andi %ne3A_1544, %ne3A_1547 : i1
        %sub3A_1549 = arith.constant 1 : i32
        %sub3A_1550 = arith.subi %div3A_1529, %sub3A_1549 : i32
        %select_n3A_1551 = arith.select %and3A_1548, %sub3A_1550, %div3A_1529 : i32
        %jit3A_1552 = arith.constant 3 : i32
        %eq3A_1553 = arith.constant 0 : i32
        %eq3A_1554 = arith.cmpi eq, %jit3A_1552, %eq3A_1553 : i32
        %jit3A_1555 = arith.constant 1 : i32
        %select_n3A_1556 = arith.select %eq3A_1554, %jit3A_1555, %jit3A_1552 : i32
        %rem3A_1557 = arith.remsi %select_n3A_1527, %select_n3A_1556 : i32
        %ne3A_1558 = arith.constant 0 : i32
        %ne3A_1559 = arith.cmpi ne, %rem3A_1557, %ne3A_1558 : i32
        %lt3A_1560 = arith.constant 0 : i32
        %lt3A_1561 = arith.cmpi slt, %rem3A_1557, %lt3A_1560 : i32
        %lt3A_1562 = arith.constant 0 : i32
        %lt3A_1563 = arith.cmpi slt, %select_n3A_1556, %lt3A_1562 : i32
        %ne3A_1564 = arith.xori %lt3A_1561, %lt3A_1563 : i1
        %and3A_1565 = arith.andi %ne3A_1564, %ne3A_1559 : i1
        %add3A_1566 = arith.addi %rem3A_1557, %select_n3A_1556 : i32
        %select_n3A_1567 = arith.select %and3A_1565, %add3A_1566, %rem3A_1557 : i32
        %mul3A_1568 = arith.constant 2 : i32
        %mul3A_1569 = arith.muli %select_n3A_1511, %mul3A_1568 : i32
        %add3A_1570 = arith.addi %mul3A_1569, %select_n3A_1551 : i32
        %mul3A_1571 = arith.constant 2 : i32
        %mul3A_1572 = arith.muli %add3A_1570, %mul3A_1571 : i32
        %get3A_1573 = arith.index_cast %mul3A_1572 : i32 to index
        %get3A_1574 = tpu.vector_load %arg5[%get3A_1573] {strides = array<i32>} : memref<144xi32, #tpu.memory_space<vmem>>, vector<16xi32>,
        %slice3A_1575 = vector.extract_strided_slice %get3A_1574 {offsets = [0], sizes = [1], strides = [1]} : vector<16xi32> to vector<1xi32>
        %squeeze3A_1576 = vector.extract %slice3A_1575[0] : i32 from vector<1xi32>
        %slice3A_1577 = vector.extract_strided_slice %get3A_1574 {offsets = [1], sizes = [1], strides = [1]} : vector<16xi32> to vector<1xi32>
        %squeeze3A_1578 = vector.extract %slice3A_1577[0] : i32 from vector<1xi32>
        %jit3A_1579 = arith.constant 8 : i32
        %div3A_1580 = arith.divsi %squeeze3A_1576, %jit3A_1579 : i32
        %sign3A_1581 = arith.constant 0 : i32
        %sign3A_1582 = arith.cmpi sgt, %squeeze3A_1576, %sign3A_1581 : i32
        %sign3A_1583 = arith.extui %sign3A_1582 : i1 to i32
        %sign3A_1584 = arith.constant 0 : i32
        %sign3A_1585 = arith.cmpi slt, %squeeze3A_1576, %sign3A_1584 : i32
        %sign3A_1586 = arith.extui %sign3A_1585 : i1 to i32
        %sign3A_1587 = arith.subi %sign3A_1583, %sign3A_1586 : i32
        %sign3A_1588 = arith.constant 0 : i32
        %sign3A_1589 = arith.cmpi sgt, %jit3A_1579, %sign3A_1588 : i32
        %sign3A_1590 = arith.extui %sign3A_1589 : i1 to i32
        %sign3A_1591 = arith.constant 0 : i32
        %sign3A_1592 = arith.cmpi slt, %jit3A_1579, %sign3A_1591 : i32
        %sign3A_1593 = arith.extui %sign3A_1592 : i1 to i32
        %sign3A_1594 = arith.subi %sign3A_1590, %sign3A_1593 : i32
        %ne3A_1595 = arith.cmpi ne, %sign3A_1587, %sign3A_1594 : i32
        %rem3A_1596 = arith.remsi %squeeze3A_1576, %jit3A_1579 : i32
        %ne3A_1597 = arith.constant 0 : i32
        %ne3A_1598 = arith.cmpi ne, %rem3A_1596, %ne3A_1597 : i32
        %and3A_1599 = arith.andi %ne3A_1595, %ne3A_1598 : i1
        %sub3A_1600 = arith.constant 1 : i32
        %sub3A_1601 = arith.subi %div3A_1580, %sub3A_1600 : i32
        %select_n3A_1602 = arith.select %and3A_1599, %sub3A_1601, %div3A_1580 : i32
        %mul3A_1603 = arith.constant 8 : i32
        %mul3A_1604 = arith.muli %select_n3A_1602, %mul3A_1603 : i32
        %multiple_of3A_1605 = tpu.assume_multiple %mul3A_1604, 8 : i32
        %sub3A_1606 = arith.subi %squeeze3A_1576, %multiple_of3A_1605 : i32
        %mul3A_1607 = arith.constant 2 : i32
        %mul3A_1608 = arith.muli %select_n3A_1511, %mul3A_1607 : i32
        %add3A_1609 = arith.addi %mul3A_1608, %select_n3A_1551 : i32
        %mul3A_1610 = arith.constant 56 : i32
        %mul3A_1611 = arith.muli %select_n3A_1484, %mul3A_1610 : i32
        %dma_wait3A_1612 = arith.constant 0 : i32
        %dma_wait3A_1613 = tpu.memref_slice %arg4[%add3A_1609, %select_n3A_1567, %mul3A_1611, %dma_wait3A_1612] : memref<64x3x448x448xf32, #tpu.memory_space<hbm>> -> memref<1x1x56x448xf32, #tpu.memory_space<hbm>>
        %dma_wait3A_1614 = tpu.memref_squeeze %dma_wait3A_1613 : memref<1x1x56x448xf32, #tpu.memory_space<hbm>> -> memref<56x448xf32, #tpu.memory_space<hbm>>
        %dma_wait3A_1615 = arith.constant 0 : i32
        %dma_wait3A_1616 = tpu.memref_slice %arg4[%add3A_1609, %select_n3A_1567, %mul3A_1611, %dma_wait3A_1615] : memref<64x3x448x448xf32, #tpu.memory_space<hbm>> -> memref<1x1x56x448xf32, #tpu.memory_space<hbm>>
        %dma_wait3A_1617 = tpu.memref_squeeze %dma_wait3A_1616 : memref<1x1x56x448xf32, #tpu.memory_space<hbm>> -> memref<56x448xf32, #tpu.memory_space<hbm>>
        tpu.wait_dma2 semaphore(%arg13 : memref<!tpu.dma_semaphore, #tpu.memory_space<semaphore_mem>>) src(%arg9 : memref<56x448xf32, #tpu.memory_space<vmem>>) dst(%dma_wait3A_1617 : memref<56x448xf32, #tpu.memory_space<hbm>>)
      } else {
      }
      %jit3A_1102 = arith.constant 8 : i32
      %div3A_1103 = arith.divsi %add3A_918, %jit3A_1102 : i32
      %sign3A_1104 = arith.constant 0 : i32
      %sign3A_1105 = arith.cmpi sgt, %add3A_918, %sign3A_1104 : i32
      %sign3A_1106 = arith.extui %sign3A_1105 : i1 to i32
      %sign3A_1107 = arith.constant 0 : i32
      %sign3A_1108 = arith.cmpi slt, %add3A_918, %sign3A_1107 : i32
      %sign3A_1109 = arith.extui %sign3A_1108 : i1 to i32
      %sign3A_1110 = arith.subi %sign3A_1106, %sign3A_1109 : i32
      %sign3A_1111 = arith.constant 0 : i32
      %sign3A_1112 = arith.cmpi sgt, %jit3A_1102, %sign3A_1111 : i32
      %sign3A_1113 = arith.extui %sign3A_1112 : i1 to i32
      %sign3A_1114 = arith.constant 0 : i32
      %sign3A_1115 = arith.cmpi slt, %jit3A_1102, %sign3A_1114 : i32
      %sign3A_1116 = arith.extui %sign3A_1115 : i1 to i32
      %sign3A_1117 = arith.subi %sign3A_1113, %sign3A_1116 : i32
      %ne3A_1118 = arith.cmpi ne, %sign3A_1110, %sign3A_1117 : i32
      %rem3A_1119 = arith.remsi %add3A_918, %jit3A_1102 : i32
      %ne3A_1120 = arith.constant 0 : i32
      %ne3A_1121 = arith.cmpi ne, %rem3A_1119, %ne3A_1120 : i32
      %and3A_1122 = arith.andi %ne3A_1118, %ne3A_1121 : i1
      %sub3A_1123 = arith.constant 1 : i32
      %sub3A_1124 = arith.subi %div3A_1103, %sub3A_1123 : i32
      %select_n3A_1125 = arith.select %and3A_1122, %sub3A_1124, %div3A_1103 : i32
      %jit3A_1126 = arith.constant 8 : i32
      %eq3A_1127 = arith.constant 0 : i32
      %eq3A_1128 = arith.cmpi eq, %jit3A_1126, %eq3A_1127 : i32
      %jit3A_1129 = arith.constant 1 : i32
      %select_n3A_1130 = arith.select %eq3A_1128, %jit3A_1129, %jit3A_1126 : i32
      %rem3A_1131 = arith.remsi %add3A_918, %select_n3A_1130 : i32
      %ne3A_1132 = arith.constant 0 : i32
      %ne3A_1133 = arith.cmpi ne, %rem3A_1131, %ne3A_1132 : i32
      %lt3A_1134 = arith.constant 0 : i32
      %lt3A_1135 = arith.cmpi slt, %rem3A_1131, %lt3A_1134 : i32
      %lt3A_1136 = arith.constant 0 : i32
      %lt3A_1137 = arith.cmpi slt, %select_n3A_1130, %lt3A_1136 : i32
      %ne3A_1138 = arith.xori %lt3A_1135, %lt3A_1137 : i1
      %and3A_1139 = arith.andi %ne3A_1138, %ne3A_1133 : i1
      %add3A_1140 = arith.addi %rem3A_1131, %select_n3A_1130 : i32
      %select_n3A_1141 = arith.select %and3A_1139, %add3A_1140, %rem3A_1131 : i32
      %mul3A_1142 = arith.constant 6 : i32
      %mul3A_1143 = arith.muli %add3A, %mul3A_1142 : i32
      %add3A_1144 = arith.addi %mul3A_1143, %select_n3A_1125 : i32
      %jit3A_1145 = arith.constant 6 : i32
      %div3A_1146 = arith.divsi %add3A_1144, %jit3A_1145 : i32
      %sign3A_1147 = arith.constant 0 : i32
      %sign3A_1148 = arith.cmpi sgt, %add3A_1144, %sign3A_1147 : i32
      %sign3A_1149 = arith.extui %sign3A_1148 : i1 to i32
      %sign3A_1150 = arith.constant 0 : i32
      %sign3A_1151 = arith.cmpi slt, %add3A_1144, %sign3A_1150 : i32
      %sign3A_1152 = arith.extui %sign3A_1151 : i1 to i32
      %sign3A_1153 = arith.subi %sign3A_1149, %sign3A_1152 : i32
      %sign3A_1154 = arith.constant 0 : i32
      %sign3A_1155 = arith.cmpi sgt, %jit3A_1145, %sign3A_1154 : i32
      %sign3A_1156 = arith.extui %sign3A_1155 : i1 to i32
      %sign3A_1157 = arith.constant 0 : i32
      %sign3A_1158 = arith.cmpi slt, %jit3A_1145, %sign3A_1157 : i32
      %sign3A_1159 = arith.extui %sign3A_1158 : i1 to i32
      %sign3A_1160 = arith.subi %sign3A_1156, %sign3A_1159 : i32
      %ne3A_1161 = arith.cmpi ne, %sign3A_1153, %sign3A_1160 : i32
      %rem3A_1162 = arith.remsi %add3A_1144, %jit3A_1145 : i32
      %ne3A_1163 = arith.constant 0 : i32
      %ne3A_1164 = arith.cmpi ne, %rem3A_1162, %ne3A_1163 : i32
      %and3A_1165 = arith.andi %ne3A_1161, %ne3A_1164 : i1
      %sub3A_1166 = arith.constant 1 : i32
      %sub3A_1167 = arith.subi %div3A_1146, %sub3A_1166 : i32
      %select_n3A_1168 = arith.select %and3A_1165, %sub3A_1167, %div3A_1146 : i32
      %jit3A_1169 = arith.constant 6 : i32
      %eq3A_1170 = arith.constant 0 : i32
      %eq3A_1171 = arith.cmpi eq, %jit3A_1169, %eq3A_1170 : i32
      %jit3A_1172 = arith.constant 1 : i32
      %select_n3A_1173 = arith.select %eq3A_1171, %jit3A_1172, %jit3A_1169 : i32
      %rem3A_1174 = arith.remsi %add3A_1144, %select_n3A_1173 : i32
      %ne3A_1175 = arith.constant 0 : i32
      %ne3A_1176 = arith.cmpi ne, %rem3A_1174, %ne3A_1175 : i32
      %lt3A_1177 = arith.constant 0 : i32
      %lt3A_1178 = arith.cmpi slt, %rem3A_1174, %lt3A_1177 : i32
      %lt3A_1179 = arith.constant 0 : i32
      %lt3A_1180 = arith.cmpi slt, %select_n3A_1173, %lt3A_1179 : i32
      %ne3A_1181 = arith.xori %lt3A_1178, %lt3A_1180 : i1
      %and3A_1182 = arith.andi %ne3A_1181, %ne3A_1176 : i1
      %add3A_1183 = arith.addi %rem3A_1174, %select_n3A_1173 : i32
      %select_n3A_1184 = arith.select %and3A_1182, %add3A_1183, %rem3A_1174 : i32
      %jit3A_1185 = arith.constant 3 : i32
      %div3A_1186 = arith.divsi %select_n3A_1184, %jit3A_1185 : i32
      %sign3A_1187 = arith.constant 0 : i32
      %sign3A_1188 = arith.cmpi sgt, %select_n3A_1184, %sign3A_1187 : i32
      %sign3A_1189 = arith.extui %sign3A_1188 : i1 to i32
      %sign3A_1190 = arith.constant 0 : i32
      %sign3A_1191 = arith.cmpi slt, %select_n3A_1184, %sign3A_1190 : i32
      %sign3A_1192 = arith.extui %sign3A_1191 : i1 to i32
      %sign3A_1193 = arith.subi %sign3A_1189, %sign3A_1192 : i32
      %sign3A_1194 = arith.constant 0 : i32
      %sign3A_1195 = arith.cmpi sgt, %jit3A_1185, %sign3A_1194 : i32
      %sign3A_1196 = arith.extui %sign3A_1195 : i1 to i32
      %sign3A_1197 = arith.constant 0 : i32
      %sign3A_1198 = arith.cmpi slt, %jit3A_1185, %sign3A_1197 : i32
      %sign3A_1199 = arith.extui %sign3A_1198 : i1 to i32
      %sign3A_1200 = arith.subi %sign3A_1196, %sign3A_1199 : i32
      %ne3A_1201 = arith.cmpi ne, %sign3A_1193, %sign3A_1200 : i32
      %rem3A_1202 = arith.remsi %select_n3A_1184, %jit3A_1185 : i32
      %ne3A_1203 = arith.constant 0 : i32
      %ne3A_1204 = arith.cmpi ne, %rem3A_1202, %ne3A_1203 : i32
      %and3A_1205 = arith.andi %ne3A_1201, %ne3A_1204 : i1
      %sub3A_1206 = arith.constant 1 : i32
      %sub3A_1207 = arith.subi %div3A_1186, %sub3A_1206 : i32
      %select_n3A_1208 = arith.select %and3A_1205, %sub3A_1207, %div3A_1186 : i32
      %jit3A_1209 = arith.constant 3 : i32
      %eq3A_1210 = arith.constant 0 : i32
      %eq3A_1211 = arith.cmpi eq, %jit3A_1209, %eq3A_1210 : i32
      %jit3A_1212 = arith.constant 1 : i32
      %select_n3A_1213 = arith.select %eq3A_1211, %jit3A_1212, %jit3A_1209 : i32
      %rem3A_1214 = arith.remsi %select_n3A_1184, %select_n3A_1213 : i32
      %ne3A_1215 = arith.constant 0 : i32
      %ne3A_1216 = arith.cmpi ne, %rem3A_1214, %ne3A_1215 : i32
      %lt3A_1217 = arith.constant 0 : i32
      %lt3A_1218 = arith.cmpi slt, %rem3A_1214, %lt3A_1217 : i32
      %lt3A_1219 = arith.constant 0 : i32
      %lt3A_1220 = arith.cmpi slt, %select_n3A_1213, %lt3A_1219 : i32
      %ne3A_1221 = arith.xori %lt3A_1218, %lt3A_1220 : i1
      %and3A_1222 = arith.andi %ne3A_1221, %ne3A_1216 : i1
      %add3A_1223 = arith.addi %rem3A_1214, %select_n3A_1213 : i32
      %select_n3A_1224 = arith.select %and3A_1222, %add3A_1223, %rem3A_1214 : i32
      %mul3A_1225 = arith.constant 2 : i32
      %mul3A_1226 = arith.muli %select_n3A_1168, %mul3A_1225 : i32
      %add3A_1227 = arith.addi %mul3A_1226, %select_n3A_1208 : i32
      %mul3A_1228 = arith.constant 2 : i32
      %mul3A_1229 = arith.muli %add3A_1227, %mul3A_1228 : i32
      %get3A_1230 = arith.index_cast %mul3A_1229 : i32 to index
      %get3A_1231 = tpu.vector_load %arg5[%get3A_1230] {strides = array<i32>} : memref<144xi32, #tpu.memory_space<vmem>>, vector<16xi32>,
      %slice3A_1232 = vector.extract_strided_slice %get3A_1231 {offsets = [0], sizes = [1], strides = [1]} : vector<16xi32> to vector<1xi32>
      %squeeze3A_1233 = vector.extract %slice3A_1232[0] : i32 from vector<1xi32>
      %slice3A_1234 = vector.extract_strided_slice %get3A_1231 {offsets = [1], sizes = [1], strides = [1]} : vector<16xi32> to vector<1xi32>
      %squeeze3A_1235 = vector.extract %slice3A_1234[0] : i32 from vector<1xi32>
      %jit3A_1236 = arith.constant 8 : i32
      %div3A_1237 = arith.divsi %squeeze3A_1233, %jit3A_1236 : i32
      %sign3A_1238 = arith.constant 0 : i32
      %sign3A_1239 = arith.cmpi sgt, %squeeze3A_1233, %sign3A_1238 : i32
      %sign3A_1240 = arith.extui %sign3A_1239 : i1 to i32
      %sign3A_1241 = arith.constant 0 : i32
      %sign3A_1242 = arith.cmpi slt, %squeeze3A_1233, %sign3A_1241 : i32
      %sign3A_1243 = arith.extui %sign3A_1242 : i1 to i32
      %sign3A_1244 = arith.subi %sign3A_1240, %sign3A_1243 : i32
      %sign3A_1245 = arith.constant 0 : i32
      %sign3A_1246 = arith.cmpi sgt, %jit3A_1236, %sign3A_1245 : i32
      %sign3A_1247 = arith.extui %sign3A_1246 : i1 to i32
      %sign3A_1248 = arith.constant 0 : i32
      %sign3A_1249 = arith.cmpi slt, %jit3A_1236, %sign3A_1248 : i32
      %sign3A_1250 = arith.extui %sign3A_1249 : i1 to i32
      %sign3A_1251 = arith.subi %sign3A_1247, %sign3A_1250 : i32
      %ne3A_1252 = arith.cmpi ne, %sign3A_1244, %sign3A_1251 : i32
      %rem3A_1253 = arith.remsi %squeeze3A_1233, %jit3A_1236 : i32
      %ne3A_1254 = arith.constant 0 : i32
      %ne3A_1255 = arith.cmpi ne, %rem3A_1253, %ne3A_1254 : i32
      %and3A_1256 = arith.andi %ne3A_1252, %ne3A_1255 : i1
      %sub3A_1257 = arith.constant 1 : i32
      %sub3A_1258 = arith.subi %div3A_1237, %sub3A_1257 : i32
      %select_n3A_1259 = arith.select %and3A_1256, %sub3A_1258, %div3A_1237 : i32
      %mul3A_1260 = arith.constant 8 : i32
      %mul3A_1261 = arith.muli %select_n3A_1259, %mul3A_1260 : i32
      %multiple_of3A_1262 = tpu.assume_multiple %mul3A_1261, 8 : i32
      %sub3A_1263 = arith.subi %squeeze3A_1233, %multiple_of3A_1262 : i32
      %add3A_1264 = vector.broadcast %squeeze3A_1235 : i32 to vector<16xi32>
      %add3A_1265 = arith.addi %add3A_1264, %iota3A : vector<16xi32>
      %parallel_loop3A_1266 = arith.constant 0 : i32
      %parallel_loop3A_1267 = arith.constant 56 : i32
      %parallel_loop3A_1268 = arith.constant 1 : i32
      scf.for %parallel_loop3A_1443 = %parallel_loop3A_1266 to %parallel_loop3A_1267 step %parallel_loop3A_1268  : i32 {
        %parallel_loop3A_1444 = arith.addi %parallel_loop3A_1443, %sub3A_1263 : i32
        %parallel_loop3A_1445 = vector.broadcast %parallel_loop3A_1444 : i32 to vector<16xi32>
        %parallel_loop3A_1446 = arith.constant 0 : i32
        %parallel_loop3A_1447 = vector.broadcast %parallel_loop3A_1446 : i32 to vector<16xi32>
        %parallel_loop3A_1448 = arith.addi %add3A_1265, %parallel_loop3A_1447 : vector<16xi32>
        %parallel_loop3A_1449 = tpu.vector_load_idx %arg7[%parallel_loop3A_1445, %parallel_loop3A_1448] : memref<64x512xf32, #tpu.memory_space<vmem>>[vector<16xi32>, vector<16xi32>], vector<16xf32>,
        %parallel_loop3A_1450 = arith.index_cast %parallel_loop3A_1443 : i32 to index
        %parallel_loop3A_1451 = arith.constant 0 : index
        %parallel_loop3A_1452 = tpu.vector_load %arg9[%parallel_loop3A_1450, %parallel_loop3A_1451] {strides = array<i32>} : memref<56x448xf32, #tpu.memory_space<vmem>>, vector<16xf32>,
        tpu.vector_store %arg9[%parallel_loop3A_1450, %parallel_loop3A_1451], %parallel_loop3A_1449 {strides = array<i32>} : memref<56x448xf32, #tpu.memory_space<vmem>>, vector<16xf32>,
        %parallel_loop3A_1453 = arith.constant 16 : i32
        %parallel_loop3A_1454 = vector.broadcast %parallel_loop3A_1453 : i32 to vector<16xi32>
        %parallel_loop3A_1455 = arith.addi %add3A_1265, %parallel_loop3A_1454 : vector<16xi32>
        %parallel_loop3A_1456 = tpu.vector_load_idx %arg7[%parallel_loop3A_1445, %parallel_loop3A_1455] : memref<64x512xf32, #tpu.memory_space<vmem>>[vector<16xi32>, vector<16xi32>], vector<16xf32>,
        %parallel_loop3A_1457 = arith.index_cast %parallel_loop3A_1443 : i32 to index
        %parallel_loop3A_1458 = arith.constant 16 : index
        %parallel_loop3A_1459 = tpu.vector_load %arg9[%parallel_loop3A_1457, %parallel_loop3A_1458] {strides = array<i32>} : memref<56x448xf32, #tpu.memory_space<vmem>>, vector<16xf32>,
        tpu.vector_store %arg9[%parallel_loop3A_1457, %parallel_loop3A_1458], %parallel_loop3A_1456 {strides = array<i32>} : memref<56x448xf32, #tpu.memory_space<vmem>>, vector<16xf32>,
        %parallel_loop3A_1460 = arith.constant 32 : i32
        %parallel_loop3A_1461 = vector.broadcast %parallel_loop3A_1460 : i32 to vector<16xi32>
        %parallel_loop3A_1462 = arith.addi %add3A_1265, %parallel_loop3A_1461 : vector<16xi32>
        %parallel_loop3A_1463 = tpu.vector_load_idx %arg7[%parallel_loop3A_1445, %parallel_loop3A_1462] : memref<64x512xf32, #tpu.memory_space<vmem>>[vector<16xi32>, vector<16xi32>], vector<16xf32>,
        %parallel_loop3A_1464 = arith.index_cast %parallel_loop3A_1443 : i32 to index
        %parallel_loop3A_1465 = arith.constant 32 : index
        %parallel_loop3A_1466 = tpu.vector_load %arg9[%parallel_loop3A_1464, %parallel_loop3A_1465] {strides = array<i32>} : memref<56x448xf32, #tpu.memory_space<vmem>>, vector<16xf32>,
        tpu.vector_store %arg9[%parallel_loop3A_1464, %parallel_loop3A_1465], %parallel_loop3A_1463 {strides = array<i32>} : memref<56x448xf32, #tpu.memory_space<vmem>>, vector<16xf32>,
        %parallel_loop3A_1467 = arith.constant 48 : i32
        %parallel_loop3A_1468 = vector.broadcast %parallel_loop3A_1467 : i32 to vector<16xi32>
        %parallel_loop3A_1469 = arith.addi %add3A_1265, %parallel_loop3A_1468 : vector<16xi32>
        %parallel_loop3A_1470 = tpu.vector_load_idx %arg7[%parallel_loop3A_1445, %parallel_loop3A_1469] : memref<64x512xf32, #tpu.memory_space<vmem>>[vector<16xi32>, vector<16xi32>], vector<16xf32>,
        %parallel_loop3A_1471 = arith.index_cast %parallel_loop3A_1443 : i32 to index
        %parallel_loop3A_1472 = arith.constant 48 : index
        %parallel_loop3A_1473 = tpu.vector_load %arg9[%parallel_loop3A_1471, %parallel_loop3A_1472] {strides = array<i32>} : memref<56x448xf32, #tpu.memory_space<vmem>>, vector<16xf32>,
        tpu.vector_store %arg9[%parallel_loop3A_1471, %parallel_loop3A_1472], %parallel_loop3A_1470 {strides = array<i32>} : memref<56x448xf32, #tpu.memory_space<vmem>>, vector<16xf32>,
        %parallel_loop3A_1474 = arith.constant 64 : i32
        %parallel_loop3A_1475 = vector.broadcast %parallel_loop3A_1474 : i32 to vector<16xi32>
        %parallel_loop3A_1476 = arith.addi %add3A_1265, %parallel_loop3A_1475 : vector<16xi32>
        %parallel_loop3A_1477 = tpu.vector_load_idx %arg7[%parallel_loop3A_1445, %parallel_loop3A_1476] : memref<64x512xf32, #tpu.memory_space<vmem>>[vector<16xi32>, vector<16xi32>], vector<16xf32>,
        %parallel_loop3A_1478 = arith.index_cast %parallel_loop3A_1443 : i32 to index
        %parallel_loop3A_1479 = arith.constant 64 : index
        %parallel_loop3A_1480 = tpu.vector_load %arg9[%parallel_loop3A_1478, %parallel_loop3A_1479] {strides = array<i32>} : memref<56x448xf32, #tpu.memory_space<vmem>>, vector<16xf32>,
        tpu.vector_store %arg9[%parallel_loop3A_1478, %parallel_loop3A_1479], %parallel_loop3A_1477 {strides = array<i32>} : memref<56x448xf32, #tpu.memory_space<vmem>>, vector<16xf32>,
        %parallel_loop3A_1481 = arith.constant 80 : i32
        %parallel_loop3A_1482 = vector.broadcast %parallel_loop3A_1481 : i32 to vector<16xi32>
        %parallel_loop3A_1483 = arith.addi %add3A_1265, %parallel_loop3A_1482 : vector<16xi32>
        %parallel_loop3A_1484 = tpu.vector_load_idx %arg7[%parallel_loop3A_1445, %parallel_loop3A_1483] : memref<64x512xf32, #tpu.memory_space<vmem>>[vector<16xi32>, vector<16xi32>], vector<16xf32>,
        %parallel_loop3A_1485 = arith.index_cast %parallel_loop3A_1443 : i32 to index
        %parallel_loop3A_1486 = arith.constant 80 : index
        %parallel_loop3A_1487 = tpu.vector_load %arg9[%parallel_loop3A_1485, %parallel_loop3A_1486] {strides = array<i32>} : memref<56x448xf32, #tpu.memory_space<vmem>>, vector<16xf32>,
        tpu.vector_store %arg9[%parallel_loop3A_1485, %parallel_loop3A_1486], %parallel_loop3A_1484 {strides = array<i32>} : memref<56x448xf32, #tpu.memory_space<vmem>>, vector<16xf32>,
        %parallel_loop3A_1488 = arith.constant 96 : i32
        %parallel_loop3A_1489 = vector.broadcast %parallel_loop3A_1488 : i32 to vector<16xi32>
        %parallel_loop3A_1490 = arith.addi %add3A_1265, %parallel_loop3A_1489 : vector<16xi32>
        %parallel_loop3A_1491 = tpu.vector_load_idx %arg7[%parallel_loop3A_1445, %parallel_loop3A_1490] : memref<64x512xf32, #tpu.memory_space<vmem>>[vector<16xi32>, vector<16xi32>], vector<16xf32>,
        %parallel_loop3A_1492 = arith.index_cast %parallel_loop3A_1443 : i32 to index
        %parallel_loop3A_1493 = arith.constant 96 : index
        %parallel_loop3A_1494 = tpu.vector_load %arg9[%parallel_loop3A_1492, %parallel_loop3A_1493] {strides = array<i32>} : memref<56x448xf32, #tpu.memory_space<vmem>>, vector<16xf32>,
        tpu.vector_store %arg9[%parallel_loop3A_1492, %parallel_loop3A_1493], %parallel_loop3A_1491 {strides = array<i32>} : memref<56x448xf32, #tpu.memory_space<vmem>>, vector<16xf32>,
        %parallel_loop3A_1495 = arith.constant 112 : i32
        %parallel_loop3A_1496 = vector.broadcast %parallel_loop3A_1495 : i32 to vector<16xi32>
        %parallel_loop3A_1497 = arith.addi %add3A_1265, %parallel_loop3A_1496 : vector<16xi32>
        %parallel_loop3A_1498 = tpu.vector_load_idx %arg7[%parallel_loop3A_1445, %parallel_loop3A_1497] : memref<64x512xf32, #tpu.memory_space<vmem>>[vector<16xi32>, vector<16xi32>], vector<16xf32>,
        %parallel_loop3A_1499 = arith.index_cast %parallel_loop3A_1443 : i32 to index
        %parallel_loop3A_1500 = arith.constant 112 : index
        %parallel_loop3A_1501 = tpu.vector_load %arg9[%parallel_loop3A_1499, %parallel_loop3A_1500] {strides = array<i32>} : memref<56x448xf32, #tpu.memory_space<vmem>>, vector<16xf32>,
        tpu.vector_store %arg9[%parallel_loop3A_1499, %parallel_loop3A_1500], %parallel_loop3A_1498 {strides = array<i32>} : memref<56x448xf32, #tpu.memory_space<vmem>>, vector<16xf32>,
        %parallel_loop3A_1502 = arith.constant 128 : i32
        %parallel_loop3A_1503 = vector.broadcast %parallel_loop3A_1502 : i32 to vector<16xi32>
        %parallel_loop3A_1504 = arith.addi %add3A_1265, %parallel_loop3A_1503 : vector<16xi32>
        %parallel_loop3A_1505 = tpu.vector_load_idx %arg7[%parallel_loop3A_1445, %parallel_loop3A_1504] : memref<64x512xf32, #tpu.memory_space<vmem>>[vector<16xi32>, vector<16xi32>], vector<16xf32>,
        %parallel_loop3A_1506 = arith.index_cast %parallel_loop3A_1443 : i32 to index
        %parallel_loop3A_1507 = arith.constant 128 : index
        %parallel_loop3A_1508 = tpu.vector_load %arg9[%parallel_loop3A_1506, %parallel_loop3A_1507] {strides = array<i32>} : memref<56x448xf32, #tpu.memory_space<vmem>>, vector<16xf32>,
        tpu.vector_store %arg9[%parallel_loop3A_1506, %parallel_loop3A_1507], %parallel_loop3A_1505 {strides = array<i32>} : memref<56x448xf32, #tpu.memory_space<vmem>>, vector<16xf32>,
        %parallel_loop3A_1509 = arith.constant 144 : i32
        %parallel_loop3A_1510 = vector.broadcast %parallel_loop3A_1509 : i32 to vector<16xi32>
        %parallel_loop3A_1511 = arith.addi %add3A_1265, %parallel_loop3A_1510 : vector<16xi32>
        %parallel_loop3A_1512 = tpu.vector_load_idx %arg7[%parallel_loop3A_1445, %parallel_loop3A_1511] : memref<64x512xf32, #tpu.memory_space<vmem>>[vector<16xi32>, vector<16xi32>], vector<16xf32>,
        %parallel_loop3A_1513 = arith.index_cast %parallel_loop3A_1443 : i32 to index
        %parallel_loop3A_1514 = arith.constant 144 : index
        %parallel_loop3A_1515 = tpu.vector_load %arg9[%parallel_loop3A_1513, %parallel_loop3A_1514] {strides = array<i32>} : memref<56x448xf32, #tpu.memory_space<vmem>>, vector<16xf32>,
        tpu.vector_store %arg9[%parallel_loop3A_1513, %parallel_loop3A_1514], %parallel_loop3A_1512 {strides = array<i32>} : memref<56x448xf32, #tpu.memory_space<vmem>>, vector<16xf32>,
        %parallel_loop3A_1516 = arith.constant 160 : i32
        %parallel_loop3A_1517 = vector.broadcast %parallel_loop3A_1516 : i32 to vector<16xi32>
        %parallel_loop3A_1518 = arith.addi %add3A_1265, %parallel_loop3A_1517 : vector<16xi32>
        %parallel_loop3A_1519 = tpu.vector_load_idx %arg7[%parallel_loop3A_1445, %parallel_loop3A_1518] : memref<64x512xf32, #tpu.memory_space<vmem>>[vector<16xi32>, vector<16xi32>], vector<16xf32>,
        %parallel_loop3A_1520 = arith.index_cast %parallel_loop3A_1443 : i32 to index
        %parallel_loop3A_1521 = arith.constant 160 : index
        %parallel_loop3A_1522 = tpu.vector_load %arg9[%parallel_loop3A_1520, %parallel_loop3A_1521] {strides = array<i32>} : memref<56x448xf32, #tpu.memory_space<vmem>>, vector<16xf32>,
        tpu.vector_store %arg9[%parallel_loop3A_1520, %parallel_loop3A_1521], %parallel_loop3A_1519 {strides = array<i32>} : memref<56x448xf32, #tpu.memory_space<vmem>>, vector<16xf32>,
        %parallel_loop3A_1523 = arith.constant 176 : i32
        %parallel_loop3A_1524 = vector.broadcast %parallel_loop3A_1523 : i32 to vector<16xi32>
        %parallel_loop3A_1525 = arith.addi %add3A_1265, %parallel_loop3A_1524 : vector<16xi32>
        %parallel_loop3A_1526 = tpu.vector_load_idx %arg7[%parallel_loop3A_1445, %parallel_loop3A_1525] : memref<64x512xf32, #tpu.memory_space<vmem>>[vector<16xi32>, vector<16xi32>], vector<16xf32>,
        %parallel_loop3A_1527 = arith.index_cast %parallel_loop3A_1443 : i32 to index
        %parallel_loop3A_1528 = arith.constant 176 : index
        %parallel_loop3A_1529 = tpu.vector_load %arg9[%parallel_loop3A_1527, %parallel_loop3A_1528] {strides = array<i32>} : memref<56x448xf32, #tpu.memory_space<vmem>>, vector<16xf32>,
        tpu.vector_store %arg9[%parallel_loop3A_1527, %parallel_loop3A_1528], %parallel_loop3A_1526 {strides = array<i32>} : memref<56x448xf32, #tpu.memory_space<vmem>>, vector<16xf32>,
        %parallel_loop3A_1530 = arith.constant 192 : i32
        %parallel_loop3A_1531 = vector.broadcast %parallel_loop3A_1530 : i32 to vector<16xi32>
        %parallel_loop3A_1532 = arith.addi %add3A_1265, %parallel_loop3A_1531 : vector<16xi32>
        %parallel_loop3A_1533 = tpu.vector_load_idx %arg7[%parallel_loop3A_1445, %parallel_loop3A_1532] : memref<64x512xf32, #tpu.memory_space<vmem>>[vector<16xi32>, vector<16xi32>], vector<16xf32>,
        %parallel_loop3A_1534 = arith.index_cast %parallel_loop3A_1443 : i32 to index
        %parallel_loop3A_1535 = arith.constant 192 : index
        %parallel_loop3A_1536 = tpu.vector_load %arg9[%parallel_loop3A_1534, %parallel_loop3A_1535] {strides = array<i32>} : memref<56x448xf32, #tpu.memory_space<vmem>>, vector<16xf32>,
        tpu.vector_store %arg9[%parallel_loop3A_1534, %parallel_loop3A_1535], %parallel_loop3A_1533 {strides = array<i32>} : memref<56x448xf32, #tpu.memory_space<vmem>>, vector<16xf32>,
        %parallel_loop3A_1537 = arith.constant 208 : i32
        %parallel_loop3A_1538 = vector.broadcast %parallel_loop3A_1537 : i32 to vector<16xi32>
        %parallel_loop3A_1539 = arith.addi %add3A_1265, %parallel_loop3A_1538 : vector<16xi32>
        %parallel_loop3A_1540 = tpu.vector_load_idx %arg7[%parallel_loop3A_1445, %parallel_loop3A_1539] : memref<64x512xf32, #tpu.memory_space<vmem>>[vector<16xi32>, vector<16xi32>], vector<16xf32>,
        %parallel_loop3A_1541 = arith.index_cast %parallel_loop3A_1443 : i32 to index
        %parallel_loop3A_1542 = arith.constant 208 : index
        %parallel_loop3A_1543 = tpu.vector_load %arg9[%parallel_loop3A_1541, %parallel_loop3A_1542] {strides = array<i32>} : memref<56x448xf32, #tpu.memory_space<vmem>>, vector<16xf32>,
        tpu.vector_store %arg9[%parallel_loop3A_1541, %parallel_loop3A_1542], %parallel_loop3A_1540 {strides = array<i32>} : memref<56x448xf32, #tpu.memory_space<vmem>>, vector<16xf32>,
        %parallel_loop3A_1544 = arith.constant 224 : i32
        %parallel_loop3A_1545 = vector.broadcast %parallel_loop3A_1544 : i32 to vector<16xi32>
        %parallel_loop3A_1546 = arith.addi %add3A_1265, %parallel_loop3A_1545 : vector<16xi32>
        %parallel_loop3A_1547 = tpu.vector_load_idx %arg7[%parallel_loop3A_1445, %parallel_loop3A_1546] : memref<64x512xf32, #tpu.memory_space<vmem>>[vector<16xi32>, vector<16xi32>], vector<16xf32>,
        %parallel_loop3A_1548 = arith.index_cast %parallel_loop3A_1443 : i32 to index
        %parallel_loop3A_1549 = arith.constant 224 : index
        %parallel_loop3A_1550 = tpu.vector_load %arg9[%parallel_loop3A_1548, %parallel_loop3A_1549] {strides = array<i32>} : memref<56x448xf32, #tpu.memory_space<vmem>>, vector<16xf32>,
        tpu.vector_store %arg9[%parallel_loop3A_1548, %parallel_loop3A_1549], %parallel_loop3A_1547 {strides = array<i32>} : memref<56x448xf32, #tpu.memory_space<vmem>>, vector<16xf32>,
        %parallel_loop3A_1551 = arith.constant 240 : i32
        %parallel_loop3A_1552 = vector.broadcast %parallel_loop3A_1551 : i32 to vector<16xi32>
        %parallel_loop3A_1553 = arith.addi %add3A_1265, %parallel_loop3A_1552 : vector<16xi32>
        %parallel_loop3A_1554 = tpu.vector_load_idx %arg7[%parallel_loop3A_1445, %parallel_loop3A_1553] : memref<64x512xf32, #tpu.memory_space<vmem>>[vector<16xi32>, vector<16xi32>], vector<16xf32>,
        %parallel_loop3A_1555 = arith.index_cast %parallel_loop3A_1443 : i32 to index
        %parallel_loop3A_1556 = arith.constant 240 : index
        %parallel_loop3A_1557 = tpu.vector_load %arg9[%parallel_loop3A_1555, %parallel_loop3A_1556] {strides = array<i32>} : memref<56x448xf32, #tpu.memory_space<vmem>>, vector<16xf32>,
        tpu.vector_store %arg9[%parallel_loop3A_1555, %parallel_loop3A_1556], %parallel_loop3A_1554 {strides = array<i32>} : memref<56x448xf32, #tpu.memory_space<vmem>>, vector<16xf32>,
        %parallel_loop3A_1558 = arith.constant 256 : i32
        %parallel_loop3A_1559 = vector.broadcast %parallel_loop3A_1558 : i32 to vector<16xi32>
        %parallel_loop3A_1560 = arith.addi %add3A_1265, %parallel_loop3A_1559 : vector<16xi32>
        %parallel_loop3A_1561 = tpu.vector_load_idx %arg7[%parallel_loop3A_1445, %parallel_loop3A_1560] : memref<64x512xf32, #tpu.memory_space<vmem>>[vector<16xi32>, vector<16xi32>], vector<16xf32>,
        %parallel_loop3A_1562 = arith.index_cast %parallel_loop3A_1443 : i32 to index
        %parallel_loop3A_1563 = arith.constant 256 : index
        %parallel_loop3A_1564 = tpu.vector_load %arg9[%parallel_loop3A_1562, %parallel_loop3A_1563] {strides = array<i32>} : memref<56x448xf32, #tpu.memory_space<vmem>>, vector<16xf32>,
        tpu.vector_store %arg9[%parallel_loop3A_1562, %parallel_loop3A_1563], %parallel_loop3A_1561 {strides = array<i32>} : memref<56x448xf32, #tpu.memory_space<vmem>>, vector<16xf32>,
        %parallel_loop3A_1565 = arith.constant 272 : i32
        %parallel_loop3A_1566 = vector.broadcast %parallel_loop3A_1565 : i32 to vector<16xi32>
        %parallel_loop3A_1567 = arith.addi %add3A_1265, %parallel_loop3A_1566 : vector<16xi32>
        %parallel_loop3A_1568 = tpu.vector_load_idx %arg7[%parallel_loop3A_1445, %parallel_loop3A_1567] : memref<64x512xf32, #tpu.memory_space<vmem>>[vector<16xi32>, vector<16xi32>], vector<16xf32>,
        %parallel_loop3A_1569 = arith.index_cast %parallel_loop3A_1443 : i32 to index
        %parallel_loop3A_1570 = arith.constant 272 : index
        %parallel_loop3A_1571 = tpu.vector_load %arg9[%parallel_loop3A_1569, %parallel_loop3A_1570] {strides = array<i32>} : memref<56x448xf32, #tpu.memory_space<vmem>>, vector<16xf32>,
        tpu.vector_store %arg9[%parallel_loop3A_1569, %parallel_loop3A_1570], %parallel_loop3A_1568 {strides = array<i32>} : memref<56x448xf32, #tpu.memory_space<vmem>>, vector<16xf32>,
        %parallel_loop3A_1572 = arith.constant 288 : i32
        %parallel_loop3A_1573 = vector.broadcast %parallel_loop3A_1572 : i32 to vector<16xi32>
        %parallel_loop3A_1574 = arith.addi %add3A_1265, %parallel_loop3A_1573 : vector<16xi32>
        %parallel_loop3A_1575 = tpu.vector_load_idx %arg7[%parallel_loop3A_1445, %parallel_loop3A_1574] : memref<64x512xf32, #tpu.memory_space<vmem>>[vector<16xi32>, vector<16xi32>], vector<16xf32>,
        %parallel_loop3A_1576 = arith.index_cast %parallel_loop3A_1443 : i32 to index
        %parallel_loop3A_1577 = arith.constant 288 : index
        %parallel_loop3A_1578 = tpu.vector_load %arg9[%parallel_loop3A_1576, %parallel_loop3A_1577] {strides = array<i32>} : memref<56x448xf32, #tpu.memory_space<vmem>>, vector<16xf32>,
        tpu.vector_store %arg9[%parallel_loop3A_1576, %parallel_loop3A_1577], %parallel_loop3A_1575 {strides = array<i32>} : memref<56x448xf32, #tpu.memory_space<vmem>>, vector<16xf32>,
        %parallel_loop3A_1579 = arith.constant 304 : i32
        %parallel_loop3A_1580 = vector.broadcast %parallel_loop3A_1579 : i32 to vector<16xi32>
        %parallel_loop3A_1581 = arith.addi %add3A_1265, %parallel_loop3A_1580 : vector<16xi32>
        %parallel_loop3A_1582 = tpu.vector_load_idx %arg7[%parallel_loop3A_1445, %parallel_loop3A_1581] : memref<64x512xf32, #tpu.memory_space<vmem>>[vector<16xi32>, vector<16xi32>], vector<16xf32>,
        %parallel_loop3A_1583 = arith.index_cast %parallel_loop3A_1443 : i32 to index
        %parallel_loop3A_1584 = arith.constant 304 : index
        %parallel_loop3A_1585 = tpu.vector_load %arg9[%parallel_loop3A_1583, %parallel_loop3A_1584] {strides = array<i32>} : memref<56x448xf32, #tpu.memory_space<vmem>>, vector<16xf32>,
        tpu.vector_store %arg9[%parallel_loop3A_1583, %parallel_loop3A_1584], %parallel_loop3A_1582 {strides = array<i32>} : memref<56x448xf32, #tpu.memory_space<vmem>>, vector<16xf32>,
        %parallel_loop3A_1586 = arith.constant 320 : i32
        %parallel_loop3A_1587 = vector.broadcast %parallel_loop3A_1586 : i32 to vector<16xi32>
        %parallel_loop3A_1588 = arith.addi %add3A_1265, %parallel_loop3A_1587 : vector<16xi32>
        %parallel_loop3A_1589 = tpu.vector_load_idx %arg7[%parallel_loop3A_1445, %parallel_loop3A_1588] : memref<64x512xf32, #tpu.memory_space<vmem>>[vector<16xi32>, vector<16xi32>], vector<16xf32>,
        %parallel_loop3A_1590 = arith.index_cast %parallel_loop3A_1443 : i32 to index
        %parallel_loop3A_1591 = arith.constant 320 : index
        %parallel_loop3A_1592 = tpu.vector_load %arg9[%parallel_loop3A_1590, %parallel_loop3A_1591] {strides = array<i32>} : memref<56x448xf32, #tpu.memory_space<vmem>>, vector<16xf32>,
        tpu.vector_store %arg9[%parallel_loop3A_1590, %parallel_loop3A_1591], %parallel_loop3A_1589 {strides = array<i32>} : memref<56x448xf32, #tpu.memory_space<vmem>>, vector<16xf32>,
        %parallel_loop3A_1593 = arith.constant 336 : i32
        %parallel_loop3A_1594 = vector.broadcast %parallel_loop3A_1593 : i32 to vector<16xi32>
        %parallel_loop3A_1595 = arith.addi %add3A_1265, %parallel_loop3A_1594 : vector<16xi32>
        %parallel_loop3A_1596 = tpu.vector_load_idx %arg7[%parallel_loop3A_1445, %parallel_loop3A_1595] : memref<64x512xf32, #tpu.memory_space<vmem>>[vector<16xi32>, vector<16xi32>], vector<16xf32>,
        %parallel_loop3A_1597 = arith.index_cast %parallel_loop3A_1443 : i32 to index
        %parallel_loop3A_1598 = arith.constant 336 : index
        %parallel_loop3A_1599 = tpu.vector_load %arg9[%parallel_loop3A_1597, %parallel_loop3A_1598] {strides = array<i32>} : memref<56x448xf32, #tpu.memory_space<vmem>>, vector<16xf32>,
        tpu.vector_store %arg9[%parallel_loop3A_1597, %parallel_loop3A_1598], %parallel_loop3A_1596 {strides = array<i32>} : memref<56x448xf32, #tpu.memory_space<vmem>>, vector<16xf32>,
        %parallel_loop3A_1600 = arith.constant 352 : i32
        %parallel_loop3A_1601 = vector.broadcast %parallel_loop3A_1600 : i32 to vector<16xi32>
        %parallel_loop3A_1602 = arith.addi %add3A_1265, %parallel_loop3A_1601 : vector<16xi32>
        %parallel_loop3A_1603 = tpu.vector_load_idx %arg7[%parallel_loop3A_1445, %parallel_loop3A_1602] : memref<64x512xf32, #tpu.memory_space<vmem>>[vector<16xi32>, vector<16xi32>], vector<16xf32>,
        %parallel_loop3A_1604 = arith.index_cast %parallel_loop3A_1443 : i32 to index
        %parallel_loop3A_1605 = arith.constant 352 : index
        %parallel_loop3A_1606 = tpu.vector_load %arg9[%parallel_loop3A_1604, %parallel_loop3A_1605] {strides = array<i32>} : memref<56x448xf32, #tpu.memory_space<vmem>>, vector<16xf32>,
        tpu.vector_store %arg9[%parallel_loop3A_1604, %parallel_loop3A_1605], %parallel_loop3A_1603 {strides = array<i32>} : memref<56x448xf32, #tpu.memory_space<vmem>>, vector<16xf32>,
        %parallel_loop3A_1607 = arith.constant 368 : i32
        %parallel_loop3A_1608 = vector.broadcast %parallel_loop3A_1607 : i32 to vector<16xi32>
        %parallel_loop3A_1609 = arith.addi %add3A_1265, %parallel_loop3A_1608 : vector<16xi32>
        %parallel_loop3A_1610 = tpu.vector_load_idx %arg7[%parallel_loop3A_1445, %parallel_loop3A_1609] : memref<64x512xf32, #tpu.memory_space<vmem>>[vector<16xi32>, vector<16xi32>], vector<16xf32>,
        %parallel_loop3A_1611 = arith.index_cast %parallel_loop3A_1443 : i32 to index
        %parallel_loop3A_1612 = arith.constant 368 : index
        %parallel_loop3A_1613 = tpu.vector_load %arg9[%parallel_loop3A_1611, %parallel_loop3A_1612] {strides = array<i32>} : memref<56x448xf32, #tpu.memory_space<vmem>>, vector<16xf32>,
        tpu.vector_store %arg9[%parallel_loop3A_1611, %parallel_loop3A_1612], %parallel_loop3A_1610 {strides = array<i32>} : memref<56x448xf32, #tpu.memory_space<vmem>>, vector<16xf32>,
        %parallel_loop3A_1614 = arith.constant 384 : i32
        %parallel_loop3A_1615 = vector.broadcast %parallel_loop3A_1614 : i32 to vector<16xi32>
        %parallel_loop3A_1616 = arith.addi %add3A_1265, %parallel_loop3A_1615 : vector<16xi32>
        %parallel_loop3A_1617 = tpu.vector_load_idx %arg7[%parallel_loop3A_1445, %parallel_loop3A_1616] : memref<64x512xf32, #tpu.memory_space<vmem>>[vector<16xi32>, vector<16xi32>], vector<16xf32>,
        %parallel_loop3A_1618 = arith.index_cast %parallel_loop3A_1443 : i32 to index
        %parallel_loop3A_1619 = arith.constant 384 : index
        %parallel_loop3A_1620 = tpu.vector_load %arg9[%parallel_loop3A_1618, %parallel_loop3A_1619] {strides = array<i32>} : memref<56x448xf32, #tpu.memory_space<vmem>>, vector<16xf32>,
        tpu.vector_store %arg9[%parallel_loop3A_1618, %parallel_loop3A_1619], %parallel_loop3A_1617 {strides = array<i32>} : memref<56x448xf32, #tpu.memory_space<vmem>>, vector<16xf32>,
        %parallel_loop3A_1621 = arith.constant 400 : i32
        %parallel_loop3A_1622 = vector.broadcast %parallel_loop3A_1621 : i32 to vector<16xi32>
        %parallel_loop3A_1623 = arith.addi %add3A_1265, %parallel_loop3A_1622 : vector<16xi32>
        %parallel_loop3A_1624 = tpu.vector_load_idx %arg7[%parallel_loop3A_1445, %parallel_loop3A_1623] : memref<64x512xf32, #tpu.memory_space<vmem>>[vector<16xi32>, vector<16xi32>], vector<16xf32>,
        %parallel_loop3A_1625 = arith.index_cast %parallel_loop3A_1443 : i32 to index
        %parallel_loop3A_1626 = arith.constant 400 : index
        %parallel_loop3A_1627 = tpu.vector_load %arg9[%parallel_loop3A_1625, %parallel_loop3A_1626] {strides = array<i32>} : memref<56x448xf32, #tpu.memory_space<vmem>>, vector<16xf32>,
        tpu.vector_store %arg9[%parallel_loop3A_1625, %parallel_loop3A_1626], %parallel_loop3A_1624 {strides = array<i32>} : memref<56x448xf32, #tpu.memory_space<vmem>>, vector<16xf32>,
        %parallel_loop3A_1628 = arith.constant 416 : i32
        %parallel_loop3A_1629 = vector.broadcast %parallel_loop3A_1628 : i32 to vector<16xi32>
        %parallel_loop3A_1630 = arith.addi %add3A_1265, %parallel_loop3A_1629 : vector<16xi32>
        %parallel_loop3A_1631 = tpu.vector_load_idx %arg7[%parallel_loop3A_1445, %parallel_loop3A_1630] : memref<64x512xf32, #tpu.memory_space<vmem>>[vector<16xi32>, vector<16xi32>], vector<16xf32>,
        %parallel_loop3A_1632 = arith.index_cast %parallel_loop3A_1443 : i32 to index
        %parallel_loop3A_1633 = arith.constant 416 : index
        %parallel_loop3A_1634 = tpu.vector_load %arg9[%parallel_loop3A_1632, %parallel_loop3A_1633] {strides = array<i32>} : memref<56x448xf32, #tpu.memory_space<vmem>>, vector<16xf32>,
        tpu.vector_store %arg9[%parallel_loop3A_1632, %parallel_loop3A_1633], %parallel_loop3A_1631 {strides = array<i32>} : memref<56x448xf32, #tpu.memory_space<vmem>>, vector<16xf32>,
        %parallel_loop3A_1635 = arith.constant 432 : i32
        %parallel_loop3A_1636 = vector.broadcast %parallel_loop3A_1635 : i32 to vector<16xi32>
        %parallel_loop3A_1637 = arith.addi %add3A_1265, %parallel_loop3A_1636 : vector<16xi32>
        %parallel_loop3A_1638 = tpu.vector_load_idx %arg7[%parallel_loop3A_1445, %parallel_loop3A_1637] : memref<64x512xf32, #tpu.memory_space<vmem>>[vector<16xi32>, vector<16xi32>], vector<16xf32>,
        %parallel_loop3A_1639 = arith.index_cast %parallel_loop3A_1443 : i32 to index
        %parallel_loop3A_1640 = arith.constant 432 : index
        %parallel_loop3A_1641 = tpu.vector_load %arg9[%parallel_loop3A_1639, %parallel_loop3A_1640] {strides = array<i32>} : memref<56x448xf32, #tpu.memory_space<vmem>>, vector<16xf32>,
        tpu.vector_store %arg9[%parallel_loop3A_1639, %parallel_loop3A_1640], %parallel_loop3A_1638 {strides = array<i32>} : memref<56x448xf32, #tpu.memory_space<vmem>>, vector<16xf32>,
      } {sc.loop_unroll_factor = 8 : i64, sc.parallel_access}
      %jit3A_1269 = arith.constant 8 : i32
      %div3A_1270 = arith.divsi %add3A_918, %jit3A_1269 : i32
      %sign3A_1271 = arith.constant 0 : i32
      %sign3A_1272 = arith.cmpi sgt, %add3A_918, %sign3A_1271 : i32
      %sign3A_1273 = arith.extui %sign3A_1272 : i1 to i32
      %sign3A_1274 = arith.constant 0 : i32
      %sign3A_1275 = arith.cmpi slt, %add3A_918, %sign3A_1274 : i32
      %sign3A_1276 = arith.extui %sign3A_1275 : i1 to i32
      %sign3A_1277 = arith.subi %sign3A_1273, %sign3A_1276 : i32
      %sign3A_1278 = arith.constant 0 : i32
      %sign3A_1279 = arith.cmpi sgt, %jit3A_1269, %sign3A_1278 : i32
      %sign3A_1280 = arith.extui %sign3A_1279 : i1 to i32
      %sign3A_1281 = arith.constant 0 : i32
      %sign3A_1282 = arith.cmpi slt, %jit3A_1269, %sign3A_1281 : i32
      %sign3A_1283 = arith.extui %sign3A_1282 : i1 to i32
      %sign3A_1284 = arith.subi %sign3A_1280, %sign3A_1283 : i32
      %ne3A_1285 = arith.cmpi ne, %sign3A_1277, %sign3A_1284 : i32
      %rem3A_1286 = arith.remsi %add3A_918, %jit3A_1269 : i32
      %ne3A_1287 = arith.constant 0 : i32
      %ne3A_1288 = arith.cmpi ne, %rem3A_1286, %ne3A_1287 : i32
      %and3A_1289 = arith.andi %ne3A_1285, %ne3A_1288 : i1
      %sub3A_1290 = arith.constant 1 : i32
      %sub3A_1291 = arith.subi %div3A_1270, %sub3A_1290 : i32
      %select_n3A_1292 = arith.select %and3A_1289, %sub3A_1291, %div3A_1270 : i32
      %jit3A_1293 = arith.constant 8 : i32
      %eq3A_1294 = arith.constant 0 : i32
      %eq3A_1295 = arith.cmpi eq, %jit3A_1293, %eq3A_1294 : i32
      %jit3A_1296 = arith.constant 1 : i32
      %select_n3A_1297 = arith.select %eq3A_1295, %jit3A_1296, %jit3A_1293 : i32
      %rem3A_1298 = arith.remsi %add3A_918, %select_n3A_1297 : i32
      %ne3A_1299 = arith.constant 0 : i32
      %ne3A_1300 = arith.cmpi ne, %rem3A_1298, %ne3A_1299 : i32
      %lt3A_1301 = arith.constant 0 : i32
      %lt3A_1302 = arith.cmpi slt, %rem3A_1298, %lt3A_1301 : i32
      %lt3A_1303 = arith.constant 0 : i32
      %lt3A_1304 = arith.cmpi slt, %select_n3A_1297, %lt3A_1303 : i32
      %ne3A_1305 = arith.xori %lt3A_1302, %lt3A_1304 : i1
      %and3A_1306 = arith.andi %ne3A_1305, %ne3A_1300 : i1
      %add3A_1307 = arith.addi %rem3A_1298, %select_n3A_1297 : i32
      %select_n3A_1308 = arith.select %and3A_1306, %add3A_1307, %rem3A_1298 : i32
      %mul3A_1309 = arith.constant 6 : i32
      %mul3A_1310 = arith.muli %add3A, %mul3A_1309 : i32
      %add3A_1311 = arith.addi %mul3A_1310, %select_n3A_1292 : i32
      %jit3A_1312 = arith.constant 6 : i32
      %div3A_1313 = arith.divsi %add3A_1311, %jit3A_1312 : i32
      %sign3A_1314 = arith.constant 0 : i32
      %sign3A_1315 = arith.cmpi sgt, %add3A_1311, %sign3A_1314 : i32
      %sign3A_1316 = arith.extui %sign3A_1315 : i1 to i32
      %sign3A_1317 = arith.constant 0 : i32
      %sign3A_1318 = arith.cmpi slt, %add3A_1311, %sign3A_1317 : i32
      %sign3A_1319 = arith.extui %sign3A_1318 : i1 to i32
      %sign3A_1320 = arith.subi %sign3A_1316, %sign3A_1319 : i32
      %sign3A_1321 = arith.constant 0 : i32
      %sign3A_1322 = arith.cmpi sgt, %jit3A_1312, %sign3A_1321 : i32
      %sign3A_1323 = arith.extui %sign3A_1322 : i1 to i32
      %sign3A_1324 = arith.constant 0 : i32
      %sign3A_1325 = arith.cmpi slt, %jit3A_1312, %sign3A_1324 : i32
      %sign3A_1326 = arith.extui %sign3A_1325 : i1 to i32
      %sign3A_1327 = arith.subi %sign3A_1323, %sign3A_1326 : i32
      %ne3A_1328 = arith.cmpi ne, %sign3A_1320, %sign3A_1327 : i32
      %rem3A_1329 = arith.remsi %add3A_1311, %jit3A_1312 : i32
      %ne3A_1330 = arith.constant 0 : i32
      %ne3A_1331 = arith.cmpi ne, %rem3A_1329, %ne3A_1330 : i32
      %and3A_1332 = arith.andi %ne3A_1328, %ne3A_1331 : i1
      %sub3A_1333 = arith.constant 1 : i32
      %sub3A_1334 = arith.subi %div3A_1313, %sub3A_1333 : i32
      %select_n3A_1335 = arith.select %and3A_1332, %sub3A_1334, %div3A_1313 : i32
      %jit3A_1336 = arith.constant 6 : i32
      %eq3A_1337 = arith.constant 0 : i32
      %eq3A_1338 = arith.cmpi eq, %jit3A_1336, %eq3A_1337 : i32
      %jit3A_1339 = arith.constant 1 : i32
      %select_n3A_1340 = arith.select %eq3A_1338, %jit3A_1339, %jit3A_1336 : i32
      %rem3A_1341 = arith.remsi %add3A_1311, %select_n3A_1340 : i32
      %ne3A_1342 = arith.constant 0 : i32
      %ne3A_1343 = arith.cmpi ne, %rem3A_1341, %ne3A_1342 : i32
      %lt3A_1344 = arith.constant 0 : i32
      %lt3A_1345 = arith.cmpi slt, %rem3A_1341, %lt3A_1344 : i32
      %lt3A_1346 = arith.constant 0 : i32
      %lt3A_1347 = arith.cmpi slt, %select_n3A_1340, %lt3A_1346 : i32
      %ne3A_1348 = arith.xori %lt3A_1345, %lt3A_1347 : i1
      %and3A_1349 = arith.andi %ne3A_1348, %ne3A_1343 : i1
      %add3A_1350 = arith.addi %rem3A_1341, %select_n3A_1340 : i32
      %select_n3A_1351 = arith.select %and3A_1349, %add3A_1350, %rem3A_1341 : i32
      %jit3A_1352 = arith.constant 3 : i32
      %div3A_1353 = arith.divsi %select_n3A_1351, %jit3A_1352 : i32
      %sign3A_1354 = arith.constant 0 : i32
      %sign3A_1355 = arith.cmpi sgt, %select_n3A_1351, %sign3A_1354 : i32
      %sign3A_1356 = arith.extui %sign3A_1355 : i1 to i32
      %sign3A_1357 = arith.constant 0 : i32
      %sign3A_1358 = arith.cmpi slt, %select_n3A_1351, %sign3A_1357 : i32
      %sign3A_1359 = arith.extui %sign3A_1358 : i1 to i32
      %sign3A_1360 = arith.subi %sign3A_1356, %sign3A_1359 : i32
      %sign3A_1361 = arith.constant 0 : i32
      %sign3A_1362 = arith.cmpi sgt, %jit3A_1352, %sign3A_1361 : i32
      %sign3A_1363 = arith.extui %sign3A_1362 : i1 to i32
      %sign3A_1364 = arith.constant 0 : i32
      %sign3A_1365 = arith.cmpi slt, %jit3A_1352, %sign3A_1364 : i32
      %sign3A_1366 = arith.extui %sign3A_1365 : i1 to i32
      %sign3A_1367 = arith.subi %sign3A_1363, %sign3A_1366 : i32
      %ne3A_1368 = arith.cmpi ne, %sign3A_1360, %sign3A_1367 : i32
      %rem3A_1369 = arith.remsi %select_n3A_1351, %jit3A_1352 : i32
      %ne3A_1370 = arith.constant 0 : i32
      %ne3A_1371 = arith.cmpi ne, %rem3A_1369, %ne3A_1370 : i32
      %and3A_1372 = arith.andi %ne3A_1368, %ne3A_1371 : i1
      %sub3A_1373 = arith.constant 1 : i32
      %sub3A_1374 = arith.subi %div3A_1353, %sub3A_1373 : i32
      %select_n3A_1375 = arith.select %and3A_1372, %sub3A_1374, %div3A_1353 : i32
      %jit3A_1376 = arith.constant 3 : i32
      %eq3A_1377 = arith.constant 0 : i32
      %eq3A_1378 = arith.cmpi eq, %jit3A_1376, %eq3A_1377 : i32
      %jit3A_1379 = arith.constant 1 : i32
      %select_n3A_1380 = arith.select %eq3A_1378, %jit3A_1379, %jit3A_1376 : i32
      %rem3A_1381 = arith.remsi %select_n3A_1351, %select_n3A_1380 : i32
      %ne3A_1382 = arith.constant 0 : i32
      %ne3A_1383 = arith.cmpi ne, %rem3A_1381, %ne3A_1382 : i32
      %lt3A_1384 = arith.constant 0 : i32
      %lt3A_1385 = arith.cmpi slt, %rem3A_1381, %lt3A_1384 : i32
      %lt3A_1386 = arith.constant 0 : i32
      %lt3A_1387 = arith.cmpi slt, %select_n3A_1380, %lt3A_1386 : i32
      %ne3A_1388 = arith.xori %lt3A_1385, %lt3A_1387 : i1
      %and3A_1389 = arith.andi %ne3A_1388, %ne3A_1383 : i1
      %add3A_1390 = arith.addi %rem3A_1381, %select_n3A_1380 : i32
      %select_n3A_1391 = arith.select %and3A_1389, %add3A_1390, %rem3A_1381 : i32
      %mul3A_1392 = arith.constant 2 : i32
      %mul3A_1393 = arith.muli %select_n3A_1335, %mul3A_1392 : i32
      %add3A_1394 = arith.addi %mul3A_1393, %select_n3A_1375 : i32
      %mul3A_1395 = arith.constant 2 : i32
      %mul3A_1396 = arith.muli %add3A_1394, %mul3A_1395 : i32
      %get3A_1397 = arith.index_cast %mul3A_1396 : i32 to index
      %get3A_1398 = tpu.vector_load %arg5[%get3A_1397] {strides = array<i32>} : memref<144xi32, #tpu.memory_space<vmem>>, vector<16xi32>,
      %slice3A_1399 = vector.extract_strided_slice %get3A_1398 {offsets = [0], sizes = [1], strides = [1]} : vector<16xi32> to vector<1xi32>
      %squeeze3A_1400 = vector.extract %slice3A_1399[0] : i32 from vector<1xi32>
      %slice3A_1401 = vector.extract_strided_slice %get3A_1398 {offsets = [1], sizes = [1], strides = [1]} : vector<16xi32> to vector<1xi32>
      %squeeze3A_1402 = vector.extract %slice3A_1401[0] : i32 from vector<1xi32>
      %jit3A_1403 = arith.constant 8 : i32
      %div3A_1404 = arith.divsi %squeeze3A_1400, %jit3A_1403 : i32
      %sign3A_1405 = arith.constant 0 : i32
      %sign3A_1406 = arith.cmpi sgt, %squeeze3A_1400, %sign3A_1405 : i32
      %sign3A_1407 = arith.extui %sign3A_1406 : i1 to i32
      %sign3A_1408 = arith.constant 0 : i32
      %sign3A_1409 = arith.cmpi slt, %squeeze3A_1400, %sign3A_1408 : i32
      %sign3A_1410 = arith.extui %sign3A_1409 : i1 to i32
      %sign3A_1411 = arith.subi %sign3A_1407, %sign3A_1410 : i32
      %sign3A_1412 = arith.constant 0 : i32
      %sign3A_1413 = arith.cmpi sgt, %jit3A_1403, %sign3A_1412 : i32
      %sign3A_1414 = arith.extui %sign3A_1413 : i1 to i32
      %sign3A_1415 = arith.constant 0 : i32
      %sign3A_1416 = arith.cmpi slt, %jit3A_1403, %sign3A_1415 : i32
      %sign3A_1417 = arith.extui %sign3A_1416 : i1 to i32
      %sign3A_1418 = arith.subi %sign3A_1414, %sign3A_1417 : i32
      %ne3A_1419 = arith.cmpi ne, %sign3A_1411, %sign3A_1418 : i32
      %rem3A_1420 = arith.remsi %squeeze3A_1400, %jit3A_1403 : i32
      %ne3A_1421 = arith.constant 0 : i32
      %ne3A_1422 = arith.cmpi ne, %rem3A_1420, %ne3A_1421 : i32
      %and3A_1423 = arith.andi %ne3A_1419, %ne3A_1422 : i1
      %sub3A_1424 = arith.constant 1 : i32
      %sub3A_1425 = arith.subi %div3A_1404, %sub3A_1424 : i32
      %select_n3A_1426 = arith.select %and3A_1423, %sub3A_1425, %div3A_1404 : i32
      %mul3A_1427 = arith.constant 8 : i32
      %mul3A_1428 = arith.muli %select_n3A_1426, %mul3A_1427 : i32
      %multiple_of3A_1429 = tpu.assume_multiple %mul3A_1428, 8 : i32
      %sub3A_1430 = arith.subi %squeeze3A_1400, %multiple_of3A_1429 : i32
      %mul3A_1431 = arith.constant 2 : i32
      %mul3A_1432 = arith.muli %select_n3A_1335, %mul3A_1431 : i32
      %add3A_1433 = arith.addi %mul3A_1432, %select_n3A_1375 : i32
      %mul3A_1434 = arith.constant 56 : i32
      %mul3A_1435 = arith.muli %select_n3A_1308, %mul3A_1434 : i32
      %dma_start3A_1436 = arith.constant 0 : i32
      %dma_start3A_1437 = tpu.memref_slice %arg4[%add3A_1433, %select_n3A_1391, %mul3A_1435, %dma_start3A_1436] : memref<64x3x448x448xf32, #tpu.memory_space<hbm>> -> memref<1x1x56x448xf32, #tpu.memory_space<hbm>>
      %dma_start3A_1438 = tpu.memref_squeeze %dma_start3A_1437 : memref<1x1x56x448xf32, #tpu.memory_space<hbm>> -> memref<56x448xf32, #tpu.memory_space<hbm>>
      %dma_start3A_1439 = arith.constant 0 : i32
      %dma_start3A_1440 = tpu.memref_slice %arg4[%add3A_1433, %select_n3A_1391, %mul3A_1435, %dma_start3A_1439] : memref<64x3x448x448xf32, #tpu.memory_space<hbm>> -> memref<1x1x56x448xf32, #tpu.memory_space<hbm>>
      %dma_start3A_1441 = tpu.memref_squeeze %dma_start3A_1440 : memref<1x1x56x448xf32, #tpu.memory_space<hbm>> -> memref<56x448xf32, #tpu.memory_space<hbm>>
      tpu.enqueue_dma source(%arg9 : memref<56x448xf32, #tpu.memory_space<vmem>>) target(%dma_start3A_1441 : memref<56x448xf32, #tpu.memory_space<hbm>>) target_semaphore(%arg13 : memref<!tpu.dma_semaphore, #tpu.memory_space<semaphore_mem>>)
      %scan3A_1442 = arith.constant 0 : i32
      scf.yield %scan3A_1442 : i32
    }
    %scan3A_122 = arith.constant 24 : i32
    %mul3A_123 = arith.constant 6 : i32
    %mul3A_124 = arith.muli %add3A, %mul3A_123 : i32
    %add3A_125 = arith.constant 5 : i32
    %add3A_126 = arith.addi %mul3A_124, %add3A_125 : i32
    %jit3A_127 = arith.constant 6 : i32
    %div3A_128 = arith.divsi %add3A_126, %jit3A_127 : i32
    %sign3A_129 = arith.constant 0 : i32
    %sign3A_130 = arith.cmpi sgt, %add3A_126, %sign3A_129 : i32
    %sign3A_131 = arith.extui %sign3A_130 : i1 to i32
    %sign3A_132 = arith.constant 0 : i32
    %sign3A_133 = arith.cmpi slt, %add3A_126, %sign3A_132 : i32
    %sign3A_134 = arith.extui %sign3A_133 : i1 to i32
    %sign3A_135 = arith.subi %sign3A_131, %sign3A_134 : i32
    %sign3A_136 = arith.constant 0 : i32
    %sign3A_137 = arith.cmpi sgt, %jit3A_127, %sign3A_136 : i32
    %sign3A_138 = arith.extui %sign3A_137 : i1 to i32
    %sign3A_139 = arith.constant 0 : i32
    %sign3A_140 = arith.cmpi slt, %jit3A_127, %sign3A_139 : i32
    %sign3A_141 = arith.extui %sign3A_140 : i1 to i32
    %sign3A_142 = arith.subi %sign3A_138, %sign3A_141 : i32
    %ne3A_143 = arith.cmpi ne, %sign3A_135, %sign3A_142 : i32
    %rem3A_144 = arith.remsi %add3A_126, %jit3A_127 : i32
    %ne3A_145 = arith.constant 0 : i32
    %ne3A_146 = arith.cmpi ne, %rem3A_144, %ne3A_145 : i32
    %and3A_147 = arith.andi %ne3A_143, %ne3A_146 : i1
    %sub3A_148 = arith.constant 1 : i32
    %sub3A_149 = arith.subi %div3A_128, %sub3A_148 : i32
    %select_n3A_150 = arith.select %and3A_147, %sub3A_149, %div3A_128 : i32
    %jit3A_151 = arith.constant 6 : i32
    %eq3A_152 = arith.constant 0 : i32
    %eq3A_153 = arith.cmpi eq, %jit3A_151, %eq3A_152 : i32
    %jit3A_154 = arith.constant 1 : i32
    %select_n3A_155 = arith.select %eq3A_153, %jit3A_154, %jit3A_151 : i32
    %rem3A_156 = arith.remsi %add3A_126, %select_n3A_155 : i32
    %ne3A_157 = arith.constant 0 : i32
    %ne3A_158 = arith.cmpi ne, %rem3A_156, %ne3A_157 : i32
    %lt3A_159 = arith.constant 0 : i32
    %lt3A_160 = arith.cmpi slt, %rem3A_156, %lt3A_159 : i32
    %lt3A_161 = arith.constant 0 : i32
    %lt3A_162 = arith.cmpi slt, %select_n3A_155, %lt3A_161 : i32
    %ne3A_163 = arith.xori %lt3A_160, %lt3A_162 : i1
    %and3A_164 = arith.andi %ne3A_163, %ne3A_158 : i1
    %add3A_165 = arith.addi %rem3A_156, %select_n3A_155 : i32
    %select_n3A_166 = arith.select %and3A_164, %add3A_165, %rem3A_156 : i32
    %jit3A_167 = arith.constant 3 : i32
    %div3A_168 = arith.divsi %select_n3A_166, %jit3A_167 : i32
    %sign3A_169 = arith.constant 0 : i32
    %sign3A_170 = arith.cmpi sgt, %select_n3A_166, %sign3A_169 : i32
    %sign3A_171 = arith.extui %sign3A_170 : i1 to i32
    %sign3A_172 = arith.constant 0 : i32
    %sign3A_173 = arith.cmpi slt, %select_n3A_166, %sign3A_172 : i32
    %sign3A_174 = arith.extui %sign3A_173 : i1 to i32
    %sign3A_175 = arith.subi %sign3A_171, %sign3A_174 : i32
    %sign3A_176 = arith.constant 0 : i32
    %sign3A_177 = arith.cmpi sgt, %jit3A_167, %sign3A_176 : i32
    %sign3A_178 = arith.extui %sign3A_177 : i1 to i32
    %sign3A_179 = arith.constant 0 : i32
    %sign3A_180 = arith.cmpi slt, %jit3A_167, %sign3A_179 : i32
    %sign3A_181 = arith.extui %sign3A_180 : i1 to i32
    %sign3A_182 = arith.subi %sign3A_178, %sign3A_181 : i32
    %ne3A_183 = arith.cmpi ne, %sign3A_175, %sign3A_182 : i32
    %rem3A_184 = arith.remsi %select_n3A_166, %jit3A_167 : i32
    %ne3A_185 = arith.constant 0 : i32
    %ne3A_186 = arith.cmpi ne, %rem3A_184, %ne3A_185 : i32
    %and3A_187 = arith.andi %ne3A_183, %ne3A_186 : i1
    %sub3A_188 = arith.constant 1 : i32
    %sub3A_189 = arith.subi %div3A_168, %sub3A_188 : i32
    %select_n3A_190 = arith.select %and3A_187, %sub3A_189, %div3A_168 : i32
    %jit3A_191 = arith.constant 3 : i32
    %eq3A_192 = arith.constant 0 : i32
    %eq3A_193 = arith.cmpi eq, %jit3A_191, %eq3A_192 : i32
    %jit3A_194 = arith.constant 1 : i32
    %select_n3A_195 = arith.select %eq3A_193, %jit3A_194, %jit3A_191 : i32
    %rem3A_196 = arith.remsi %select_n3A_166, %select_n3A_195 : i32
    %ne3A_197 = arith.constant 0 : i32
    %ne3A_198 = arith.cmpi ne, %rem3A_196, %ne3A_197 : i32
    %lt3A_199 = arith.constant 0 : i32
    %lt3A_200 = arith.cmpi slt, %rem3A_196, %lt3A_199 : i32
    %lt3A_201 = arith.constant 0 : i32
    %lt3A_202 = arith.cmpi slt, %select_n3A_195, %lt3A_201 : i32
    %ne3A_203 = arith.xori %lt3A_200, %lt3A_202 : i1
    %and3A_204 = arith.andi %ne3A_203, %ne3A_198 : i1
    %add3A_205 = arith.addi %rem3A_196, %select_n3A_195 : i32
    %select_n3A_206 = arith.select %and3A_204, %add3A_205, %rem3A_196 : i32
    %mul3A_207 = arith.constant 2 : i32
    %mul3A_208 = arith.muli %select_n3A_150, %mul3A_207 : i32
    %add3A_209 = arith.addi %mul3A_208, %select_n3A_190 : i32
    %mul3A_210 = arith.constant 2 : i32
    %mul3A_211 = arith.muli %add3A_209, %mul3A_210 : i32
    %get3A_212 = arith.index_cast %mul3A_211 : i32 to index
    %get3A_213 = tpu.vector_load %arg5[%get3A_212] {strides = array<i32>} : memref<144xi32, #tpu.memory_space<vmem>>, vector<16xi32>,
    %slice3A_214 = vector.extract_strided_slice %get3A_213 {offsets = [0], sizes = [1], strides = [1]} : vector<16xi32> to vector<1xi32>
    %squeeze3A_215 = vector.extract %slice3A_214[0] : i32 from vector<1xi32>
    %slice3A_216 = vector.extract_strided_slice %get3A_213 {offsets = [1], sizes = [1], strides = [1]} : vector<16xi32> to vector<1xi32>
    %squeeze3A_217 = vector.extract %slice3A_216[0] : i32 from vector<1xi32>
    %jit3A_218 = arith.constant 8 : i32
    %div3A_219 = arith.divsi %squeeze3A_215, %jit3A_218 : i32
    %sign3A_220 = arith.constant 0 : i32
    %sign3A_221 = arith.cmpi sgt, %squeeze3A_215, %sign3A_220 : i32
    %sign3A_222 = arith.extui %sign3A_221 : i1 to i32
    %sign3A_223 = arith.constant 0 : i32
    %sign3A_224 = arith.cmpi slt, %squeeze3A_215, %sign3A_223 : i32
    %sign3A_225 = arith.extui %sign3A_224 : i1 to i32
    %sign3A_226 = arith.subi %sign3A_222, %sign3A_225 : i32
    %sign3A_227 = arith.constant 0 : i32
    %sign3A_228 = arith.cmpi sgt, %jit3A_218, %sign3A_227 : i32
    %sign3A_229 = arith.extui %sign3A_228 : i1 to i32
    %sign3A_230 = arith.constant 0 : i32
    %sign3A_231 = arith.cmpi slt, %jit3A_218, %sign3A_230 : i32
    %sign3A_232 = arith.extui %sign3A_231 : i1 to i32
    %sign3A_233 = arith.subi %sign3A_229, %sign3A_232 : i32
    %ne3A_234 = arith.cmpi ne, %sign3A_226, %sign3A_233 : i32
    %rem3A_235 = arith.remsi %squeeze3A_215, %jit3A_218 : i32
    %ne3A_236 = arith.constant 0 : i32
    %ne3A_237 = arith.cmpi ne, %rem3A_235, %ne3A_236 : i32
    %and3A_238 = arith.andi %ne3A_234, %ne3A_237 : i1
    %sub3A_239 = arith.constant 1 : i32
    %sub3A_240 = arith.subi %div3A_219, %sub3A_239 : i32
    %select_n3A_241 = arith.select %and3A_238, %sub3A_240, %div3A_219 : i32
    %mul3A_242 = arith.constant 8 : i32
    %mul3A_243 = arith.muli %select_n3A_241, %mul3A_242 : i32
    %multiple_of3A_244 = tpu.assume_multiple %mul3A_243, 8 : i32
    %sub3A_245 = arith.subi %squeeze3A_215, %multiple_of3A_244 : i32
    %mul3A_246 = arith.constant 2 : i32
    %mul3A_247 = arith.muli %select_n3A_150, %mul3A_246 : i32
    %add3A_248 = arith.addi %mul3A_247, %select_n3A_190 : i32
    %dma_wait3A = arith.constant 336 : i32
    %dma_wait3A_249 = arith.constant 0 : i32
    %dma_wait3A_250 = tpu.memref_slice %arg4[%add3A_248, %select_n3A_206, %dma_wait3A, %dma_wait3A_249] : memref<64x3x448x448xf32, #tpu.memory_space<hbm>> -> memref<1x1x56x448xf32, #tpu.memory_space<hbm>>
    %dma_wait3A_251 = tpu.memref_squeeze %dma_wait3A_250 : memref<1x1x56x448xf32, #tpu.memory_space<hbm>> -> memref<56x448xf32, #tpu.memory_space<hbm>>
    %dma_wait3A_252 = arith.constant 336 : i32
    %dma_wait3A_253 = arith.constant 0 : i32
    %dma_wait3A_254 = tpu.memref_slice %arg4[%add3A_248, %select_n3A_206, %dma_wait3A_252, %dma_wait3A_253] : memref<64x3x448x448xf32, #tpu.memory_space<hbm>> -> memref<1x1x56x448xf32, #tpu.memory_space<hbm>>
    %dma_wait3A_255 = tpu.memref_squeeze %dma_wait3A_254 : memref<1x1x56x448xf32, #tpu.memory_space<hbm>> -> memref<56x448xf32, #tpu.memory_space<hbm>>
    tpu.wait_dma2 semaphore(%arg12 : memref<!tpu.dma_semaphore, #tpu.memory_space<semaphore_mem>>) src(%arg8 : memref<56x448xf32, #tpu.memory_space<vmem>>) dst(%dma_wait3A_255 : memref<56x448xf32, #tpu.memory_space<hbm>>)
    %mul3A_256 = arith.constant 6 : i32
    %mul3A_257 = arith.muli %add3A, %mul3A_256 : i32
    %add3A_258 = arith.constant 5 : i32
    %add3A_259 = arith.addi %mul3A_257, %add3A_258 : i32
    %jit3A_260 = arith.constant 6 : i32
    %div3A_261 = arith.divsi %add3A_259, %jit3A_260 : i32
    %sign3A_262 = arith.constant 0 : i32
    %sign3A_263 = arith.cmpi sgt, %add3A_259, %sign3A_262 : i32
    %sign3A_264 = arith.extui %sign3A_263 : i1 to i32
    %sign3A_265 = arith.constant 0 : i32
    %sign3A_266 = arith.cmpi slt, %add3A_259, %sign3A_265 : i32
    %sign3A_267 = arith.extui %sign3A_266 : i1 to i32
    %sign3A_268 = arith.subi %sign3A_264, %sign3A_267 : i32
    %sign3A_269 = arith.constant 0 : i32
    %sign3A_270 = arith.cmpi sgt, %jit3A_260, %sign3A_269 : i32
    %sign3A_271 = arith.extui %sign3A_270 : i1 to i32
    %sign3A_272 = arith.constant 0 : i32
    %sign3A_273 = arith.cmpi slt, %jit3A_260, %sign3A_272 : i32
    %sign3A_274 = arith.extui %sign3A_273 : i1 to i32
    %sign3A_275 = arith.subi %sign3A_271, %sign3A_274 : i32
    %ne3A_276 = arith.cmpi ne, %sign3A_268, %sign3A_275 : i32
    %rem3A_277 = arith.remsi %add3A_259, %jit3A_260 : i32
    %ne3A_278 = arith.constant 0 : i32
    %ne3A_279 = arith.cmpi ne, %rem3A_277, %ne3A_278 : i32
    %and3A_280 = arith.andi %ne3A_276, %ne3A_279 : i1
    %sub3A_281 = arith.constant 1 : i32
    %sub3A_282 = arith.subi %div3A_261, %sub3A_281 : i32
    %select_n3A_283 = arith.select %and3A_280, %sub3A_282, %div3A_261 : i32
    %jit3A_284 = arith.constant 6 : i32
    %eq3A_285 = arith.constant 0 : i32
    %eq3A_286 = arith.cmpi eq, %jit3A_284, %eq3A_285 : i32
    %jit3A_287 = arith.constant 1 : i32
    %select_n3A_288 = arith.select %eq3A_286, %jit3A_287, %jit3A_284 : i32
    %rem3A_289 = arith.remsi %add3A_259, %select_n3A_288 : i32
    %ne3A_290 = arith.constant 0 : i32
    %ne3A_291 = arith.cmpi ne, %rem3A_289, %ne3A_290 : i32
    %lt3A_292 = arith.constant 0 : i32
    %lt3A_293 = arith.cmpi slt, %rem3A_289, %lt3A_292 : i32
    %lt3A_294 = arith.constant 0 : i32
    %lt3A_295 = arith.cmpi slt, %select_n3A_288, %lt3A_294 : i32
    %ne3A_296 = arith.xori %lt3A_293, %lt3A_295 : i1
    %and3A_297 = arith.andi %ne3A_296, %ne3A_291 : i1
    %add3A_298 = arith.addi %rem3A_289, %select_n3A_288 : i32
    %select_n3A_299 = arith.select %and3A_297, %add3A_298, %rem3A_289 : i32
    %jit3A_300 = arith.constant 3 : i32
    %div3A_301 = arith.divsi %select_n3A_299, %jit3A_300 : i32
    %sign3A_302 = arith.constant 0 : i32
    %sign3A_303 = arith.cmpi sgt, %select_n3A_299, %sign3A_302 : i32
    %sign3A_304 = arith.extui %sign3A_303 : i1 to i32
    %sign3A_305 = arith.constant 0 : i32
    %sign3A_306 = arith.cmpi slt, %select_n3A_299, %sign3A_305 : i32
    %sign3A_307 = arith.extui %sign3A_306 : i1 to i32
    %sign3A_308 = arith.subi %sign3A_304, %sign3A_307 : i32
    %sign3A_309 = arith.constant 0 : i32
    %sign3A_310 = arith.cmpi sgt, %jit3A_300, %sign3A_309 : i32
    %sign3A_311 = arith.extui %sign3A_310 : i1 to i32
    %sign3A_312 = arith.constant 0 : i32
    %sign3A_313 = arith.cmpi slt, %jit3A_300, %sign3A_312 : i32
    %sign3A_314 = arith.extui %sign3A_313 : i1 to i32
    %sign3A_315 = arith.subi %sign3A_311, %sign3A_314 : i32
    %ne3A_316 = arith.cmpi ne, %sign3A_308, %sign3A_315 : i32
    %rem3A_317 = arith.remsi %select_n3A_299, %jit3A_300 : i32
    %ne3A_318 = arith.constant 0 : i32
    %ne3A_319 = arith.cmpi ne, %rem3A_317, %ne3A_318 : i32
    %and3A_320 = arith.andi %ne3A_316, %ne3A_319 : i1
    %sub3A_321 = arith.constant 1 : i32
    %sub3A_322 = arith.subi %div3A_301, %sub3A_321 : i32
    %select_n3A_323 = arith.select %and3A_320, %sub3A_322, %div3A_301 : i32
    %jit3A_324 = arith.constant 3 : i32
    %eq3A_325 = arith.constant 0 : i32
    %eq3A_326 = arith.cmpi eq, %jit3A_324, %eq3A_325 : i32
    %jit3A_327 = arith.constant 1 : i32
    %select_n3A_328 = arith.select %eq3A_326, %jit3A_327, %jit3A_324 : i32
    %rem3A_329 = arith.remsi %select_n3A_299, %select_n3A_328 : i32
    %ne3A_330 = arith.constant 0 : i32
    %ne3A_331 = arith.cmpi ne, %rem3A_329, %ne3A_330 : i32
    %lt3A_332 = arith.constant 0 : i32
    %lt3A_333 = arith.cmpi slt, %rem3A_329, %lt3A_332 : i32
    %lt3A_334 = arith.constant 0 : i32
    %lt3A_335 = arith.cmpi slt, %select_n3A_328, %lt3A_334 : i32
    %ne3A_336 = arith.xori %lt3A_333, %lt3A_335 : i1
    %and3A_337 = arith.andi %ne3A_336, %ne3A_331 : i1
    %add3A_338 = arith.addi %rem3A_329, %select_n3A_328 : i32
    %select_n3A_339 = arith.select %and3A_337, %add3A_338, %rem3A_329 : i32
    %mul3A_340 = arith.constant 2 : i32
    %mul3A_341 = arith.muli %select_n3A_283, %mul3A_340 : i32
    %add3A_342 = arith.addi %mul3A_341, %select_n3A_323 : i32
    %mul3A_343 = arith.constant 2 : i32
    %mul3A_344 = arith.muli %add3A_342, %mul3A_343 : i32
    %get3A_345 = arith.index_cast %mul3A_344 : i32 to index
    %get3A_346 = tpu.vector_load %arg5[%get3A_345] {strides = array<i32>} : memref<144xi32, #tpu.memory_space<vmem>>, vector<16xi32>,
    %slice3A_347 = vector.extract_strided_slice %get3A_346 {offsets = [0], sizes = [1], strides = [1]} : vector<16xi32> to vector<1xi32>
    %squeeze3A_348 = vector.extract %slice3A_347[0] : i32 from vector<1xi32>
    %slice3A_349 = vector.extract_strided_slice %get3A_346 {offsets = [1], sizes = [1], strides = [1]} : vector<16xi32> to vector<1xi32>
    %squeeze3A_350 = vector.extract %slice3A_349[0] : i32 from vector<1xi32>
    %jit3A_351 = arith.constant 8 : i32
    %div3A_352 = arith.divsi %squeeze3A_348, %jit3A_351 : i32
    %sign3A_353 = arith.constant 0 : i32
    %sign3A_354 = arith.cmpi sgt, %squeeze3A_348, %sign3A_353 : i32
    %sign3A_355 = arith.extui %sign3A_354 : i1 to i32
    %sign3A_356 = arith.constant 0 : i32
    %sign3A_357 = arith.cmpi slt, %squeeze3A_348, %sign3A_356 : i32
    %sign3A_358 = arith.extui %sign3A_357 : i1 to i32
    %sign3A_359 = arith.subi %sign3A_355, %sign3A_358 : i32
    %sign3A_360 = arith.constant 0 : i32
    %sign3A_361 = arith.cmpi sgt, %jit3A_351, %sign3A_360 : i32
    %sign3A_362 = arith.extui %sign3A_361 : i1 to i32
    %sign3A_363 = arith.constant 0 : i32
    %sign3A_364 = arith.cmpi slt, %jit3A_351, %sign3A_363 : i32
    %sign3A_365 = arith.extui %sign3A_364 : i1 to i32
    %sign3A_366 = arith.subi %sign3A_362, %sign3A_365 : i32
    %ne3A_367 = arith.cmpi ne, %sign3A_359, %sign3A_366 : i32
    %rem3A_368 = arith.remsi %squeeze3A_348, %jit3A_351 : i32
    %ne3A_369 = arith.constant 0 : i32
    %ne3A_370 = arith.cmpi ne, %rem3A_368, %ne3A_369 : i32
    %and3A_371 = arith.andi %ne3A_367, %ne3A_370 : i1
    %sub3A_372 = arith.constant 1 : i32
    %sub3A_373 = arith.subi %div3A_352, %sub3A_372 : i32
    %select_n3A_374 = arith.select %and3A_371, %sub3A_373, %div3A_352 : i32
    %mul3A_375 = arith.constant 8 : i32
    %mul3A_376 = arith.muli %select_n3A_374, %mul3A_375 : i32
    %multiple_of3A_377 = tpu.assume_multiple %mul3A_376, 8 : i32
    %sub3A_378 = arith.subi %squeeze3A_348, %multiple_of3A_377 : i32
    %mul3A_379 = arith.constant 2 : i32
    %mul3A_380 = arith.muli %select_n3A_283, %mul3A_379 : i32
    %add3A_381 = arith.addi %mul3A_380, %select_n3A_323 : i32
    %dma_wait3A_382 = arith.constant 392 : i32
    %dma_wait3A_383 = arith.constant 0 : i32
    %dma_wait3A_384 = tpu.memref_slice %arg4[%add3A_381, %select_n3A_339, %dma_wait3A_382, %dma_wait3A_383] : memref<64x3x448x448xf32, #tpu.memory_space<hbm>> -> memref<1x1x56x448xf32, #tpu.memory_space<hbm>>
    %dma_wait3A_385 = tpu.memref_squeeze %dma_wait3A_384 : memref<1x1x56x448xf32, #tpu.memory_space<hbm>> -> memref<56x448xf32, #tpu.memory_space<hbm>>
    %dma_wait3A_386 = arith.constant 392 : i32
    %dma_wait3A_387 = arith.constant 0 : i32
    %dma_wait3A_388 = tpu.memref_slice %arg4[%add3A_381, %select_n3A_339, %dma_wait3A_386, %dma_wait3A_387] : memref<64x3x448x448xf32, #tpu.memory_space<hbm>> -> memref<1x1x56x448xf32, #tpu.memory_space<hbm>>
    %dma_wait3A_389 = tpu.memref_squeeze %dma_wait3A_388 : memref<1x1x56x448xf32, #tpu.memory_space<hbm>> -> memref<56x448xf32, #tpu.memory_space<hbm>>
    tpu.wait_dma2 semaphore(%arg13 : memref<!tpu.dma_semaphore, #tpu.memory_space<semaphore_mem>>) src(%arg9 : memref<56x448xf32, #tpu.memory_space<vmem>>) dst(%dma_wait3A_389 : memref<56x448xf32, #tpu.memory_space<hbm>>)
    return
  }
}

</mosaic_0001>

<sc_bundles>
// kernel: kernel.3.cloned.1.call-start
scs
__scs_entry_jumppad:
0x0: {  	(pc) =	sbr.rel $0x88, $3  }
0x1: {  	(tag) =	ssettag $0x0;
	lr =	simm.s32 $0x1  }
0x2: {  	[smem:$0x3F9F] =	sst lr;
	_ =	strace $0xD0000000  }
0x3: {  	_ = 	snop  }
0x4: {  	_ = 	snop  }
0x5: {  	_ = 	snop  }
0x6: {  	_ = 	snop  }
0x7: {  	_ = 	snop  }
__scs_overlays_trampoline_lowered:
0x8: {  	[smem:$0x3FAE] =	sst s0  }
0x9: {  	[smem:$0x3FAF] =	sst s1  }
0xa: {  	[smem:$0x3FB0] =	sst s2  }
0xb: {  	[smem:$0x3FB1] =	sst s3  }
0xc: {  	[smem:$0x3FB2] =	sst s4  }
0xd: {  	[smem:$0x3FB3] =	sst s5  }
0xe: {  	[smem:$0x3FB4] =	sst s6  }
0xf: {  	[smem:$0x3FB5] =	sst s7  }
0x10: {  	[smem:$0x3FB6] =	sst s8  }
0x11: {  	[smem:$0x3FB7] =	sst s9;
	s0 =	simm.s32 @!p0 $0x0  }
0x12: {  	s1 =	sld [smem:$0x3F9D];
	s0 =	simm.s32 @p0 $0x1  }
0x13: {  	[smem:$0x3FB8] =	sst s0;
	s0 =	simm.s32 @!p1 $0x0  }
0x14: {  	s2 =	sld [smem:$0x3F9C];
	s0 =	simm.s32 @p1 $0x1  }
0x15: {  	[smem:$0x3FB9] =	sst s0;
	s0 =	simm.s32 @!p2 $0x0  }
0x16: {  	s3 =	sld [smem:$0x3FDB];
	s0 =	simm.s32 @p2 $0x1  }
0x17: {  	s4 =	simm.s32 $0x1BF5;
	[smem:$0x3FBB] =	sst s0  }
0x18: {  	s0 =	sld [smem:$0x3F9E];
	_ =	swait.ge [sflag:s4], $0x0  }
0x19: {  	s7 =	sld [smem:$0x3F9F]  }
0x1a: {  	s8 =	sadd.s32 $0xFFFFE003, lr  }
0x1b: {  	s9 =	sadd.s32 $0xFFFFFEF7, lr;
	s5 =	simm.s32 $0xFFFFFFFF;
	p2 =	slt.u32 s8, $0xFFFFF086  }
0x1c: {  	p1 =	slt.u32 s9, $0xF7A;
	s5 =	simm.s32 @!p2 $0x0  }
0x1d: {  	s5 =	simm.s32 @p1 $0x1;
	p0 =	seq.s32 s7, s2  }
0x1e: {  	s7 =	smul.u32 @!p0 $0xF7A, s2;
	p2 =	seq.s32 @!p0 s5, $0x0  }
0x1f: {  	s9 =	smul.u32 $0xF7A, s1;
	s8 =	simm.s32 @!p0 $0x1BF5;
	p2 =	por !p2, p0  }
0x20: {  	[sflag:s8] =	ssyncset.s32 @!p0 $0xFFFFF086;
	s6 =	sadd.s32 @!p0 s3, s7;
	s7 =	simm.s32 @!p0 $0x108  }
0x21: {  	s3 =	sadd.s32 s3, s9;
	s6 =	sadd.s32 @!p0 $0x88, s6;
	s7 =	simm.s32 @p2 $0x1082  }
0x22: {  	[simem:s7], [sflag:s8] =	dma.local @!p0 [hbm:s6], $0xF7A  }
0x23: {  	s9 =	sor.u32 $0xD0000000, s2;
	s6 =	simm.s32 $0x108;
	_ =	swait.ge @!p0 [sflag:s8], $0x0  }
0x24: {  	s3 =	sadd.s32 $0x88, s3;
	s6 =	simm.s32 @!p1 $0x1082;
	[sflag:s4] =	ssyncset.s32 $0xFFFFF086  }
0x25: {  	[simem:s6], [sflag:s4] =	dma.local [hbm:s3], $0xF7A  }
0x26: {  	[smem:$0x3F9F] =	sst s1;
	(tag) =	ssettag s2;
	_ =	strace s9  }
0x27: {  	s1 =	sld [smem:$0x3FAF]  }
0x28: {  	s2 =	sld [smem:$0x3FB0]  }
0x29: {  	s4 =	sld [smem:$0x3FB2]  }
0x2a: {  	p0 =	seq.s32 s5, $0x0;
	s5 =	sld [smem:$0x3FB3]  }
0x2b: {  	s6 =	sld [smem:$0x3FB4]  }
0x2c: {  	s7 =	sld [smem:$0x3FB5]  }
0x2d: {  	s3 =	simm.s32 $0x108;
	s8 =	sld [smem:$0x3FB6]  }
0x2e: {  	s3 =	simm.s32 @!p0 $0x1082;
	s9 =	sld [smem:$0x3FB7]  }
0x2f: {  	lr =	sadd.s32 s0, s3;
	s0 =	sld [smem:$0x3FAE]  }
0x30: {  	s3 =	sld [smem:$0x3FB1]  }
0x31: {  	[smem:$0x3FBA] =	sst s10  }
0x32: {  	s10 =	sld [smem:$0x3FB8];
	_ =	sdelay $0x3  }
0x33: {  	p0 =	seq.s32 s10, $0x1;
	s10 =	sld [smem:$0x3FBA];
	_ =	sdelay $0x3  }
0x34: {  	[smem:$0x3FBA] =	sst s10  }
0x35: {  	s10 =	sld [smem:$0x3FB9];
	_ =	sdelay $0x3  }
0x36: {  	p1 =	seq.s32 s10, $0x1;
	s10 =	sld [smem:$0x3FBA];
	_ =	sdelay $0x3  }
0x37: {  	[smem:$0x3FBA] =	sst s10  }
0x38: {  	s10 =	sld [smem:$0x3FBB]  }
0x39: {  	_ = 	snop;
	(pc) =	sbr.ind lr, $3  }
0x3a: {  	_ = 	snop  }
0x3b: {  	_ = 	snop  }
0x3c: {  	p2 =	seq.s32 s10, $0x1;
	s10 =	sld [smem:$0x3FBA]  }
0x3d: {  	_ =	shalt  }
0x3e: {  	_ =	shalt  }
0x3f: {  	_ =	shalt  }
0x40: {  	_ =	shalt  }
0x41: {  	_ =	shalt  }
0x42: {  	_ =	shalt  }
0x43: {  	_ =	shalt  }
0x44: {  	_ =	shalt  }
0x45: {  	_ =	shalt  }
0x46: {  	_ =	shalt  }
0x47: {  	_ =	shalt  }
0x48: {  	_ =	shalt  }
0x49: {  	_ =	shalt  }
0x4a: {  	_ =	shalt  }
0x4b: {  	_ =	shalt  }
0x4c: {  	_ =	shalt  }
0x4d: {  	_ =	shalt  }
0x4e: {  	_ =	shalt  }
0x4f: {  	_ =	shalt  }
0x50: {  	_ =	shalt  }
0x51: {  	_ =	shalt  }
0x52: {  	_ =	shalt  }
0x53: {  	_ =	shalt  }
0x54: {  	_ =	shalt  }
0x55: {  	_ =	shalt  }
0x56: {  	_ =	shalt  }
0x57: {  	_ =	shalt  }
0x58: {  	_ =	shalt  }
0x59: {  	_ =	shalt  }
0x5a: {  	_ =	shalt  }
0x5b: {  	_ =	shalt  }
0x5c: {  	_ =	shalt  }
0x5d: {  	_ =	shalt  }
0x5e: {  	_ =	shalt  }
0x5f: {  	_ =	shalt  }
0x60: {  	_ =	shalt  }
0x61: {  	_ =	shalt  }
0x62: {  	_ =	shalt  }
0x63: {  	_ =	shalt  }
0x64: {  	_ =	shalt  }
0x65: {  	_ =	shalt  }
0x66: {  	_ =	shalt  }
0x67: {  	_ =	shalt  }
0x68: {  	_ =	shalt  }
0x69: {  	_ =	shalt  }
0x6a: {  	_ =	shalt  }
0x6b: {  	_ =	shalt  }
0x6c: {  	_ =	shalt  }
0x6d: {  	_ =	shalt  }
0x6e: {  	_ =	shalt  }
0x6f: {  	_ =	shalt  }
0x70: {  	_ =	shalt  }
0x71: {  	_ =	shalt  }
0x72: {  	_ =	shalt  }
0x73: {  	_ =	shalt  }
0x74: {  	_ =	shalt  }
0x75: {  	_ =	shalt  }
0x76: {  	_ =	shalt  }
0x77: {  	_ =	shalt  }
0x78: {  	_ =	shalt  }
0x79: {  	_ =	shalt  }
0x7a: {  	_ =	shalt  }
0x7b: {  	_ =	shalt  }
0x7c: {  	_ =	shalt  }
0x7d: {  	_ =	shalt  }
0x7e: {  	_ =	shalt  }
0x7f: {  	_ =	shalt  }
0x80: {  	_ =	shalt  }
0x81: {  	_ =	shalt  }
0x82: {  	_ =	shalt  }
0x83: {  	_ =	shalt  }
0x84: {  	_ =	shalt  }
0x85: {  	_ =	shalt  }
0x86: {  	_ =	shalt  }
0x87: {  	_ =	shalt  }
.Lfunc_end0:
.L_simem_size_0:
called_computation_lowered:
.L_overlay_start_0:
0x88: {  	s2 =	sld [smem:$0x3FD9]  }
0x89: {  	s3 =	sld [smem:$0x3FFE];
	_ =	sdelay $0x1  }
0x8a: {  	s1 =	srdreg.scid  }
0x8b: {  	s0 =	sand.u32 $0x1, s1  }
0x8c: {  	s17 =	sshll.u32 s0, $0xA;
	s2 =	sadd.s32 s3, s2  }
0x8d: {  	s2 =	sadd.s32 s2, s17  }
0x8e: {  	[smem:$0x3FC6] =	sst s2  }
0x8f: {  	_ = 	snop  }
0x90: {  	s2 =	sld [smem:$0x3FC9]  }
0x91: {  	s18 =	sld [smem:$0x3FD0];
	(tm) =	ssettm $0x1  }
0x92: {  	s4 =	sld [smem:$0x3FFB];
	_ =	sdelay $0x3  }
0x93: {  	_ =	strace s4  }
0x94: {  	s4 =	sld [smem:$0x3FFC];
	_ =	sdelay $0x3  }
0x95: {  	_ =	strace s4  }
0x96: {  	s4 =	sld [smem:$0x3FFD];
	_ =	sdelay $0x3  }
0x97: {  	_ =	strace s4  }
0x98: {  	_ =	strace $0x8FFFFFFF  }
0x99: {  	s19 =	sld [smem:$0x3FDB];
	_ =	sdelay $0x1  }
0x9a: {  	s5 =	simm.s32 $_scs_section_size  }
0x9b: {  	s6 =	simm.s32 $_size__tile_overlayer_lowered;
	s7 =	simm.s32 $_tile_overlayer_lowered  }
0x9c: {  	s22 =	simm.s32 $0x1BFF;
	s21 =	sshll.u32 s7, $0x1;
	s4 =	sadd.s32 s5, s19  }
0x9d: {  	s8 =	simm.s32 $0x0;
	s20 =	sshll.u32 s6, $0x1;
	s6 =	sadd.s32 s21, s4  }
0x9e: {  	[timem:s8], [sflag:s22] =	dma.local [hbm:s6], s20  }
0x9f: {  	_ =	swait.ge [sflag:s22], s20  }
0xa0: {  	s5 =	ssub.s32 $0x0, s20;
	[sflag:s22] =	ssyncset.done $0x0  }
0xa1: {  	[sflag:s22] =	ssyncadd.s32 s5;
	_ =	sdelay $0x1  }
0xa2: {  	s23 =	simm.s32 $0x1B8B  }
0xa3: {  	_ =	swait.ge [sflag:s23], $0x1  }
0xa4: {  	[sflag:s23] =	ssyncset.done $0x0  }
0xa5: {  	s25 =	simm.s32 $0x1B8E;
	s24 =	sld [smem:$0x3FFE];
	[sflag:s23] =	ssyncadd.s32 $0xFFFFFFFF  }
0xa6: {  	s26 =	simm.s32 $execute0_lowered;
	[smem:$0x3FD2] =	sst s25  }
0xa7: {  	s6 =	sshll.u32 s26, $0x1;
	_ =	strace $0x80000046;
	[dreg:$0x1] =	wrdreg $0xFFFFFFFF  }
0xa8: {  	s28 =	simm.s32 $_size_execute0_lowered;
	s4 =	sadd.s32 s4, s6;
	[dreg:$0x0] =	wrdreg $0x0  }
0xa9: {  	s6 =	sshll.u32 s28, $0x1;
	[dreg:$0x2] =	wrdreg s4  }
0xaa: {  	[dreg:$0x3] =	wrdreg s6  }
0xab: {  	[dreg:$0x4] =	wrdreg $0xC0  }
0xac: {  	_ =	task [dreg:s8], $0x5FFFF  }
0xad: {  	[dreg:$0x1] =	wrdreg $0xFFFFFFFF  }
0xae: {  	[dreg:$0x0] =	wrdreg $0x60  }
0xaf: {  	[dreg:$0x2] =	wrdreg s24  }
0xb0: {  	[dreg:$0x3] =	wrdreg s2  }
0xb1: {  	[dreg:$0x4] =	wrdreg s18  }
0xb2: {  	[dreg:$0x5] =	wrdreg $0x9  }
0xb3: {  	_ =	task.clear_ibuf [dreg:s8], $0x6FFFF;
	_ =	strace $0x90000046  }
0xb4: {  	s29 =	simm.s32 $0x9;
	_ =	strace $0x80000048  }
0xb5: {  	_ =	swait.ge [sflag:s29], $0x1  }
0xb6: {  	[sflag:s29] =	ssyncadd.s32 $0xFFFFFFFF  }
0xb7: {  	_ =	strace $0x90000048  }
0xb8: {  	_ =	sfence  }
0xb9: {  	s30 =	sld [smem:$0x0];
	_ =	sdelay $0x2  }
0xba: {  	s31 =	sshll.u32 s1, $0xD;
	s1 =	sshrl.u32 s1, $0x2  }
0xbb: {  	s3 =	sand.u32 $0x4000, s31;
	s1 =	sadd.s32 s1, s30  }
0xbc: {  	s0 =	sor.u32 s3, s0;
	s1 =	sshll.u32 s1, $0x11  }
0xbd: {  	s0 =	sor.u32 s1, s0  }
0xbe: {  	s0 =	sadd.s32 $0x8F2B, s0  }
0xbf: {  	[sflag:s0] =	ssyncadd.remote.s32 $0x1  }
0xc0: {  	_ =	sfence.sel $0xFFFF  }
0xc1: {  	[dreg:$0x0] =	wrdreg $0xFFFFFFFF;
	(pc) =	sbr.abs _section_cstart, $3  }
0xc2: {  	[dreg:$0x1] =	wrdreg $0xFFFFFFFF  }
0xc3: {  	_ =	task.clear_ibuf [dreg:s8], $0x2FFFF;
	_ =	strace $0x9FFFFFFF  }
0xc4: {  	(tm) =	ssettm $0x7FFFFFFF  }
0xc5: {  	_ =	shalt  }
tec
execute0_lowered:
.L_overlay_start_1:
0x0: {  	(tag) =	ssettag $0x1  }
0x1: {  	v0 =	vlaneseq.u32  }
0x2: {  	v1 =	vor.u32 $0x10, v0  }
0x3: {  	v39 =	vor.u32 $0x20, v0;
	[tilespmem:$0x1FE50] =	vst v1  }
0x4: {  	v40 =	vor.u32 $0x30, v0;
	[tilespmem:$0x1FE60] =	vst v39  }
0x5: {  	v41 =	vor.u32 $0x40, v0;
	[tilespmem:$0x1FE70] =	vst v40  }
0x6: {  	s0 =	rddreg [dreg:$0x0];
	v42 =	vor.u32 $0x50, v0;
	[tilespmem:$0x1FE80] =	vst v41  }
0x7: {  	s1 =	rddreg [dreg:$0x1];
	s4 =	simm.s32 $0x0;
	v43 =	vor.u32 $0x60, v0;
	[tilespmem:$0x1FE90] =	vst v42  }
0x8: {  	[smem:$0x7FF] =	sst s4;
	v44 =	vor.u32 $0x70, v0;
	[tilespmem:$0x1FEA0] =	vst v43  }
0x9: {  	s2 =	rddreg [dreg:$0x2];
	v45 =	vor.u32 $0x80, v0;
	_ =	strace $0x80000047;
	[tilespmem:$0x1FEB0] =	vst v44  }
0xa: {  	v46 =	vor.u32 $0x90, v0;
	[tilespmem:$0x1FEC0] =	vst v45  }
0xb: {  	v47 =	vor.u32 $0xA0, v0;
	[tilespmem:$0x1FED0] =	vst v46  }
0xc: {  	v48 =	vor.u32 $0xB0, v0;
	[tilespmem:$0x1FEE0] =	vst v47  }
0xd: {  	v49 =	vor.u32 $0xC0, v0;
	[tilespmem:$0x1FEF0] =	vst v48  }
0xe: {  	v50 =	vor.u32 $0xD0, v0;
	[tilespmem:$0x1FF00] =	vst v49  }
0xf: {  	v51 =	vor.u32 $0xE0, v0;
	[tilespmem:$0x1FF10] =	vst v50  }
0x10: {  	v52 =	vor.u32 $0xF0, v0;
	[tilespmem:$0x1FF20] =	vst v51  }
0x11: {  	v53 =	vor.u32 $0x100, v0;
	[tilespmem:$0x1FF30] =	vst v52  }
0x12: {  	v54 =	vor.u32 $0x110, v0;
	[tilespmem:$0x1FF40] =	vst v53  }
0x13: {  	v55 =	vor.u32 $0x120, v0;
	[tilespmem:$0x1FF50] =	vst v54  }
0x14: {  	v56 =	vor.u32 $0x130, v0;
	[tilespmem:$0x1FF60] =	vst v55  }
0x15: {  	s3 =	srdreg.scid;
	s5 =	stileid.u32;
	s11 =	simm.s32 $0x1;
	v57 =	vor.u32 $0x140, v0;
	[tilespmem:$0x1FF70] =	vst v56  }
0x16: {  	s12 =	simm.s32 $0x100;
	s13 =	simm.s32 $0x2;
	s14 =	simm.s32 $0x8100;
	v58 =	vor.u32 $0x150, v0;
	[tilespmem:$0x1FF80] =	vst v57  }
0x17: {  	s15 =	simm.s32 $0x10100;
	s3 =	sand.u32 $0x1, s3;
	s5 =	sshll.u32 s5, $0x1;
	v59 =	vor.u32 $0x160, v0;
	[tilespmem:$0x1FF90] =	vst v58  }
0x18: {  	s0 =	sadd.s32 $0x400, s0;
	v60 =	vor.u32 $0x170, v0;
	s7 =	ssub.s32 $0x2, s3;
	s3 =	sor.u32 s3, s5;
	[tilespmem:$0x1FFA0] =	vst v59  }
0x19: {  	s16 =	simm.s32 $0x4;
	v61 =	vor.u32 $0x180, v0;
	[dreg:$0x4] =	wrdreg s0;
	s5 =	smul.u32 $0xC0000, s3;
	[tilespmem:$0x1FFB0] =	vst v60  }
0x1a: {  	v62 =	vor.u32 $0x190, v0;
	s30 =	sshrl.u32 s7, $0x1;
	s6 =	smul.u32 $0x6, s3;
	s3 =	sshll.u32 s3, $0x4;
	[tilespmem:$0x1FFC0] =	vst v61  }
0x1b: {  	v63 =	vor.u32 $0x1A0, v0;
	[tilespmem:$0x1FFD0] =	vst v62;
	s0 =	ssub.s32 s7, s30;
	s31 =	sshrl.u32 s3, $0x2;
	[dreg:$0x5] =	wrdreg s5  }
0x1c: {  	s17 =	simm.s32 $0x17100;
	v0 =	vor.u32 $0x1B0, v0;
	[tilespmem:$0x1FFE0] =	vst v63;
	s0 =	smax.u32 s0, $0x1;
	[dreg:$0x7] =	wrdreg s31  }
0x1d: {  	s18 =	simm.s32 $0x3;
	s19 =	simm.s32 $0x0;
	[tilespmem:$0x1FFF0] =	vst v0;
	[dreg:$0x6] =	wrdreg s0  }
.LBB2_1:
0x1e: {  	s0 =	rddreg [dreg:$0x4];
	s26 =	simm.s32 $0x5  }
0x1f: {  	[tilespmem:s4], [sflag:$0x5] =	stream.linear.gather [hbm4b:s0+s4], $0x80, $0x38;
	[tilespmem:$0x1E100] =	vst v63  }
0x20: {  	_ =	swait.ge [sflag:s26], $0x80  }
0x21: {  	[sflag:s26] =	ssyncset.done $0x0  }
0x22: {  	s28 =	rddreg [dreg:$0x7];
	[sflag:s26] =	ssyncadd.s32 $0xFFFFFF80  }
0x23: {  	v0 =	vld [tilespmem:s28+$0x0];
	_ =	sdelay $0x4  }
0x24: {  	(v2sf) =	vpush v0, $0x0;
	_ =	sdelay $0xe  }
0x25: {  	s29 =	spop (v2sf)  }
0x26: {  	s3 =	sand.u32 $0x7, s29  }
0x27: {  	s30 =	sshra.s32 s29, $0x1F;
	p1 =	slt.s32 s29, $0x1;
	p0 =	sne.s32 s3, $0x0  }
0x28: {  	s3 =	sshrl.u32 s30, $0x1D;
	p0 =	por !p1, !p0  }
0x29: {  	s0 =	sadd.s32 s3, s29;
	s3 =	simm.s32 $0x1;
	p0 =	por !p0, !p0  }
0x2a: {  	s0 =	sshrl.u32 s0, $0x3;
	s3 =	simm.s32 @!p0 $0x0  }
0x2b: {  	s0 =	ssub.s32 s0, s3  }
0x2c: {  	s31 =	rddreg [dreg:$0x5];
	s0 =	sshll.u32 s0, $0xC  }
0x2d: {  	s0 =	sadd.s32 s31, s0  }
0x2e: {  	s0 =	sshrl.u32 s0, $0x3  }
0x2f: {  	s20 =	simm.s32 $0x0;
	s0 =	sadd.s32 s1, s0  }
0x30: {  	[tilespmem:s12], [sflag:$0x1] =	stream.linear.gather [hbm4b:s0+s4], $0x8000, $0x38;
	[tilespmem:$0x1E100] =	vst v63  }
.LBB2_2:
0x31: {  	s0 =	sshrl.u32 s20, $0x2  }
0x32: {  	s0 =	sadd.s32 s6, s0  }
0x33: {  	s3 =	smulhi.u32 $0xAAAAAAAB, s0;
	_ =	sdelay $0x1  }
0x34: {  	s5 =	sshrl.u32 s3, $0x2  }
0x35: {  	s7 =	smul.u32 $0x6, s5;
	_ =	sdelay $0x1  }
0x36: {  	s0 =	ssub.s32 s0, s7  }
0x37: {  	s7 =	simm.s32 $0x2;
	p0 =	sgt.u32 s0, $0x2  }
0x38: {  	s3 =	sand.u32 $0x3FFFFFFC, s3;
	s7 =	simm.s32 @!p0 $0x0  }
0x39: {  	s3 =	sor.u32 s7, s3  }
0x3a: {  	v0 =	vld [tilespmem:s3+$0x0];
	_ =	sdelay $0x4  }
0x3b: {  	(v2sf) =	vpush v0, $0x0;
	_ =	sdelay $0xb  }
0x3c: {  	s24 =	sshll.u32 s20, $0x1  }
0x3d: {  	s23 =	sand.u32 $0x6, s24  }
0x3e: {  	s21 =	sor.u32 $0x1, s23  }
0x3f: {  	s9 =	smul.u32 $0x7, s21;
	s8 =	spop (v2sf)  }
0x40: {  	s26 =	sadd.s32 $0xFFFFFFFD, s0;
	s10 =	sshra.s32 s8, $0x1F;
	s22 =	sand.u32 $0x7, s8  }
0x41: {  	p1 =	slt.s32 s8, $0x1;
	s10 =	sshrl.u32 s10, $0x1D;
	p2 =	sne.s32 s22, $0x0  }
0x42: {  	s25 =	smin.u32 s0, s26;
	s8 =	sadd.s32 s10, s8;
	p1 =	por !p1, !p2  }
0x43: {  	s10 =	simm.s32 $0x1;
	s8 =	sshrl.u32 s8, $0x3;
	p1 =	por !p1, !p1  }
0x44: {  	s3 =	smul.u32 $0xC0000, s5;
	s22 =	sadd.s32 s9, s8;
	s10 =	simm.s32 @!p1 $0x0  }
0x45: {  	s7 =	sshll.u32 s25, $0x12;
	s0 =	ssub.s32 s22, s10  }
0x46: {  	s3 =	sadd.s32 s3, s7;
	s0 =	sshll.u32 s0, $0xC  }
0x47: {  	s0 =	sadd.s32 s0, s3  }
0x48: {  	s0 =	sshrl.u32 s0, $0x3  }
0x49: {  	s0 =	sadd.s32 s1, s0  }
0x4a: {  	[tilespmem:s14], [sflag:$0x2] =	stream.linear.gather [hbm4b:s0+s4], $0x8000, $0x38;
	[tilespmem:$0x1E100] =	vst v63  }
0x4b: {  	s0 =	simm.s32 $0x1;
	_ =	swait.ge [sflag:s11], $0x8000  }
0x4c: {  	s0 =	simm.s32 @!p0 $0x0;
	p0 =	seq.s32 s20, $0x0;
	[sflag:s11] =	ssyncset.done $0x0  }
0x4d: {  	s26 =	sshll.u32 s5, $0x1;
	s5 =	simm.s32 @!p0 $0x3;
	[sflag:s11] =	ssyncadd.s32 $0xFFFF8000  }
0x4e: {  	s26 =	sor.u32 s0, s26;
	_ =	swait.ge @!p0 [sflag:s5], $0x7000  }
0x4f: {  	s0 =	sshll.u32 s26, $0x3;
	[sflag:s5] =	ssyncset.done @!p0 $0x0  }
0x50: {  	s22 =	sshrl.u32 s0, $0x2;
	[sflag:s5] =	ssyncadd.s32 @!p0 $0xFFFF9000  }
0x51: {  	v60 =	vld [tilespmem:s22+$0x0];
	_ =	sdelay $0x2  }
0x52: {  	v2 =	vld [tilespmem:$0x1FE60];
	_ =	sdelay $0x1  }
0x53: {  	v10 =	vld [tilespmem:$0x1FE90];
	v16 =	vbroadcast v60, $0x1  }
0x54: {  	v61 =	vlaneseq.u32;
	v62 =	vld [tilespmem:$0x1FE50]  }
0x55: {  	v18 =	vld [tilespmem:$0x1FEC0];
	v0 =	vadd.s32 v61, v16  }
0x56: {  	v2 =	vadd.s32 v2, v16;
	v1 =	vand.u32 $0x7F, v0  }
0x57: {  	v25 =	vld [tilespmem:$0x1FEF0];
	v0 =	vshll.u32 v0, $0x3;
	v5 =	vand.u32 $0x7F, v2;
	[tilespmem:$0x1FAD0] =	vst v1  }
0x58: {  	v4 =	vshll.u32 v2, $0x3;
	v2 =	vadd.s32 v10, v16;
	v0 =	vand.u32 $0xFFFFFC00, v0;
	[tilespmem:$0x1FB10] =	vst v5  }
0x59: {  	v8 =	vld [tilespmem:$0x1FE80];
	v1 =	vadd.s32 v62, v16;
	v11 =	vshll.u32 v2, $0x3;
	v12 =	vand.u32 $0x7F, v2;
	[tilespmem:$0x1FAE0] =	vst v0  }
0x5a: {  	v32 =	vld [tilespmem:$0x1FF20];
	v2 =	vadd.s32 v18, v16;
	v63 =	vshll.u32 v1, $0x3;
	v1 =	vand.u32 $0x7F, v1;
	[tilespmem:$0x1FB70] =	vst v12  }
0x5b: {  	v39 =	vld [tilespmem:$0x1FF50];
	v20 =	vand.u32 $0x7F, v2;
	[tilespmem:$0x1FAF0] =	vst v1  }
0x5c: {  	v6 =	vld [tilespmem:$0x1FE70];
	v19 =	vshll.u32 v2, $0x3;
	v2 =	vadd.s32 v25, v16;
	v0 =	vand.u32 $0xFFFFFC00, v63;
	[tilespmem:$0x1FBD0] =	vst v20  }
0x5d: {  	v15 =	vld [tilespmem:$0x1FEB0];
	v27 =	vand.u32 $0x7F, v2;
	[tilespmem:$0x1FB00] =	vst v0  }
0x5e: {  	v44 =	vld [tilespmem:$0x1FF70];
	v1 =	vadd.s32 v8, v16;
	v26 =	vshll.u32 v2, $0x3;
	v0 =	vand.u32 $0xFFFFFC00, v4;
	[tilespmem:$0x1FC30] =	vst v27  }
0x5f: {  	v10 =	vld [tilespmem:$0x1FFB0];
	v2 =	vadd.s32 v32, v16;
	v9 =	vshll.u32 v1, $0x3;
	v1 =	vand.u32 $0x7F, v1;
	[tilespmem:$0x1FB20] =	vst v0  }
0x60: {  	v33 =	vshll.u32 v2, $0x3;
	v34 =	vand.u32 $0x7F, v2;
	v2 =	vadd.s32 v39, v16;
	[tilespmem:$0x1FB50] =	vst v1  }
0x61: {  	v0 =	vadd.s32 v6, v16;
	[tilespmem:$0x1FC90] =	vst v34;
	v41 =	vand.u32 $0x7F, v2  }
0x62: {  	v18 =	vld [tilespmem:$0x1FFF0];
	v1 =	vadd.s32 v15, v16;
	v40 =	vshll.u32 v2, $0x3;
	v7 =	vand.u32 $0x7F, v0;
	[tilespmem:$0x1FCF0] =	vst v41  }
0x63: {  	v2 =	vadd.s32 v44, v16;
	v17 =	vshll.u32 v1, $0x3;
	v1 =	vand.u32 $0x7F, v1;
	[tilespmem:$0x1FB30] =	vst v7  }
0x64: {  	v23 =	vld [tilespmem:$0x1FEE0];
	v10 =	vadd.s32 v10, v16;
	v46 =	vand.u32 $0x7F, v2;
	[tilespmem:$0x1FBB0] =	vst v1  }
0x65: {  	v0 =	vshll.u32 v0, $0x3;
	v54 =	vand.u32 $0x7F, v10;
	[tilespmem:$0x1FD30] =	vst v46  }
0x66: {  	v8 =	vld [tilespmem:$0x1FFA0];
	v3 =	vshll.u32 v2, $0x3;
	v0 =	vand.u32 $0xFFFFFC00, v0;
	[tilespmem:$0x1FDB0] =	vst v54  }
0x67: {  	v30 =	vld [tilespmem:$0x1FF10];
	v18 =	vadd.s32 v18, v16;
	v47 =	vand.u32 $0xFFFFFC00, v3;
	[tilespmem:$0x1FB40] =	vst v0  }
0x68: {  	v4 =	vld [tilespmem:$0x1FF80];
	v62 =	vand.u32 $0x7F, v18;
	[tilespmem:$0x1FD40] =	vst v47  }
0x69: {  	v1 =	vadd.s32 v23, v16;
	v0 =	vand.u32 $0xFFFFFC00, v9;
	[tilespmem:$0x1FE30] =	vst v62  }
0x6a: {  	v24 =	vshll.u32 v1, $0x3;
	v1 =	vand.u32 $0x7F, v1;
	[tilespmem:$0x1FB60] =	vst v0  }
0x6b: {  	v13 =	vld [tilespmem:$0x1FEA0];
	v8 =	vadd.s32 v8, v16;
	v0 =	vand.u32 $0xFFFFFC00, v11;
	[tilespmem:$0x1FC10] =	vst v1  }
0x6c: {  	v1 =	vadd.s32 v30, v16;
	v52 =	vand.u32 $0x7F, v8;
	[tilespmem:$0x1FB80] =	vst v0  }
0x6d: {  	v6 =	vld [tilespmem:$0x1FF90];
	v4 =	vadd.s32 v4, v16;
	v31 =	vshll.u32 v1, $0x3;
	v1 =	vand.u32 $0x7F, v1;
	[tilespmem:$0x1FD90] =	vst v52  }
0x6e: {  	v12 =	vld [tilespmem:$0x1FFC0];
	v9 =	vshll.u32 v8, $0x3;
	v48 =	vand.u32 $0x7F, v4;
	[tilespmem:$0x1FC70] =	vst v1  }
0x6f: {  	v11 =	vshll.u32 v10, $0x3;
	v53 =	vand.u32 $0xFFFFFC00, v9;
	[tilespmem:$0x1FD50] =	vst v48  }
0x70: {  	v37 =	vld [tilespmem:$0x1FF40];
	v0 =	vadd.s32 v13, v16;
	v55 =	vand.u32 $0xFFFFFC00, v11;
	[tilespmem:$0x1FDA0] =	vst v53  }
0x71: {  	v5 =	vshll.u32 v4, $0x3;
	v14 =	vand.u32 $0x7F, v0;
	[tilespmem:$0x1FDC0] =	vst v55  }
0x72: {  	v7 =	vadd.s32 v6, v16;
	v49 =	vand.u32 $0xFFFFFC00, v5;
	[tilespmem:$0x1FB90] =	vst v14  }
0x73: {  	v13 =	vadd.s32 v12, v16;
	v50 =	vand.u32 $0x7F, v7;
	[tilespmem:$0x1FD60] =	vst v49  }
0x74: {  	v42 =	vld [tilespmem:$0x1FF60];
	(v2sf) =	vpush v60, $0x0;
	v0 =	vshll.u32 v0, $0x3;
	v56 =	vand.u32 $0x7F, v13;
	[tilespmem:$0x1FD70] =	vst v50  }
0x75: {  	v1 =	vadd.s32 v37, v16;
	v0 =	vand.u32 $0xFFFFFC00, v0;
	[tilespmem:$0x1FDD0] =	vst v56  }
0x76: {  	v7 =	vshll.u32 v7, $0x3;
	v38 =	vshll.u32 v1, $0x3;
	v1 =	vand.u32 $0x7F, v1;
	[tilespmem:$0x1FBA0] =	vst v0  }
0x77: {  	v21 =	vld [tilespmem:$0x1FED0];
	v13 =	vshll.u32 v13, $0x3;
	v51 =	vand.u32 $0xFFFFFC00, v7;
	[tilespmem:$0x1FCD0] =	vst v1  }
0x78: {  	v57 =	vand.u32 $0xFFFFFC00, v13;
	[tilespmem:$0x1FD80] =	vst v51  }
0x79: {  	v43 =	vadd.s32 v42, v16;
	v0 =	vand.u32 $0xFFFFFC00, v17;
	[tilespmem:$0x1FDE0] =	vst v57  }
0x7a: {  	v14 =	vld [tilespmem:$0x1FFD0];
	v1 =	vshll.u32 v43, $0x3;
	[tilespmem:$0x1FBC0] =	vst v0;
	v0 =	vand.u32 $0xFFFFFC00, v19  }
0x7b: {  	v45 =	vand.u32 $0xFFFFFC00, v1;
	v19 =	vshll.u32 v18, $0x3;
	[tilespmem:$0x1FBE0] =	vst v0  }
0x7c: {  	v0 =	vadd.s32 v21, v16;
	[tilespmem:$0x1FD20] =	vst v45;
	v63 =	vand.u32 $0xFFFFFC00, v19  }
0x7d: {  	v17 =	vld [tilespmem:$0x1FFE0];
	v22 =	vand.u32 $0x7F, v0;
	v0 =	vshll.u32 v0, $0x3;
	[tilespmem:$0x1FE40] =	vst v63  }
0x7e: {  	v28 =	vld [tilespmem:$0x1FF00];
	[tilespmem:$0x1FBF0] =	vst v22;
	v0 =	vand.u32 $0xFFFFFC00, v0  }
0x7f: {  	v15 =	vadd.s32 v14, v16;
	[tilespmem:$0x1FC00] =	vst v0;
	v0 =	vand.u32 $0xFFFFFC00, v24  }
0x80: {  	v58 =	vand.u32 $0x7F, v15;
	[tilespmem:$0x1FC20] =	vst v0  }
0x81: {  	v15 =	vshll.u32 v15, $0x3;
	v0 =	vand.u32 $0xFFFFFC00, v26;
	[tilespmem:$0x1FDF0] =	vst v58  }
0x82: {  	v17 =	vadd.s32 v17, v16;
	v59 =	vand.u32 $0xFFFFFC00, v15;
	[tilespmem:$0x1FC40] =	vst v0  }
0x83: {  	v35 =	vld [tilespmem:$0x1FF30];
	s7 =	spop (v2sf);
	v60 =	vand.u32 $0x7F, v17;
	v17 =	vshll.u32 v17, $0x3;
	v0 =	vadd.s32 v28, v16;
	[tilespmem:$0x1FE00] =	vst v59  }
0x84: {  	s8 =	sand.u32 $0x7, s7;
	[tilespmem:$0x1FE10] =	vst v60;
	v61 =	vand.u32 $0xFFFFFC00, v17;
	v29 =	vand.u32 $0x7F, v0;
	v0 =	vshll.u32 v0, $0x3  }
0x85: {  	s9 =	sshra.s32 s7, $0x1F;
	p5 =	slt.s32 s7, $0x1;
	p6 =	sne.s32 s8, $0x0;
	[tilespmem:$0x1FE20] =	vst v61;
	v0 =	vand.u32 $0xFFFFFC00, v0  }
0x86: {  	s10 =	sshrl.u32 s9, $0x1D;
	p1 =	por !p5, !p6;
	[tilespmem:$0x1FC60] =	vst v0;
	v0 =	vand.u32 $0xFFFFFC00, v31  }
0x87: {  	s5 =	simm.s32 $0x1;
	s3 =	sadd.s32 s10, s7;
	p1 =	por !p1, !p1;
	[tilespmem:$0x1FC80] =	vst v0;
	v0 =	vand.u32 $0xFFFFFC00, v33  }
0x88: {  	s3 =	sshrl.u32 s3, $0x3;
	s5 =	simm.s32 @!p1 $0x0;
	[tilespmem:$0x1FCA0] =	vst v0;
	v0 =	vadd.s32 v35, v16  }
0x89: {  	s3 =	ssub.s32 s5, s3;
	[tilespmem:$0x1FC50] =	vst v29;
	v36 =	vand.u32 $0x7F, v0;
	v0 =	vshll.u32 v0, $0x3  }
0x8a: {  	s3 =	sshll.u32 s3, $0x3;
	[tilespmem:$0x1FCB0] =	vst v36;
	v0 =	vand.u32 $0xFFFFFC00, v0  }
0x8b: {  	s28 =	sadd.s32 s7, s3;
	[tilespmem:$0x1FCC0] =	vst v0;
	v0 =	vand.u32 $0xFFFFFC00, v38  }
0x8c: {  	s8 =	simm.s32 $0x0;
	s29 =	sadd.s32 $0x1, s28;
	[tilespmem:$0x1FCE0] =	vst v0;
	v0 =	vand.u32 $0xFFFFFC00, v40  }
0x8d: {  	s30 =	sadd.s32 $0x2, s28;
	s31 =	sadd.s32 $0x3, s28;
	s0 =	sadd.s32 $0x4, s28;
	[tilespmem:$0x1FD00] =	vst v0;
	v0 =	vand.u32 $0x7F, v43  }
0x8e: {  	s3 =	sadd.s32 $0x5, s28;
	s5 =	sadd.s32 $0x6, s28;
	s7 =	sadd.s32 $0x7, s28;
	[tilespmem:$0x1FD10] =	vst v0  }
.LBB2_3:
0x8f: {  	v45 =	vld [tilespmem:$0x1FAE0]  }
0x90: {  	s10 =	sadd.s32 s28, s8  }
0x91: {  	v44 =	vld [tilespmem:$0x1FAD0];
	v20 =	vmov s10  }
0x92: {  	v21 =	vshll.u32 v20, $0x9  }
0x93: {  	v20 =	vshll.u32 v20, $0x7;
	v27 =	vand.u32 $0xFFFFF000, v21  }
0x94: {  	v26 =	vand.u32 $0x380, v20;
	v21 =	vadd.s32 v45, v27  }
0x95: {  	v47 =	vld [tilespmem:$0x1FB00];
	v20 =	vor.u32 v26, v21  }
0x96: {  	v20 =	vor.u32 v44, v20  }
0x97: {  	v46 =	vld [tilespmem:$0x1FAF0];
	_ =	sdelay $0x2  }
0x98: {  	s9 =	sadd.s32 s8, s29;
	v49 =	vld [tilespmem:$0x1FB20];
	v63 =	vadd.s32 v47, v27  }
0x99: {  	v22 =	vmov s9;
	v21 =	vor.u32 v26, v63;
	v20 =	vld.idx.msk [tilespmem:v20+s12+$0x0], $0xffff  }
0x9a: {  	v23 =	vshll.u32 v22, $0x9;
	v21 =	vor.u32 v46, v21  }
0x9b: {  	v48 =	vld [tilespmem:$0x1FB10];
	v22 =	vshll.u32 v22, $0x7;
	v25 =	vand.u32 $0xFFFFF000, v23  }
0x9c: {  	s9 =	sshll.u32 s8, $0x9;
	v24 =	vand.u32 $0x380, v22;
	v23 =	vadd.s32 v45, v25  }
0x9d: {  	s10 =	sand.u32 $0x3FFFFE00, s9;
	v22 =	vor.u32 v24, v23  }
0x9e: {  	v51 =	vld [tilespmem:$0x1FB40];
	v0 =	vadd.s32 v49, v27;
	v22 =	vor.u32 v44, v22;
	[tilespmem:s10+$0x10100] =	vst v20  }
0x9f: {  	v20 =	vor.u32 v26, v0;
	v21 =	vld.idx.msk [tilespmem:v21+s12+$0x0], $0xffff  }
0xa0: {  	v20 =	vor.u32 v48, v20  }
0xa1: {  	v50 =	vld [tilespmem:$0x1FB30]  }
0xa2: {  	v1 =	vadd.s32 v47, v25  }
0xa3: {  	v23 =	vor.u32 v24, v1;
	v22 =	vld.idx.msk [tilespmem:v22+s12+$0x0], $0xffff  }
0xa4: {  	v53 =	vld [tilespmem:$0x1FB60];
	v2 =	vadd.s32 v51, v27;
	v23 =	vor.u32 v46, v23;
	[tilespmem:s10+$0x10110] =	vst v21  }
0xa5: {  	v21 =	vor.u32 v26, v2;
	v20 =	vld.idx.msk [tilespmem:v20+s12+$0x0], $0xffff  }
0xa6: {  	v21 =	vor.u32 v50, v21  }
0xa7: {  	v52 =	vld [tilespmem:$0x1FB50]  }
0xa8: {  	v3 =	vadd.s32 v49, v25;
	[tilespmem:s10+$0x10180] =	vst v22  }
0xa9: {  	v22 =	vor.u32 v24, v3;
	v23 =	vld.idx.msk [tilespmem:v23+s12+$0x0], $0xffff  }
0xaa: {  	v4 =	vadd.s32 v53, v27;
	v22 =	vor.u32 v48, v22;
	[tilespmem:s10+$0x10120] =	vst v20  }
0xab: {  	v20 =	vor.u32 v26, v4;
	v21 =	vld.idx.msk [tilespmem:v21+s12+$0x0], $0xffff  }
0xac: {  	v20 =	vor.u32 v52, v20;
	_ =	sdelay $0x1  }
0xad: {  	v5 =	vadd.s32 v51, v25;
	[tilespmem:s10+$0x10190] =	vst v23  }
0xae: {  	v23 =	vor.u32 v24, v5;
	v22 =	vld.idx.msk [tilespmem:v22+s12+$0x0], $0xffff  }
0xaf: {  	v55 =	vld [tilespmem:$0x1FB80];
	v23 =	vor.u32 v50, v23;
	[tilespmem:s10+$0x10130] =	vst v21  }
0xb0: {  	v20 =	vld.idx.msk [tilespmem:v20+s12+$0x0], $0xffff  }
0xb1: {  	v54 =	vld [tilespmem:$0x1FB70];
	_ =	sdelay $0x1  }
0xb2: {  	v7 =	vadd.s32 v53, v25;
	[tilespmem:s10+$0x101A0] =	vst v22  }
0xb3: {  	v6 =	vadd.s32 v55, v27;
	v22 =	vor.u32 v24, v7;
	v23 =	vld.idx.msk [tilespmem:v23+s12+$0x0], $0xffff  }
0xb4: {  	v21 =	vor.u32 v26, v6;
	v57 =	vld [tilespmem:$0x1FBA0];
	v22 =	vor.u32 v52, v22  }
0xb5: {  	v21 =	vor.u32 v54, v21  }
0xb6: {  	v56 =	vld [tilespmem:$0x1FB90];
	_ =	sdelay $0x1  }
0xb7: {  	v9 =	vadd.s32 v55, v25;
	v59 =	vld [tilespmem:$0x1FBC0];
	[tilespmem:s10+$0x101B0] =	vst v23  }
0xb8: {  	[tilespmem:s10+$0x10140] =	vst v20;
	v8 =	vadd.s32 v57, v27;
	v23 =	vor.u32 v24, v9;
	v22 =	vld.idx.msk [tilespmem:v22+s12+$0x0], $0xffff  }
0xb9: {  	v20 =	vor.u32 v26, v8;
	v23 =	vor.u32 v54, v23;
	v21 =	vld.idx.msk [tilespmem:v21+s12+$0x0], $0xffff  }
0xba: {  	v20 =	vor.u32 v56, v20  }
0xbb: {  	v58 =	vld [tilespmem:$0x1FBB0];
	_ =	sdelay $0x1  }
0xbc: {  	v61 =	vld [tilespmem:$0x1FBE0];
	v11 =	vadd.s32 v57, v25;
	[tilespmem:s10+$0x101C0] =	vst v22  }
0xbd: {  	v10 =	vadd.s32 v59, v27;
	v22 =	vor.u32 v24, v11;
	v23 =	vld.idx.msk [tilespmem:v23+s12+$0x0], $0xffff;
	[tilespmem:s10+$0x10150] =	vst v21  }
0xbe: {  	v22 =	vor.u32 v56, v22;
	v21 =	vor.u32 v26, v10;
	v20 =	vld.idx.msk [tilespmem:v20+s12+$0x0], $0xffff  }
0xbf: {  	v21 =	vor.u32 v58, v21  }
0xc0: {  	v60 =	vld [tilespmem:$0x1FBD0];
	_ =	sdelay $0x1  }
0xc1: {  	v63 =	vld [tilespmem:$0x1FC00];
	v13 =	vadd.s32 v59, v25;
	[tilespmem:s10+$0x101D0] =	vst v23  }
0xc2: {  	v12 =	vadd.s32 v61, v27;
	v23 =	vor.u32 v24, v13;
	v22 =	vld.idx.msk [tilespmem:v22+s12+$0x0], $0xffff;
	[tilespmem:s10+$0x10160] =	vst v20  }
0xc3: {  	v23 =	vor.u32 v58, v23;
	v20 =	vor.u32 v26, v12;
	v21 =	vld.idx.msk [tilespmem:v21+s12+$0x0], $0xffff  }
0xc4: {  	v20 =	vor.u32 v60, v20  }
0xc5: {  	v62 =	vld [tilespmem:$0x1FBF0];
	_ =	sdelay $0x1  }
0xc6: {  	v1 =	vld [tilespmem:$0x1FC20];
	v15 =	vadd.s32 v61, v25;
	[tilespmem:s10+$0x101E0] =	vst v22  }
0xc7: {  	v14 =	vadd.s32 v63, v27;
	v22 =	vor.u32 v24, v15;
	v23 =	vld.idx.msk [tilespmem:v23+s12+$0x0], $0xffff;
	[tilespmem:s10+$0x10170] =	vst v21  }
0xc8: {  	v22 =	vor.u32 v60, v22;
	v21 =	vor.u32 v26, v14;
	v20 =	vld.idx.msk [tilespmem:v20+s12+$0x0], $0xffff  }
0xc9: {  	v21 =	vor.u32 v62, v21  }
0xca: {  	s9 =	sadd.s32 s8, s30;
	v0 =	vld [tilespmem:$0x1FC10]  }
0xcb: {  	v28 =	vmov s9  }
0xcc: {  	v29 =	vshll.u32 v28, $0x9;
	v3 =	vld [tilespmem:$0x1FC40];
	v19 =	vadd.s32 v63, v25;
	[tilespmem:s10+$0x101F0] =	vst v23  }
0xcd: {  	v28 =	vshll.u32 v28, $0x7;
	v30 =	vadd.s32 v1, v27;
	v23 =	vor.u32 v24, v19;
	v22 =	vld.idx.msk [tilespmem:v22+s12+$0x0], $0xffff;
	[tilespmem:s10+$0x10500] =	vst v20  }
0xce: {  	v30 =	vor.u32 v26, v30;
	v23 =	vor.u32 v62, v23;
	v20 =	vand.u32 $0xFFFFF000, v29;
	v16 =	vld.idx.msk [tilespmem:v21+s12+$0x0], $0xffff  }
0xcf: {  	v17 =	vor.u32 v0, v30;
	v31 =	vadd.s32 v45, v20;
	v21 =	vand.u32 $0x380, v28  }
0xd0: {  	v5 =	vld [tilespmem:$0x1FC30];
	v18 =	vor.u32 v21, v31  }
0xd1: {  	v30 =	vor.u32 v44, v18  }
0xd2: {  	v6 =	vld [tilespmem:$0x1FC60];
	v35 =	vadd.s32 v1, v25;
	[tilespmem:s10+$0x10580] =	vst v22  }
0xd3: {  	v33 =	vadd.s32 v3, v27;
	v22 =	vor.u32 v24, v35;
	v23 =	vld.idx.msk [tilespmem:v23+s12+$0x0], $0xffff;
	[tilespmem:s10+$0x10510] =	vst v16  }
0xd4: {  	v29 =	vor.u32 v26, v33;
	v22 =	vor.u32 v0, v22;
	v28 =	vld.idx.msk [tilespmem:v17+s12+$0x0], $0xffff  }
0xd5: {  	v7 =	vld [tilespmem:$0x1FC50];
	v34 =	vadd.s32 v47, v20;
	v29 =	vor.u32 v5, v29  }
0xd6: {  	v31 =	vor.u32 v21, v34;
	v30 =	vld.idx.msk [tilespmem:v30+s12+$0x0], $0xffff  }
0xd7: {  	v31 =	vor.u32 v46, v31  }
0xd8: {  	v38 =	vadd.s32 v3, v25;
	v8 =	vld [tilespmem:$0x1FC80];
	[tilespmem:s10+$0x10590] =	vst v23  }
0xd9: {  	v36 =	vadd.s32 v6, v27;
	v23 =	vor.u32 v24, v38;
	v22 =	vld.idx.msk [tilespmem:v22+s12+$0x0], $0xffff;
	[tilespmem:s10+$0x10520] =	vst v28  }
0xda: {  	v23 =	vor.u32 v5, v23;
	v28 =	vor.u32 v26, v36;
	v29 =	vld.idx.msk [tilespmem:v29+s12+$0x0], $0xffff  }
0xdb: {  	v9 =	vld [tilespmem:$0x1FC70];
	v37 =	vadd.s32 v49, v20;
	[tilespmem:s10+$0x10200] =	vst v30;
	v28 =	vor.u32 v7, v28  }
0xdc: {  	v30 =	vor.u32 v21, v37;
	v31 =	vld.idx.msk [tilespmem:v31+s12+$0x0], $0xffff  }
0xdd: {  	v30 =	vor.u32 v48, v30  }
0xde: {  	v41 =	vadd.s32 v6, v25;
	v10 =	vld [tilespmem:$0x1FCA0];
	[tilespmem:s10+$0x105A0] =	vst v22  }
0xdf: {  	v39 =	vadd.s32 v8, v27;
	v22 =	vor.u32 v24, v41;
	v23 =	vld.idx.msk [tilespmem:v23+s12+$0x0], $0xffff;
	[tilespmem:s10+$0x10530] =	vst v29  }
0xe0: {  	v22 =	vor.u32 v7, v22;
	v29 =	vor.u32 v26, v39;
	v28 =	vld.idx.msk [tilespmem:v28+s12+$0x0], $0xffff  }
0xe1: {  	v11 =	vld [tilespmem:$0x1FC90];
	v40 =	vadd.s32 v51, v20;
	[tilespmem:s10+$0x10210] =	vst v31;
	v29 =	vor.u32 v9, v29  }
0xe2: {  	v31 =	vor.u32 v21, v40;
	v30 =	vld.idx.msk [tilespmem:v30+s12+$0x0], $0xffff  }
0xe3: {  	v31 =	vor.u32 v50, v31  }
0xe4: {  	v2 =	vadd.s32 v8, v25;
	v12 =	vld [tilespmem:$0x1FCC0];
	[tilespmem:s10+$0x105B0] =	vst v23  }
0xe5: {  	v42 =	vadd.s32 v10, v27;
	v23 =	vor.u32 v24, v2;
	v22 =	vld.idx.msk [tilespmem:v22+s12+$0x0], $0xffff;
	[tilespmem:s10+$0x10540] =	vst v28  }
0xe6: {  	v23 =	vor.u32 v9, v23;
	v28 =	vor.u32 v26, v42;
	v29 =	vld.idx.msk [tilespmem:v29+s12+$0x0], $0xffff  }
0xe7: {  	[tilespmem:s10+$0x10220] =	vst v30;
	v28 =	vor.u32 v11, v28  }
0xe8: {  	v43 =	vadd.s32 v53, v20;
	v31 =	vld.idx.msk [tilespmem:v31+s12+$0x0], $0xffff  }
0xe9: {  	v15 =	vld [tilespmem:$0x1FCB0];
	v30 =	vor.u32 v21, v43  }
0xea: {  	v32 =	vadd.s32 v12, v27;
	v30 =	vor.u32 v52, v30;
	[tilespmem:s10+$0x105C0] =	vst v22  }
0xeb: {  	s9 =	sadd.s32 s8, s31;
	v4 =	vor.u32 v26, v32;
	v33 =	vadd.s32 v10, v25;
	v16 =	vld.idx.msk [tilespmem:v23+s12+$0x0], $0xffff;
	[tilespmem:s10+$0x10550] =	vst v29  }
0xec: {  	v14 =	vmov s9;
	v13 =	vadd.s32 v55, v20;
	v33 =	vor.u32 v24, v33;
	v28 =	vld.idx.msk [tilespmem:v28+s12+$0x0], $0xffff  }
0xed: {  	v34 =	vshll.u32 v14, $0x9;
	v17 =	vor.u32 v11, v33;
	[tilespmem:s10+$0x10230] =	vst v31;
	v31 =	vor.u32 v21, v13;
	v13 =	vld [tilespmem:$0x1FCE0]  }
0xee: {  	v32 =	vshll.u32 v14, $0x7;
	v14 =	vld [tilespmem:$0x1FCD0];
	v22 =	vand.u32 $0xFFFFF000, v34;
	v29 =	vor.u32 v15, v4  }
0xef: {  	v35 =	vadd.s32 v45, v22;
	v23 =	vand.u32 $0x380, v32;
	v30 =	vld.idx.msk [tilespmem:v30+s12+$0x0], $0xffff  }
0xf0: {  	v18 =	vor.u32 v23, v35;
	v31 =	vor.u32 v54, v31  }
0xf1: {  	v36 =	vadd.s32 v12, v25;
	v33 =	vor.u32 v44, v18;
	[tilespmem:s10+$0x105D0] =	vst v16;
	v16 =	vld [tilespmem:$0x1FD00]  }
0xf2: {  	v34 =	vor.u32 v24, v36;
	v32 =	vld.idx.msk [tilespmem:v17+s12+$0x0], $0xffff;
	[tilespmem:s10+$0x10560] =	vst v28;
	v19 =	vadd.s32 v13, v27  }
0xf3: {  	v34 =	vor.u32 v15, v34;
	v29 =	vld.idx.msk [tilespmem:v29+s12+$0x0], $0xffff;
	v28 =	vor.u32 v26, v19  }
0xf4: {  	v35 =	vadd.s32 v57, v20;
	v17 =	vld [tilespmem:$0x1FCF0];
	[tilespmem:s10+$0x10240] =	vst v30;
	v28 =	vor.u32 v14, v28  }
0xf5: {  	v30 =	vor.u32 v21, v35;
	v31 =	vld.idx.msk [tilespmem:v31+s12+$0x0], $0xffff  }
0xf6: {  	v37 =	vadd.s32 v47, v22;
	v33 =	vld.idx.msk [tilespmem:v33+s12+$0x0], $0xffff;
	v30 =	vor.u32 v56, v30  }
0xf7: {  	v40 =	vadd.s32 v13, v25;
	v35 =	vor.u32 v23, v37;
	v38 =	vadd.s32 v16, v27;
	[tilespmem:s10+$0x105E0] =	vst v32  }
0xf8: {  	v35 =	vor.u32 v46, v35;
	v32 =	vor.u32 v24, v40;
	v34 =	vld.idx.msk [tilespmem:v34+s12+$0x0], $0xffff;
	[tilespmem:s10+$0x10570] =	vst v29  }
0xf9: {  	v32 =	vor.u32 v14, v32;
	v29 =	vor.u32 v26, v38;
	v28 =	vld.idx.msk [tilespmem:v28+s12+$0x0], $0xffff  }
0xfa: {  	v39 =	vadd.s32 v59, v20;
	v18 =	vld [tilespmem:$0x1FD20];
	[tilespmem:s10+$0x10250] =	vst v31;
	v29 =	vor.u32 v17, v29  }
0xfb: {  	v31 =	vor.u32 v21, v39;
	v30 =	vld.idx.msk [tilespmem:v30+s12+$0x0], $0xffff  }
0xfc: {  	v19 =	vld [tilespmem:$0x1FD10];
	[tilespmem:s10+$0x10280] =	vst v33;
	v31 =	vor.u32 v58, v31  }
0xfd: {  	v43 =	vadd.s32 v61, v20;
	v41 =	vadd.s32 v49, v22;
	v35 =	vld.idx.msk [tilespmem:v35+s12+$0x0], $0xffff;
	[tilespmem:s10+$0x105F0] =	vst v34  }
0xfe: {  	v2 =	vadd.s32 v16, v25;
	v33 =	vor.u32 v23, v41;
	v32 =	vld.idx.msk [tilespmem:v32+s12+$0x0], $0xffff;
	[tilespmem:s10+$0x10900] =	vst v28  }
0xff: {  	v42 =	vadd.s32 v18, v27;
	v33 =	vor.u32 v48, v33;
	v34 =	vor.u32 v24, v2;
	v29 =	vld.idx.msk [tilespmem:v29+s12+$0x0], $0xffff  }
0x100: {  	v34 =	vor.u32 v17, v34;
	v28 =	vor.u32 v26, v42;
	[tilespmem:s10+$0x10260] =	vst v30;
	v30 =	vor.u32 v21, v43;
	v43 =	vld [tilespmem:$0x1FD40]  }
0x101: {  	v28 =	vor.u32 v19, v28;
	v31 =	vld.idx.msk [tilespmem:v31+s12+$0x0], $0xffff  }
0x102: {  	v4 =	vadd.s32 v51, v22;
	v42 =	vld [tilespmem:$0x1FD30];
	v30 =	vor.u32 v60, v30  }
0x103: {  	v37 =	vadd.s32 v63, v20;
	v2 =	vld [tilespmem:$0x1FD60];
	[tilespmem:s10+$0x10290] =	vst v35;
	v35 =	vor.u32 v23, v4  }
0x104: {  	v38 =	vadd.s32 v18, v25;
	v33 =	vld.idx.msk [tilespmem:v33+s12+$0x0], $0xffff;
	v35 =	vor.u32 v50, v35;
	[tilespmem:s10+$0x10980] =	vst v32  }
0x105: {  	v32 =	vor.u32 v24, v38;
	v34 =	vld.idx.msk [tilespmem:v34+s12+$0x0], $0xffff;
	[tilespmem:s10+$0x10910] =	vst v29;
	v36 =	vadd.s32 v43, v27  }
0x106: {  	v32 =	vor.u32 v19, v32;
	v28 =	vld.idx.msk [tilespmem:v28+s12+$0x0], $0xffff;
	v29 =	vor.u32 v26, v36;
	[tilespmem:s10+$0x10270] =	vst v31  }
0x107: {  	v31 =	vor.u32 v21, v37;
	v29 =	vor.u32 v42, v29;
	v30 =	vld.idx.msk [tilespmem:v30+s12+$0x0], $0xffff  }
0x108: {  	v31 =	vor.u32 v62, v31  }
0x109: {  	v39 =	vadd.s32 v53, v22;
	v4 =	vld [tilespmem:$0x1FD50];
	[tilespmem:s10+$0x102A0] =	vst v33  }
0x10a: {  	v33 =	vor.u32 v23, v39;
	v35 =	vld.idx.msk [tilespmem:v35+s12+$0x0], $0xffff;
	v36 =	vadd.s32 v43, v25;
	[tilespmem:s10+$0x10990] =	vst v34  }
0x10b: {  	v33 =	vor.u32 v52, v33;
	v34 =	vor.u32 v24, v36;
	v32 =	vld.idx.msk [tilespmem:v32+s12+$0x0], $0xffff;
	[tilespmem:s10+$0x10920] =	vst v28  }
0x10c: {  	v40 =	vadd.s32 v2, v27;
	v34 =	vor.u32 v42, v34;
	v29 =	vld.idx.msk [tilespmem:v29+s12+$0x0], $0xffff;
	[tilespmem:s10+$0x10600] =	vst v30  }
0x10d: {  	v28 =	vor.u32 v26, v40;
	v31 =	vld.idx.msk [tilespmem:v31+s12+$0x0], $0xffff  }
0x10e: {  	v41 =	vadd.s32 v1, v20;
	v39 =	vld [tilespmem:$0x1FD80];
	v37 =	vadd.s32 v55, v22;
	v28 =	vor.u32 v4, v28  }
0x10f: {  	[tilespmem:s10+$0x102B0] =	vst v35;
	v35 =	vor.u32 v23, v37;
	v37 =	vld [tilespmem:$0x1FD70];
	v30 =	vor.u32 v21, v41  }
0x110: {  	v33 =	vld.idx.msk [tilespmem:v33+s12+$0x0], $0xffff;
	v30 =	vor.u32 v0, v30;
	[tilespmem:s10+$0x109A0] =	vst v32  }
0x111: {  	v40 =	vadd.s32 v3, v20;
	v34 =	vld.idx.msk [tilespmem:v34+s12+$0x0], $0xffff;
	[tilespmem:s10+$0x10930] =	vst v29  }
0x112: {  	v35 =	vor.u32 v54, v35;
	v41 =	vadd.s32 v2, v25;
	[tilespmem:s10+$0x10610] =	vst v31;
	v31 =	vor.u32 v21, v40;
	v40 =	vld [tilespmem:$0x1FDA0]  }
0x113: {  	v32 =	vor.u32 v24, v41;
	v28 =	vld.idx.msk [tilespmem:v28+s12+$0x0], $0xffff  }
0x114: {  	v38 =	vadd.s32 v39, v27;
	v32 =	vor.u32 v4, v32  }
0x115: {  	v29 =	vor.u32 v26, v38;
	v30 =	vld.idx.msk [tilespmem:v30+s12+$0x0], $0xffff  }
0x116: {  	[tilespmem:s10+$0x102C0] =	vst v33;
	v29 =	vor.u32 v37, v29  }
0x117: {  	v35 =	vld.idx.msk [tilespmem:v35+s12+$0x0], $0xffff;
	[tilespmem:s10+$0x109B0] =	vst v34;
	v38 =	vadd.s32 v40, v27  }
0x118: {  	v36 =	vadd.s32 v57, v22;
	v31 =	vor.u32 v5, v31;
	[tilespmem:s10+$0x10940] =	vst v28;
	v28 =	vor.u32 v26, v38;
	v38 =	vld [tilespmem:$0x1FD90]  }
0x119: {  	v41 =	vadd.s32 v6, v20;
	v33 =	vor.u32 v23, v36;
	v32 =	vld.idx.msk [tilespmem:v32+s12+$0x0], $0xffff  }
0x11a: {  	v33 =	vor.u32 v56, v33;
	[tilespmem:s10+$0x10620] =	vst v30;
	v30 =	vor.u32 v21, v41;
	v41 =	vadd.s32 v39, v25;
	v39 =	vld [tilespmem:$0x1FDC0]  }
0x11b: {  	v29 =	vld.idx.msk [tilespmem:v29+s12+$0x0], $0xffff;
	_ =	sdelay $0x1  }
0x11c: {  	v31 =	vld.idx.msk [tilespmem:v31+s12+$0x0], $0xffff;
	v28 =	vor.u32 v38, v28  }
0x11d: {  	[tilespmem:s10+$0x102D0] =	vst v35;
	v40 =	vadd.s32 v40, v25;
	v30 =	vor.u32 v7, v30;
	v34 =	vor.u32 v24, v41  }
0x11e: {  	v33 =	vld.idx.msk [tilespmem:v33+s12+$0x0], $0xffff;
	v34 =	vor.u32 v37, v34;
	[tilespmem:s10+$0x109C0] =	vst v32;
	v37 =	vadd.s32 v39, v27  }
0x11f: {  	v32 =	vor.u32 v24, v40;
	[tilespmem:s10+$0x10950] =	vst v29;
	v29 =	vor.u32 v26, v37;
	v37 =	vld [tilespmem:$0x1FDB0]  }
0x120: {  	v36 =	vadd.s32 v59, v22;
	v32 =	vor.u32 v38, v32;
	v38 =	vld [tilespmem:$0x1FDE0]  }
0x121: {  	v35 =	vor.u32 v23, v36;
	v41 =	vadd.s32 v8, v20;
	[tilespmem:s10+$0x10630] =	vst v31;
	v28 =	vld.idx.msk [tilespmem:v28+s12+$0x0], $0xffff  }
0x122: {  	v35 =	vor.u32 v58, v35;
	v31 =	vor.u32 v21, v41;
	v30 =	vld.idx.msk [tilespmem:v30+s12+$0x0], $0xffff  }
0x123: {  	v31 =	vor.u32 v9, v31  }
0x124: {  	v41 =	vadd.s32 v61, v22;
	v29 =	vor.u32 v37, v29  }
0x125: {  	[tilespmem:s10+$0x102E0] =	vst v33;
	v34 =	vld.idx.msk [tilespmem:v34+s12+$0x0], $0xffff;
	v33 =	vor.u32 v23, v41;
	v36 =	vadd.s32 v38, v27  }
0x126: {  	[tilespmem:s10+$0x10960] =	vst v28;
	v28 =	vor.u32 v60, v33;
	v33 =	vor.u32 v26, v36;
	v36 =	vld [tilespmem:$0x1FDD0]  }
0x127: {  	v40 =	vadd.s32 v10, v20;
	v35 =	vld.idx.msk [tilespmem:v35+s12+$0x0], $0xffff;
	[tilespmem:s10+$0x10640] =	vst v30  }
0x128: {  	v30 =	vor.u32 v21, v40;
	v31 =	vld.idx.msk [tilespmem:v31+s12+$0x0], $0xffff  }
0x129: {  	v30 =	vor.u32 v11, v30;
	v29 =	vld.idx.msk [tilespmem:v29+s12+$0x0], $0xffff  }
0x12a: {  	v41 =	vadd.s32 v39, v25;
	[tilespmem:s10+$0x109D0] =	vst v34  }
0x12b: {  	v39 =	vadd.s32 v63, v22;
	v34 =	vor.u32 v24, v41;
	v32 =	vld.idx.msk [tilespmem:v32+s12+$0x0], $0xffff;
	v33 =	vor.u32 v36, v33  }
0x12c: {  	[tilespmem:s10+$0x102F0] =	vst v35;
	v35 =	vor.u32 v23, v39;
	v39 =	vld [tilespmem:$0x1FE20];
	v34 =	vor.u32 v37, v34  }
0x12d: {  	v40 =	vadd.s32 v12, v20;
	[tilespmem:s10+$0x10650] =	vst v31;
	v28 =	vld.idx.msk [tilespmem:v28+s12+$0x0], $0xffff  }
0x12e: {  	v35 =	vor.u32 v62, v35;
	v41 =	vor.u32 v21, v40;
	[tilespmem:s10+$0x10970] =	vst v29;
	v29 =	vld.idx.msk [tilespmem:v30+s12+$0x0], $0xffff  }
0x12f: {  	v30 =	vor.u32 v15, v41;
	v41 =	vld [tilespmem:$0x1FE00]  }
0x130: {  	[tilespmem:s10+$0x109E0] =	vst v32;
	v31 =	vld.idx.msk [tilespmem:v33+s12+$0x0], $0xffff  }
0x131: {  	v37 =	vadd.s32 v38, v25;
	v33 =	vld.idx.msk [tilespmem:v34+s12+$0x0], $0xffff  }
0x132: {  	v38 =	vadd.s32 v1, v22;
	v40 =	vld [tilespmem:$0x1FDF0];
	v32 =	vor.u32 v24, v37;
	[tilespmem:s10+$0x10680] =	vst v28  }
0x133: {  	v32 =	vor.u32 v36, v32;
	v28 =	vor.u32 v23, v38;
	v38 =	vadd.s32 v13, v20;
	v35 =	vld.idx.msk [tilespmem:v35+s12+$0x0], $0xffff  }
0x134: {  	v36 =	vadd.s32 v39, v27;
	v28 =	vor.u32 v0, v28;
	[tilespmem:s10+$0x10660] =	vst v29;
	v29 =	vor.u32 v21, v38;
	v38 =	vld [tilespmem:$0x1FE40]  }
0x135: {  	v30 =	vld.idx.msk [tilespmem:v30+s12+$0x0], $0xffff;
	[tilespmem:s10+$0x10D00] =	vst v31;
	v31 =	vor.u32 v26, v36;
	v36 =	vadd.s32 v3, v22  }
0x136: {  	v37 =	vadd.s32 v41, v27;
	[tilespmem:s10+$0x109F0] =	vst v33;
	v33 =	vor.u32 v23, v36;
	v36 =	vld [tilespmem:$0x1FE30]  }
0x137: {  	v34 =	vor.u32 v26, v37;
	v29 =	vor.u32 v14, v29  }
0x138: {  	v37 =	vld [tilespmem:$0x1FE10];
	v34 =	vor.u32 v40, v34  }
0x139: {  	v41 =	vadd.s32 v41, v25;
	v27 =	vadd.s32 v38, v27;
	v32 =	vld.idx.msk [tilespmem:v32+s12+$0x0], $0xffff;
	[tilespmem:s10+$0x10690] =	vst v35  }
0x13a: {  	v41 =	vor.u32 v24, v41;
	v26 =	vor.u32 v26, v27;
	v28 =	vld.idx.msk [tilespmem:v28+s12+$0x0], $0xffff  }
0x13b: {  	[tilespmem:s10+$0x10670] =	vst v30;
	v35 =	vor.u32 v36, v26;
	v26 =	vor.u32 v40, v41  }
0x13c: {  	v43 =	vadd.s32 v43, v20;
	v27 =	vor.u32 v5, v33;
	v29 =	vld.idx.msk [tilespmem:v29+s12+$0x0], $0xffff  }
0x13d: {  	v31 =	vor.u32 v37, v31;
	v34 =	vld.idx.msk [tilespmem:v34+s12+$0x0], $0xffff;
	v41 =	vadd.s32 v39, v25;
	v39 =	vadd.s32 v16, v20  }
0x13e: {  	v25 =	vadd.s32 v38, v25;
	[tilespmem:s10+$0x10D80] =	vst v32;
	v40 =	vadd.s32 v18, v20;
	v30 =	vor.u32 v21, v39  }
0x13f: {  	v33 =	vor.u32 v24, v41;
	v24 =	vor.u32 v24, v25;
	[tilespmem:s10+$0x106A0] =	vst v28;
	v25 =	vor.u32 v17, v30  }
0x140: {  	v41 =	vadd.s32 v6, v22;
	v32 =	vor.u32 v37, v33;
	v33 =	vor.u32 v36, v24;
	v36 =	vld.idx.msk [tilespmem:v26+s12+$0x0], $0xffff  }
0x141: {  	s9 =	sadd.s32 s8, s0;
	v39 =	vor.u32 v21, v43;
	v27 =	vld.idx.msk [tilespmem:v27+s12+$0x0], $0xffff;
	v28 =	vor.u32 v23, v41;
	[tilespmem:s10+$0x10A00] =	vst v29  }
0x142: {  	v43 =	vmov s9;
	v24 =	vor.u32 v21, v40;
	[tilespmem:s10+$0x10D10] =	vst v34;
	v26 =	vor.u32 v7, v28  }
0x143: {  	v38 =	vor.u32 v42, v39;
	v40 =	vadd.s32 v8, v22;
	v41 =	vadd.s32 v10, v22;
	v31 =	vld.idx.msk [tilespmem:v31+s12+$0x0], $0xffff  }
0x144: {  	s9 =	sadd.s32 s8, s3;
	v37 =	vor.u32 v19, v24;
	v24 =	vor.u32 v23, v40;
	v42 =	vor.u32 v23, v41;
	v29 =	vld.idx.msk [tilespmem:v25+s12+$0x0], $0xffff  }
0x145: {  	v40 =	vmov s9;
	v39 =	vor.u32 v11, v42;
	v42 =	vshll.u32 v43, $0x9;
	[tilespmem:s10+$0x10D90] =	vst v36  }
0x146: {  	v30 =	vor.u32 v9, v24;
	v43 =	vshll.u32 v43, $0x7;
	v24 =	vand.u32 $0xFFFFF000, v42;
	[tilespmem:s10+$0x106B0] =	vst v27;
	v32 =	vld.idx.msk [tilespmem:v32+s12+$0x0], $0xffff  }
0x147: {  	v42 =	vshll.u32 v40, $0x9;
	v41 =	vadd.s32 v45, v24;
	v27 =	vshll.u32 v40, $0x7;
	v34 =	vld.idx.msk [tilespmem:v26+s12+$0x0], $0xffff  }
0x148: {  	s9 =	sadd.s32 s8, s5;
	v25 =	vand.u32 $0xFFFFF000, v42;
	v27 =	vand.u32 $0x380, v27;
	[tilespmem:s10+$0x10D20] =	vst v31;
	v26 =	vand.u32 $0x380, v43  }
0x149: {  	v36 =	vmov s9;
	s9 =	sadd.s32 s8, s7;
	v28 =	vor.u32 v26, v41;
	[tilespmem:s10+$0x10A10] =	vst v29;
	v29 =	vadd.s32 v45, v25  }
0x14a: {  	v35 =	vld.idx.msk [tilespmem:v35+s12+$0x0], $0xffff;
	v42 =	vmov s9;
	v43 =	vor.u32 v27, v29;
	v29 =	vshll.u32 v36, $0x9  }
0x14b: {  	v40 =	vor.u32 v44, v28;
	v37 =	vld.idx.msk [tilespmem:v37+s12+$0x0], $0xffff;
	v28 =	vand.u32 $0xFFFFF000, v29;
	v29 =	vshll.u32 v36, $0x7;
	[tilespmem:s10+$0x10DA0] =	vst v32  }
0x14c: {  	v36 =	vshll.u32 v42, $0x9;
	[tilespmem:s10+$0x106C0] =	vst v34;
	v34 =	vadd.s32 v45, v28;
	v31 =	vand.u32 $0x380, v29;
	v33 =	vld.idx.msk [tilespmem:v33+s12+$0x0], $0xffff  }
0x14d: {  	v41 =	vor.u32 v44, v43;
	v29 =	vand.u32 $0xFFFFF000, v36;
	v36 =	vor.u32 v31, v34  }
0x14e: {  	v32 =	vor.u32 v44, v36  }
0x14f: {  	[tilespmem:$0x1FAB0] =	vst v35;
	v43 =	vld.idx.msk [tilespmem:v30+s12+$0x0], $0xffff;
	v30 =	vshll.u32 v42, $0x7  }
0x150: {  	v42 =	vadd.s32 v45, v29;
	v30 =	vand.u32 $0x380, v30;
	[tilespmem:s10+$0x10A20] =	vst v37  }
0x151: {  	v45 =	vadd.s32 v2, v20;
	v37 =	vld.idx.msk [tilespmem:v40+s12+$0x0], $0xffff;
	[tilespmem:$0x1FAC0] =	vst v33;
	v33 =	vor.u32 v30, v42  }
0x152: {  	v35 =	vor.u32 v21, v45;
	v45 =	vadd.s32 v47, v28;
	v40 =	vld.idx.msk [tilespmem:v41+s12+$0x0], $0xffff;
	v33 =	vor.u32 v44, v33  }
0x153: {  	v41 =	vor.u32 v31, v45;
	v42 =	vadd.s32 v47, v24;
	v32 =	vld.idx.msk [tilespmem:v32+s12+$0x0], $0xffff  }
0x154: {  	v34 =	vld.idx.msk [tilespmem:v38+s12+$0x0], $0xffff;
	v45 =	vadd.s32 v47, v29;
	v41 =	vor.u32 v46, v41;
	v36 =	vor.u32 v26, v42  }
0x155: {  	[tilespmem:s10+$0x106D0] =	vst v43;
	v43 =	vor.u32 v30, v45;
	v44 =	vadd.s32 v47, v25;
	v36 =	vor.u32 v46, v36  }
0x156: {  	v39 =	vld.idx.msk [tilespmem:v39+s12+$0x0], $0xffff;
	v43 =	vor.u32 v46, v43;
	v38 =	vor.u32 v27, v44  }
0x157: {  	v42 =	vadd.s32 v12, v22;
	[tilespmem:s10+$0x10300] =	vst v37;
	v38 =	vor.u32 v46, v38;
	v33 =	vld.idx.msk [tilespmem:v33+s12+$0x0], $0xffff  }
0x158: {  	v47 =	vadd.s32 v49, v24;
	v42 =	vor.u32 v23, v42;
	v46 =	vadd.s32 v49, v28;
	[tilespmem:s10+$0x10400] =	vst v32  }
0x159: {  	[tilespmem:s10+$0x10380] =	vst v40;
	v42 =	vor.u32 v15, v42;
	v32 =	vor.u32 v31, v46;
	v40 =	vld.idx.msk [tilespmem:v41+s12+$0x0], $0xffff  }
0x15a: {  	v37 =	vor.u32 v26, v47;
	v32 =	vor.u32 v48, v32;
	v36 =	vld.idx.msk [tilespmem:v36+s12+$0x0], $0xffff  }
0x15b: {  	v44 =	vadd.s32 v49, v25;
	[tilespmem:s10+$0x10A30] =	vst v34;
	v34 =	vor.u32 v48, v37  }
0x15c: {  	v47 =	vadd.s32 v49, v29;
	v45 =	vor.u32 v27, v44;
	v37 =	vld.idx.msk [tilespmem:v38+s12+$0x0], $0xffff;
	[tilespmem:s10+$0x10480] =	vst v33  }
0x15d: {  	[tilespmem:s10+$0x106E0] =	vst v39;
	v38 =	vor.u32 v48, v45;
	v33 =	vor.u32 v30, v47;
	v49 =	vld.idx.msk [tilespmem:v43+s12+$0x0], $0xffff  }
0x15e: {  	v35 =	vor.u32 v4, v35;
	v41 =	vld.idx.msk [tilespmem:v42+s12+$0x0], $0xffff;
	[tilespmem:s10+$0x10410] =	vst v40;
	v33 =	vor.u32 v48, v33  }
0x15f: {  	v44 =	vadd.s32 v51, v24;
	v46 =	vadd.s32 v13, v22;
	[tilespmem:s10+$0x10310] =	vst v36;
	v32 =	vld.idx.msk [tilespmem:v32+s12+$0x0], $0xffff  }
0x160: {  	v45 =	vadd.s32 v51, v25;
	v47 =	vadd.s32 v51, v28;
	v36 =	vor.u32 v26, v44;
	v34 =	vld.idx.msk [tilespmem:v34+s12+$0x0], $0xffff  }
0x161: {  	v40 =	vor.u32 v31, v47;
	v48 =	vadd.s32 v51, v29;
	[tilespmem:s10+$0x10390] =	vst v37;
	v36 =	vor.u32 v50, v36  }
0x162: {  	v37 =	vor.u32 v27, v45;
	v40 =	vor.u32 v50, v40;
	v38 =	vld.idx.msk [tilespmem:v38+s12+$0x0], $0xffff;
	[tilespmem:s10+$0x10490] =	vst v49  }
0x163: {  	v42 =	vor.u32 v23, v46;
	v39 =	vor.u32 v30, v48;
	v37 =	vor.u32 v50, v37;
	v33 =	vld.idx.msk [tilespmem:v33+s12+$0x0], $0xffff  }
0x164: {  	v42 =	vor.u32 v14, v42;
	v51 =	vadd.s32 v53, v25;
	v47 =	vld [tilespmem:$0x1FD80];
	[tilespmem:s10+$0x106F0] =	vst v41;
	v39 =	vor.u32 v50, v39  }
0x165: {  	v44 =	vadd.s32 v59, v25;
	v50 =	vadd.s32 v53, v29;
	v49 =	vadd.s32 v53, v24;
	[tilespmem:s10+$0x10320] =	vst v34  }
0x166: {  	[tilespmem:s10+$0x10420] =	vst v32;
	v34 =	vor.u32 v26, v49;
	v49 =	vadd.s32 v53, v28;
	v36 =	vld.idx.msk [tilespmem:v36+s12+$0x0], $0xffff  }
0x167: {  	v40 =	vld.idx.msk [tilespmem:v40+s12+$0x0], $0xffff;
	[tilespmem:s10+$0x103A0] =	vst v38;
	v34 =	vor.u32 v52, v34;
	v32 =	vor.u32 v31, v49  }
0x168: {  	v38 =	vor.u32 v27, v51;
	v37 =	vld.idx.msk [tilespmem:v37+s12+$0x0], $0xffff;
	v32 =	vor.u32 v52, v32;
	[tilespmem:s10+$0x104A0] =	vst v33  }
0x169: {  	v48 =	vadd.s32 v47, v20;
	v38 =	vor.u32 v52, v38;
	v33 =	vor.u32 v30, v50;
	v39 =	vld.idx.msk [tilespmem:v39+s12+$0x0], $0xffff  }
0x16a: {  	v41 =	vld.idx.msk [tilespmem:v42+s12+$0x0], $0xffff;
	v42 =	vadd.s32 v57, v29;
	v43 =	vor.u32 v21, v48;
	v33 =	vor.u32 v52, v33  }
0x16b: {  	v46 =	vld [tilespmem:$0x1FD70];
	v53 =	vadd.s32 v55, v25;
	v51 =	vadd.s32 v55, v24;
	v49 =	vadd.s32 v55, v28;
	[tilespmem:s10+$0x10330] =	vst v36  }
0x16c: {  	[tilespmem:s10+$0x10430] =	vst v40;
	v40 =	vor.u32 v31, v49;
	v36 =	vor.u32 v26, v51;
	v34 =	vld.idx.msk [tilespmem:v34+s12+$0x0], $0xffff  }
0x16d: {  	v50 =	vadd.s32 v55, v29;
	[tilespmem:s10+$0x103B0] =	vst v37;
	v36 =	vor.u32 v54, v36;
	v32 =	vld.idx.msk [tilespmem:v32+s12+$0x0], $0xffff  }
0x16e: {  	v40 =	vor.u32 v54, v40;
	v37 =	vor.u32 v27, v53;
	v38 =	vld.idx.msk [tilespmem:v38+s12+$0x0], $0xffff;
	[tilespmem:s10+$0x104B0] =	vst v39  }
0x16f: {  	v48 =	vadd.s32 v16, v22;
	v37 =	vor.u32 v54, v37;
	v39 =	vor.u32 v30, v50;
	v33 =	vld.idx.msk [tilespmem:v33+s12+$0x0], $0xffff  }
0x170: {  	v35 =	vld.idx.msk [tilespmem:v35+s12+$0x0], $0xffff;
	v45 =	vor.u32 v46, v43;
	v43 =	vor.u32 v23, v48;
	v39 =	vor.u32 v54, v39  }
0x171: {  	v43 =	vor.u32 v17, v43;
	v55 =	vadd.s32 v57, v28;
	v51 =	vadd.s32 v57, v24;
	[tilespmem:s10+$0x10340] =	vst v34  }
0x172: {  	v52 =	vadd.s32 v57, v25;
	v34 =	vor.u32 v26, v51;
	[tilespmem:s10+$0x10440] =	vst v32;
	v36 =	vld.idx.msk [tilespmem:v36+s12+$0x0], $0xffff  }
0x173: {  	v32 =	vor.u32 v31, v55;
	[tilespmem:s10+$0x103C0] =	vst v38;
	v34 =	vor.u32 v56, v34;
	v40 =	vld.idx.msk [tilespmem:v40+s12+$0x0], $0xffff  }
0x174: {  	v54 =	vor.u32 v27, v52;
	v32 =	vor.u32 v56, v32;
	v53 =	vld.idx.msk [tilespmem:v37+s12+$0x0], $0xffff;
	[tilespmem:s10+$0x104C0] =	vst v33  }
0x175: {  	[tilespmem:s10+$0x10A80] =	vst v41;
	v37 =	vor.u32 v56, v54;
	v33 =	vor.u32 v30, v42;
	v39 =	vld.idx.msk [tilespmem:v39+s12+$0x0], $0xffff  }
0x176: {  	[tilespmem:s10+$0x10A40] =	vst v35;
	v35 =	vor.u32 v27, v44;
	v41 =	vld.idx.msk [tilespmem:v43+s12+$0x0], $0xffff;
	v33 =	vor.u32 v56, v33  }
0x177: {  	v35 =	vor.u32 v58, v35;
	v43 =	vadd.s32 v59, v24;
	v38 =	vld.idx.msk [tilespmem:v45+s12+$0x0], $0xffff;
	[tilespmem:s10+$0x10350] =	vst v36  }
0x178: {  	v48 =	vadd.s32 v59, v28;
	v36 =	vor.u32 v26, v43;
	[tilespmem:s10+$0x10450] =	vst v40;
	v34 =	vld.idx.msk [tilespmem:v34+s12+$0x0], $0xffff  }
0x179: {  	v40 =	vor.u32 v31, v48;
	[tilespmem:s10+$0x103D0] =	vst v53;
	v36 =	vor.u32 v58, v36;
	v32 =	vld.idx.msk [tilespmem:v32+s12+$0x0], $0xffff  }
0x17a: {  	v49 =	vadd.s32 v59, v29;
	v40 =	vor.u32 v58, v40;
	v37 =	vld.idx.msk [tilespmem:v37+s12+$0x0], $0xffff;
	[tilespmem:s10+$0x104D0] =	vst v39  }
0x17b: {  	v59 =	vadd.s32 v63, v28;
	v45 =	vadd.s32 v18, v22;
	v39 =	vor.u32 v30, v49;
	v33 =	vld.idx.msk [tilespmem:v33+s12+$0x0], $0xffff  }
0x17c: {  	v50 =	vadd.s32 v61, v24;
	v42 =	vor.u32 v23, v45;
	v39 =	vor.u32 v58, v39  }
0x17d: {  	v44 =	vld [tilespmem:$0x1FD90];
	v51 =	vadd.s32 v61, v25;
	v54 =	vadd.s32 v61, v29;
	v42 =	vor.u32 v19, v42;
	[tilespmem:s10+$0x10360] =	vst v34  }
0x17e: {  	v53 =	vadd.s32 v61, v28;
	v34 =	vor.u32 v26, v50;
	[tilespmem:s10+$0x10460] =	vst v32;
	v36 =	vld.idx.msk [tilespmem:v36+s12+$0x0], $0xffff  }
0x17f: {  	v32 =	vor.u32 v31, v53;
	[tilespmem:s10+$0x103E0] =	vst v37;
	v34 =	vor.u32 v60, v34;
	v40 =	vld.idx.msk [tilespmem:v40+s12+$0x0], $0xffff  }
0x180: {  	v37 =	vor.u32 v27, v51;
	v32 =	vor.u32 v60, v32;
	v35 =	vld.idx.msk [tilespmem:v35+s12+$0x0], $0xffff;
	[tilespmem:s10+$0x104E0] =	vst v33  }
0x181: {  	[tilespmem:s10+$0x10A90] =	vst v41;
	v37 =	vor.u32 v60, v37;
	v33 =	vor.u32 v30, v54;
	v39 =	vld.idx.msk [tilespmem:v39+s12+$0x0], $0xffff  }
0x182: {  	v55 =	vadd.s32 v63, v24;
	v45 =	vld [tilespmem:$0x1FDA0];
	v56 =	vadd.s32 v63, v25;
	[tilespmem:s10+$0x10A50] =	vst v38;
	v33 =	vor.u32 v60, v33  }
0x183: {  	v48 =	vadd.s32 v1, v28;
	v61 =	vadd.s32 v1, v24;
	v41 =	vld.idx.msk [tilespmem:v42+s12+$0x0], $0xffff;
	[tilespmem:s10+$0x10370] =	vst v36  }
0x184: {  	v36 =	vor.u32 v26, v55;
	[tilespmem:s10+$0x10470] =	vst v40;
	v40 =	vor.u32 v31, v59;
	v34 =	vld.idx.msk [tilespmem:v34+s12+$0x0], $0xffff  }
0x185: {  	v60 =	vadd.s32 v63, v29;
	[tilespmem:s10+$0x103F0] =	vst v35;
	v36 =	vor.u32 v62, v36;
	v32 =	vld.idx.msk [tilespmem:v32+s12+$0x0], $0xffff  }
0x186: {  	v35 =	vor.u32 v27, v56;
	v40 =	vor.u32 v62, v40;
	v37 =	vld.idx.msk [tilespmem:v37+s12+$0x0], $0xffff;
	[tilespmem:s10+$0x104F0] =	vst v39  }
0x187: {  	v52 =	vadd.s32 v45, v20;
	v35 =	vor.u32 v62, v35;
	v39 =	vor.u32 v30, v60;
	v33 =	vld.idx.msk [tilespmem:v33+s12+$0x0], $0xffff  }
0x188: {  	v43 =	vor.u32 v21, v52;
	v52 =	vadd.s32 v3, v24;
	v50 =	vld [tilespmem:$0x1FD40];
	[tilespmem:s10+$0x10AA0] =	vst v41;
	v39 =	vor.u32 v62, v39  }
0x189: {  	v49 =	vld [tilespmem:$0x1FD30];
	v57 =	vor.u32 v44, v43;
	v53 =	vadd.s32 v3, v25;
	v51 =	vadd.s32 v1, v29;
	[tilespmem:s10+$0x10700] =	vst v34  }
0x18a: {  	v63 =	vadd.s32 v1, v25;
	v34 =	vor.u32 v26, v61;
	[tilespmem:s10+$0x10800] =	vst v32;
	v36 =	vld.idx.msk [tilespmem:v36+s12+$0x0], $0xffff  }
0x18b: {  	v32 =	vor.u32 v31, v48;
	[tilespmem:s10+$0x10780] =	vst v37;
	v34 =	vor.u32 v0, v34;
	v40 =	vld.idx.msk [tilespmem:v40+s12+$0x0], $0xffff  }
0x18c: {  	v37 =	vor.u32 v27, v63;
	v32 =	vor.u32 v0, v32;
	v35 =	vld.idx.msk [tilespmem:v35+s12+$0x0], $0xffff;
	[tilespmem:s10+$0x10880] =	vst v33  }
0x18d: {  	v58 =	vadd.s32 v50, v22;
	v37 =	vor.u32 v0, v37;
	v33 =	vor.u32 v30, v51;
	v39 =	vld.idx.msk [tilespmem:v39+s12+$0x0], $0xffff  }
0x18e: {  	v38 =	vld.idx.msk [tilespmem:v57+s12+$0x0], $0xffff;
	v54 =	vadd.s32 v2, v22;
	v43 =	vor.u32 v23, v58;
	v33 =	vor.u32 v0, v33  }
0x18f: {  	v57 =	vadd.s32 v6, v24;
	v55 =	vadd.s32 v3, v28;
	v43 =	vor.u32 v49, v43;
	[tilespmem:s10+$0x10710] =	vst v36  }
0x190: {  	v56 =	vadd.s32 v3, v29;
	v36 =	vor.u32 v26, v52;
	[tilespmem:s10+$0x10810] =	vst v40;
	v34 =	vld.idx.msk [tilespmem:v34+s12+$0x0], $0xffff  }
0x191: {  	v40 =	vor.u32 v31, v55;
	[tilespmem:s10+$0x10790] =	vst v35;
	v36 =	vor.u32 v5, v36;
	v32 =	vld.idx.msk [tilespmem:v32+s12+$0x0], $0xffff  }
0x192: {  	v35 =	vor.u32 v27, v53;
	v40 =	vor.u32 v5, v40;
	v37 =	vld.idx.msk [tilespmem:v37+s12+$0x0], $0xffff;
	[tilespmem:s10+$0x10890] =	vst v39  }
0x193: {  	v42 =	vor.u32 v23, v54;
	v35 =	vor.u32 v5, v35;
	v39 =	vor.u32 v30, v56;
	v33 =	vld.idx.msk [tilespmem:v33+s12+$0x0], $0xffff  }
0x194: {  	v58 =	vadd.s32 v6, v25;
	[tilespmem:s10+$0x10A60] =	vst v38;
	v41 =	vld.idx.msk [tilespmem:v43+s12+$0x0], $0xffff;
	v39 =	vor.u32 v5, v39  }
0x195: {  	v54 =	vadd.s32 v12, v29;
	v42 =	vor.u32 v4, v42;
	v60 =	vadd.s32 v6, v28;
	v0 =	vld [tilespmem:$0x1FDC0];
	[tilespmem:s10+$0x10720] =	vst v34  }
0x196: {  	v61 =	vadd.s32 v6, v29;
	v34 =	vor.u32 v26, v57;
	[tilespmem:s10+$0x10820] =	vst v32;
	v36 =	vld.idx.msk [tilespmem:v36+s12+$0x0], $0xffff  }
0x197: {  	v1 =	vmov v2;
	v32 =	vor.u32 v31, v60;
	[tilespmem:s10+$0x107A0] =	vst v37;
	v34 =	vor.u32 v7, v34;
	v40 =	vld.idx.msk [tilespmem:v40+s12+$0x0], $0xffff  }
0x198: {  	v48 =	vmov v4;
	v37 =	vor.u32 v27, v58;
	v32 =	vor.u32 v7, v32;
	v35 =	vld.idx.msk [tilespmem:v35+s12+$0x0], $0xffff;
	[tilespmem:s10+$0x108A0] =	vst v33  }
0x199: {  	v62 =	vadd.s32 v8, v24;
	v37 =	vor.u32 v7, v37;
	v33 =	vor.u32 v30, v61;
	v39 =	vld.idx.msk [tilespmem:v39+s12+$0x0], $0xffff  }
0x19a: {  	v2 =	vld [tilespmem:$0x1FDB0];
	v4 =	vadd.s32 v47, v22;
	[tilespmem:s10+$0x10AB0] =	vst v41;
	v59 =	vadd.s32 v0, v20;
	v33 =	vor.u32 v7, v33  }
0x19b: {  	v6 =	vadd.s32 v8, v29;
	v63 =	vadd.s32 v8, v25;
	v51 =	vld [tilespmem:$0x1FAB0];
	v43 =	vor.u32 v21, v59;
	[tilespmem:s10+$0x10730] =	vst v36  }
0x19c: {  	v5 =	vadd.s32 v8, v28;
	v36 =	vor.u32 v26, v62;
	[tilespmem:s10+$0x10830] =	vst v40;
	v34 =	vld.idx.msk [tilespmem:v34+s12+$0x0], $0xffff  }
0x19d: {  	v40 =	vor.u32 v31, v5;
	[tilespmem:s10+$0x107B0] =	vst v35;
	v36 =	vor.u32 v9, v36;
	v32 =	vld.idx.msk [tilespmem:v32+s12+$0x0], $0xffff  }
0x19e: {  	v35 =	vor.u32 v27, v63;
	v40 =	vor.u32 v9, v40;
	v37 =	vld.idx.msk [tilespmem:v37+s12+$0x0], $0xffff;
	[tilespmem:s10+$0x108B0] =	vst v39  }
0x19f: {  	v3 =	vor.u32 v2, v43;
	v35 =	vor.u32 v9, v35;
	v39 =	vor.u32 v30, v6;
	v33 =	vld.idx.msk [tilespmem:v33+s12+$0x0], $0xffff  }
0x1a0: {  	v41 =	vld.idx.msk [tilespmem:v42+s12+$0x0], $0xffff;
	v43 =	vor.u32 v23, v4;
	v7 =	vadd.s32 v10, v24;
	v39 =	vor.u32 v9, v39  }
0x1a1: {  	v8 =	vadd.s32 v10, v25;
	v43 =	vor.u32 v46, v43;
	[tilespmem:s10+$0x10740] =	vst v34;
	v34 =	vor.u32 v26, v7  }
0x1a2: {  	[tilespmem:s10+$0x10840] =	vst v32;
	v9 =	vadd.s32 v10, v28;
	v10 =	vadd.s32 v10, v29;
	v36 =	vld.idx.msk [tilespmem:v36+s12+$0x0], $0xffff  }
0x1a3: {  	[tilespmem:s10+$0x107C0] =	vst v37;
	v34 =	vor.u32 v11, v34;
	v40 =	vld.idx.msk [tilespmem:v40+s12+$0x0], $0xffff;
	v32 =	vor.u32 v31, v9  }
0x1a4: {  	v37 =	vor.u32 v27, v8;
	v35 =	vld.idx.msk [tilespmem:v35+s12+$0x0], $0xffff;
	v32 =	vor.u32 v11, v32;
	[tilespmem:s10+$0x108C0] =	vst v33  }
0x1a5: {  	[tilespmem:s10+$0x10D30] =	vst v51;
	v37 =	vor.u32 v11, v37;
	v33 =	vor.u32 v30, v10;
	v39 =	vld.idx.msk [tilespmem:v39+s12+$0x0], $0xffff  }
0x1a6: {  	v42 =	vadd.s32 v12, v24;
	v52 =	vadd.s32 v45, v22;
	[tilespmem:s10+$0x10AC0] =	vst v41;
	v33 =	vor.u32 v11, v33  }
0x1a7: {  	v55 =	vadd.s32 v13, v24;
	v53 =	vadd.s32 v12, v28;
	v41 =	vld.idx.msk [tilespmem:v43+s12+$0x0], $0xffff;
	[tilespmem:s10+$0x10750] =	vst v36  }
0x1a8: {  	v43 =	vadd.s32 v12, v25;
	v36 =	vor.u32 v26, v42;
	[tilespmem:s10+$0x10850] =	vst v40;
	v34 =	vld.idx.msk [tilespmem:v34+s12+$0x0], $0xffff  }
0x1a9: {  	v40 =	vor.u32 v31, v53;
	[tilespmem:s10+$0x107D0] =	vst v35;
	v36 =	vor.u32 v15, v36;
	v32 =	vld.idx.msk [tilespmem:v32+s12+$0x0], $0xffff  }
0x1aa: {  	v35 =	vor.u32 v27, v43;
	v40 =	vor.u32 v15, v40;
	v37 =	vld.idx.msk [tilespmem:v37+s12+$0x0], $0xffff;
	[tilespmem:s10+$0x108D0] =	vst v39  }
0x1ab: {  	v56 =	vadd.s32 v13, v25;
	v35 =	vor.u32 v15, v35;
	v39 =	vor.u32 v30, v54;
	v33 =	vld.idx.msk [tilespmem:v33+s12+$0x0], $0xffff  }
0x1ac: {  	v59 =	vadd.s32 v13, v29;
	v60 =	vadd.s32 v16, v24;
	v38 =	vld.idx.msk [tilespmem:v3+s12+$0x0], $0xffff;
	v39 =	vor.u32 v15, v39  }
0x1ad: {  	v58 =	vadd.s32 v13, v28;
	v13 =	vadd.s32 v18, v29;
	v61 =	vadd.s32 v16, v25;
	v3 =	vld [tilespmem:$0x1FDE0];
	[tilespmem:s10+$0x10760] =	vst v34  }
0x1ae: {  	v63 =	vadd.s32 v0, v22;
	v34 =	vor.u32 v26, v55;
	[tilespmem:s10+$0x10860] =	vst v32;
	v36 =	vld.idx.msk [tilespmem:v36+s12+$0x0], $0xffff  }
0x1af: {  	v32 =	vor.u32 v31, v58;
	[tilespmem:s10+$0x107E0] =	vst v37;
	v34 =	vor.u32 v14, v34;
	v40 =	vld.idx.msk [tilespmem:v40+s12+$0x0], $0xffff  }
0x1b0: {  	v37 =	vor.u32 v27, v56;
	v32 =	vor.u32 v14, v32;
	v35 =	vld.idx.msk [tilespmem:v35+s12+$0x0], $0xffff;
	[tilespmem:s10+$0x108E0] =	vst v33  }
0x1b1: {  	v12 =	vadd.s32 v18, v28;
	v37 =	vor.u32 v14, v37;
	v33 =	vor.u32 v30, v59;
	v39 =	vld.idx.msk [tilespmem:v39+s12+$0x0], $0xffff  }
0x1b2: {  	v51 =	vld [tilespmem:$0x1FE00];
	v57 =	vadd.s32 v3, v20;
	[tilespmem:s10+$0x10A70] =	vst v38;
	v7 =	vmov v0;
	v33 =	vor.u32 v14, v33  }
0x1b3: {  	v6 =	vld [tilespmem:$0x1FDD0];
	v0 =	vadd.s32 v45, v28;
	v8 =	vadd.s32 v16, v28;
	v9 =	vadd.s32 v16, v29;
	[tilespmem:s10+$0x10770] =	vst v36  }
0x1b4: {  	v10 =	vadd.s32 v18, v24;
	v36 =	vor.u32 v26, v60;
	[tilespmem:s10+$0x10870] =	vst v40;
	v34 =	vld.idx.msk [tilespmem:v34+s12+$0x0], $0xffff  }
0x1b5: {  	v40 =	vor.u32 v31, v8;
	[tilespmem:s10+$0x107F0] =	vst v35;
	v36 =	vor.u32 v17, v36;
	v32 =	vld.idx.msk [tilespmem:v32+s12+$0x0], $0xffff  }
0x1b6: {  	v35 =	vor.u32 v27, v61;
	v40 =	vor.u32 v17, v40;
	v37 =	vld.idx.msk [tilespmem:v37+s12+$0x0], $0xffff;
	[tilespmem:s10+$0x108F0] =	vst v39  }
0x1b7: {  	v42 =	vor.u32 v23, v52;
	v35 =	vor.u32 v17, v35;
	v39 =	vor.u32 v30, v9;
	v33 =	vld.idx.msk [tilespmem:v33+s12+$0x0], $0xffff  }
0x1b8: {  	[tilespmem:s10+$0x10AD0] =	vst v41;
	v11 =	vadd.s32 v18, v25;
	v18 =	vadd.s32 v50, v28;
	v39 =	vor.u32 v17, v39  }
0x1b9: {  	v16 =	vld [tilespmem:$0x1FAC0];
	v52 =	vadd.s32 v51, v20;
	v42 =	vor.u32 v44, v42;
	v43 =	vor.u32 v21, v57;
	[tilespmem:s10+$0x10B00] =	vst v34  }
0x1ba: {  	v62 =	vor.u32 v6, v43;
	v34 =	vor.u32 v26, v10;
	[tilespmem:s10+$0x10C00] =	vst v32;
	v36 =	vld.idx.msk [tilespmem:v36+s12+$0x0], $0xffff  }
0x1bb: {  	v32 =	vor.u32 v31, v12;
	[tilespmem:s10+$0x10B80] =	vst v37;
	v34 =	vor.u32 v19, v34;
	v40 =	vld.idx.msk [tilespmem:v40+s12+$0x0], $0xffff  }
0x1bc: {  	v37 =	vor.u32 v27, v11;
	v32 =	vor.u32 v19, v32;
	v35 =	vld.idx.msk [tilespmem:v35+s12+$0x0], $0xffff;
	[tilespmem:s10+$0x10C80] =	vst v33  }
0x1bd: {  	v43 =	vor.u32 v23, v63;
	v37 =	vor.u32 v19, v37;
	v33 =	vor.u32 v30, v13;
	v39 =	vld.idx.msk [tilespmem:v39+s12+$0x0], $0xffff  }
0x1be: {  	[tilespmem:s10+$0x10DB0] =	vst v16;
	v53 =	vadd.s32 v1, v28;
	v43 =	vor.u32 v2, v43;
	v33 =	vor.u32 v19, v33  }
0x1bf: {  	v41 =	vld.idx.msk [tilespmem:v42+s12+$0x0], $0xffff;
	v15 =	vadd.s32 v50, v25;
	v14 =	vadd.s32 v50, v24;
	[tilespmem:s10+$0x10B10] =	vst v36  }
0x1c0: {  	v36 =	vor.u32 v26, v14;
	[tilespmem:s10+$0x10C10] =	vst v40;
	v40 =	vor.u32 v31, v18;
	v34 =	vld.idx.msk [tilespmem:v34+s12+$0x0], $0xffff  }
0x1c1: {  	v19 =	vadd.s32 v50, v29;
	[tilespmem:s10+$0x10B90] =	vst v35;
	v36 =	vor.u32 v49, v36;
	v32 =	vld.idx.msk [tilespmem:v32+s12+$0x0], $0xffff  }
0x1c2: {  	v35 =	vor.u32 v27, v15;
	v40 =	vor.u32 v49, v40;
	v37 =	vld.idx.msk [tilespmem:v37+s12+$0x0], $0xffff;
	[tilespmem:s10+$0x10C90] =	vst v39  }
0x1c3: {  	v16 =	vadd.s32 v3, v28;
	v35 =	vor.u32 v49, v35;
	v39 =	vor.u32 v30, v19;
	v33 =	vld.idx.msk [tilespmem:v33+s12+$0x0], $0xffff  }
0x1c4: {  	v57 =	vld [tilespmem:$0x1FDF0];
	v63 =	vadd.s32 v45, v25;
	v54 =	vadd.s32 v1, v29;
	[tilespmem:s10+$0x10AE0] =	vst v41;
	v39 =	vor.u32 v49, v39  }
0x1c5: {  	v55 =	vadd.s32 v47, v24;
	v41 =	vld.idx.msk [tilespmem:v43+s12+$0x0], $0xffff;
	v43 =	vadd.s32 v1, v24;
	[tilespmem:s10+$0x10B20] =	vst v34  }
0x1c6: {  	v50 =	vadd.s32 v1, v25;
	v34 =	vor.u32 v26, v43;
	[tilespmem:s10+$0x10C20] =	vst v32;
	v36 =	vld.idx.msk [tilespmem:v36+s12+$0x0], $0xffff  }
0x1c7: {  	v32 =	vor.u32 v31, v53;
	[tilespmem:s10+$0x10BA0] =	vst v37;
	v34 =	vor.u32 v48, v34;
	v40 =	vld.idx.msk [tilespmem:v40+s12+$0x0], $0xffff  }
0x1c8: {  	v37 =	vor.u32 v27, v50;
	v32 =	vor.u32 v48, v32;
	v35 =	vld.idx.msk [tilespmem:v35+s12+$0x0], $0xffff;
	[tilespmem:s10+$0x10CA0] =	vst v33  }
0x1c9: {  	v56 =	vadd.s32 v47, v25;
	v37 =	vor.u32 v48, v37;
	v33 =	vor.u32 v30, v54;
	v39 =	vld.idx.msk [tilespmem:v39+s12+$0x0], $0xffff  }
0x1ca: {  	v38 =	vld.idx.msk [tilespmem:v62+s12+$0x0], $0xffff;
	v62 =	vadd.s32 v45, v24;
	v59 =	vadd.s32 v51, v22;
	v33 =	vor.u32 v48, v33  }
0x1cb: {  	v60 =	vadd.s32 v47, v28;
	v61 =	vadd.s32 v47, v29;
	v43 =	vor.u32 v21, v52;
	[tilespmem:s10+$0x10B30] =	vst v36  }
0x1cc: {  	v58 =	vor.u32 v57, v43;
	v36 =	vor.u32 v26, v55;
	[tilespmem:s10+$0x10C30] =	vst v40;
	v34 =	vld.idx.msk [tilespmem:v34+s12+$0x0], $0xffff  }
0x1cd: {  	v40 =	vor.u32 v31, v60;
	[tilespmem:s10+$0x10BB0] =	vst v35;
	v36 =	vor.u32 v46, v36;
	v32 =	vld.idx.msk [tilespmem:v32+s12+$0x0], $0xffff  }
0x1ce: {  	v35 =	vor.u32 v27, v56;
	v40 =	vor.u32 v46, v40;
	v37 =	vld.idx.msk [tilespmem:v37+s12+$0x0], $0xffff;
	[tilespmem:s10+$0x10CB0] =	vst v39  }
0x1cf: {  	v17 =	vadd.s32 v3, v22;
	v35 =	vor.u32 v46, v35;
	v39 =	vor.u32 v30, v61;
	v33 =	vld.idx.msk [tilespmem:v33+s12+$0x0], $0xffff  }
0x1d0: {  	[tilespmem:s10+$0x10E00] =	vst v38;
	v8 =	vadd.s32 v7, v24;
	v42 =	vor.u32 v23, v17;
	v14 =	vld [tilespmem:$0x1FE20];
	v39 =	vor.u32 v46, v39  }
0x1d1: {  	v47 =	vadd.s32 v51, v29;
	v42 =	vor.u32 v6, v42;
	v38 =	vld.idx.msk [tilespmem:v58+s12+$0x0], $0xffff;
	[tilespmem:s10+$0x10B40] =	vst v34  }
0x1d2: {  	v1 =	vadd.s32 v45, v29;
	v34 =	vor.u32 v26, v62;
	[tilespmem:s10+$0x10C40] =	vst v32;
	v36 =	vld.idx.msk [tilespmem:v36+s12+$0x0], $0xffff  }
0x1d3: {  	v32 =	vor.u32 v31, v0;
	[tilespmem:s10+$0x10BC0] =	vst v37;
	v34 =	vor.u32 v44, v34;
	v40 =	vld.idx.msk [tilespmem:v40+s12+$0x0], $0xffff  }
0x1d4: {  	v37 =	vor.u32 v27, v63;
	v32 =	vor.u32 v44, v32;
	v35 =	vld.idx.msk [tilespmem:v35+s12+$0x0], $0xffff;
	[tilespmem:s10+$0x10CC0] =	vst v33  }
0x1d5: {  	[tilespmem:s10+$0x10AF0] =	vst v41;
	v37 =	vor.u32 v44, v37;
	v33 =	vor.u32 v30, v1;
	v39 =	vld.idx.msk [tilespmem:v39+s12+$0x0], $0xffff  }
0x1d6: {  	v9 =	vadd.s32 v7, v25;
	v41 =	vld.idx.msk [tilespmem:v42+s12+$0x0], $0xffff;
	[tilespmem:s10+$0x10E10] =	vst v38;
	v33 =	vor.u32 v44, v33  }
0x1d7: {  	v10 =	vadd.s32 v7, v28;
	v12 =	vadd.s32 v3, v24;
	v11 =	vadd.s32 v7, v29;
	v42 =	vld [tilespmem:$0x1FE40];
	[tilespmem:s10+$0x10B50] =	vst v36  }
0x1d8: {  	v17 =	vadd.s32 v3, v29;
	v36 =	vor.u32 v26, v8;
	[tilespmem:s10+$0x10C50] =	vst v40;
	v34 =	vld.idx.msk [tilespmem:v34+s12+$0x0], $0xffff  }
0x1d9: {  	v38 =	vor.u32 v31, v10;
	[tilespmem:s10+$0x10BD0] =	vst v35;
	v36 =	vor.u32 v2, v36;
	v32 =	vld.idx.msk [tilespmem:v32+s12+$0x0], $0xffff  }
0x1da: {  	v38 =	vor.u32 v2, v38;
	v35 =	vor.u32 v27, v9;
	v37 =	vld.idx.msk [tilespmem:v37+s12+$0x0], $0xffff;
	[tilespmem:s10+$0x10CD0] =	vst v39  }
0x1db: {  	v13 =	vadd.s32 v3, v25;
	v35 =	vor.u32 v2, v35;
	v39 =	vor.u32 v30, v11;
	v33 =	vld.idx.msk [tilespmem:v33+s12+$0x0], $0xffff  }
0x1dc: {  	v15 =	vadd.s32 v14, v20;
	[tilespmem:s10+$0x10E80] =	vst v41;
	v43 =	vor.u32 v23, v59;
	v39 =	vor.u32 v2, v39  }
0x1dd: {  	v45 =	vadd.s32 v14, v22;
	v20 =	vadd.s32 v42, v20;
	v43 =	vor.u32 v57, v43;
	[tilespmem:s10+$0x10B60] =	vst v34  }
0x1de: {  	v22 =	vadd.s32 v42, v22;
	v34 =	vor.u32 v26, v12;
	[tilespmem:s10+$0x10C60] =	vst v32;
	v36 =	vld.idx.msk [tilespmem:v36+s12+$0x0], $0xffff  }
0x1df: {  	v32 =	vor.u32 v31, v16;
	[tilespmem:s10+$0x10BE0] =	vst v37;
	v34 =	vor.u32 v6, v34;
	v38 =	vld.idx.msk [tilespmem:v38+s12+$0x0], $0xffff  }
0x1e0: {  	v37 =	vor.u32 v27, v13;
	v32 =	vor.u32 v6, v32;
	v35 =	vld.idx.msk [tilespmem:v35+s12+$0x0], $0xffff;
	[tilespmem:s10+$0x10CE0] =	vst v33  }
0x1e1: {  	v52 =	vadd.s32 v14, v25;
	v37 =	vor.u32 v6, v37;
	v33 =	vor.u32 v30, v17;
	v39 =	vld.idx.msk [tilespmem:v39+s12+$0x0], $0xffff  }
0x1e2: {  	v53 =	vadd.s32 v14, v28;
	v20 =	vor.u32 v21, v20;
	v41 =	vld.idx.msk [tilespmem:v43+s12+$0x0], $0xffff;
	v33 =	vor.u32 v6, v33  }
0x1e3: {  	v48 =	vld [tilespmem:$0x1FE10];
	v43 =	vadd.s32 v51, v24;
	v46 =	vadd.s32 v51, v28;
	v40 =	vor.u32 v21, v15;
	[tilespmem:s10+$0x10B70] =	vst v36  }
0x1e4: {  	v21 =	vor.u32 v26, v43;
	v44 =	vadd.s32 v51, v25;
	[tilespmem:s10+$0x10C70] =	vst v38;
	v34 =	vld.idx.msk [tilespmem:v34+s12+$0x0], $0xffff  }
0x1e5: {  	v21 =	vor.u32 v57, v21;
	v38 =	vor.u32 v31, v46;
	[tilespmem:s10+$0x10BF0] =	vst v35;
	v32 =	vld.idx.msk [tilespmem:v32+s12+$0x0], $0xffff  }
0x1e6: {  	v35 =	vor.u32 v27, v44;
	v38 =	vor.u32 v57, v38;
	v37 =	vld.idx.msk [tilespmem:v37+s12+$0x0], $0xffff;
	[tilespmem:s10+$0x10CF0] =	vst v39  }
0x1e7: {  	v22 =	vor.u32 v23, v22;
	v35 =	vor.u32 v57, v35;
	v39 =	vor.u32 v30, v47;
	v33 =	vld.idx.msk [tilespmem:v33+s12+$0x0], $0xffff  }
0x1e8: {  	v54 =	vadd.s32 v14, v29;
	v29 =	vadd.s32 v42, v29;
	v50 =	vor.u32 v57, v39  }
0x1e9: {  	v51 =	vadd.s32 v14, v24;
	v49 =	vor.u32 v48, v40;
	v36 =	vor.u32 v23, v45;
	[tilespmem:s10+$0x10F00] =	vst v34;
	v57 =	vld [tilespmem:$0x1FE30]  }
0x1ea: {  	v36 =	vor.u32 v48, v36;
	v39 =	vor.u32 v26, v51;
	[tilespmem:s10+$0x11000] =	vst v32;
	v21 =	vld.idx.msk [tilespmem:v21+s12+$0x0], $0xffff  }
0x1eb: {  	v32 =	vor.u32 v31, v53;
	[tilespmem:s10+$0x10F80] =	vst v37;
	v39 =	vor.u32 v48, v39;
	v38 =	vld.idx.msk [tilespmem:v38+s12+$0x0], $0xffff  }
0x1ec: {  	v37 =	vor.u32 v27, v52;
	v32 =	vor.u32 v48, v32;
	v35 =	vld.idx.msk [tilespmem:v35+s12+$0x0], $0xffff;
	[tilespmem:s10+$0x11080] =	vst v33  }
0x1ed: {  	v28 =	vadd.s32 v42, v28;
	v37 =	vor.u32 v48, v37;
	v33 =	vor.u32 v30, v54;
	v34 =	vld.idx.msk [tilespmem:v50+s12+$0x0], $0xffff  }
0x1ee: {  	[tilespmem:s10+$0x10E90] =	vst v41;
	v28 =	vor.u32 v31, v28;
	v23 =	vld.idx.msk [tilespmem:v49+s12+$0x0], $0xffff;
	v56 =	vor.u32 v48, v33  }
0x1ef: {  	v24 =	vadd.s32 v42, v24;
	v58 =	vld.idx.msk [tilespmem:v36+s12+$0x0], $0xffff;
	v20 =	vor.u32 v57, v20;
	[tilespmem:s10+$0x10F10] =	vst v21  }
0x1f0: {  	v55 =	vor.u32 v26, v24;
	v22 =	vor.u32 v57, v22;
	[tilespmem:s10+$0x11010] =	vst v38;
	v59 =	vld.idx.msk [tilespmem:v39+s12+$0x0], $0xffff  }
0x1f1: {  	v25 =	vadd.s32 v42, v25;
	v21 =	vor.u32 v57, v55;
	[tilespmem:s10+$0x10F90] =	vst v35;
	v32 =	vld.idx.msk [tilespmem:v32+s12+$0x0], $0xffff  }
0x1f2: {  	v25 =	vor.u32 v27, v25;
	v28 =	vor.u32 v57, v28;
	v60 =	vld.idx.msk [tilespmem:v37+s12+$0x0], $0xffff;
	[tilespmem:s10+$0x11090] =	vst v34  }
0x1f3: {  	v61 =	vor.u32 v30, v29;
	[tilespmem:s10+$0x10E20] =	vst v23;
	v25 =	vor.u32 v57, v25;
	v24 =	vld.idx.msk [tilespmem:v56+s12+$0x0], $0xffff  }
0x1f4: {  	[tilespmem:s10+$0x10EA0] =	vst v58;
	v23 =	vor.u32 v57, v61;
	v20 =	vld.idx.msk [tilespmem:v20+s12+$0x0], $0xffff  }
0x1f5: {  	v22 =	vld.idx.msk [tilespmem:v22+s12+$0x0], $0xffff;
	[tilespmem:s10+$0x10F20] =	vst v59  }
0x1f6: {  	[tilespmem:s10+$0x11020] =	vst v32;
	v21 =	vld.idx.msk [tilespmem:v21+s12+$0x0], $0xffff  }
0x1f7: {  	[tilespmem:s10+$0x10FA0] =	vst v60;
	v62 =	vld.idx.msk [tilespmem:v28+s12+$0x0], $0xffff  }
0x1f8: {  	v25 =	vld.idx.msk [tilespmem:v25+s12+$0x0], $0xffff;
	[tilespmem:s10+$0x110A0] =	vst v24  }
0x1f9: {  	p1 =	slt.u32 s8, $0x30;
	[tilespmem:s10+$0x10E30] =	vst v20;
	v63 =	vld.idx.msk [tilespmem:v23+s12+$0x0], $0xffff  }
.Ltmp0:
0x1fa: {  	[tilespmem:s10+$0x10EB0] =	vst v22;
	(pc) =	sbr.rel @p1 .LBB2_3-.Ltmp0, $4  }
0x1fb: {  	[tilespmem:s10+$0x10F30] =	vst v21  }
0x1fc: {  	[tilespmem:s10+$0x11030] =	vst v62  }
0x1fd: {  	s9 =	sadd.s32 $0x8, s8;
	[tilespmem:s10+$0x10FB0] =	vst v25  }
0x1fe: {  	s8 =	smov.u32 s9;
	[tilespmem:s10+$0x110B0] =	vst v63  }
0x1ff: {  	s0 =	smul.u32 $0xA8000, s26  }
0x200: {  	s3 =	smul.u32 $0x38000, s25  }
0x201: {  	s5 =	smul.u32 $0x7000, s23;
	p1 =	sne.s32 s20, $0x17  }
.Ltmp1:
0x202: {  	s23 =	sadd.s32 s3, s0;
	(pc) =	sbr.rel @p1 .LBB2_6-.Ltmp1, $4  }
0x203: {  	s0 =	sadd.s32 s5, s23  }
0x204: {  	s0 =	sshrl.u32 s0, $0x3  }
0x205: {  	s0 =	sadd.s32 s2, s0  }
0x206: {  	[hbm4b:s0+s4] =	stream.linear.scatter [tilespmem:s15], [sflag:$0x3], $0x7000, $0x38;
	[tilespmem:$0x1E100] =	vst v63  }
.Ltmp2:
0x207: {  	(pc) =	sbr.rel .LBB2_7-.Ltmp2, $4  }
0x208: {  	_ = 	snop  }
0x209: {  	_ =	swait.ge [sflag:s13], $0x8000  }
0x20a: {  	[sflag:s13] =	ssyncset.done $0x0  }
0x20b: {  	[sflag:s13] =	ssyncadd.s32 $0xFFFF8000  }
.LBB2_6:
0x20c: {  	s0 =	sadd.s32 $0x2, s24  }
0x20d: {  	s3 =	sshrl.u32 s0, $0x3  }
0x20e: {  	s3 =	sadd.s32 s6, s3  }
0x20f: {  	s5 =	smulhi.u32 $0xAAAAAAAB, s3;
	_ =	sdelay $0x1  }
0x210: {  	s7 =	sshrl.u32 s5, $0x2  }
0x211: {  	s8 =	smul.u32 $0x6, s7;
	_ =	sdelay $0x1  }
0x212: {  	s3 =	ssub.s32 s3, s8  }
0x213: {  	s8 =	simm.s32 $0x2;
	p1 =	sgt.u32 s3, $0x2  }
0x214: {  	s5 =	sand.u32 $0x3FFFFFFC, s5;
	s8 =	simm.s32 @!p1 $0x0  }
0x215: {  	s5 =	sor.u32 s8, s5  }
0x216: {  	v0 =	vld [tilespmem:s5+$0x0];
	_ =	sdelay $0x4  }
0x217: {  	(v2sf) =	vpush v0, $0x0;
	_ =	sdelay $0xe  }
0x218: {  	s0 =	sand.u32 $0x6, s0;
	s29 =	spop (v2sf)  }
0x219: {  	s0 =	smul.u32 $0x7, s0;
	s30 =	sand.u32 $0x7, s29  }
0x21a: {  	p6 =	slt.s32 s29, $0x1;
	s31 =	sshra.s32 s29, $0x1F;
	p2 =	sne.s32 s30, $0x0  }
0x21b: {  	s7 =	smul.u32 $0xC0000, s7;
	s8 =	sshrl.u32 s31, $0x1D;
	p1 =	por !p6, !p2  }
0x21c: {  	p2 =	slt.u32 s3, $0x3;
	s3 =	sshll.u32 s3, $0x12;
	s5 =	sadd.s32 s8, s29  }
0x21d: {  	s8 =	simm.s32 $0x1;
	s5 =	sshrl.u32 s5, $0x3;
	p1 =	por !p1, !p1  }
0x21e: {  	s9 =	sadd.s32 $0xFFF40000, s3;
	s0 =	sadd.s32 s0, s5;
	s8 =	simm.s32 @!p1 $0x0  }
0x21f: {  	s9 =	smov.u32 @p2 s3;
	s0 =	ssub.s32 s0, s8  }
0x220: {  	s3 =	sadd.s32 s7, s9;
	s0 =	sshll.u32 s0, $0xC  }
0x221: {  	s0 =	sadd.s32 s0, s3  }
0x222: {  	s0 =	sshrl.u32 s0, $0x3  }
.Ltmp3:
0x223: {  	s0 =	sadd.s32 s1, s0;
	(pc) =	sbr.rel @p0 .LBB2_8-.Ltmp3, $4  }
0x224: {  	[tilespmem:s12], [sflag:$0x1] =	stream.linear.gather [hbm4b:s0+s4], $0x8000, $0x38;
	[tilespmem:$0x1E100] =	vst v63  }
0x225: {  	_ =	swait.ge [sflag:s13], $0x8000  }
0x226: {  	[sflag:s13] =	ssyncset.done $0x0  }
0x227: {  	[sflag:s13] =	ssyncadd.s32 $0xFFFF8000  }
.LBB2_7:
0x228: {  	_ =	swait.ge [sflag:s16], $0x7000  }
0x229: {  	[sflag:s16] =	ssyncset.done $0x0  }
0x22a: {  	[sflag:s16] =	ssyncadd.s32 $0xFFFF9000  }
.LBB2_8:
0x22b: {  	v0 =	vld [tilespmem:s22+$0x0];
	_ =	sdelay $0x2  }
0x22c: {  	v2 =	vld [tilespmem:$0x1FE60];
	_ =	sdelay $0x1  }
0x22d: {  	v10 =	vld [tilespmem:$0x1FE90];
	v16 =	vbroadcast v0, $0x1  }
0x22e: {  	v61 =	vlaneseq.u32;
	v62 =	vld [tilespmem:$0x1FE50]  }
0x22f: {  	v18 =	vld [tilespmem:$0x1FEC0];
	(v2sf) =	vpush v0, $0x0;
	v0 =	vadd.s32 v61, v16  }
0x230: {  	v2 =	vadd.s32 v2, v16;
	v1 =	vand.u32 $0x7F, v0  }
0x231: {  	v25 =	vld [tilespmem:$0x1FEF0];
	v0 =	vshll.u32 v0, $0x3;
	v5 =	vand.u32 $0x7F, v2;
	[tilespmem:$0x1F730] =	vst v1  }
0x232: {  	v4 =	vshll.u32 v2, $0x3;
	v2 =	vadd.s32 v10, v16;
	v0 =	vand.u32 $0xFFFFFC00, v0;
	[tilespmem:$0x1F770] =	vst v5  }
0x233: {  	v8 =	vld [tilespmem:$0x1FE80];
	v1 =	vadd.s32 v62, v16;
	v11 =	vshll.u32 v2, $0x3;
	v12 =	vand.u32 $0x7F, v2;
	[tilespmem:$0x1F740] =	vst v0  }
0x234: {  	v32 =	vld [tilespmem:$0x1FF20];
	v2 =	vadd.s32 v18, v16;
	v63 =	vshll.u32 v1, $0x3;
	v1 =	vand.u32 $0x7F, v1;
	[tilespmem:$0x1F7D0] =	vst v12  }
0x235: {  	v39 =	vld [tilespmem:$0x1FF50];
	v20 =	vand.u32 $0x7F, v2;
	[tilespmem:$0x1F750] =	vst v1  }
0x236: {  	v6 =	vld [tilespmem:$0x1FE70];
	v19 =	vshll.u32 v2, $0x3;
	v2 =	vadd.s32 v25, v16;
	v0 =	vand.u32 $0xFFFFFC00, v63;
	[tilespmem:$0x1F830] =	vst v20  }
0x237: {  	v15 =	vld [tilespmem:$0x1FEB0];
	v27 =	vand.u32 $0x7F, v2;
	[tilespmem:$0x1F760] =	vst v0  }
0x238: {  	v44 =	vld [tilespmem:$0x1FF70];
	v1 =	vadd.s32 v8, v16;
	v26 =	vshll.u32 v2, $0x3;
	v0 =	vand.u32 $0xFFFFFC00, v4;
	[tilespmem:$0x1F890] =	vst v27  }
0x239: {  	v10 =	vld [tilespmem:$0x1FFB0];
	v2 =	vadd.s32 v32, v16;
	v9 =	vshll.u32 v1, $0x3;
	v1 =	vand.u32 $0x7F, v1;
	[tilespmem:$0x1F780] =	vst v0  }
0x23a: {  	v33 =	vshll.u32 v2, $0x3;
	v34 =	vand.u32 $0x7F, v2;
	v2 =	vadd.s32 v39, v16;
	[tilespmem:$0x1F7B0] =	vst v1  }
0x23b: {  	v0 =	vadd.s32 v6, v16;
	[tilespmem:$0x1F8F0] =	vst v34;
	v41 =	vand.u32 $0x7F, v2  }
0x23c: {  	v18 =	vld [tilespmem:$0x1FFF0];
	v1 =	vadd.s32 v15, v16;
	v40 =	vshll.u32 v2, $0x3;
	v7 =	vand.u32 $0x7F, v0;
	[tilespmem:$0x1F950] =	vst v41  }
0x23d: {  	v2 =	vadd.s32 v44, v16;
	v17 =	vshll.u32 v1, $0x3;
	v1 =	vand.u32 $0x7F, v1;
	[tilespmem:$0x1F790] =	vst v7  }
0x23e: {  	v23 =	vld [tilespmem:$0x1FEE0];
	v10 =	vadd.s32 v10, v16;
	v46 =	vand.u32 $0x7F, v2;
	[tilespmem:$0x1F810] =	vst v1  }
0x23f: {  	v0 =	vshll.u32 v0, $0x3;
	v54 =	vand.u32 $0x7F, v10;
	[tilespmem:$0x1F990] =	vst v46  }
0x240: {  	v8 =	vld [tilespmem:$0x1FFA0];
	v3 =	vshll.u32 v2, $0x3;
	v0 =	vand.u32 $0xFFFFFC00, v0;
	[tilespmem:$0x1FA10] =	vst v54  }
0x241: {  	v30 =	vld [tilespmem:$0x1FF10];
	v18 =	vadd.s32 v18, v16;
	v47 =	vand.u32 $0xFFFFFC00, v3;
	[tilespmem:$0x1F7A0] =	vst v0  }
0x242: {  	v4 =	vld [tilespmem:$0x1FF80];
	v62 =	vand.u32 $0x7F, v18;
	[tilespmem:$0x1F9A0] =	vst v47  }
0x243: {  	v1 =	vadd.s32 v23, v16;
	v0 =	vand.u32 $0xFFFFFC00, v9;
	[tilespmem:$0x1FA90] =	vst v62  }
0x244: {  	v24 =	vshll.u32 v1, $0x3;
	v1 =	vand.u32 $0x7F, v1;
	[tilespmem:$0x1F7C0] =	vst v0  }
0x245: {  	v13 =	vld [tilespmem:$0x1FEA0];
	v8 =	vadd.s32 v8, v16;
	v0 =	vand.u32 $0xFFFFFC00, v11;
	[tilespmem:$0x1F870] =	vst v1  }
0x246: {  	v1 =	vadd.s32 v30, v16;
	v52 =	vand.u32 $0x7F, v8;
	[tilespmem:$0x1F7E0] =	vst v0  }
0x247: {  	v6 =	vld [tilespmem:$0x1FF90];
	v4 =	vadd.s32 v4, v16;
	v31 =	vshll.u32 v1, $0x3;
	v1 =	vand.u32 $0x7F, v1;
	[tilespmem:$0x1F9F0] =	vst v52  }
0x248: {  	v12 =	vld [tilespmem:$0x1FFC0];
	v9 =	vshll.u32 v8, $0x3;
	v48 =	vand.u32 $0x7F, v4;
	[tilespmem:$0x1F8D0] =	vst v1  }
0x249: {  	v11 =	vshll.u32 v10, $0x3;
	v53 =	vand.u32 $0xFFFFFC00, v9;
	[tilespmem:$0x1F9B0] =	vst v48  }
0x24a: {  	v37 =	vld [tilespmem:$0x1FF40];
	v0 =	vadd.s32 v13, v16;
	v55 =	vand.u32 $0xFFFFFC00, v11;
	[tilespmem:$0x1FA00] =	vst v53  }
0x24b: {  	v5 =	vshll.u32 v4, $0x3;
	v14 =	vand.u32 $0x7F, v0;
	[tilespmem:$0x1FA20] =	vst v55  }
0x24c: {  	v7 =	vadd.s32 v6, v16;
	v49 =	vand.u32 $0xFFFFFC00, v5;
	[tilespmem:$0x1F7F0] =	vst v14  }
0x24d: {  	v13 =	vadd.s32 v12, v16;
	v50 =	vand.u32 $0x7F, v7;
	[tilespmem:$0x1F9C0] =	vst v49  }
0x24e: {  	v42 =	vld [tilespmem:$0x1FF60];
	v0 =	vshll.u32 v0, $0x3;
	v56 =	vand.u32 $0x7F, v13;
	[tilespmem:$0x1F9D0] =	vst v50  }
0x24f: {  	v1 =	vadd.s32 v37, v16;
	v0 =	vand.u32 $0xFFFFFC00, v0;
	[tilespmem:$0x1FA30] =	vst v56  }
0x250: {  	v7 =	vshll.u32 v7, $0x3;
	v38 =	vshll.u32 v1, $0x3;
	v1 =	vand.u32 $0x7F, v1;
	[tilespmem:$0x1F800] =	vst v0  }
0x251: {  	v21 =	vld [tilespmem:$0x1FED0];
	v13 =	vshll.u32 v13, $0x3;
	v51 =	vand.u32 $0xFFFFFC00, v7;
	[tilespmem:$0x1F930] =	vst v1  }
0x252: {  	v57 =	vand.u32 $0xFFFFFC00, v13;
	[tilespmem:$0x1F9E0] =	vst v51  }
0x253: {  	v43 =	vadd.s32 v42, v16;
	v0 =	vand.u32 $0xFFFFFC00, v17;
	[tilespmem:$0x1FA40] =	vst v57  }
0x254: {  	v14 =	vld [tilespmem:$0x1FFD0];
	v1 =	vshll.u32 v43, $0x3;
	[tilespmem:$0x1F820] =	vst v0;
	v0 =	vand.u32 $0xFFFFFC00, v19  }
0x255: {  	v45 =	vand.u32 $0xFFFFFC00, v1;
	v19 =	vshll.u32 v18, $0x3;
	[tilespmem:$0x1F840] =	vst v0  }
0x256: {  	v0 =	vadd.s32 v21, v16;
	[tilespmem:$0x1F980] =	vst v45;
	v63 =	vand.u32 $0xFFFFFC00, v19  }
0x257: {  	v17 =	vld [tilespmem:$0x1FFE0];
	v22 =	vand.u32 $0x7F, v0;
	v0 =	vshll.u32 v0, $0x3;
	[tilespmem:$0x1FAA0] =	vst v63  }
0x258: {  	v28 =	vld [tilespmem:$0x1FF00];
	[tilespmem:$0x1F850] =	vst v22;
	v0 =	vand.u32 $0xFFFFFC00, v0  }
0x259: {  	v15 =	vadd.s32 v14, v16;
	[tilespmem:$0x1F860] =	vst v0;
	v0 =	vand.u32 $0xFFFFFC00, v24  }
0x25a: {  	v58 =	vand.u32 $0x7F, v15;
	[tilespmem:$0x1F880] =	vst v0  }
0x25b: {  	v15 =	vshll.u32 v15, $0x3;
	v0 =	vand.u32 $0xFFFFFC00, v26;
	[tilespmem:$0x1FA50] =	vst v58  }
0x25c: {  	v17 =	vadd.s32 v17, v16;
	v59 =	vand.u32 $0xFFFFFC00, v15;
	[tilespmem:$0x1F8A0] =	vst v0  }
0x25d: {  	v35 =	vld [tilespmem:$0x1FF30];
	s0 =	spop (v2sf);
	v60 =	vand.u32 $0x7F, v17;
	v17 =	vshll.u32 v17, $0x3;
	v0 =	vadd.s32 v28, v16;
	[tilespmem:$0x1FA60] =	vst v59  }
0x25e: {  	s3 =	sand.u32 $0x7, s0;
	[tilespmem:$0x1FA70] =	vst v60;
	v61 =	vand.u32 $0xFFFFFC00, v17;
	v29 =	vand.u32 $0x7F, v0;
	v0 =	vshll.u32 v0, $0x3  }
0x25f: {  	s5 =	sshra.s32 s0, $0x1F;
	p0 =	slt.s32 s0, $0x1;
	p1 =	sne.s32 s3, $0x0;
	[tilespmem:$0x1FA80] =	vst v61;
	v0 =	vand.u32 $0xFFFFFC00, v0  }
0x260: {  	s31 =	sshrl.u32 s5, $0x1D;
	p0 =	por !p0, !p1;
	[tilespmem:$0x1F8C0] =	vst v0;
	v0 =	vand.u32 $0xFFFFFC00, v31  }
0x261: {  	s5 =	simm.s32 $0x1;
	s3 =	sadd.s32 s31, s0;
	p0 =	por !p0, !p0;
	[tilespmem:$0x1F8E0] =	vst v0;
	v0 =	vand.u32 $0xFFFFFC00, v33  }
0x262: {  	s3 =	sshrl.u32 s3, $0x3;
	s5 =	simm.s32 @!p0 $0x0;
	[tilespmem:$0x1F900] =	vst v0;
	v0 =	vadd.s32 v35, v16  }
0x263: {  	s3 =	ssub.s32 s5, s3;
	[tilespmem:$0x1F8B0] =	vst v29;
	v36 =	vand.u32 $0x7F, v0;
	v0 =	vshll.u32 v0, $0x3  }
0x264: {  	s3 =	sshll.u32 s3, $0x3;
	[tilespmem:$0x1F910] =	vst v36;
	v0 =	vand.u32 $0xFFFFFC00, v0  }
0x265: {  	s22 =	sadd.s32 s0, s3;
	[tilespmem:$0x1F920] =	vst v0;
	v0 =	vand.u32 $0xFFFFFC00, v38  }
0x266: {  	s8 =	simm.s32 $0x0;
	s24 =	sadd.s32 $0x1, s22;
	[tilespmem:$0x1F940] =	vst v0;
	v0 =	vand.u32 $0xFFFFFC00, v40  }
0x267: {  	s25 =	sadd.s32 $0x2, s22;
	s26 =	sadd.s32 $0x3, s22;
	s0 =	sadd.s32 $0x4, s22;
	[tilespmem:$0x1F960] =	vst v0;
	v0 =	vand.u32 $0x7F, v43  }
0x268: {  	s3 =	sadd.s32 $0x5, s22;
	s5 =	sadd.s32 $0x6, s22;
	s7 =	sadd.s32 $0x7, s22;
	[tilespmem:$0x1F970] =	vst v0  }
.LBB2_9:
0x269: {  	v45 =	vld [tilespmem:$0x1F740]  }
0x26a: {  	s9 =	sadd.s32 s22, s8  }
0x26b: {  	v44 =	vld [tilespmem:$0x1F730];
	v20 =	vmov s9  }
0x26c: {  	v21 =	vshll.u32 v20, $0x9  }
0x26d: {  	v20 =	vshll.u32 v20, $0x7;
	v27 =	vand.u32 $0xFFFFF000, v21  }
0x26e: {  	v26 =	vand.u32 $0x380, v20;
	v21 =	vadd.s32 v45, v27  }
0x26f: {  	v47 =	vld [tilespmem:$0x1F760];
	v20 =	vor.u32 v26, v21  }
0x270: {  	v20 =	vor.u32 v44, v20  }
0x271: {  	v46 =	vld [tilespmem:$0x1F750];
	_ =	sdelay $0x2  }
0x272: {  	s10 =	sadd.s32 s8, s24;
	v49 =	vld [tilespmem:$0x1F780];
	v63 =	vadd.s32 v47, v27  }
0x273: {  	v22 =	vmov s10;
	v21 =	vor.u32 v26, v63;
	v20 =	vld.idx.msk [tilespmem:v20+s14+$0x0], $0xffff  }
0x274: {  	v23 =	vshll.u32 v22, $0x9;
	v21 =	vor.u32 v46, v21  }
0x275: {  	v48 =	vld [tilespmem:$0x1F770];
	v22 =	vshll.u32 v22, $0x7;
	v25 =	vand.u32 $0xFFFFF000, v23  }
0x276: {  	s28 =	sshll.u32 s8, $0x9;
	v24 =	vand.u32 $0x380, v22;
	v23 =	vadd.s32 v45, v25  }
0x277: {  	s10 =	sand.u32 $0x3FFFFE00, s28;
	v22 =	vor.u32 v24, v23  }
0x278: {  	v51 =	vld [tilespmem:$0x1F7A0];
	v0 =	vadd.s32 v49, v27;
	v22 =	vor.u32 v44, v22;
	[tilespmem:s10+$0x17100] =	vst v20  }
0x279: {  	v20 =	vor.u32 v26, v0;
	v21 =	vld.idx.msk [tilespmem:v21+s14+$0x0], $0xffff  }
0x27a: {  	v20 =	vor.u32 v48, v20  }
0x27b: {  	v50 =	vld [tilespmem:$0x1F790]  }
0x27c: {  	v1 =	vadd.s32 v47, v25  }
0x27d: {  	v23 =	vor.u32 v24, v1;
	v22 =	vld.idx.msk [tilespmem:v22+s14+$0x0], $0xffff  }
0x27e: {  	v53 =	vld [tilespmem:$0x1F7C0];
	v2 =	vadd.s32 v51, v27;
	v23 =	vor.u32 v46, v23;
	[tilespmem:s10+$0x17110] =	vst v21  }
0x27f: {  	v21 =	vor.u32 v26, v2;
	v20 =	vld.idx.msk [tilespmem:v20+s14+$0x0], $0xffff  }
0x280: {  	v21 =	vor.u32 v50, v21  }
0x281: {  	v52 =	vld [tilespmem:$0x1F7B0]  }
0x282: {  	v3 =	vadd.s32 v49, v25;
	[tilespmem:s10+$0x17180] =	vst v22  }
0x283: {  	v22 =	vor.u32 v24, v3;
	v23 =	vld.idx.msk [tilespmem:v23+s14+$0x0], $0xffff  }
0x284: {  	v4 =	vadd.s32 v53, v27;
	v22 =	vor.u32 v48, v22;
	[tilespmem:s10+$0x17120] =	vst v20  }
0x285: {  	v20 =	vor.u32 v26, v4;
	v21 =	vld.idx.msk [tilespmem:v21+s14+$0x0], $0xffff  }
0x286: {  	v20 =	vor.u32 v52, v20;
	_ =	sdelay $0x1  }
0x287: {  	v5 =	vadd.s32 v51, v25;
	[tilespmem:s10+$0x17190] =	vst v23  }
0x288: {  	v23 =	vor.u32 v24, v5;
	v22 =	vld.idx.msk [tilespmem:v22+s14+$0x0], $0xffff  }
0x289: {  	v55 =	vld [tilespmem:$0x1F7E0];
	v23 =	vor.u32 v50, v23;
	[tilespmem:s10+$0x17130] =	vst v21  }
0x28a: {  	v20 =	vld.idx.msk [tilespmem:v20+s14+$0x0], $0xffff  }
0x28b: {  	v54 =	vld [tilespmem:$0x1F7D0];
	_ =	sdelay $0x1  }
0x28c: {  	v7 =	vadd.s32 v53, v25;
	[tilespmem:s10+$0x171A0] =	vst v22  }
0x28d: {  	v6 =	vadd.s32 v55, v27;
	v22 =	vor.u32 v24, v7;
	v23 =	vld.idx.msk [tilespmem:v23+s14+$0x0], $0xffff  }
0x28e: {  	v21 =	vor.u32 v26, v6;
	v57 =	vld [tilespmem:$0x1F800];
	v22 =	vor.u32 v52, v22  }
0x28f: {  	v21 =	vor.u32 v54, v21  }
0x290: {  	v56 =	vld [tilespmem:$0x1F7F0];
	_ =	sdelay $0x1  }
0x291: {  	v9 =	vadd.s32 v55, v25;
	v59 =	vld [tilespmem:$0x1F820];
	[tilespmem:s10+$0x171B0] =	vst v23  }
0x292: {  	[tilespmem:s10+$0x17140] =	vst v20;
	v8 =	vadd.s32 v57, v27;
	v23 =	vor.u32 v24, v9;
	v22 =	vld.idx.msk [tilespmem:v22+s14+$0x0], $0xffff  }
0x293: {  	v20 =	vor.u32 v26, v8;
	v23 =	vor.u32 v54, v23;
	v21 =	vld.idx.msk [tilespmem:v21+s14+$0x0], $0xffff  }
0x294: {  	v20 =	vor.u32 v56, v20  }
0x295: {  	v58 =	vld [tilespmem:$0x1F810];
	_ =	sdelay $0x1  }
0x296: {  	v61 =	vld [tilespmem:$0x1F840];
	v11 =	vadd.s32 v57, v25;
	[tilespmem:s10+$0x171C0] =	vst v22  }
0x297: {  	v10 =	vadd.s32 v59, v27;
	v22 =	vor.u32 v24, v11;
	v23 =	vld.idx.msk [tilespmem:v23+s14+$0x0], $0xffff;
	[tilespmem:s10+$0x17150] =	vst v21  }
0x298: {  	v22 =	vor.u32 v56, v22;
	v21 =	vor.u32 v26, v10;
	v20 =	vld.idx.msk [tilespmem:v20+s14+$0x0], $0xffff  }
0x299: {  	v21 =	vor.u32 v58, v21  }
0x29a: {  	v60 =	vld [tilespmem:$0x1F830];
	_ =	sdelay $0x1  }
0x29b: {  	v63 =	vld [tilespmem:$0x1F860];
	v13 =	vadd.s32 v59, v25;
	[tilespmem:s10+$0x171D0] =	vst v23  }
0x29c: {  	v12 =	vadd.s32 v61, v27;
	v23 =	vor.u32 v24, v13;
	v22 =	vld.idx.msk [tilespmem:v22+s14+$0x0], $0xffff;
	[tilespmem:s10+$0x17160] =	vst v20  }
0x29d: {  	v23 =	vor.u32 v58, v23;
	v20 =	vor.u32 v26, v12;
	v21 =	vld.idx.msk [tilespmem:v21+s14+$0x0], $0xffff  }
0x29e: {  	v20 =	vor.u32 v60, v20  }
0x29f: {  	v62 =	vld [tilespmem:$0x1F850];
	_ =	sdelay $0x1  }
0x2a0: {  	v1 =	vld [tilespmem:$0x1F880];
	v15 =	vadd.s32 v61, v25;
	[tilespmem:s10+$0x171E0] =	vst v22  }
0x2a1: {  	v14 =	vadd.s32 v63, v27;
	v22 =	vor.u32 v24, v15;
	v23 =	vld.idx.msk [tilespmem:v23+s14+$0x0], $0xffff;
	[tilespmem:s10+$0x17170] =	vst v21  }
0x2a2: {  	v22 =	vor.u32 v60, v22;
	v21 =	vor.u32 v26, v14;
	v20 =	vld.idx.msk [tilespmem:v20+s14+$0x0], $0xffff  }
0x2a3: {  	v21 =	vor.u32 v62, v21  }
0x2a4: {  	s29 =	sadd.s32 s8, s25;
	v0 =	vld [tilespmem:$0x1F870]  }
0x2a5: {  	v28 =	vmov s29  }
0x2a6: {  	v29 =	vshll.u32 v28, $0x9;
	v3 =	vld [tilespmem:$0x1F8A0];
	v19 =	vadd.s32 v63, v25;
	[tilespmem:s10+$0x171F0] =	vst v23  }
0x2a7: {  	v28 =	vshll.u32 v28, $0x7;
	v30 =	vadd.s32 v1, v27;
	v23 =	vor.u32 v24, v19;
	v22 =	vld.idx.msk [tilespmem:v22+s14+$0x0], $0xffff;
	[tilespmem:s10+$0x17500] =	vst v20  }
0x2a8: {  	v30 =	vor.u32 v26, v30;
	v23 =	vor.u32 v62, v23;
	v20 =	vand.u32 $0xFFFFF000, v29;
	v16 =	vld.idx.msk [tilespmem:v21+s14+$0x0], $0xffff  }
0x2a9: {  	v17 =	vor.u32 v0, v30;
	v31 =	vadd.s32 v45, v20;
	v21 =	vand.u32 $0x380, v28  }
0x2aa: {  	v5 =	vld [tilespmem:$0x1F890];
	v18 =	vor.u32 v21, v31  }
0x2ab: {  	v30 =	vor.u32 v44, v18  }
0x2ac: {  	v6 =	vld [tilespmem:$0x1F8C0];
	v35 =	vadd.s32 v1, v25;
	[tilespmem:s10+$0x17580] =	vst v22  }
0x2ad: {  	v33 =	vadd.s32 v3, v27;
	v22 =	vor.u32 v24, v35;
	v23 =	vld.idx.msk [tilespmem:v23+s14+$0x0], $0xffff;
	[tilespmem:s10+$0x17510] =	vst v16  }
0x2ae: {  	v29 =	vor.u32 v26, v33;
	v22 =	vor.u32 v0, v22;
	v28 =	vld.idx.msk [tilespmem:v17+s14+$0x0], $0xffff  }
0x2af: {  	v7 =	vld [tilespmem:$0x1F8B0];
	v34 =	vadd.s32 v47, v20;
	v29 =	vor.u32 v5, v29  }
0x2b0: {  	v31 =	vor.u32 v21, v34;
	v30 =	vld.idx.msk [tilespmem:v30+s14+$0x0], $0xffff  }
0x2b1: {  	v31 =	vor.u32 v46, v31  }
0x2b2: {  	v38 =	vadd.s32 v3, v25;
	v8 =	vld [tilespmem:$0x1F8E0];
	[tilespmem:s10+$0x17590] =	vst v23  }
0x2b3: {  	v36 =	vadd.s32 v6, v27;
	v23 =	vor.u32 v24, v38;
	v22 =	vld.idx.msk [tilespmem:v22+s14+$0x0], $0xffff;
	[tilespmem:s10+$0x17520] =	vst v28  }
0x2b4: {  	v23 =	vor.u32 v5, v23;
	v28 =	vor.u32 v26, v36;
	v29 =	vld.idx.msk [tilespmem:v29+s14+$0x0], $0xffff  }
0x2b5: {  	v9 =	vld [tilespmem:$0x1F8D0];
	v37 =	vadd.s32 v49, v20;
	[tilespmem:s10+$0x17200] =	vst v30;
	v28 =	vor.u32 v7, v28  }
0x2b6: {  	v30 =	vor.u32 v21, v37;
	v31 =	vld.idx.msk [tilespmem:v31+s14+$0x0], $0xffff  }
0x2b7: {  	v30 =	vor.u32 v48, v30  }
0x2b8: {  	v41 =	vadd.s32 v6, v25;
	v10 =	vld [tilespmem:$0x1F900];
	[tilespmem:s10+$0x175A0] =	vst v22  }
0x2b9: {  	v39 =	vadd.s32 v8, v27;
	v22 =	vor.u32 v24, v41;
	v23 =	vld.idx.msk [tilespmem:v23+s14+$0x0], $0xffff;
	[tilespmem:s10+$0x17530] =	vst v29  }
0x2ba: {  	v22 =	vor.u32 v7, v22;
	v29 =	vor.u32 v26, v39;
	v28 =	vld.idx.msk [tilespmem:v28+s14+$0x0], $0xffff  }
0x2bb: {  	v11 =	vld [tilespmem:$0x1F8F0];
	v40 =	vadd.s32 v51, v20;
	[tilespmem:s10+$0x17210] =	vst v31;
	v29 =	vor.u32 v9, v29  }
0x2bc: {  	v31 =	vor.u32 v21, v40;
	v30 =	vld.idx.msk [tilespmem:v30+s14+$0x0], $0xffff  }
0x2bd: {  	v31 =	vor.u32 v50, v31  }
0x2be: {  	v2 =	vadd.s32 v8, v25;
	v12 =	vld [tilespmem:$0x1F920];
	[tilespmem:s10+$0x175B0] =	vst v23  }
0x2bf: {  	v42 =	vadd.s32 v10, v27;
	v23 =	vor.u32 v24, v2;
	v22 =	vld.idx.msk [tilespmem:v22+s14+$0x0], $0xffff;
	[tilespmem:s10+$0x17540] =	vst v28  }
0x2c0: {  	v23 =	vor.u32 v9, v23;
	v28 =	vor.u32 v26, v42;
	v29 =	vld.idx.msk [tilespmem:v29+s14+$0x0], $0xffff  }
0x2c1: {  	[tilespmem:s10+$0x17220] =	vst v30;
	v28 =	vor.u32 v11, v28  }
0x2c2: {  	v43 =	vadd.s32 v53, v20;
	v31 =	vld.idx.msk [tilespmem:v31+s14+$0x0], $0xffff  }
0x2c3: {  	v15 =	vld [tilespmem:$0x1F910];
	v30 =	vor.u32 v21, v43  }
0x2c4: {  	v32 =	vadd.s32 v12, v27;
	v30 =	vor.u32 v52, v30;
	[tilespmem:s10+$0x175C0] =	vst v22  }
0x2c5: {  	s30 =	sadd.s32 s8, s26;
	v4 =	vor.u32 v26, v32;
	v33 =	vadd.s32 v10, v25;
	v16 =	vld.idx.msk [tilespmem:v23+s14+$0x0], $0xffff;
	[tilespmem:s10+$0x17550] =	vst v29  }
0x2c6: {  	v14 =	vmov s30;
	v13 =	vadd.s32 v55, v20;
	v33 =	vor.u32 v24, v33;
	v28 =	vld.idx.msk [tilespmem:v28+s14+$0x0], $0xffff  }
0x2c7: {  	v34 =	vshll.u32 v14, $0x9;
	v17 =	vor.u32 v11, v33;
	[tilespmem:s10+$0x17230] =	vst v31;
	v31 =	vor.u32 v21, v13;
	v13 =	vld [tilespmem:$0x1F940]  }
0x2c8: {  	v32 =	vshll.u32 v14, $0x7;
	v14 =	vld [tilespmem:$0x1F930];
	v22 =	vand.u32 $0xFFFFF000, v34;
	v29 =	vor.u32 v15, v4  }
0x2c9: {  	v35 =	vadd.s32 v45, v22;
	v23 =	vand.u32 $0x380, v32;
	v30 =	vld.idx.msk [tilespmem:v30+s14+$0x0], $0xffff  }
0x2ca: {  	v18 =	vor.u32 v23, v35;
	v31 =	vor.u32 v54, v31  }
0x2cb: {  	v36 =	vadd.s32 v12, v25;
	v33 =	vor.u32 v44, v18;
	[tilespmem:s10+$0x175D0] =	vst v16;
	v16 =	vld [tilespmem:$0x1F960]  }
0x2cc: {  	v34 =	vor.u32 v24, v36;
	v32 =	vld.idx.msk [tilespmem:v17+s14+$0x0], $0xffff;
	[tilespmem:s10+$0x17560] =	vst v28;
	v19 =	vadd.s32 v13, v27  }
0x2cd: {  	v34 =	vor.u32 v15, v34;
	v29 =	vld.idx.msk [tilespmem:v29+s14+$0x0], $0xffff;
	v28 =	vor.u32 v26, v19  }
0x2ce: {  	v35 =	vadd.s32 v57, v20;
	v17 =	vld [tilespmem:$0x1F950];
	[tilespmem:s10+$0x17240] =	vst v30;
	v28 =	vor.u32 v14, v28  }
0x2cf: {  	v30 =	vor.u32 v21, v35;
	v31 =	vld.idx.msk [tilespmem:v31+s14+$0x0], $0xffff  }
0x2d0: {  	v37 =	vadd.s32 v47, v22;
	v33 =	vld.idx.msk [tilespmem:v33+s14+$0x0], $0xffff;
	v30 =	vor.u32 v56, v30  }
0x2d1: {  	v40 =	vadd.s32 v13, v25;
	v35 =	vor.u32 v23, v37;
	v38 =	vadd.s32 v16, v27;
	[tilespmem:s10+$0x175E0] =	vst v32  }
0x2d2: {  	v35 =	vor.u32 v46, v35;
	v32 =	vor.u32 v24, v40;
	v34 =	vld.idx.msk [tilespmem:v34+s14+$0x0], $0xffff;
	[tilespmem:s10+$0x17570] =	vst v29  }
0x2d3: {  	v32 =	vor.u32 v14, v32;
	v29 =	vor.u32 v26, v38;
	v28 =	vld.idx.msk [tilespmem:v28+s14+$0x0], $0xffff  }
0x2d4: {  	v39 =	vadd.s32 v59, v20;
	v18 =	vld [tilespmem:$0x1F980];
	[tilespmem:s10+$0x17250] =	vst v31;
	v29 =	vor.u32 v17, v29  }
0x2d5: {  	v31 =	vor.u32 v21, v39;
	v30 =	vld.idx.msk [tilespmem:v30+s14+$0x0], $0xffff  }
0x2d6: {  	v19 =	vld [tilespmem:$0x1F970];
	[tilespmem:s10+$0x17280] =	vst v33;
	v31 =	vor.u32 v58, v31  }
0x2d7: {  	v43 =	vadd.s32 v61, v20;
	v41 =	vadd.s32 v49, v22;
	v35 =	vld.idx.msk [tilespmem:v35+s14+$0x0], $0xffff;
	[tilespmem:s10+$0x175F0] =	vst v34  }
0x2d8: {  	v2 =	vadd.s32 v16, v25;
	v33 =	vor.u32 v23, v41;
	v32 =	vld.idx.msk [tilespmem:v32+s14+$0x0], $0xffff;
	[tilespmem:s10+$0x17900] =	vst v28  }
0x2d9: {  	v42 =	vadd.s32 v18, v27;
	v33 =	vor.u32 v48, v33;
	v34 =	vor.u32 v24, v2;
	v29 =	vld.idx.msk [tilespmem:v29+s14+$0x0], $0xffff  }
0x2da: {  	v34 =	vor.u32 v17, v34;
	v28 =	vor.u32 v26, v42;
	[tilespmem:s10+$0x17260] =	vst v30;
	v30 =	vor.u32 v21, v43;
	v43 =	vld [tilespmem:$0x1F9A0]  }
0x2db: {  	v28 =	vor.u32 v19, v28;
	v31 =	vld.idx.msk [tilespmem:v31+s14+$0x0], $0xffff  }
0x2dc: {  	v4 =	vadd.s32 v51, v22;
	v42 =	vld [tilespmem:$0x1F990];
	v30 =	vor.u32 v60, v30  }
0x2dd: {  	v37 =	vadd.s32 v63, v20;
	v2 =	vld [tilespmem:$0x1F9C0];
	[tilespmem:s10+$0x17290] =	vst v35;
	v35 =	vor.u32 v23, v4  }
0x2de: {  	v38 =	vadd.s32 v18, v25;
	v33 =	vld.idx.msk [tilespmem:v33+s14+$0x0], $0xffff;
	v35 =	vor.u32 v50, v35;
	[tilespmem:s10+$0x17980] =	vst v32  }
0x2df: {  	v32 =	vor.u32 v24, v38;
	v34 =	vld.idx.msk [tilespmem:v34+s14+$0x0], $0xffff;
	[tilespmem:s10+$0x17910] =	vst v29;
	v36 =	vadd.s32 v43, v27  }
0x2e0: {  	v32 =	vor.u32 v19, v32;
	v28 =	vld.idx.msk [tilespmem:v28+s14+$0x0], $0xffff;
	v29 =	vor.u32 v26, v36;
	[tilespmem:s10+$0x17270] =	vst v31  }
0x2e1: {  	v31 =	vor.u32 v21, v37;
	v29 =	vor.u32 v42, v29;
	v30 =	vld.idx.msk [tilespmem:v30+s14+$0x0], $0xffff  }
0x2e2: {  	v31 =	vor.u32 v62, v31  }
0x2e3: {  	v39 =	vadd.s32 v53, v22;
	v4 =	vld [tilespmem:$0x1F9B0];
	[tilespmem:s10+$0x172A0] =	vst v33  }
0x2e4: {  	v33 =	vor.u32 v23, v39;
	v35 =	vld.idx.msk [tilespmem:v35+s14+$0x0], $0xffff;
	v36 =	vadd.s32 v43, v25;
	[tilespmem:s10+$0x17990] =	vst v34  }
0x2e5: {  	v33 =	vor.u32 v52, v33;
	v34 =	vor.u32 v24, v36;
	v32 =	vld.idx.msk [tilespmem:v32+s14+$0x0], $0xffff;
	[tilespmem:s10+$0x17920] =	vst v28  }
0x2e6: {  	v40 =	vadd.s32 v2, v27;
	v34 =	vor.u32 v42, v34;
	v29 =	vld.idx.msk [tilespmem:v29+s14+$0x0], $0xffff;
	[tilespmem:s10+$0x17600] =	vst v30  }
0x2e7: {  	v28 =	vor.u32 v26, v40;
	v31 =	vld.idx.msk [tilespmem:v31+s14+$0x0], $0xffff  }
0x2e8: {  	v41 =	vadd.s32 v1, v20;
	v39 =	vld [tilespmem:$0x1F9E0];
	v37 =	vadd.s32 v55, v22;
	v28 =	vor.u32 v4, v28  }
0x2e9: {  	[tilespmem:s10+$0x172B0] =	vst v35;
	v35 =	vor.u32 v23, v37;
	v37 =	vld [tilespmem:$0x1F9D0];
	v30 =	vor.u32 v21, v41  }
0x2ea: {  	v33 =	vld.idx.msk [tilespmem:v33+s14+$0x0], $0xffff;
	v30 =	vor.u32 v0, v30;
	[tilespmem:s10+$0x179A0] =	vst v32  }
0x2eb: {  	v40 =	vadd.s32 v3, v20;
	v34 =	vld.idx.msk [tilespmem:v34+s14+$0x0], $0xffff;
	[tilespmem:s10+$0x17930] =	vst v29  }
0x2ec: {  	v35 =	vor.u32 v54, v35;
	v41 =	vadd.s32 v2, v25;
	[tilespmem:s10+$0x17610] =	vst v31;
	v31 =	vor.u32 v21, v40;
	v40 =	vld [tilespmem:$0x1FA00]  }
0x2ed: {  	v32 =	vor.u32 v24, v41;
	v28 =	vld.idx.msk [tilespmem:v28+s14+$0x0], $0xffff  }
0x2ee: {  	v38 =	vadd.s32 v39, v27;
	v32 =	vor.u32 v4, v32  }
0x2ef: {  	v29 =	vor.u32 v26, v38;
	v30 =	vld.idx.msk [tilespmem:v30+s14+$0x0], $0xffff  }
0x2f0: {  	[tilespmem:s10+$0x172C0] =	vst v33;
	v29 =	vor.u32 v37, v29  }
0x2f1: {  	v35 =	vld.idx.msk [tilespmem:v35+s14+$0x0], $0xffff;
	[tilespmem:s10+$0x179B0] =	vst v34;
	v38 =	vadd.s32 v40, v27  }
0x2f2: {  	v36 =	vadd.s32 v57, v22;
	v31 =	vor.u32 v5, v31;
	[tilespmem:s10+$0x17940] =	vst v28;
	v28 =	vor.u32 v26, v38;
	v38 =	vld [tilespmem:$0x1F9F0]  }
0x2f3: {  	v41 =	vadd.s32 v6, v20;
	v33 =	vor.u32 v23, v36;
	v32 =	vld.idx.msk [tilespmem:v32+s14+$0x0], $0xffff  }
0x2f4: {  	v33 =	vor.u32 v56, v33;
	[tilespmem:s10+$0x17620] =	vst v30;
	v30 =	vor.u32 v21, v41;
	v41 =	vadd.s32 v39, v25;
	v39 =	vld [tilespmem:$0x1FA20]  }
0x2f5: {  	v29 =	vld.idx.msk [tilespmem:v29+s14+$0x0], $0xffff;
	_ =	sdelay $0x1  }
0x2f6: {  	v31 =	vld.idx.msk [tilespmem:v31+s14+$0x0], $0xffff;
	v28 =	vor.u32 v38, v28  }
0x2f7: {  	[tilespmem:s10+$0x172D0] =	vst v35;
	v40 =	vadd.s32 v40, v25;
	v30 =	vor.u32 v7, v30;
	v34 =	vor.u32 v24, v41  }
0x2f8: {  	v33 =	vld.idx.msk [tilespmem:v33+s14+$0x0], $0xffff;
	v34 =	vor.u32 v37, v34;
	[tilespmem:s10+$0x179C0] =	vst v32;
	v37 =	vadd.s32 v39, v27  }
0x2f9: {  	v32 =	vor.u32 v24, v40;
	[tilespmem:s10+$0x17950] =	vst v29;
	v29 =	vor.u32 v26, v37;
	v37 =	vld [tilespmem:$0x1FA10]  }
0x2fa: {  	v36 =	vadd.s32 v59, v22;
	v32 =	vor.u32 v38, v32;
	v38 =	vld [tilespmem:$0x1FA40]  }
0x2fb: {  	v35 =	vor.u32 v23, v36;
	v41 =	vadd.s32 v8, v20;
	[tilespmem:s10+$0x17630] =	vst v31;
	v28 =	vld.idx.msk [tilespmem:v28+s14+$0x0], $0xffff  }
0x2fc: {  	v35 =	vor.u32 v58, v35;
	v31 =	vor.u32 v21, v41;
	v30 =	vld.idx.msk [tilespmem:v30+s14+$0x0], $0xffff  }
0x2fd: {  	v31 =	vor.u32 v9, v31  }
0x2fe: {  	v41 =	vadd.s32 v61, v22;
	v29 =	vor.u32 v37, v29  }
0x2ff: {  	[tilespmem:s10+$0x172E0] =	vst v33;
	v34 =	vld.idx.msk [tilespmem:v34+s14+$0x0], $0xffff;
	v33 =	vor.u32 v23, v41;
	v36 =	vadd.s32 v38, v27  }
0x300: {  	[tilespmem:s10+$0x17960] =	vst v28;
	v28 =	vor.u32 v60, v33;
	v33 =	vor.u32 v26, v36;
	v36 =	vld [tilespmem:$0x1FA30]  }
0x301: {  	v40 =	vadd.s32 v10, v20;
	v35 =	vld.idx.msk [tilespmem:v35+s14+$0x0], $0xffff;
	[tilespmem:s10+$0x17640] =	vst v30  }
0x302: {  	v30 =	vor.u32 v21, v40;
	v31 =	vld.idx.msk [tilespmem:v31+s14+$0x0], $0xffff  }
0x303: {  	v30 =	vor.u32 v11, v30;
	v29 =	vld.idx.msk [tilespmem:v29+s14+$0x0], $0xffff  }
0x304: {  	v41 =	vadd.s32 v39, v25;
	[tilespmem:s10+$0x179D0] =	vst v34  }
0x305: {  	v39 =	vadd.s32 v63, v22;
	v34 =	vor.u32 v24, v41;
	v32 =	vld.idx.msk [tilespmem:v32+s14+$0x0], $0xffff;
	v33 =	vor.u32 v36, v33  }
0x306: {  	[tilespmem:s10+$0x172F0] =	vst v35;
	v35 =	vor.u32 v23, v39;
	v39 =	vld [tilespmem:$0x1FA80];
	v34 =	vor.u32 v37, v34  }
0x307: {  	v40 =	vadd.s32 v12, v20;
	[tilespmem:s10+$0x17650] =	vst v31;
	v28 =	vld.idx.msk [tilespmem:v28+s14+$0x0], $0xffff  }
0x308: {  	v35 =	vor.u32 v62, v35;
	v41 =	vor.u32 v21, v40;
	[tilespmem:s10+$0x17970] =	vst v29;
	v29 =	vld.idx.msk [tilespmem:v30+s14+$0x0], $0xffff  }
0x309: {  	v30 =	vor.u32 v15, v41;
	v41 =	vld [tilespmem:$0x1FA60]  }
0x30a: {  	[tilespmem:s10+$0x179E0] =	vst v32;
	v31 =	vld.idx.msk [tilespmem:v33+s14+$0x0], $0xffff  }
0x30b: {  	v37 =	vadd.s32 v38, v25;
	v33 =	vld.idx.msk [tilespmem:v34+s14+$0x0], $0xffff  }
0x30c: {  	v38 =	vadd.s32 v1, v22;
	v40 =	vld [tilespmem:$0x1FA50];
	v32 =	vor.u32 v24, v37;
	[tilespmem:s10+$0x17680] =	vst v28  }
0x30d: {  	v32 =	vor.u32 v36, v32;
	v28 =	vor.u32 v23, v38;
	v38 =	vadd.s32 v13, v20;
	v35 =	vld.idx.msk [tilespmem:v35+s14+$0x0], $0xffff  }
0x30e: {  	v36 =	vadd.s32 v39, v27;
	v28 =	vor.u32 v0, v28;
	[tilespmem:s10+$0x17660] =	vst v29;
	v29 =	vor.u32 v21, v38;
	v38 =	vld [tilespmem:$0x1FAA0]  }
0x30f: {  	v30 =	vld.idx.msk [tilespmem:v30+s14+$0x0], $0xffff;
	[tilespmem:s10+$0x17D00] =	vst v31;
	v31 =	vor.u32 v26, v36;
	v36 =	vadd.s32 v3, v22  }
0x310: {  	v37 =	vadd.s32 v41, v27;
	[tilespmem:s10+$0x179F0] =	vst v33;
	v33 =	vor.u32 v23, v36;
	v36 =	vld [tilespmem:$0x1FA90]  }
0x311: {  	v34 =	vor.u32 v26, v37;
	v29 =	vor.u32 v14, v29  }
0x312: {  	v37 =	vld [tilespmem:$0x1FA70];
	v34 =	vor.u32 v40, v34  }
0x313: {  	v41 =	vadd.s32 v41, v25;
	v27 =	vadd.s32 v38, v27;
	v32 =	vld.idx.msk [tilespmem:v32+s14+$0x0], $0xffff;
	[tilespmem:s10+$0x17690] =	vst v35  }
0x314: {  	v41 =	vor.u32 v24, v41;
	v26 =	vor.u32 v26, v27;
	v28 =	vld.idx.msk [tilespmem:v28+s14+$0x0], $0xffff  }
0x315: {  	[tilespmem:s10+$0x17670] =	vst v30;
	v35 =	vor.u32 v36, v26;
	v26 =	vor.u32 v40, v41  }
0x316: {  	v43 =	vadd.s32 v43, v20;
	v27 =	vor.u32 v5, v33;
	v29 =	vld.idx.msk [tilespmem:v29+s14+$0x0], $0xffff  }
0x317: {  	v31 =	vor.u32 v37, v31;
	v34 =	vld.idx.msk [tilespmem:v34+s14+$0x0], $0xffff;
	v41 =	vadd.s32 v39, v25;
	v39 =	vadd.s32 v16, v20  }
0x318: {  	v25 =	vadd.s32 v38, v25;
	[tilespmem:s10+$0x17D80] =	vst v32;
	v40 =	vadd.s32 v18, v20;
	v30 =	vor.u32 v21, v39  }
0x319: {  	v33 =	vor.u32 v24, v41;
	v24 =	vor.u32 v24, v25;
	[tilespmem:s10+$0x176A0] =	vst v28;
	v25 =	vor.u32 v17, v30  }
0x31a: {  	v41 =	vadd.s32 v6, v22;
	v32 =	vor.u32 v37, v33;
	v33 =	vor.u32 v36, v24;
	v36 =	vld.idx.msk [tilespmem:v26+s14+$0x0], $0xffff  }
0x31b: {  	s31 =	sadd.s32 s8, s0;
	v39 =	vor.u32 v21, v43;
	v27 =	vld.idx.msk [tilespmem:v27+s14+$0x0], $0xffff;
	v28 =	vor.u32 v23, v41;
	[tilespmem:s10+$0x17A00] =	vst v29  }
0x31c: {  	v43 =	vmov s31;
	v24 =	vor.u32 v21, v40;
	[tilespmem:s10+$0x17D10] =	vst v34;
	v26 =	vor.u32 v7, v28  }
0x31d: {  	v38 =	vor.u32 v42, v39;
	v40 =	vadd.s32 v8, v22;
	v41 =	vadd.s32 v10, v22;
	v31 =	vld.idx.msk [tilespmem:v31+s14+$0x0], $0xffff  }
0x31e: {  	s28 =	sadd.s32 s8, s3;
	v37 =	vor.u32 v19, v24;
	v24 =	vor.u32 v23, v40;
	v42 =	vor.u32 v23, v41;
	v29 =	vld.idx.msk [tilespmem:v25+s14+$0x0], $0xffff  }
0x31f: {  	v40 =	vmov s28;
	v39 =	vor.u32 v11, v42;
	v42 =	vshll.u32 v43, $0x9;
	[tilespmem:s10+$0x17D90] =	vst v36  }
0x320: {  	v30 =	vor.u32 v9, v24;
	v43 =	vshll.u32 v43, $0x7;
	v24 =	vand.u32 $0xFFFFF000, v42;
	[tilespmem:s10+$0x176B0] =	vst v27;
	v32 =	vld.idx.msk [tilespmem:v32+s14+$0x0], $0xffff  }
0x321: {  	s30 =	sadd.s32 s8, s7;
	v42 =	vshll.u32 v40, $0x9;
	v41 =	vadd.s32 v45, v24;
	v27 =	vshll.u32 v40, $0x7;
	v34 =	vld.idx.msk [tilespmem:v26+s14+$0x0], $0xffff  }
0x322: {  	s29 =	sadd.s32 s8, s5;
	v25 =	vand.u32 $0xFFFFF000, v42;
	v42 =	vmov s30;
	v27 =	vand.u32 $0x380, v27;
	[tilespmem:s10+$0x17D20] =	vst v31  }
0x323: {  	v26 =	vand.u32 $0x380, v43;
	v36 =	vmov s29;
	[tilespmem:s10+$0x17A10] =	vst v29;
	v29 =	vadd.s32 v45, v25  }
0x324: {  	v35 =	vld.idx.msk [tilespmem:v35+s14+$0x0], $0xffff;
	v28 =	vor.u32 v26, v41;
	v43 =	vor.u32 v27, v29;
	v29 =	vshll.u32 v36, $0x9  }
0x325: {  	v40 =	vor.u32 v44, v28;
	v37 =	vld.idx.msk [tilespmem:v37+s14+$0x0], $0xffff;
	v28 =	vand.u32 $0xFFFFF000, v29;
	v29 =	vshll.u32 v36, $0x7;
	[tilespmem:s10+$0x17DA0] =	vst v32  }
0x326: {  	v36 =	vshll.u32 v42, $0x9;
	[tilespmem:s10+$0x176C0] =	vst v34;
	v34 =	vadd.s32 v45, v28;
	v31 =	vand.u32 $0x380, v29;
	v33 =	vld.idx.msk [tilespmem:v33+s14+$0x0], $0xffff  }
0x327: {  	v41 =	vor.u32 v44, v43;
	v29 =	vand.u32 $0xFFFFF000, v36;
	v36 =	vor.u32 v31, v34  }
0x328: {  	v32 =	vor.u32 v44, v36  }
0x329: {  	[tilespmem:$0x1F710] =	vst v35;
	v43 =	vld.idx.msk [tilespmem:v30+s14+$0x0], $0xffff;
	v30 =	vshll.u32 v42, $0x7  }
0x32a: {  	v42 =	vadd.s32 v45, v29;
	v30 =	vand.u32 $0x380, v30;
	[tilespmem:s10+$0x17A20] =	vst v37  }
0x32b: {  	v45 =	vadd.s32 v2, v20;
	v37 =	vld.idx.msk [tilespmem:v40+s14+$0x0], $0xffff;
	[tilespmem:$0x1F720] =	vst v33;
	v33 =	vor.u32 v30, v42  }
0x32c: {  	v35 =	vor.u32 v21, v45;
	v45 =	vadd.s32 v47, v28;
	v40 =	vld.idx.msk [tilespmem:v41+s14+$0x0], $0xffff;
	v33 =	vor.u32 v44, v33  }
0x32d: {  	v41 =	vor.u32 v31, v45;
	v42 =	vadd.s32 v47, v24;
	v32 =	vld.idx.msk [tilespmem:v32+s14+$0x0], $0xffff  }
0x32e: {  	v34 =	vld.idx.msk [tilespmem:v38+s14+$0x0], $0xffff;
	v45 =	vadd.s32 v47, v29;
	v41 =	vor.u32 v46, v41;
	v36 =	vor.u32 v26, v42  }
0x32f: {  	[tilespmem:s10+$0x176D0] =	vst v43;
	v43 =	vor.u32 v30, v45;
	v44 =	vadd.s32 v47, v25;
	v36 =	vor.u32 v46, v36  }
0x330: {  	v39 =	vld.idx.msk [tilespmem:v39+s14+$0x0], $0xffff;
	v43 =	vor.u32 v46, v43;
	v38 =	vor.u32 v27, v44  }
0x331: {  	v42 =	vadd.s32 v12, v22;
	[tilespmem:s10+$0x17300] =	vst v37;
	v38 =	vor.u32 v46, v38;
	v33 =	vld.idx.msk [tilespmem:v33+s14+$0x0], $0xffff  }
0x332: {  	v47 =	vadd.s32 v49, v24;
	v42 =	vor.u32 v23, v42;
	v46 =	vadd.s32 v49, v28;
	[tilespmem:s10+$0x17400] =	vst v32  }
0x333: {  	[tilespmem:s10+$0x17380] =	vst v40;
	v42 =	vor.u32 v15, v42;
	v32 =	vor.u32 v31, v46;
	v40 =	vld.idx.msk [tilespmem:v41+s14+$0x0], $0xffff  }
0x334: {  	v37 =	vor.u32 v26, v47;
	v32 =	vor.u32 v48, v32;
	v36 =	vld.idx.msk [tilespmem:v36+s14+$0x0], $0xffff  }
0x335: {  	v44 =	vadd.s32 v49, v25;
	[tilespmem:s10+$0x17A30] =	vst v34;
	v34 =	vor.u32 v48, v37  }
0x336: {  	v47 =	vadd.s32 v49, v29;
	v45 =	vor.u32 v27, v44;
	v37 =	vld.idx.msk [tilespmem:v38+s14+$0x0], $0xffff;
	[tilespmem:s10+$0x17480] =	vst v33  }
0x337: {  	[tilespmem:s10+$0x176E0] =	vst v39;
	v38 =	vor.u32 v48, v45;
	v33 =	vor.u32 v30, v47;
	v49 =	vld.idx.msk [tilespmem:v43+s14+$0x0], $0xffff  }
0x338: {  	v35 =	vor.u32 v4, v35;
	v41 =	vld.idx.msk [tilespmem:v42+s14+$0x0], $0xffff;
	[tilespmem:s10+$0x17410] =	vst v40;
	v33 =	vor.u32 v48, v33  }
0x339: {  	v44 =	vadd.s32 v51, v24;
	v46 =	vadd.s32 v13, v22;
	[tilespmem:s10+$0x17310] =	vst v36;
	v32 =	vld.idx.msk [tilespmem:v32+s14+$0x0], $0xffff  }
0x33a: {  	v45 =	vadd.s32 v51, v25;
	v47 =	vadd.s32 v51, v28;
	v36 =	vor.u32 v26, v44;
	v34 =	vld.idx.msk [tilespmem:v34+s14+$0x0], $0xffff  }
0x33b: {  	v40 =	vor.u32 v31, v47;
	v48 =	vadd.s32 v51, v29;
	[tilespmem:s10+$0x17390] =	vst v37;
	v36 =	vor.u32 v50, v36  }
0x33c: {  	v37 =	vor.u32 v27, v45;
	v40 =	vor.u32 v50, v40;
	v38 =	vld.idx.msk [tilespmem:v38+s14+$0x0], $0xffff;
	[tilespmem:s10+$0x17490] =	vst v49  }
0x33d: {  	v42 =	vor.u32 v23, v46;
	v39 =	vor.u32 v30, v48;
	v37 =	vor.u32 v50, v37;
	v33 =	vld.idx.msk [tilespmem:v33+s14+$0x0], $0xffff  }
0x33e: {  	v42 =	vor.u32 v14, v42;
	v51 =	vadd.s32 v53, v25;
	v47 =	vld [tilespmem:$0x1F9E0];
	[tilespmem:s10+$0x176F0] =	vst v41;
	v39 =	vor.u32 v50, v39  }
0x33f: {  	v44 =	vadd.s32 v59, v25;
	v50 =	vadd.s32 v53, v29;
	v49 =	vadd.s32 v53, v24;
	[tilespmem:s10+$0x17320] =	vst v34  }
0x340: {  	[tilespmem:s10+$0x17420] =	vst v32;
	v34 =	vor.u32 v26, v49;
	v49 =	vadd.s32 v53, v28;
	v36 =	vld.idx.msk [tilespmem:v36+s14+$0x0], $0xffff  }
0x341: {  	v40 =	vld.idx.msk [tilespmem:v40+s14+$0x0], $0xffff;
	[tilespmem:s10+$0x173A0] =	vst v38;
	v34 =	vor.u32 v52, v34;
	v32 =	vor.u32 v31, v49  }
0x342: {  	v38 =	vor.u32 v27, v51;
	v37 =	vld.idx.msk [tilespmem:v37+s14+$0x0], $0xffff;
	v32 =	vor.u32 v52, v32;
	[tilespmem:s10+$0x174A0] =	vst v33  }
0x343: {  	v48 =	vadd.s32 v47, v20;
	v38 =	vor.u32 v52, v38;
	v33 =	vor.u32 v30, v50;
	v39 =	vld.idx.msk [tilespmem:v39+s14+$0x0], $0xffff  }
0x344: {  	v41 =	vld.idx.msk [tilespmem:v42+s14+$0x0], $0xffff;
	v42 =	vadd.s32 v57, v29;
	v43 =	vor.u32 v21, v48;
	v33 =	vor.u32 v52, v33  }
0x345: {  	v46 =	vld [tilespmem:$0x1F9D0];
	v53 =	vadd.s32 v55, v25;
	v51 =	vadd.s32 v55, v24;
	v49 =	vadd.s32 v55, v28;
	[tilespmem:s10+$0x17330] =	vst v36  }
0x346: {  	[tilespmem:s10+$0x17430] =	vst v40;
	v40 =	vor.u32 v31, v49;
	v36 =	vor.u32 v26, v51;
	v34 =	vld.idx.msk [tilespmem:v34+s14+$0x0], $0xffff  }
0x347: {  	v50 =	vadd.s32 v55, v29;
	[tilespmem:s10+$0x173B0] =	vst v37;
	v36 =	vor.u32 v54, v36;
	v32 =	vld.idx.msk [tilespmem:v32+s14+$0x0], $0xffff  }
0x348: {  	v40 =	vor.u32 v54, v40;
	v37 =	vor.u32 v27, v53;
	v38 =	vld.idx.msk [tilespmem:v38+s14+$0x0], $0xffff;
	[tilespmem:s10+$0x174B0] =	vst v39  }
0x349: {  	v48 =	vadd.s32 v16, v22;
	v37 =	vor.u32 v54, v37;
	v39 =	vor.u32 v30, v50;
	v33 =	vld.idx.msk [tilespmem:v33+s14+$0x0], $0xffff  }
0x34a: {  	v35 =	vld.idx.msk [tilespmem:v35+s14+$0x0], $0xffff;
	v45 =	vor.u32 v46, v43;
	v43 =	vor.u32 v23, v48;
	v39 =	vor.u32 v54, v39  }
0x34b: {  	v43 =	vor.u32 v17, v43;
	v55 =	vadd.s32 v57, v28;
	v51 =	vadd.s32 v57, v24;
	[tilespmem:s10+$0x17340] =	vst v34  }
0x34c: {  	v52 =	vadd.s32 v57, v25;
	v34 =	vor.u32 v26, v51;
	[tilespmem:s10+$0x17440] =	vst v32;
	v36 =	vld.idx.msk [tilespmem:v36+s14+$0x0], $0xffff  }
0x34d: {  	v32 =	vor.u32 v31, v55;
	[tilespmem:s10+$0x173C0] =	vst v38;
	v34 =	vor.u32 v56, v34;
	v40 =	vld.idx.msk [tilespmem:v40+s14+$0x0], $0xffff  }
0x34e: {  	v54 =	vor.u32 v27, v52;
	v32 =	vor.u32 v56, v32;
	v53 =	vld.idx.msk [tilespmem:v37+s14+$0x0], $0xffff;
	[tilespmem:s10+$0x174C0] =	vst v33  }
0x34f: {  	[tilespmem:s10+$0x17A80] =	vst v41;
	v37 =	vor.u32 v56, v54;
	v33 =	vor.u32 v30, v42;
	v39 =	vld.idx.msk [tilespmem:v39+s14+$0x0], $0xffff  }
0x350: {  	[tilespmem:s10+$0x17A40] =	vst v35;
	v35 =	vor.u32 v27, v44;
	v41 =	vld.idx.msk [tilespmem:v43+s14+$0x0], $0xffff;
	v33 =	vor.u32 v56, v33  }
0x351: {  	v35 =	vor.u32 v58, v35;
	v43 =	vadd.s32 v59, v24;
	v38 =	vld.idx.msk [tilespmem:v45+s14+$0x0], $0xffff;
	[tilespmem:s10+$0x17350] =	vst v36  }
0x352: {  	v48 =	vadd.s32 v59, v28;
	v36 =	vor.u32 v26, v43;
	[tilespmem:s10+$0x17450] =	vst v40;
	v34 =	vld.idx.msk [tilespmem:v34+s14+$0x0], $0xffff  }
0x353: {  	v40 =	vor.u32 v31, v48;
	[tilespmem:s10+$0x173D0] =	vst v53;
	v36 =	vor.u32 v58, v36;
	v32 =	vld.idx.msk [tilespmem:v32+s14+$0x0], $0xffff  }
0x354: {  	v49 =	vadd.s32 v59, v29;
	v40 =	vor.u32 v58, v40;
	v37 =	vld.idx.msk [tilespmem:v37+s14+$0x0], $0xffff;
	[tilespmem:s10+$0x174D0] =	vst v39  }
0x355: {  	v59 =	vadd.s32 v63, v28;
	v45 =	vadd.s32 v18, v22;
	v39 =	vor.u32 v30, v49;
	v33 =	vld.idx.msk [tilespmem:v33+s14+$0x0], $0xffff  }
0x356: {  	v50 =	vadd.s32 v61, v24;
	v42 =	vor.u32 v23, v45;
	v39 =	vor.u32 v58, v39  }
0x357: {  	v44 =	vld [tilespmem:$0x1F9F0];
	v51 =	vadd.s32 v61, v25;
	v54 =	vadd.s32 v61, v29;
	v42 =	vor.u32 v19, v42;
	[tilespmem:s10+$0x17360] =	vst v34  }
0x358: {  	v53 =	vadd.s32 v61, v28;
	v34 =	vor.u32 v26, v50;
	[tilespmem:s10+$0x17460] =	vst v32;
	v36 =	vld.idx.msk [tilespmem:v36+s14+$0x0], $0xffff  }
0x359: {  	v32 =	vor.u32 v31, v53;
	[tilespmem:s10+$0x173E0] =	vst v37;
	v34 =	vor.u32 v60, v34;
	v40 =	vld.idx.msk [tilespmem:v40+s14+$0x0], $0xffff  }
0x35a: {  	v37 =	vor.u32 v27, v51;
	v32 =	vor.u32 v60, v32;
	v35 =	vld.idx.msk [tilespmem:v35+s14+$0x0], $0xffff;
	[tilespmem:s10+$0x174E0] =	vst v33  }
0x35b: {  	[tilespmem:s10+$0x17A90] =	vst v41;
	v37 =	vor.u32 v60, v37;
	v33 =	vor.u32 v30, v54;
	v39 =	vld.idx.msk [tilespmem:v39+s14+$0x0], $0xffff  }
0x35c: {  	v55 =	vadd.s32 v63, v24;
	v45 =	vld [tilespmem:$0x1FA00];
	v56 =	vadd.s32 v63, v25;
	[tilespmem:s10+$0x17A50] =	vst v38;
	v33 =	vor.u32 v60, v33  }
0x35d: {  	v48 =	vadd.s32 v1, v28;
	v61 =	vadd.s32 v1, v24;
	v41 =	vld.idx.msk [tilespmem:v42+s14+$0x0], $0xffff;
	[tilespmem:s10+$0x17370] =	vst v36  }
0x35e: {  	v36 =	vor.u32 v26, v55;
	[tilespmem:s10+$0x17470] =	vst v40;
	v40 =	vor.u32 v31, v59;
	v34 =	vld.idx.msk [tilespmem:v34+s14+$0x0], $0xffff  }
0x35f: {  	v60 =	vadd.s32 v63, v29;
	[tilespmem:s10+$0x173F0] =	vst v35;
	v36 =	vor.u32 v62, v36;
	v32 =	vld.idx.msk [tilespmem:v32+s14+$0x0], $0xffff  }
0x360: {  	v35 =	vor.u32 v27, v56;
	v40 =	vor.u32 v62, v40;
	v37 =	vld.idx.msk [tilespmem:v37+s14+$0x0], $0xffff;
	[tilespmem:s10+$0x174F0] =	vst v39  }
0x361: {  	v52 =	vadd.s32 v45, v20;
	v35 =	vor.u32 v62, v35;
	v39 =	vor.u32 v30, v60;
	v33 =	vld.idx.msk [tilespmem:v33+s14+$0x0], $0xffff  }
0x362: {  	v43 =	vor.u32 v21, v52;
	v52 =	vadd.s32 v3, v24;
	v50 =	vld [tilespmem:$0x1F9A0];
	[tilespmem:s10+$0x17AA0] =	vst v41;
	v39 =	vor.u32 v62, v39  }
0x363: {  	v49 =	vld [tilespmem:$0x1F990];
	v57 =	vor.u32 v44, v43;
	v53 =	vadd.s32 v3, v25;
	v51 =	vadd.s32 v1, v29;
	[tilespmem:s10+$0x17700] =	vst v34  }
0x364: {  	v63 =	vadd.s32 v1, v25;
	v34 =	vor.u32 v26, v61;
	[tilespmem:s10+$0x17800] =	vst v32;
	v36 =	vld.idx.msk [tilespmem:v36+s14+$0x0], $0xffff  }
0x365: {  	v32 =	vor.u32 v31, v48;
	[tilespmem:s10+$0x17780] =	vst v37;
	v34 =	vor.u32 v0, v34;
	v40 =	vld.idx.msk [tilespmem:v40+s14+$0x0], $0xffff  }
0x366: {  	v37 =	vor.u32 v27, v63;
	v32 =	vor.u32 v0, v32;
	v35 =	vld.idx.msk [tilespmem:v35+s14+$0x0], $0xffff;
	[tilespmem:s10+$0x17880] =	vst v33  }
0x367: {  	v58 =	vadd.s32 v50, v22;
	v37 =	vor.u32 v0, v37;
	v33 =	vor.u32 v30, v51;
	v39 =	vld.idx.msk [tilespmem:v39+s14+$0x0], $0xffff  }
0x368: {  	v38 =	vld.idx.msk [tilespmem:v57+s14+$0x0], $0xffff;
	v54 =	vadd.s32 v2, v22;
	v43 =	vor.u32 v23, v58;
	v33 =	vor.u32 v0, v33  }
0x369: {  	v57 =	vadd.s32 v6, v24;
	v55 =	vadd.s32 v3, v28;
	v43 =	vor.u32 v49, v43;
	[tilespmem:s10+$0x17710] =	vst v36  }
0x36a: {  	v56 =	vadd.s32 v3, v29;
	v36 =	vor.u32 v26, v52;
	[tilespmem:s10+$0x17810] =	vst v40;
	v34 =	vld.idx.msk [tilespmem:v34+s14+$0x0], $0xffff  }
0x36b: {  	v40 =	vor.u32 v31, v55;
	[tilespmem:s10+$0x17790] =	vst v35;
	v36 =	vor.u32 v5, v36;
	v32 =	vld.idx.msk [tilespmem:v32+s14+$0x0], $0xffff  }
0x36c: {  	v35 =	vor.u32 v27, v53;
	v40 =	vor.u32 v5, v40;
	v37 =	vld.idx.msk [tilespmem:v37+s14+$0x0], $0xffff;
	[tilespmem:s10+$0x17890] =	vst v39  }
0x36d: {  	v42 =	vor.u32 v23, v54;
	v35 =	vor.u32 v5, v35;
	v39 =	vor.u32 v30, v56;
	v33 =	vld.idx.msk [tilespmem:v33+s14+$0x0], $0xffff  }
0x36e: {  	v58 =	vadd.s32 v6, v25;
	[tilespmem:s10+$0x17A60] =	vst v38;
	v41 =	vld.idx.msk [tilespmem:v43+s14+$0x0], $0xffff;
	v39 =	vor.u32 v5, v39  }
0x36f: {  	v54 =	vadd.s32 v12, v29;
	v42 =	vor.u32 v4, v42;
	v60 =	vadd.s32 v6, v28;
	v0 =	vld [tilespmem:$0x1FA20];
	[tilespmem:s10+$0x17720] =	vst v34  }
0x370: {  	v61 =	vadd.s32 v6, v29;
	v34 =	vor.u32 v26, v57;
	[tilespmem:s10+$0x17820] =	vst v32;
	v36 =	vld.idx.msk [tilespmem:v36+s14+$0x0], $0xffff  }
0x371: {  	v1 =	vmov v2;
	v32 =	vor.u32 v31, v60;
	[tilespmem:s10+$0x177A0] =	vst v37;
	v34 =	vor.u32 v7, v34;
	v40 =	vld.idx.msk [tilespmem:v40+s14+$0x0], $0xffff  }
0x372: {  	v48 =	vmov v4;
	v37 =	vor.u32 v27, v58;
	v32 =	vor.u32 v7, v32;
	v35 =	vld.idx.msk [tilespmem:v35+s14+$0x0], $0xffff;
	[tilespmem:s10+$0x178A0] =	vst v33  }
0x373: {  	v62 =	vadd.s32 v8, v24;
	v37 =	vor.u32 v7, v37;
	v33 =	vor.u32 v30, v61;
	v39 =	vld.idx.msk [tilespmem:v39+s14+$0x0], $0xffff  }
0x374: {  	v2 =	vld [tilespmem:$0x1FA10];
	v4 =	vadd.s32 v47, v22;
	[tilespmem:s10+$0x17AB0] =	vst v41;
	v59 =	vadd.s32 v0, v20;
	v33 =	vor.u32 v7, v33  }
0x375: {  	v6 =	vadd.s32 v8, v29;
	v63 =	vadd.s32 v8, v25;
	v51 =	vld [tilespmem:$0x1F710];
	v43 =	vor.u32 v21, v59;
	[tilespmem:s10+$0x17730] =	vst v36  }
0x376: {  	v5 =	vadd.s32 v8, v28;
	v36 =	vor.u32 v26, v62;
	[tilespmem:s10+$0x17830] =	vst v40;
	v34 =	vld.idx.msk [tilespmem:v34+s14+$0x0], $0xffff  }
0x377: {  	v40 =	vor.u32 v31, v5;
	[tilespmem:s10+$0x177B0] =	vst v35;
	v36 =	vor.u32 v9, v36;
	v32 =	vld.idx.msk [tilespmem:v32+s14+$0x0], $0xffff  }
0x378: {  	v35 =	vor.u32 v27, v63;
	v40 =	vor.u32 v9, v40;
	v37 =	vld.idx.msk [tilespmem:v37+s14+$0x0], $0xffff;
	[tilespmem:s10+$0x178B0] =	vst v39  }
0x379: {  	v3 =	vor.u32 v2, v43;
	v35 =	vor.u32 v9, v35;
	v39 =	vor.u32 v30, v6;
	v33 =	vld.idx.msk [tilespmem:v33+s14+$0x0], $0xffff  }
0x37a: {  	v41 =	vld.idx.msk [tilespmem:v42+s14+$0x0], $0xffff;
	v43 =	vor.u32 v23, v4;
	v7 =	vadd.s32 v10, v24;
	v39 =	vor.u32 v9, v39  }
0x37b: {  	v8 =	vadd.s32 v10, v25;
	v43 =	vor.u32 v46, v43;
	[tilespmem:s10+$0x17740] =	vst v34;
	v34 =	vor.u32 v26, v7  }
0x37c: {  	[tilespmem:s10+$0x17840] =	vst v32;
	v9 =	vadd.s32 v10, v28;
	v10 =	vadd.s32 v10, v29;
	v36 =	vld.idx.msk [tilespmem:v36+s14+$0x0], $0xffff  }
0x37d: {  	[tilespmem:s10+$0x177C0] =	vst v37;
	v34 =	vor.u32 v11, v34;
	v40 =	vld.idx.msk [tilespmem:v40+s14+$0x0], $0xffff;
	v32 =	vor.u32 v31, v9  }
0x37e: {  	v37 =	vor.u32 v27, v8;
	v35 =	vld.idx.msk [tilespmem:v35+s14+$0x0], $0xffff;
	v32 =	vor.u32 v11, v32;
	[tilespmem:s10+$0x178C0] =	vst v33  }
0x37f: {  	[tilespmem:s10+$0x17D30] =	vst v51;
	v37 =	vor.u32 v11, v37;
	v33 =	vor.u32 v30, v10;
	v39 =	vld.idx.msk [tilespmem:v39+s14+$0x0], $0xffff  }
0x380: {  	v42 =	vadd.s32 v12, v24;
	v52 =	vadd.s32 v45, v22;
	[tilespmem:s10+$0x17AC0] =	vst v41;
	v33 =	vor.u32 v11, v33  }
0x381: {  	v55 =	vadd.s32 v13, v24;
	v53 =	vadd.s32 v12, v28;
	v41 =	vld.idx.msk [tilespmem:v43+s14+$0x0], $0xffff;
	[tilespmem:s10+$0x17750] =	vst v36  }
0x382: {  	v43 =	vadd.s32 v12, v25;
	v36 =	vor.u32 v26, v42;
	[tilespmem:s10+$0x17850] =	vst v40;
	v34 =	vld.idx.msk [tilespmem:v34+s14+$0x0], $0xffff  }
0x383: {  	v40 =	vor.u32 v31, v53;
	[tilespmem:s10+$0x177D0] =	vst v35;
	v36 =	vor.u32 v15, v36;
	v32 =	vld.idx.msk [tilespmem:v32+s14+$0x0], $0xffff  }
0x384: {  	v35 =	vor.u32 v27, v43;
	v40 =	vor.u32 v15, v40;
	v37 =	vld.idx.msk [tilespmem:v37+s14+$0x0], $0xffff;
	[tilespmem:s10+$0x178D0] =	vst v39  }
0x385: {  	v56 =	vadd.s32 v13, v25;
	v35 =	vor.u32 v15, v35;
	v39 =	vor.u32 v30, v54;
	v33 =	vld.idx.msk [tilespmem:v33+s14+$0x0], $0xffff  }
0x386: {  	v59 =	vadd.s32 v13, v29;
	v60 =	vadd.s32 v16, v24;
	v38 =	vld.idx.msk [tilespmem:v3+s14+$0x0], $0xffff;
	v39 =	vor.u32 v15, v39  }
0x387: {  	v58 =	vadd.s32 v13, v28;
	v13 =	vadd.s32 v18, v29;
	v61 =	vadd.s32 v16, v25;
	v3 =	vld [tilespmem:$0x1FA40];
	[tilespmem:s10+$0x17760] =	vst v34  }
0x388: {  	v63 =	vadd.s32 v0, v22;
	v34 =	vor.u32 v26, v55;
	[tilespmem:s10+$0x17860] =	vst v32;
	v36 =	vld.idx.msk [tilespmem:v36+s14+$0x0], $0xffff  }
0x389: {  	v32 =	vor.u32 v31, v58;
	[tilespmem:s10+$0x177E0] =	vst v37;
	v34 =	vor.u32 v14, v34;
	v40 =	vld.idx.msk [tilespmem:v40+s14+$0x0], $0xffff  }
0x38a: {  	v37 =	vor.u32 v27, v56;
	v32 =	vor.u32 v14, v32;
	v35 =	vld.idx.msk [tilespmem:v35+s14+$0x0], $0xffff;
	[tilespmem:s10+$0x178E0] =	vst v33  }
0x38b: {  	v12 =	vadd.s32 v18, v28;
	v37 =	vor.u32 v14, v37;
	v33 =	vor.u32 v30, v59;
	v39 =	vld.idx.msk [tilespmem:v39+s14+$0x0], $0xffff  }
0x38c: {  	v51 =	vld [tilespmem:$0x1FA60];
	v57 =	vadd.s32 v3, v20;
	[tilespmem:s10+$0x17A70] =	vst v38;
	v7 =	vmov v0;
	v33 =	vor.u32 v14, v33  }
0x38d: {  	v6 =	vld [tilespmem:$0x1FA30];
	v0 =	vadd.s32 v45, v28;
	v8 =	vadd.s32 v16, v28;
	v9 =	vadd.s32 v16, v29;
	[tilespmem:s10+$0x17770] =	vst v36  }
0x38e: {  	v10 =	vadd.s32 v18, v24;
	v36 =	vor.u32 v26, v60;
	[tilespmem:s10+$0x17870] =	vst v40;
	v34 =	vld.idx.msk [tilespmem:v34+s14+$0x0], $0xffff  }
0x38f: {  	v40 =	vor.u32 v31, v8;
	[tilespmem:s10+$0x177F0] =	vst v35;
	v36 =	vor.u32 v17, v36;
	v32 =	vld.idx.msk [tilespmem:v32+s14+$0x0], $0xffff  }
0x390: {  	v35 =	vor.u32 v27, v61;
	v40 =	vor.u32 v17, v40;
	v37 =	vld.idx.msk [tilespmem:v37+s14+$0x0], $0xffff;
	[tilespmem:s10+$0x178F0] =	vst v39  }
0x391: {  	v42 =	vor.u32 v23, v52;
	v35 =	vor.u32 v17, v35;
	v39 =	vor.u32 v30, v9;
	v33 =	vld.idx.msk [tilespmem:v33+s14+$0x0], $0xffff  }
0x392: {  	[tilespmem:s10+$0x17AD0] =	vst v41;
	v11 =	vadd.s32 v18, v25;
	v18 =	vadd.s32 v50, v28;
	v39 =	vor.u32 v17, v39  }
0x393: {  	v16 =	vld [tilespmem:$0x1F720];
	v52 =	vadd.s32 v51, v20;
	v42 =	vor.u32 v44, v42;
	v43 =	vor.u32 v21, v57;
	[tilespmem:s10+$0x17B00] =	vst v34  }
0x394: {  	v62 =	vor.u32 v6, v43;
	v34 =	vor.u32 v26, v10;
	[tilespmem:s10+$0x17C00] =	vst v32;
	v36 =	vld.idx.msk [tilespmem:v36+s14+$0x0], $0xffff  }
0x395: {  	v32 =	vor.u32 v31, v12;
	[tilespmem:s10+$0x17B80] =	vst v37;
	v34 =	vor.u32 v19, v34;
	v40 =	vld.idx.msk [tilespmem:v40+s14+$0x0], $0xffff  }
0x396: {  	v37 =	vor.u32 v27, v11;
	v32 =	vor.u32 v19, v32;
	v35 =	vld.idx.msk [tilespmem:v35+s14+$0x0], $0xffff;
	[tilespmem:s10+$0x17C80] =	vst v33  }
0x397: {  	v43 =	vor.u32 v23, v63;
	v37 =	vor.u32 v19, v37;
	v33 =	vor.u32 v30, v13;
	v39 =	vld.idx.msk [tilespmem:v39+s14+$0x0], $0xffff  }
0x398: {  	[tilespmem:s10+$0x17DB0] =	vst v16;
	v53 =	vadd.s32 v1, v28;
	v43 =	vor.u32 v2, v43;
	v33 =	vor.u32 v19, v33  }
0x399: {  	v41 =	vld.idx.msk [tilespmem:v42+s14+$0x0], $0xffff;
	v15 =	vadd.s32 v50, v25;
	v14 =	vadd.s32 v50, v24;
	[tilespmem:s10+$0x17B10] =	vst v36  }
0x39a: {  	v36 =	vor.u32 v26, v14;
	[tilespmem:s10+$0x17C10] =	vst v40;
	v40 =	vor.u32 v31, v18;
	v34 =	vld.idx.msk [tilespmem:v34+s14+$0x0], $0xffff  }
0x39b: {  	v19 =	vadd.s32 v50, v29;
	[tilespmem:s10+$0x17B90] =	vst v35;
	v36 =	vor.u32 v49, v36;
	v32 =	vld.idx.msk [tilespmem:v32+s14+$0x0], $0xffff  }
0x39c: {  	v35 =	vor.u32 v27, v15;
	v40 =	vor.u32 v49, v40;
	v37 =	vld.idx.msk [tilespmem:v37+s14+$0x0], $0xffff;
	[tilespmem:s10+$0x17C90] =	vst v39  }
0x39d: {  	v16 =	vadd.s32 v3, v28;
	v35 =	vor.u32 v49, v35;
	v39 =	vor.u32 v30, v19;
	v33 =	vld.idx.msk [tilespmem:v33+s14+$0x0], $0xffff  }
0x39e: {  	v57 =	vld [tilespmem:$0x1FA50];
	v63 =	vadd.s32 v45, v25;
	v54 =	vadd.s32 v1, v29;
	[tilespmem:s10+$0x17AE0] =	vst v41;
	v39 =	vor.u32 v49, v39  }
0x39f: {  	v55 =	vadd.s32 v47, v24;
	v41 =	vld.idx.msk [tilespmem:v43+s14+$0x0], $0xffff;
	v43 =	vadd.s32 v1, v24;
	[tilespmem:s10+$0x17B20] =	vst v34  }
0x3a0: {  	v50 =	vadd.s32 v1, v25;
	v34 =	vor.u32 v26, v43;
	[tilespmem:s10+$0x17C20] =	vst v32;
	v36 =	vld.idx.msk [tilespmem:v36+s14+$0x0], $0xffff  }
0x3a1: {  	v32 =	vor.u32 v31, v53;
	[tilespmem:s10+$0x17BA0] =	vst v37;
	v34 =	vor.u32 v48, v34;
	v40 =	vld.idx.msk [tilespmem:v40+s14+$0x0], $0xffff  }
0x3a2: {  	v37 =	vor.u32 v27, v50;
	v32 =	vor.u32 v48, v32;
	v35 =	vld.idx.msk [tilespmem:v35+s14+$0x0], $0xffff;
	[tilespmem:s10+$0x17CA0] =	vst v33  }
0x3a3: {  	v56 =	vadd.s32 v47, v25;
	v37 =	vor.u32 v48, v37;
	v33 =	vor.u32 v30, v54;
	v39 =	vld.idx.msk [tilespmem:v39+s14+$0x0], $0xffff  }
0x3a4: {  	v38 =	vld.idx.msk [tilespmem:v62+s14+$0x0], $0xffff;
	v62 =	vadd.s32 v45, v24;
	v59 =	vadd.s32 v51, v22;
	v33 =	vor.u32 v48, v33  }
0x3a5: {  	v60 =	vadd.s32 v47, v28;
	v61 =	vadd.s32 v47, v29;
	v43 =	vor.u32 v21, v52;
	[tilespmem:s10+$0x17B30] =	vst v36  }
0x3a6: {  	v58 =	vor.u32 v57, v43;
	v36 =	vor.u32 v26, v55;
	[tilespmem:s10+$0x17C30] =	vst v40;
	v34 =	vld.idx.msk [tilespmem:v34+s14+$0x0], $0xffff  }
0x3a7: {  	v40 =	vor.u32 v31, v60;
	[tilespmem:s10+$0x17BB0] =	vst v35;
	v36 =	vor.u32 v46, v36;
	v32 =	vld.idx.msk [tilespmem:v32+s14+$0x0], $0xffff  }
0x3a8: {  	v35 =	vor.u32 v27, v56;
	v40 =	vor.u32 v46, v40;
	v37 =	vld.idx.msk [tilespmem:v37+s14+$0x0], $0xffff;
	[tilespmem:s10+$0x17CB0] =	vst v39  }
0x3a9: {  	v17 =	vadd.s32 v3, v22;
	v35 =	vor.u32 v46, v35;
	v39 =	vor.u32 v30, v61;
	v33 =	vld.idx.msk [tilespmem:v33+s14+$0x0], $0xffff  }
0x3aa: {  	[tilespmem:s10+$0x17E00] =	vst v38;
	v8 =	vadd.s32 v7, v24;
	v42 =	vor.u32 v23, v17;
	v14 =	vld [tilespmem:$0x1FA80];
	v39 =	vor.u32 v46, v39  }
0x3ab: {  	v47 =	vadd.s32 v51, v29;
	v42 =	vor.u32 v6, v42;
	v38 =	vld.idx.msk [tilespmem:v58+s14+$0x0], $0xffff;
	[tilespmem:s10+$0x17B40] =	vst v34  }
0x3ac: {  	v1 =	vadd.s32 v45, v29;
	v34 =	vor.u32 v26, v62;
	[tilespmem:s10+$0x17C40] =	vst v32;
	v36 =	vld.idx.msk [tilespmem:v36+s14+$0x0], $0xffff  }
0x3ad: {  	v32 =	vor.u32 v31, v0;
	[tilespmem:s10+$0x17BC0] =	vst v37;
	v34 =	vor.u32 v44, v34;
	v40 =	vld.idx.msk [tilespmem:v40+s14+$0x0], $0xffff  }
0x3ae: {  	v37 =	vor.u32 v27, v63;
	v32 =	vor.u32 v44, v32;
	v35 =	vld.idx.msk [tilespmem:v35+s14+$0x0], $0xffff;
	[tilespmem:s10+$0x17CC0] =	vst v33  }
0x3af: {  	[tilespmem:s10+$0x17AF0] =	vst v41;
	v37 =	vor.u32 v44, v37;
	v33 =	vor.u32 v30, v1;
	v39 =	vld.idx.msk [tilespmem:v39+s14+$0x0], $0xffff  }
0x3b0: {  	v9 =	vadd.s32 v7, v25;
	v41 =	vld.idx.msk [tilespmem:v42+s14+$0x0], $0xffff;
	[tilespmem:s10+$0x17E10] =	vst v38;
	v33 =	vor.u32 v44, v33  }
0x3b1: {  	v10 =	vadd.s32 v7, v28;
	v12 =	vadd.s32 v3, v24;
	v11 =	vadd.s32 v7, v29;
	v42 =	vld [tilespmem:$0x1FAA0];
	[tilespmem:s10+$0x17B50] =	vst v36  }
0x3b2: {  	v17 =	vadd.s32 v3, v29;
	v36 =	vor.u32 v26, v8;
	[tilespmem:s10+$0x17C50] =	vst v40;
	v34 =	vld.idx.msk [tilespmem:v34+s14+$0x0], $0xffff  }
0x3b3: {  	v38 =	vor.u32 v31, v10;
	[tilespmem:s10+$0x17BD0] =	vst v35;
	v36 =	vor.u32 v2, v36;
	v32 =	vld.idx.msk [tilespmem:v32+s14+$0x0], $0xffff  }
0x3b4: {  	v38 =	vor.u32 v2, v38;
	v35 =	vor.u32 v27, v9;
	v37 =	vld.idx.msk [tilespmem:v37+s14+$0x0], $0xffff;
	[tilespmem:s10+$0x17CD0] =	vst v39  }
0x3b5: {  	v13 =	vadd.s32 v3, v25;
	v35 =	vor.u32 v2, v35;
	v39 =	vor.u32 v30, v11;
	v33 =	vld.idx.msk [tilespmem:v33+s14+$0x0], $0xffff  }
0x3b6: {  	v15 =	vadd.s32 v14, v20;
	[tilespmem:s10+$0x17E80] =	vst v41;
	v43 =	vor.u32 v23, v59;
	v39 =	vor.u32 v2, v39  }
0x3b7: {  	v45 =	vadd.s32 v14, v22;
	v20 =	vadd.s32 v42, v20;
	v43 =	vor.u32 v57, v43;
	[tilespmem:s10+$0x17B60] =	vst v34  }
0x3b8: {  	v22 =	vadd.s32 v42, v22;
	v34 =	vor.u32 v26, v12;
	[tilespmem:s10+$0x17C60] =	vst v32;
	v36 =	vld.idx.msk [tilespmem:v36+s14+$0x0], $0xffff  }
0x3b9: {  	v32 =	vor.u32 v31, v16;
	[tilespmem:s10+$0x17BE0] =	vst v37;
	v34 =	vor.u32 v6, v34;
	v38 =	vld.idx.msk [tilespmem:v38+s14+$0x0], $0xffff  }
0x3ba: {  	v37 =	vor.u32 v27, v13;
	v32 =	vor.u32 v6, v32;
	v35 =	vld.idx.msk [tilespmem:v35+s14+$0x0], $0xffff;
	[tilespmem:s10+$0x17CE0] =	vst v33  }
0x3bb: {  	v52 =	vadd.s32 v14, v25;
	v37 =	vor.u32 v6, v37;
	v33 =	vor.u32 v30, v17;
	v39 =	vld.idx.msk [tilespmem:v39+s14+$0x0], $0xffff  }
0x3bc: {  	v53 =	vadd.s32 v14, v28;
	v20 =	vor.u32 v21, v20;
	v41 =	vld.idx.msk [tilespmem:v43+s14+$0x0], $0xffff;
	v33 =	vor.u32 v6, v33  }
0x3bd: {  	v48 =	vld [tilespmem:$0x1FA70];
	v43 =	vadd.s32 v51, v24;
	v46 =	vadd.s32 v51, v28;
	v40 =	vor.u32 v21, v15;
	[tilespmem:s10+$0x17B70] =	vst v36  }
0x3be: {  	v21 =	vor.u32 v26, v43;
	v44 =	vadd.s32 v51, v25;
	[tilespmem:s10+$0x17C70] =	vst v38;
	v34 =	vld.idx.msk [tilespmem:v34+s14+$0x0], $0xffff  }
0x3bf: {  	v21 =	vor.u32 v57, v21;
	v38 =	vor.u32 v31, v46;
	[tilespmem:s10+$0x17BF0] =	vst v35;
	v32 =	vld.idx.msk [tilespmem:v32+s14+$0x0], $0xffff  }
0x3c0: {  	v35 =	vor.u32 v27, v44;
	v38 =	vor.u32 v57, v38;
	v37 =	vld.idx.msk [tilespmem:v37+s14+$0x0], $0xffff;
	[tilespmem:s10+$0x17CF0] =	vst v39  }
0x3c1: {  	v22 =	vor.u32 v23, v22;
	v35 =	vor.u32 v57, v35;
	v39 =	vor.u32 v30, v47;
	v33 =	vld.idx.msk [tilespmem:v33+s14+$0x0], $0xffff  }
0x3c2: {  	v54 =	vadd.s32 v14, v29;
	v29 =	vadd.s32 v42, v29;
	v50 =	vor.u32 v57, v39  }
0x3c3: {  	v51 =	vadd.s32 v14, v24;
	v49 =	vor.u32 v48, v40;
	v36 =	vor.u32 v23, v45;
	[tilespmem:s10+$0x17F00] =	vst v34;
	v57 =	vld [tilespmem:$0x1FA90]  }
0x3c4: {  	v36 =	vor.u32 v48, v36;
	v39 =	vor.u32 v26, v51;
	[tilespmem:s10+$0x18000] =	vst v32;
	v21 =	vld.idx.msk [tilespmem:v21+s14+$0x0], $0xffff  }
0x3c5: {  	v32 =	vor.u32 v31, v53;
	[tilespmem:s10+$0x17F80] =	vst v37;
	v39 =	vor.u32 v48, v39;
	v38 =	vld.idx.msk [tilespmem:v38+s14+$0x0], $0xffff  }
0x3c6: {  	v37 =	vor.u32 v27, v52;
	v32 =	vor.u32 v48, v32;
	v35 =	vld.idx.msk [tilespmem:v35+s14+$0x0], $0xffff;
	[tilespmem:s10+$0x18080] =	vst v33  }
0x3c7: {  	v28 =	vadd.s32 v42, v28;
	v37 =	vor.u32 v48, v37;
	v33 =	vor.u32 v30, v54;
	v34 =	vld.idx.msk [tilespmem:v50+s14+$0x0], $0xffff  }
0x3c8: {  	[tilespmem:s10+$0x17E90] =	vst v41;
	v28 =	vor.u32 v31, v28;
	v23 =	vld.idx.msk [tilespmem:v49+s14+$0x0], $0xffff;
	v56 =	vor.u32 v48, v33  }
0x3c9: {  	v24 =	vadd.s32 v42, v24;
	v58 =	vld.idx.msk [tilespmem:v36+s14+$0x0], $0xffff;
	v20 =	vor.u32 v57, v20;
	[tilespmem:s10+$0x17F10] =	vst v21  }
0x3ca: {  	v55 =	vor.u32 v26, v24;
	v22 =	vor.u32 v57, v22;
	[tilespmem:s10+$0x18010] =	vst v38;
	v59 =	vld.idx.msk [tilespmem:v39+s14+$0x0], $0xffff  }
0x3cb: {  	v25 =	vadd.s32 v42, v25;
	v21 =	vor.u32 v57, v55;
	[tilespmem:s10+$0x17F90] =	vst v35;
	v32 =	vld.idx.msk [tilespmem:v32+s14+$0x0], $0xffff  }
0x3cc: {  	v25 =	vor.u32 v27, v25;
	v28 =	vor.u32 v57, v28;
	v60 =	vld.idx.msk [tilespmem:v37+s14+$0x0], $0xffff;
	[tilespmem:s10+$0x18090] =	vst v34  }
0x3cd: {  	v61 =	vor.u32 v30, v29;
	[tilespmem:s10+$0x17E20] =	vst v23;
	v25 =	vor.u32 v57, v25;
	v24 =	vld.idx.msk [tilespmem:v56+s14+$0x0], $0xffff  }
0x3ce: {  	[tilespmem:s10+$0x17EA0] =	vst v58;
	v23 =	vor.u32 v57, v61;
	v20 =	vld.idx.msk [tilespmem:v20+s14+$0x0], $0xffff  }
0x3cf: {  	v22 =	vld.idx.msk [tilespmem:v22+s14+$0x0], $0xffff;
	[tilespmem:s10+$0x17F20] =	vst v59  }
0x3d0: {  	[tilespmem:s10+$0x18020] =	vst v32;
	v21 =	vld.idx.msk [tilespmem:v21+s14+$0x0], $0xffff  }
0x3d1: {  	[tilespmem:s10+$0x17FA0] =	vst v60;
	v62 =	vld.idx.msk [tilespmem:v28+s14+$0x0], $0xffff  }
0x3d2: {  	v25 =	vld.idx.msk [tilespmem:v25+s14+$0x0], $0xffff;
	[tilespmem:s10+$0x180A0] =	vst v24  }
0x3d3: {  	p0 =	slt.u32 s8, $0x30;
	[tilespmem:s10+$0x17E30] =	vst v20;
	v63 =	vld.idx.msk [tilespmem:v23+s14+$0x0], $0xffff  }
.Ltmp4:
0x3d4: {  	[tilespmem:s10+$0x17EB0] =	vst v22;
	(pc) =	sbr.rel @p0 .LBB2_9-.Ltmp4, $4  }
0x3d5: {  	[tilespmem:s10+$0x17F30] =	vst v21  }
0x3d6: {  	[tilespmem:s10+$0x18030] =	vst v62  }
0x3d7: {  	s31 =	sadd.s32 $0x8, s8;
	[tilespmem:s10+$0x17FB0] =	vst v25  }
0x3d8: {  	s8 =	smov.u32 s31;
	[tilespmem:s10+$0x180B0] =	vst v63  }
0x3d9: {  	s20 =	sadd.s32 $0x1, s20  }
0x3da: {  	s0 =	smul.u32 $0x7000, s21;
	p0 =	sne.s32 s20, $0x18  }
.Ltmp5:
0x3db: {  	_ = 	snop;
	(pc) =	sbr.rel @p0 .LBB2_2-.Ltmp5, $4  }
0x3dc: {  	s0 =	sadd.s32 s0, s23  }
0x3dd: {  	s0 =	sshrl.u32 s0, $0x3  }
0x3de: {  	s0 =	sadd.s32 s2, s0  }
0x3df: {  	[hbm4b:s0+s4] =	stream.linear.scatter [tilespmem:s17], [sflag:$0x4], $0x7000, $0x38;
	[tilespmem:$0x1E100] =	vst v63  }
0x3e0: {  	_ =	swait.ge [sflag:s18], $0x7000  }
0x3e1: {  	[sflag:s18] =	ssyncset.done $0x0  }
0x3e2: {  	[sflag:s18] =	ssyncadd.s32 $0xFFFF9000  }
0x3e3: {  	_ =	swait.ge [sflag:s16], $0x7000  }
0x3e4: {  	s19 =	sadd.s32 $0x1, s19;
	s0 =	rddreg [dreg:$0x6]  }
0x3e5: {  	p0 =	sne.s32 s19, s0  }
.Ltmp6:
0x3e6: {  	_ = 	snop;
	(pc) =	sbr.rel @p0 .LBB2_1-.Ltmp6, $3  }
0x3e7: {  	_ =	sdelay $0x1  }
0x3e8: {  	[sflag:s16] =	ssyncset.done $0x0  }
0x3e9: {  	[sflag:s16] =	ssyncadd.s32 $0xFFFF9000  }
0x3ea: {  	_ =	sfence.sel $0x180000  }
0x3eb: {  	[bflag:$0x0] =	sbarrier.arrive $0xFFFF  }
0x3ec: {  	_ =	strace $0x90000047  }
0x3ed: {  	s0 =	stileid.u32;
	[bflag:$0x2] =	sbarrier.arrive $0xFFFF  }
0x3ee: {  	p0 =	sne.s32 s0, $0x0;
	s0 =	rddreg [dreg:$0x3]  }
0x3ef: {  	s0 =	sadd.s32 @!p0 $0x100000, s0  }
0x3f0: {  	[sflag:s0] =	ssyncadd.tile.s32 @!p0 $0x1;
	_ =	shalt  }
.Lfunc_end2:
_tile_overlayer_lowered:
.L_overlay_start_2:
0x3f1: {  	(tag) =	ssettag $0x2  }
0x3f2: {  	s0 =	rddreg [dreg:$0x0];
	s2 =	stileid.u32  }
0x3f3: {  	s1 =	rddreg [dreg:$0x1];
	p0 =	sne.s32 s2, $0x0  }
0x3f4: {  	s3 =	rddreg [dreg:$0x2];
	[bflag:$0x3] =	sbarrier.arrive $0xFFFF;
	s2 =	simm.s32 @!p0 $0x1C05  }
0x3f5: {  	[timem:s3], [sflag:s2] =	dma.local @!p0 [hbm:s0], s1  }
0x3f6: {  	s0 =	simm.s32 @!p0 $0x5  }
0x3f7: {  	_ =	swait.ge @!p0 [sflag:s0], s1  }
0x3f8: {  	s1 =	ssub.s32 @!p0 $0x0, s1;
	[sflag:s0] =	ssyncset.done @!p0 $0x0  }
0x3f9: {  	[sflag:s0] =	ssyncadd.s32 @!p0 s1  }
0x3fa: {  	[bflag:$0x3] =	sbarrier.arrive $0xFFFF  }
0x3fb: {  	_ =	shalt  }

</sc_bundles>
